<compile_context>
chip_gen: v7x
topology: tpu7x:2x2x1
jax: 0.10.2.dev20260603
libtpu: 0.0.44.dev20260713+nightly
codegen_flags: <defaults>
</compile_context>

<pallas_src>
import jax
import jax.numpy as jnp
from jax import lax
from jax.experimental import pallas as pl
from jax.experimental.pallas import tpu as pltpu
from jax.experimental.pallas import tpu_sc as plsc

B = 64
A = 100000
L = 512
LANES = 16
NUM_CORES = 2
NUM_SUBCORES = 16
NW = NUM_CORES * NUM_SUBCORES
RPW = B // NW
CHUNK = 128
NCH = L // CHUNK
KCH = RPW * NCH
T = (A + 127) // 128
AP = T * 128
G = B // 8


def _red_scalar(vec, op):
    acc = vec[0]
    for i in range(1, LANES):
        acc = op(acc, vec[i])
    return acc


def _body(logits_hbm, legal_hbm, out_hbm, idx_v, fidx_v, vals_v, row_v,
          gsem, ssem, isem):
    wid = lax.axis_index("s") * NUM_CORES + lax.axis_index("c")
    row0 = wid * RPW

    idx_cp = pltpu.make_async_copy(legal_hbm.at[wid], idx_v, isem)
    idx_cp.start()

    idx_cp.wait()

    for k in range(KCH):
        base = (row0 + k // NCH) * A
        for i in range(CHUNK // LANES):
            sl = idx_v[k, pl.ds(i * LANES, LANES)]
            fidx_v[k, pl.ds(i * LANES, LANES)] = sl + base

    gcps = []
    for k in range(KCH):
        cp = pltpu.make_async_copy(logits_hbm.at[fidx_v.at[k]], vals_v.at[k], gsem)
        cp.start()
        gcps.append(cp)

    zvec = jnp.zeros((LANES,), jnp.float32)

    def _zero_step(j, carry):
        for p in range(2):
            t = j * 2 + p
            for u in range(128 // LANES):
                row_v[t, pl.ds(u * LANES, LANES)] = zvec
        return carry

    lax.fori_loop(0, T // 2, _zero_step, 0)

    for cp in gcps:
        cp.wait()

    for r in range(RPW):
        ks = range(r * NCH, (r + 1) * NCH)
        m = None
        for k in ks:
            for i in range(CHUNK // LANES):
                sl = vals_v[k, pl.ds(i * LANES, LANES)]
                m = sl if m is None else jnp.maximum(m, sl)
        mx = _red_scalar(m, jnp.maximum)
        s = jnp.zeros((LANES,), jnp.float32)
        for k in ks:
            for i in range(CHUNK // LANES):
                e = jnp.exp(vals_v[k, pl.ds(i * LANES, LANES)] - mx)
                vals_v[k, pl.ds(i * LANES, LANES)] = e
                s = s + e
        tot = _red_scalar(s, jnp.add)
        for k in ks:
            for i in range(CHUNK // LANES):
                vals_v[k, pl.ds(i * LANES, LANES)] = (
                    vals_v[k, pl.ds(i * LANES, LANES)] / tot)

    for r in range(RPW):
        row = row0 + r
        g = row >> 3
        rr = row & 7
        ks = range(r * NCH, (r + 1) * NCH)
        for k in ks:
            for i in range(CHUNK // LANES):
                ci = idx_v[k, pl.ds(i * LANES, LANES)]
                plsc.store_scatter(row_v, [ci >> 7, ci & 127],
                                   vals_v[k, pl.ds(i * LANES, LANES)])
        cp = pltpu.make_async_copy(row_v, out_hbm.at[g, :, rr, :], ssem)
        cp.start()
        cp.wait()
        if r + 1 < RPW:
            for k in ks:
                for i in range(CHUNK // LANES):
                    ci = idx_v[k, pl.ds(i * LANES, LANES)]
                    plsc.store_scatter(row_v, [ci >> 7, ci & 127], zvec)


def kernel(logits, legal_actions):
    mesh = plsc.VectorSubcoreMesh(core_axis_name="c", subcore_axis_name="s")
    run = pl.kernel(
        _body,
        mesh=mesh,
        compiler_params=pltpu.CompilerParams(needs_layout_passes=False),
        out_type=jax.ShapeDtypeStruct((G, T, 8, 128), jnp.float32),
        scratch_types=[
            pltpu.VMEM((KCH, CHUNK), jnp.int32),
            pltpu.VMEM((KCH, CHUNK), jnp.int32),
            pltpu.VMEM((KCH, CHUNK), jnp.float32),
            pltpu.VMEM((T, 128), jnp.float32),
            pltpu.SemaphoreType.DMA,
            pltpu.SemaphoreType.DMA,
            pltpu.SemaphoreType.DMA,
        ],
    )
    out4 = run(logits.reshape(B * A), legal_actions.reshape(NW, KCH, CHUNK))
    out = out4.transpose(0, 2, 1, 3).reshape(B, AP)[:, :A]
    return out

# --- scband reference (transcript-rebuilt; emitter-appended) ---
"""Pipeline reference for scband-policy-206158430588 (READ-ONLY COPY).

The authoritative reference and input builder live on the scoring server;
editing this copy changes nothing except your own understanding.
"""

import jax, jax.numpy as jnp
import numpy as np

B = 64
NUM_ACTIONS = 100000
L = 512  # legal actions per row


def setup_inputs(seed: int = 0) -> dict:
    key = jax.random.key(seed)
    k1, _ = jax.random.split(key)
    logits = jax.random.normal(k1, (B, NUM_ACTIONS), dtype=jnp.float32)
    # Unique-per-row legal action indices (deterministic; stride construction
    # guarantees no duplicates within a row, matching list[int] semantics).
    legal_actions = (jnp.arange(L, dtype=jnp.int32)[None, :] * 195
                     + jnp.arange(B, dtype=jnp.int32)[:, None] * 7) % NUM_ACTIONS
    legal_actions = jnp.sort(legal_actions, axis=1)
    return {"logits": logits, "legal_actions": legal_actions}


def reference(logits, legal_actions):
    # Faithful vectorized translation of Policy.masked_action_distribution:
    # per row: gather legal logits, softmax over the legal subset only,
    # scatter probabilities back into a full-size zero vector.
    legal_logits = jnp.take_along_axis(logits, legal_actions, axis=1)  # [B, L]
    legal_probs = jax.nn.softmax(legal_logits, axis=1)                 # [B, L]
    rows = jnp.arange(logits.shape[0], dtype=legal_actions.dtype)[:, None]
    probs_out = jnp.zeros_like(logits).at[rows, legal_actions].set(legal_probs)
    return probs_out

if __name__ == "__main__":
    import jax
    _d = setup_inputs()
    print(jax.jit(kernel)(*tuple(_d.values())))

</pallas_src>

<mosaic_0001>
#map = affine_map<(d0, d1) -> (0)>
#map1 = affine_map<(d0, d1) -> (0, 0, 0)>
#map2 = affine_map<(d0, d1) -> (0, 0, 0, 0)>
module attributes {stable_mosaic.version = 14 : i64} {
  func.func @_body(%arg0: i32, %arg1: i32, %arg2: memref<6400000xf32, #tpu.memory_space<hbm>>, %arg3: memref<32x8x128xi32, #tpu.memory_space<hbm>>, %arg4: memref<8x782x8x128xf32, #tpu.memory_space<hbm>>, %arg5: memref<8x128xi32, #tpu.memory_space<vmem>>, %arg6: memref<8x128xi32, #tpu.memory_space<vmem>>, %arg7: memref<8x128xf32, #tpu.memory_space<vmem>>, %arg8: memref<782x128xf32, #tpu.memory_space<vmem>>, %arg9: memref<!tpu.dma_semaphore, #tpu.memory_space<semaphore_mem>>, %arg10: memref<!tpu.dma_semaphore, #tpu.memory_space<semaphore_mem>>, %arg11: memref<!tpu.dma_semaphore, #tpu.memory_space<semaphore_mem>>) attributes {dimension_semantics = [#tpu.dimension_semantics<core_parallel>, #tpu.dimension_semantics<subcore_parallel>], iteration_bounds = array<i64: 2, 16>, scalar_prefetch = 0 : i64, scratch_operands = 7 : i64, tpu.core_type = #tpu.core_type<sc_vector_subcore>, window_params = [{transform_indices = #map}, {transform_indices = #map1}, {transform_indices = #map2}]} {
    %mul3A = arith.constant 2 : i32
    %mul3A_0 = arith.muli %arg1, %mul3A : i32
    %add3A = arith.addi %mul3A_0, %arg0 : i32
    %mul3A_1 = arith.constant 2 : i32
    %mul3A_2 = arith.muli %add3A, %mul3A_1 : i32
    %dma_start3A = arith.constant 0 : i32
    %dma_start3A_3 = arith.constant 0 : i32
    %dma_start3A_4 = tpu.memref_slice %arg3[%add3A, %dma_start3A, %dma_start3A_3] : memref<32x8x128xi32, #tpu.memory_space<hbm>> -> memref<1x8x128xi32, #tpu.memory_space<hbm>>
    %dma_start3A_5 = tpu.memref_squeeze %dma_start3A_4 : memref<1x8x128xi32, #tpu.memory_space<hbm>> -> memref<8x128xi32, #tpu.memory_space<hbm>>
    %dma_start3A_6 = arith.constant 0 : i32
    %dma_start3A_7 = arith.constant 0 : i32
    %dma_start3A_8 = tpu.memref_slice %arg3[%add3A, %dma_start3A_6, %dma_start3A_7] : memref<32x8x128xi32, #tpu.memory_space<hbm>> -> memref<1x8x128xi32, #tpu.memory_space<hbm>>
    %dma_start3A_9 = tpu.memref_squeeze %dma_start3A_8 : memref<1x8x128xi32, #tpu.memory_space<hbm>> -> memref<8x128xi32, #tpu.memory_space<hbm>>
    tpu.enqueue_dma source(%dma_start3A_9 : memref<8x128xi32, #tpu.memory_space<hbm>>) target(%arg5 : memref<8x128xi32, #tpu.memory_space<vmem>>) target_semaphore(%arg11 : memref<!tpu.dma_semaphore, #tpu.memory_space<semaphore_mem>>)
    %dma_wait3A = arith.constant 0 : i32
    %dma_wait3A_10 = arith.constant 0 : i32
    %dma_wait3A_11 = tpu.memref_slice %arg3[%add3A, %dma_wait3A, %dma_wait3A_10] : memref<32x8x128xi32, #tpu.memory_space<hbm>> -> memref<1x8x128xi32, #tpu.memory_space<hbm>>
    %dma_wait3A_12 = tpu.memref_squeeze %dma_wait3A_11 : memref<1x8x128xi32, #tpu.memory_space<hbm>> -> memref<8x128xi32, #tpu.memory_space<hbm>>
    %dma_wait3A_13 = arith.constant 0 : i32
    %dma_wait3A_14 = arith.constant 0 : i32
    %dma_wait3A_15 = tpu.memref_slice %arg3[%add3A, %dma_wait3A_13, %dma_wait3A_14] : memref<32x8x128xi32, #tpu.memory_space<hbm>> -> memref<1x8x128xi32, #tpu.memory_space<hbm>>
    %dma_wait3A_16 = tpu.memref_squeeze %dma_wait3A_15 : memref<1x8x128xi32, #tpu.memory_space<hbm>> -> memref<8x128xi32, #tpu.memory_space<hbm>>
    tpu.wait_dma2 semaphore(%arg11 : memref<!tpu.dma_semaphore, #tpu.memory_space<semaphore_mem>>) src(%dma_wait3A_16 : memref<8x128xi32, #tpu.memory_space<hbm>>) dst(%arg5 : memref<8x128xi32, #tpu.memory_space<vmem>>)
    %add3A_17 = arith.constant 0 : i32
    %add3A_18 = arith.addi %mul3A_2, %add3A_17 : i32
    %mul3A_19 = arith.constant 100000 : i32
    %mul3A_20 = arith.muli %add3A_18, %mul3A_19 : i32
    %get3A = arith.constant 0 : i32
    %get3A_21 = arith.index_cast %get3A : i32 to index
    %get3A_22 = arith.constant 0 : index
    %get3A_23 = tpu.vector_load %arg5[%get3A_21, %get3A_22] {strides = array<i32>} : memref<8x128xi32, #tpu.memory_space<vmem>>, vector<16xi32>,
    %add3A_24 = vector.broadcast %mul3A_20 : i32 to vector<16xi32>
    %add3A_25 = arith.addi %get3A_23, %add3A_24 : vector<16xi32>
    %swap3A = arith.constant 0 : i32
    %swap3A_26 = arith.index_cast %swap3A : i32 to index
    %swap3A_27 = arith.constant 0 : index
    %swap3A_28 = tpu.vector_load %arg6[%swap3A_26, %swap3A_27] {strides = array<i32>} : memref<8x128xi32, #tpu.memory_space<vmem>>, vector<16xi32>,
    tpu.vector_store %arg6[%swap3A_26, %swap3A_27], %add3A_25 {strides = array<i32>} : memref<8x128xi32, #tpu.memory_space<vmem>>, vector<16xi32>,
    %get3A_29 = arith.constant 0 : i32
    %get3A_30 = arith.index_cast %get3A_29 : i32 to index
    %get3A_31 = arith.constant 16 : index
    %get3A_32 = tpu.vector_load %arg5[%get3A_30, %get3A_31] {strides = array<i32>} : memref<8x128xi32, #tpu.memory_space<vmem>>, vector<16xi32>,
    %add3A_33 = vector.broadcast %mul3A_20 : i32 to vector<16xi32>
    %add3A_34 = arith.addi %get3A_32, %add3A_33 : vector<16xi32>
    %swap3A_35 = arith.constant 0 : i32
    %swap3A_36 = arith.index_cast %swap3A_35 : i32 to index
    %swap3A_37 = arith.constant 16 : index
    %swap3A_38 = tpu.vector_load %arg6[%swap3A_36, %swap3A_37] {strides = array<i32>} : memref<8x128xi32, #tpu.memory_space<vmem>>, vector<16xi32>,
    tpu.vector_store %arg6[%swap3A_36, %swap3A_37], %add3A_34 {strides = array<i32>} : memref<8x128xi32, #tpu.memory_space<vmem>>, vector<16xi32>,
    %get3A_39 = arith.constant 0 : i32
    %get3A_40 = arith.index_cast %get3A_39 : i32 to index
    %get3A_41 = arith.constant 32 : index
    %get3A_42 = tpu.vector_load %arg5[%get3A_40, %get3A_41] {strides = array<i32>} : memref<8x128xi32, #tpu.memory_space<vmem>>, vector<16xi32>,
    %add3A_43 = vector.broadcast %mul3A_20 : i32 to vector<16xi32>
    %add3A_44 = arith.addi %get3A_42, %add3A_43 : vector<16xi32>
    %swap3A_45 = arith.constant 0 : i32
    %swap3A_46 = arith.index_cast %swap3A_45 : i32 to index
    %swap3A_47 = arith.constant 32 : index
    %swap3A_48 = tpu.vector_load %arg6[%swap3A_46, %swap3A_47] {strides = array<i32>} : memref<8x128xi32, #tpu.memory_space<vmem>>, vector<16xi32>,
    tpu.vector_store %arg6[%swap3A_46, %swap3A_47], %add3A_44 {strides = array<i32>} : memref<8x128xi32, #tpu.memory_space<vmem>>, vector<16xi32>,
    %get3A_49 = arith.constant 0 : i32
    %get3A_50 = arith.index_cast %get3A_49 : i32 to index
    %get3A_51 = arith.constant 48 : index
    %get3A_52 = tpu.vector_load %arg5[%get3A_50, %get3A_51] {strides = array<i32>} : memref<8x128xi32, #tpu.memory_space<vmem>>, vector<16xi32>,
    %add3A_53 = vector.broadcast %mul3A_20 : i32 to vector<16xi32>
    %add3A_54 = arith.addi %get3A_52, %add3A_53 : vector<16xi32>
    %swap3A_55 = arith.constant 0 : i32
    %swap3A_56 = arith.index_cast %swap3A_55 : i32 to index
    %swap3A_57 = arith.constant 48 : index
    %swap3A_58 = tpu.vector_load %arg6[%swap3A_56, %swap3A_57] {strides = array<i32>} : memref<8x128xi32, #tpu.memory_space<vmem>>, vector<16xi32>,
    tpu.vector_store %arg6[%swap3A_56, %swap3A_57], %add3A_54 {strides = array<i32>} : memref<8x128xi32, #tpu.memory_space<vmem>>, vector<16xi32>,
    %get3A_59 = arith.constant 0 : i32
    %get3A_60 = arith.index_cast %get3A_59 : i32 to index
    %get3A_61 = arith.constant 64 : index
    %get3A_62 = tpu.vector_load %arg5[%get3A_60, %get3A_61] {strides = array<i32>} : memref<8x128xi32, #tpu.memory_space<vmem>>, vector<16xi32>,
    %add3A_63 = vector.broadcast %mul3A_20 : i32 to vector<16xi32>
    %add3A_64 = arith.addi %get3A_62, %add3A_63 : vector<16xi32>
    %swap3A_65 = arith.constant 0 : i32
    %swap3A_66 = arith.index_cast %swap3A_65 : i32 to index
    %swap3A_67 = arith.constant 64 : index
    %swap3A_68 = tpu.vector_load %arg6[%swap3A_66, %swap3A_67] {strides = array<i32>} : memref<8x128xi32, #tpu.memory_space<vmem>>, vector<16xi32>,
    tpu.vector_store %arg6[%swap3A_66, %swap3A_67], %add3A_64 {strides = array<i32>} : memref<8x128xi32, #tpu.memory_space<vmem>>, vector<16xi32>,
    %get3A_69 = arith.constant 0 : i32
    %get3A_70 = arith.index_cast %get3A_69 : i32 to index
    %get3A_71 = arith.constant 80 : index
    %get3A_72 = tpu.vector_load %arg5[%get3A_70, %get3A_71] {strides = array<i32>} : memref<8x128xi32, #tpu.memory_space<vmem>>, vector<16xi32>,
    %add3A_73 = vector.broadcast %mul3A_20 : i32 to vector<16xi32>
    %add3A_74 = arith.addi %get3A_72, %add3A_73 : vector<16xi32>
    %swap3A_75 = arith.constant 0 : i32
    %swap3A_76 = arith.index_cast %swap3A_75 : i32 to index
    %swap3A_77 = arith.constant 80 : index
    %swap3A_78 = tpu.vector_load %arg6[%swap3A_76, %swap3A_77] {strides = array<i32>} : memref<8x128xi32, #tpu.memory_space<vmem>>, vector<16xi32>,
    tpu.vector_store %arg6[%swap3A_76, %swap3A_77], %add3A_74 {strides = array<i32>} : memref<8x128xi32, #tpu.memory_space<vmem>>, vector<16xi32>,
    %get3A_79 = arith.constant 0 : i32
    %get3A_80 = arith.index_cast %get3A_79 : i32 to index
    %get3A_81 = arith.constant 96 : index
    %get3A_82 = tpu.vector_load %arg5[%get3A_80, %get3A_81] {strides = array<i32>} : memref<8x128xi32, #tpu.memory_space<vmem>>, vector<16xi32>,
    %add3A_83 = vector.broadcast %mul3A_20 : i32 to vector<16xi32>
    %add3A_84 = arith.addi %get3A_82, %add3A_83 : vector<16xi32>
    %swap3A_85 = arith.constant 0 : i32
    %swap3A_86 = arith.index_cast %swap3A_85 : i32 to index
    %swap3A_87 = arith.constant 96 : index
    %swap3A_88 = tpu.vector_load %arg6[%swap3A_86, %swap3A_87] {strides = array<i32>} : memref<8x128xi32, #tpu.memory_space<vmem>>, vector<16xi32>,
    tpu.vector_store %arg6[%swap3A_86, %swap3A_87], %add3A_84 {strides = array<i32>} : memref<8x128xi32, #tpu.memory_space<vmem>>, vector<16xi32>,
    %get3A_89 = arith.constant 0 : i32
    %get3A_90 = arith.index_cast %get3A_89 : i32 to index
    %get3A_91 = arith.constant 112 : index
    %get3A_92 = tpu.vector_load %arg5[%get3A_90, %get3A_91] {strides = array<i32>} : memref<8x128xi32, #tpu.memory_space<vmem>>, vector<16xi32>,
    %add3A_93 = vector.broadcast %mul3A_20 : i32 to vector<16xi32>
    %add3A_94 = arith.addi %get3A_92, %add3A_93 : vector<16xi32>
    %swap3A_95 = arith.constant 0 : i32
    %swap3A_96 = arith.index_cast %swap3A_95 : i32 to index
    %swap3A_97 = arith.constant 112 : index
    %swap3A_98 = tpu.vector_load %arg6[%swap3A_96, %swap3A_97] {strides = array<i32>} : memref<8x128xi32, #tpu.memory_space<vmem>>, vector<16xi32>,
    tpu.vector_store %arg6[%swap3A_96, %swap3A_97], %add3A_94 {strides = array<i32>} : memref<8x128xi32, #tpu.memory_space<vmem>>, vector<16xi32>,
    %add3A_99 = arith.constant 0 : i32
    %add3A_100 = arith.addi %mul3A_2, %add3A_99 : i32
    %mul3A_101 = arith.constant 100000 : i32
    %mul3A_102 = arith.muli %add3A_100, %mul3A_101 : i32
    %get3A_103 = arith.constant 1 : i32
    %get3A_104 = arith.index_cast %get3A_103 : i32 to index
    %get3A_105 = arith.constant 0 : index
    %get3A_106 = tpu.vector_load %arg5[%get3A_104, %get3A_105] {strides = array<i32>} : memref<8x128xi32, #tpu.memory_space<vmem>>, vector<16xi32>,
    %add3A_107 = vector.broadcast %mul3A_102 : i32 to vector<16xi32>
    %add3A_108 = arith.addi %get3A_106, %add3A_107 : vector<16xi32>
    %swap3A_109 = arith.constant 1 : i32
    %swap3A_110 = arith.index_cast %swap3A_109 : i32 to index
    %swap3A_111 = arith.constant 0 : index
    %swap3A_112 = tpu.vector_load %arg6[%swap3A_110, %swap3A_111] {strides = array<i32>} : memref<8x128xi32, #tpu.memory_space<vmem>>, vector<16xi32>,
    tpu.vector_store %arg6[%swap3A_110, %swap3A_111], %add3A_108 {strides = array<i32>} : memref<8x128xi32, #tpu.memory_space<vmem>>, vector<16xi32>,
    %get3A_113 = arith.constant 1 : i32
    %get3A_114 = arith.index_cast %get3A_113 : i32 to index
    %get3A_115 = arith.constant 16 : index
    %get3A_116 = tpu.vector_load %arg5[%get3A_114, %get3A_115] {strides = array<i32>} : memref<8x128xi32, #tpu.memory_space<vmem>>, vector<16xi32>,
    %add3A_117 = vector.broadcast %mul3A_102 : i32 to vector<16xi32>
    %add3A_118 = arith.addi %get3A_116, %add3A_117 : vector<16xi32>
    %swap3A_119 = arith.constant 1 : i32
    %swap3A_120 = arith.index_cast %swap3A_119 : i32 to index
    %swap3A_121 = arith.constant 16 : index
    %swap3A_122 = tpu.vector_load %arg6[%swap3A_120, %swap3A_121] {strides = array<i32>} : memref<8x128xi32, #tpu.memory_space<vmem>>, vector<16xi32>,
    tpu.vector_store %arg6[%swap3A_120, %swap3A_121], %add3A_118 {strides = array<i32>} : memref<8x128xi32, #tpu.memory_space<vmem>>, vector<16xi32>,
    %get3A_123 = arith.constant 1 : i32
    %get3A_124 = arith.index_cast %get3A_123 : i32 to index
    %get3A_125 = arith.constant 32 : index
    %get3A_126 = tpu.vector_load %arg5[%get3A_124, %get3A_125] {strides = array<i32>} : memref<8x128xi32, #tpu.memory_space<vmem>>, vector<16xi32>,
    %add3A_127 = vector.broadcast %mul3A_102 : i32 to vector<16xi32>
    %add3A_128 = arith.addi %get3A_126, %add3A_127 : vector<16xi32>
    %swap3A_129 = arith.constant 1 : i32
    %swap3A_130 = arith.index_cast %swap3A_129 : i32 to index
    %swap3A_131 = arith.constant 32 : index
    %swap3A_132 = tpu.vector_load %arg6[%swap3A_130, %swap3A_131] {strides = array<i32>} : memref<8x128xi32, #tpu.memory_space<vmem>>, vector<16xi32>,
    tpu.vector_store %arg6[%swap3A_130, %swap3A_131], %add3A_128 {strides = array<i32>} : memref<8x128xi32, #tpu.memory_space<vmem>>, vector<16xi32>,
    %get3A_133 = arith.constant 1 : i32
    %get3A_134 = arith.index_cast %get3A_133 : i32 to index
    %get3A_135 = arith.constant 48 : index
    %get3A_136 = tpu.vector_load %arg5[%get3A_134, %get3A_135] {strides = array<i32>} : memref<8x128xi32, #tpu.memory_space<vmem>>, vector<16xi32>,
    %add3A_137 = vector.broadcast %mul3A_102 : i32 to vector<16xi32>
    %add3A_138 = arith.addi %get3A_136, %add3A_137 : vector<16xi32>
    %swap3A_139 = arith.constant 1 : i32
    %swap3A_140 = arith.index_cast %swap3A_139 : i32 to index
    %swap3A_141 = arith.constant 48 : index
    %swap3A_142 = tpu.vector_load %arg6[%swap3A_140, %swap3A_141] {strides = array<i32>} : memref<8x128xi32, #tpu.memory_space<vmem>>, vector<16xi32>,
    tpu.vector_store %arg6[%swap3A_140, %swap3A_141], %add3A_138 {strides = array<i32>} : memref<8x128xi32, #tpu.memory_space<vmem>>, vector<16xi32>,
    %get3A_143 = arith.constant 1 : i32
    %get3A_144 = arith.index_cast %get3A_143 : i32 to index
    %get3A_145 = arith.constant 64 : index
    %get3A_146 = tpu.vector_load %arg5[%get3A_144, %get3A_145] {strides = array<i32>} : memref<8x128xi32, #tpu.memory_space<vmem>>, vector<16xi32>,
    %add3A_147 = vector.broadcast %mul3A_102 : i32 to vector<16xi32>
    %add3A_148 = arith.addi %get3A_146, %add3A_147 : vector<16xi32>
    %swap3A_149 = arith.constant 1 : i32
    %swap3A_150 = arith.index_cast %swap3A_149 : i32 to index
    %swap3A_151 = arith.constant 64 : index
    %swap3A_152 = tpu.vector_load %arg6[%swap3A_150, %swap3A_151] {strides = array<i32>} : memref<8x128xi32, #tpu.memory_space<vmem>>, vector<16xi32>,
    tpu.vector_store %arg6[%swap3A_150, %swap3A_151], %add3A_148 {strides = array<i32>} : memref<8x128xi32, #tpu.memory_space<vmem>>, vector<16xi32>,
    %get3A_153 = arith.constant 1 : i32
    %get3A_154 = arith.index_cast %get3A_153 : i32 to index
    %get3A_155 = arith.constant 80 : index
    %get3A_156 = tpu.vector_load %arg5[%get3A_154, %get3A_155] {strides = array<i32>} : memref<8x128xi32, #tpu.memory_space<vmem>>, vector<16xi32>,
    %add3A_157 = vector.broadcast %mul3A_102 : i32 to vector<16xi32>
    %add3A_158 = arith.addi %get3A_156, %add3A_157 : vector<16xi32>
    %swap3A_159 = arith.constant 1 : i32
    %swap3A_160 = arith.index_cast %swap3A_159 : i32 to index
    %swap3A_161 = arith.constant 80 : index
    %swap3A_162 = tpu.vector_load %arg6[%swap3A_160, %swap3A_161] {strides = array<i32>} : memref<8x128xi32, #tpu.memory_space<vmem>>, vector<16xi32>,
    tpu.vector_store %arg6[%swap3A_160, %swap3A_161], %add3A_158 {strides = array<i32>} : memref<8x128xi32, #tpu.memory_space<vmem>>, vector<16xi32>,
    %get3A_163 = arith.constant 1 : i32
    %get3A_164 = arith.index_cast %get3A_163 : i32 to index
    %get3A_165 = arith.constant 96 : index
    %get3A_166 = tpu.vector_load %arg5[%get3A_164, %get3A_165] {strides = array<i32>} : memref<8x128xi32, #tpu.memory_space<vmem>>, vector<16xi32>,
    %add3A_167 = vector.broadcast %mul3A_102 : i32 to vector<16xi32>
    %add3A_168 = arith.addi %get3A_166, %add3A_167 : vector<16xi32>
    %swap3A_169 = arith.constant 1 : i32
    %swap3A_170 = arith.index_cast %swap3A_169 : i32 to index
    %swap3A_171 = arith.constant 96 : index
    %swap3A_172 = tpu.vector_load %arg6[%swap3A_170, %swap3A_171] {strides = array<i32>} : memref<8x128xi32, #tpu.memory_space<vmem>>, vector<16xi32>,
    tpu.vector_store %arg6[%swap3A_170, %swap3A_171], %add3A_168 {strides = array<i32>} : memref<8x128xi32, #tpu.memory_space<vmem>>, vector<16xi32>,
    %get3A_173 = arith.constant 1 : i32
    %get3A_174 = arith.index_cast %get3A_173 : i32 to index
    %get3A_175 = arith.constant 112 : index
    %get3A_176 = tpu.vector_load %arg5[%get3A_174, %get3A_175] {strides = array<i32>} : memref<8x128xi32, #tpu.memory_space<vmem>>, vector<16xi32>,
    %add3A_177 = vector.broadcast %mul3A_102 : i32 to vector<16xi32>
    %add3A_178 = arith.addi %get3A_176, %add3A_177 : vector<16xi32>
    %swap3A_179 = arith.constant 1 : i32
    %swap3A_180 = arith.index_cast %swap3A_179 : i32 to index
    %swap3A_181 = arith.constant 112 : index
    %swap3A_182 = tpu.vector_load %arg6[%swap3A_180, %swap3A_181] {strides = array<i32>} : memref<8x128xi32, #tpu.memory_space<vmem>>, vector<16xi32>,
    tpu.vector_store %arg6[%swap3A_180, %swap3A_181], %add3A_178 {strides = array<i32>} : memref<8x128xi32, #tpu.memory_space<vmem>>, vector<16xi32>,
    %add3A_183 = arith.constant 0 : i32
    %add3A_184 = arith.addi %mul3A_2, %add3A_183 : i32
    %mul3A_185 = arith.constant 100000 : i32
    %mul3A_186 = arith.muli %add3A_184, %mul3A_185 : i32
    %get3A_187 = arith.constant 2 : i32
    %get3A_188 = arith.index_cast %get3A_187 : i32 to index
    %get3A_189 = arith.constant 0 : index
    %get3A_190 = tpu.vector_load %arg5[%get3A_188, %get3A_189] {strides = array<i32>} : memref<8x128xi32, #tpu.memory_space<vmem>>, vector<16xi32>,
    %add3A_191 = vector.broadcast %mul3A_186 : i32 to vector<16xi32>
    %add3A_192 = arith.addi %get3A_190, %add3A_191 : vector<16xi32>
    %swap3A_193 = arith.constant 2 : i32
    %swap3A_194 = arith.index_cast %swap3A_193 : i32 to index
    %swap3A_195 = arith.constant 0 : index
    %swap3A_196 = tpu.vector_load %arg6[%swap3A_194, %swap3A_195] {strides = array<i32>} : memref<8x128xi32, #tpu.memory_space<vmem>>, vector<16xi32>,
    tpu.vector_store %arg6[%swap3A_194, %swap3A_195], %add3A_192 {strides = array<i32>} : memref<8x128xi32, #tpu.memory_space<vmem>>, vector<16xi32>,
    %get3A_197 = arith.constant 2 : i32
    %get3A_198 = arith.index_cast %get3A_197 : i32 to index
    %get3A_199 = arith.constant 16 : index
    %get3A_200 = tpu.vector_load %arg5[%get3A_198, %get3A_199] {strides = array<i32>} : memref<8x128xi32, #tpu.memory_space<vmem>>, vector<16xi32>,
    %add3A_201 = vector.broadcast %mul3A_186 : i32 to vector<16xi32>
    %add3A_202 = arith.addi %get3A_200, %add3A_201 : vector<16xi32>
    %swap3A_203 = arith.constant 2 : i32
    %swap3A_204 = arith.index_cast %swap3A_203 : i32 to index
    %swap3A_205 = arith.constant 16 : index
    %swap3A_206 = tpu.vector_load %arg6[%swap3A_204, %swap3A_205] {strides = array<i32>} : memref<8x128xi32, #tpu.memory_space<vmem>>, vector<16xi32>,
    tpu.vector_store %arg6[%swap3A_204, %swap3A_205], %add3A_202 {strides = array<i32>} : memref<8x128xi32, #tpu.memory_space<vmem>>, vector<16xi32>,
    %get3A_207 = arith.constant 2 : i32
    %get3A_208 = arith.index_cast %get3A_207 : i32 to index
    %get3A_209 = arith.constant 32 : index
    %get3A_210 = tpu.vector_load %arg5[%get3A_208, %get3A_209] {strides = array<i32>} : memref<8x128xi32, #tpu.memory_space<vmem>>, vector<16xi32>,
    %add3A_211 = vector.broadcast %mul3A_186 : i32 to vector<16xi32>
    %add3A_212 = arith.addi %get3A_210, %add3A_211 : vector<16xi32>
    %swap3A_213 = arith.constant 2 : i32
    %swap3A_214 = arith.index_cast %swap3A_213 : i32 to index
    %swap3A_215 = arith.constant 32 : index
    %swap3A_216 = tpu.vector_load %arg6[%swap3A_214, %swap3A_215] {strides = array<i32>} : memref<8x128xi32, #tpu.memory_space<vmem>>, vector<16xi32>,
    tpu.vector_store %arg6[%swap3A_214, %swap3A_215], %add3A_212 {strides = array<i32>} : memref<8x128xi32, #tpu.memory_space<vmem>>, vector<16xi32>,
    %get3A_217 = arith.constant 2 : i32
    %get3A_218 = arith.index_cast %get3A_217 : i32 to index
    %get3A_219 = arith.constant 48 : index
    %get3A_220 = tpu.vector_load %arg5[%get3A_218, %get3A_219] {strides = array<i32>} : memref<8x128xi32, #tpu.memory_space<vmem>>, vector<16xi32>,
    %add3A_221 = vector.broadcast %mul3A_186 : i32 to vector<16xi32>
    %add3A_222 = arith.addi %get3A_220, %add3A_221 : vector<16xi32>
    %swap3A_223 = arith.constant 2 : i32
    %swap3A_224 = arith.index_cast %swap3A_223 : i32 to index
    %swap3A_225 = arith.constant 48 : index
    %swap3A_226 = tpu.vector_load %arg6[%swap3A_224, %swap3A_225] {strides = array<i32>} : memref<8x128xi32, #tpu.memory_space<vmem>>, vector<16xi32>,
    tpu.vector_store %arg6[%swap3A_224, %swap3A_225], %add3A_222 {strides = array<i32>} : memref<8x128xi32, #tpu.memory_space<vmem>>, vector<16xi32>,
    %get3A_227 = arith.constant 2 : i32
    %get3A_228 = arith.index_cast %get3A_227 : i32 to index
    %get3A_229 = arith.constant 64 : index
    %get3A_230 = tpu.vector_load %arg5[%get3A_228, %get3A_229] {strides = array<i32>} : memref<8x128xi32, #tpu.memory_space<vmem>>, vector<16xi32>,
    %add3A_231 = vector.broadcast %mul3A_186 : i32 to vector<16xi32>
    %add3A_232 = arith.addi %get3A_230, %add3A_231 : vector<16xi32>
    %swap3A_233 = arith.constant 2 : i32
    %swap3A_234 = arith.index_cast %swap3A_233 : i32 to index
    %swap3A_235 = arith.constant 64 : index
    %swap3A_236 = tpu.vector_load %arg6[%swap3A_234, %swap3A_235] {strides = array<i32>} : memref<8x128xi32, #tpu.memory_space<vmem>>, vector<16xi32>,
    tpu.vector_store %arg6[%swap3A_234, %swap3A_235], %add3A_232 {strides = array<i32>} : memref<8x128xi32, #tpu.memory_space<vmem>>, vector<16xi32>,
    %get3A_237 = arith.constant 2 : i32
    %get3A_238 = arith.index_cast %get3A_237 : i32 to index
    %get3A_239 = arith.constant 80 : index
    %get3A_240 = tpu.vector_load %arg5[%get3A_238, %get3A_239] {strides = array<i32>} : memref<8x128xi32, #tpu.memory_space<vmem>>, vector<16xi32>,
    %add3A_241 = vector.broadcast %mul3A_186 : i32 to vector<16xi32>
    %add3A_242 = arith.addi %get3A_240, %add3A_241 : vector<16xi32>
    %swap3A_243 = arith.constant 2 : i32
    %swap3A_244 = arith.index_cast %swap3A_243 : i32 to index
    %swap3A_245 = arith.constant 80 : index
    %swap3A_246 = tpu.vector_load %arg6[%swap3A_244, %swap3A_245] {strides = array<i32>} : memref<8x128xi32, #tpu.memory_space<vmem>>, vector<16xi32>,
    tpu.vector_store %arg6[%swap3A_244, %swap3A_245], %add3A_242 {strides = array<i32>} : memref<8x128xi32, #tpu.memory_space<vmem>>, vector<16xi32>,
    %get3A_247 = arith.constant 2 : i32
    %get3A_248 = arith.index_cast %get3A_247 : i32 to index
    %get3A_249 = arith.constant 96 : index
    %get3A_250 = tpu.vector_load %arg5[%get3A_248, %get3A_249] {strides = array<i32>} : memref<8x128xi32, #tpu.memory_space<vmem>>, vector<16xi32>,
    %add3A_251 = vector.broadcast %mul3A_186 : i32 to vector<16xi32>
    %add3A_252 = arith.addi %get3A_250, %add3A_251 : vector<16xi32>
    %swap3A_253 = arith.constant 2 : i32
    %swap3A_254 = arith.index_cast %swap3A_253 : i32 to index
    %swap3A_255 = arith.constant 96 : index
    %swap3A_256 = tpu.vector_load %arg6[%swap3A_254, %swap3A_255] {strides = array<i32>} : memref<8x128xi32, #tpu.memory_space<vmem>>, vector<16xi32>,
    tpu.vector_store %arg6[%swap3A_254, %swap3A_255], %add3A_252 {strides = array<i32>} : memref<8x128xi32, #tpu.memory_space<vmem>>, vector<16xi32>,
    %get3A_257 = arith.constant 2 : i32
    %get3A_258 = arith.index_cast %get3A_257 : i32 to index
    %get3A_259 = arith.constant 112 : index
    %get3A_260 = tpu.vector_load %arg5[%get3A_258, %get3A_259] {strides = array<i32>} : memref<8x128xi32, #tpu.memory_space<vmem>>, vector<16xi32>,
    %add3A_261 = vector.broadcast %mul3A_186 : i32 to vector<16xi32>
    %add3A_262 = arith.addi %get3A_260, %add3A_261 : vector<16xi32>
    %swap3A_263 = arith.constant 2 : i32
    %swap3A_264 = arith.index_cast %swap3A_263 : i32 to index
    %swap3A_265 = arith.constant 112 : index
    %swap3A_266 = tpu.vector_load %arg6[%swap3A_264, %swap3A_265] {strides = array<i32>} : memref<8x128xi32, #tpu.memory_space<vmem>>, vector<16xi32>,
    tpu.vector_store %arg6[%swap3A_264, %swap3A_265], %add3A_262 {strides = array<i32>} : memref<8x128xi32, #tpu.memory_space<vmem>>, vector<16xi32>,
    %add3A_267 = arith.constant 0 : i32
    %add3A_268 = arith.addi %mul3A_2, %add3A_267 : i32
    %mul3A_269 = arith.constant 100000 : i32
    %mul3A_270 = arith.muli %add3A_268, %mul3A_269 : i32
    %get3A_271 = arith.constant 3 : i32
    %get3A_272 = arith.index_cast %get3A_271 : i32 to index
    %get3A_273 = arith.constant 0 : index
    %get3A_274 = tpu.vector_load %arg5[%get3A_272, %get3A_273] {strides = array<i32>} : memref<8x128xi32, #tpu.memory_space<vmem>>, vector<16xi32>,
    %add3A_275 = vector.broadcast %mul3A_270 : i32 to vector<16xi32>
    %add3A_276 = arith.addi %get3A_274, %add3A_275 : vector<16xi32>
    %swap3A_277 = arith.constant 3 : i32
    %swap3A_278 = arith.index_cast %swap3A_277 : i32 to index
    %swap3A_279 = arith.constant 0 : index
    %swap3A_280 = tpu.vector_load %arg6[%swap3A_278, %swap3A_279] {strides = array<i32>} : memref<8x128xi32, #tpu.memory_space<vmem>>, vector<16xi32>,
    tpu.vector_store %arg6[%swap3A_278, %swap3A_279], %add3A_276 {strides = array<i32>} : memref<8x128xi32, #tpu.memory_space<vmem>>, vector<16xi32>,
    %get3A_281 = arith.constant 3 : i32
    %get3A_282 = arith.index_cast %get3A_281 : i32 to index
    %get3A_283 = arith.constant 16 : index
    %get3A_284 = tpu.vector_load %arg5[%get3A_282, %get3A_283] {strides = array<i32>} : memref<8x128xi32, #tpu.memory_space<vmem>>, vector<16xi32>,
    %add3A_285 = vector.broadcast %mul3A_270 : i32 to vector<16xi32>
    %add3A_286 = arith.addi %get3A_284, %add3A_285 : vector<16xi32>
    %swap3A_287 = arith.constant 3 : i32
    %swap3A_288 = arith.index_cast %swap3A_287 : i32 to index
    %swap3A_289 = arith.constant 16 : index
    %swap3A_290 = tpu.vector_load %arg6[%swap3A_288, %swap3A_289] {strides = array<i32>} : memref<8x128xi32, #tpu.memory_space<vmem>>, vector<16xi32>,
    tpu.vector_store %arg6[%swap3A_288, %swap3A_289], %add3A_286 {strides = array<i32>} : memref<8x128xi32, #tpu.memory_space<vmem>>, vector<16xi32>,
    %get3A_291 = arith.constant 3 : i32
    %get3A_292 = arith.index_cast %get3A_291 : i32 to index
    %get3A_293 = arith.constant 32 : index
    %get3A_294 = tpu.vector_load %arg5[%get3A_292, %get3A_293] {strides = array<i32>} : memref<8x128xi32, #tpu.memory_space<vmem>>, vector<16xi32>,
    %add3A_295 = vector.broadcast %mul3A_270 : i32 to vector<16xi32>
    %add3A_296 = arith.addi %get3A_294, %add3A_295 : vector<16xi32>
    %swap3A_297 = arith.constant 3 : i32
    %swap3A_298 = arith.index_cast %swap3A_297 : i32 to index
    %swap3A_299 = arith.constant 32 : index
    %swap3A_300 = tpu.vector_load %arg6[%swap3A_298, %swap3A_299] {strides = array<i32>} : memref<8x128xi32, #tpu.memory_space<vmem>>, vector<16xi32>,
    tpu.vector_store %arg6[%swap3A_298, %swap3A_299], %add3A_296 {strides = array<i32>} : memref<8x128xi32, #tpu.memory_space<vmem>>, vector<16xi32>,
    %get3A_301 = arith.constant 3 : i32
    %get3A_302 = arith.index_cast %get3A_301 : i32 to index
    %get3A_303 = arith.constant 48 : index
    %get3A_304 = tpu.vector_load %arg5[%get3A_302, %get3A_303] {strides = array<i32>} : memref<8x128xi32, #tpu.memory_space<vmem>>, vector<16xi32>,
    %add3A_305 = vector.broadcast %mul3A_270 : i32 to vector<16xi32>
    %add3A_306 = arith.addi %get3A_304, %add3A_305 : vector<16xi32>
    %swap3A_307 = arith.constant 3 : i32
    %swap3A_308 = arith.index_cast %swap3A_307 : i32 to index
    %swap3A_309 = arith.constant 48 : index
    %swap3A_310 = tpu.vector_load %arg6[%swap3A_308, %swap3A_309] {strides = array<i32>} : memref<8x128xi32, #tpu.memory_space<vmem>>, vector<16xi32>,
    tpu.vector_store %arg6[%swap3A_308, %swap3A_309], %add3A_306 {strides = array<i32>} : memref<8x128xi32, #tpu.memory_space<vmem>>, vector<16xi32>,
    %get3A_311 = arith.constant 3 : i32
    %get3A_312 = arith.index_cast %get3A_311 : i32 to index
    %get3A_313 = arith.constant 64 : index
    %get3A_314 = tpu.vector_load %arg5[%get3A_312, %get3A_313] {strides = array<i32>} : memref<8x128xi32, #tpu.memory_space<vmem>>, vector<16xi32>,
    %add3A_315 = vector.broadcast %mul3A_270 : i32 to vector<16xi32>
    %add3A_316 = arith.addi %get3A_314, %add3A_315 : vector<16xi32>
    %swap3A_317 = arith.constant 3 : i32
    %swap3A_318 = arith.index_cast %swap3A_317 : i32 to index
    %swap3A_319 = arith.constant 64 : index
    %swap3A_320 = tpu.vector_load %arg6[%swap3A_318, %swap3A_319] {strides = array<i32>} : memref<8x128xi32, #tpu.memory_space<vmem>>, vector<16xi32>,
    tpu.vector_store %arg6[%swap3A_318, %swap3A_319], %add3A_316 {strides = array<i32>} : memref<8x128xi32, #tpu.memory_space<vmem>>, vector<16xi32>,
    %get3A_321 = arith.constant 3 : i32
    %get3A_322 = arith.index_cast %get3A_321 : i32 to index
    %get3A_323 = arith.constant 80 : index
    %get3A_324 = tpu.vector_load %arg5[%get3A_322, %get3A_323] {strides = array<i32>} : memref<8x128xi32, #tpu.memory_space<vmem>>, vector<16xi32>,
    %add3A_325 = vector.broadcast %mul3A_270 : i32 to vector<16xi32>
    %add3A_326 = arith.addi %get3A_324, %add3A_325 : vector<16xi32>
    %swap3A_327 = arith.constant 3 : i32
    %swap3A_328 = arith.index_cast %swap3A_327 : i32 to index
    %swap3A_329 = arith.constant 80 : index
    %swap3A_330 = tpu.vector_load %arg6[%swap3A_328, %swap3A_329] {strides = array<i32>} : memref<8x128xi32, #tpu.memory_space<vmem>>, vector<16xi32>,
    tpu.vector_store %arg6[%swap3A_328, %swap3A_329], %add3A_326 {strides = array<i32>} : memref<8x128xi32, #tpu.memory_space<vmem>>, vector<16xi32>,
    %get3A_331 = arith.constant 3 : i32
    %get3A_332 = arith.index_cast %get3A_331 : i32 to index
    %get3A_333 = arith.constant 96 : index
    %get3A_334 = tpu.vector_load %arg5[%get3A_332, %get3A_333] {strides = array<i32>} : memref<8x128xi32, #tpu.memory_space<vmem>>, vector<16xi32>,
    %add3A_335 = vector.broadcast %mul3A_270 : i32 to vector<16xi32>
    %add3A_336 = arith.addi %get3A_334, %add3A_335 : vector<16xi32>
    %swap3A_337 = arith.constant 3 : i32
    %swap3A_338 = arith.index_cast %swap3A_337 : i32 to index
    %swap3A_339 = arith.constant 96 : index
    %swap3A_340 = tpu.vector_load %arg6[%swap3A_338, %swap3A_339] {strides = array<i32>} : memref<8x128xi32, #tpu.memory_space<vmem>>, vector<16xi32>,
    tpu.vector_store %arg6[%swap3A_338, %swap3A_339], %add3A_336 {strides = array<i32>} : memref<8x128xi32, #tpu.memory_space<vmem>>, vector<16xi32>,
    %get3A_341 = arith.constant 3 : i32
    %get3A_342 = arith.index_cast %get3A_341 : i32 to index
    %get3A_343 = arith.constant 112 : index
    %get3A_344 = tpu.vector_load %arg5[%get3A_342, %get3A_343] {strides = array<i32>} : memref<8x128xi32, #tpu.memory_space<vmem>>, vector<16xi32>,
    %add3A_345 = vector.broadcast %mul3A_270 : i32 to vector<16xi32>
    %add3A_346 = arith.addi %get3A_344, %add3A_345 : vector<16xi32>
    %swap3A_347 = arith.constant 3 : i32
    %swap3A_348 = arith.index_cast %swap3A_347 : i32 to index
    %swap3A_349 = arith.constant 112 : index
    %swap3A_350 = tpu.vector_load %arg6[%swap3A_348, %swap3A_349] {strides = array<i32>} : memref<8x128xi32, #tpu.memory_space<vmem>>, vector<16xi32>,
    tpu.vector_store %arg6[%swap3A_348, %swap3A_349], %add3A_346 {strides = array<i32>} : memref<8x128xi32, #tpu.memory_space<vmem>>, vector<16xi32>,
    %add3A_351 = arith.constant 1 : i32
    %add3A_352 = arith.addi %mul3A_2, %add3A_351 : i32
    %mul3A_353 = arith.constant 100000 : i32
    %mul3A_354 = arith.muli %add3A_352, %mul3A_353 : i32
    %get3A_355 = arith.constant 4 : i32
    %get3A_356 = arith.index_cast %get3A_355 : i32 to index
    %get3A_357 = arith.constant 0 : index
    %get3A_358 = tpu.vector_load %arg5[%get3A_356, %get3A_357] {strides = array<i32>} : memref<8x128xi32, #tpu.memory_space<vmem>>, vector<16xi32>,
    %add3A_359 = vector.broadcast %mul3A_354 : i32 to vector<16xi32>
    %add3A_360 = arith.addi %get3A_358, %add3A_359 : vector<16xi32>
    %swap3A_361 = arith.constant 4 : i32
    %swap3A_362 = arith.index_cast %swap3A_361 : i32 to index
    %swap3A_363 = arith.constant 0 : index
    %swap3A_364 = tpu.vector_load %arg6[%swap3A_362, %swap3A_363] {strides = array<i32>} : memref<8x128xi32, #tpu.memory_space<vmem>>, vector<16xi32>,
    tpu.vector_store %arg6[%swap3A_362, %swap3A_363], %add3A_360 {strides = array<i32>} : memref<8x128xi32, #tpu.memory_space<vmem>>, vector<16xi32>,
    %get3A_365 = arith.constant 4 : i32
    %get3A_366 = arith.index_cast %get3A_365 : i32 to index
    %get3A_367 = arith.constant 16 : index
    %get3A_368 = tpu.vector_load %arg5[%get3A_366, %get3A_367] {strides = array<i32>} : memref<8x128xi32, #tpu.memory_space<vmem>>, vector<16xi32>,
    %add3A_369 = vector.broadcast %mul3A_354 : i32 to vector<16xi32>
    %add3A_370 = arith.addi %get3A_368, %add3A_369 : vector<16xi32>
    %swap3A_371 = arith.constant 4 : i32
    %swap3A_372 = arith.index_cast %swap3A_371 : i32 to index
    %swap3A_373 = arith.constant 16 : index
    %swap3A_374 = tpu.vector_load %arg6[%swap3A_372, %swap3A_373] {strides = array<i32>} : memref<8x128xi32, #tpu.memory_space<vmem>>, vector<16xi32>,
    tpu.vector_store %arg6[%swap3A_372, %swap3A_373], %add3A_370 {strides = array<i32>} : memref<8x128xi32, #tpu.memory_space<vmem>>, vector<16xi32>,
    %get3A_375 = arith.constant 4 : i32
    %get3A_376 = arith.index_cast %get3A_375 : i32 to index
    %get3A_377 = arith.constant 32 : index
    %get3A_378 = tpu.vector_load %arg5[%get3A_376, %get3A_377] {strides = array<i32>} : memref<8x128xi32, #tpu.memory_space<vmem>>, vector<16xi32>,
    %add3A_379 = vector.broadcast %mul3A_354 : i32 to vector<16xi32>
    %add3A_380 = arith.addi %get3A_378, %add3A_379 : vector<16xi32>
    %swap3A_381 = arith.constant 4 : i32
    %swap3A_382 = arith.index_cast %swap3A_381 : i32 to index
    %swap3A_383 = arith.constant 32 : index
    %swap3A_384 = tpu.vector_load %arg6[%swap3A_382, %swap3A_383] {strides = array<i32>} : memref<8x128xi32, #tpu.memory_space<vmem>>, vector<16xi32>,
    tpu.vector_store %arg6[%swap3A_382, %swap3A_383], %add3A_380 {strides = array<i32>} : memref<8x128xi32, #tpu.memory_space<vmem>>, vector<16xi32>,
    %get3A_385 = arith.constant 4 : i32
    %get3A_386 = arith.index_cast %get3A_385 : i32 to index
    %get3A_387 = arith.constant 48 : index
    %get3A_388 = tpu.vector_load %arg5[%get3A_386, %get3A_387] {strides = array<i32>} : memref<8x128xi32, #tpu.memory_space<vmem>>, vector<16xi32>,
    %add3A_389 = vector.broadcast %mul3A_354 : i32 to vector<16xi32>
    %add3A_390 = arith.addi %get3A_388, %add3A_389 : vector<16xi32>
    %swap3A_391 = arith.constant 4 : i32
    %swap3A_392 = arith.index_cast %swap3A_391 : i32 to index
    %swap3A_393 = arith.constant 48 : index
    %swap3A_394 = tpu.vector_load %arg6[%swap3A_392, %swap3A_393] {strides = array<i32>} : memref<8x128xi32, #tpu.memory_space<vmem>>, vector<16xi32>,
    tpu.vector_store %arg6[%swap3A_392, %swap3A_393], %add3A_390 {strides = array<i32>} : memref<8x128xi32, #tpu.memory_space<vmem>>, vector<16xi32>,
    %get3A_395 = arith.constant 4 : i32
    %get3A_396 = arith.index_cast %get3A_395 : i32 to index
    %get3A_397 = arith.constant 64 : index
    %get3A_398 = tpu.vector_load %arg5[%get3A_396, %get3A_397] {strides = array<i32>} : memref<8x128xi32, #tpu.memory_space<vmem>>, vector<16xi32>,
    %add3A_399 = vector.broadcast %mul3A_354 : i32 to vector<16xi32>
    %add3A_400 = arith.addi %get3A_398, %add3A_399 : vector<16xi32>
    %swap3A_401 = arith.constant 4 : i32
    %swap3A_402 = arith.index_cast %swap3A_401 : i32 to index
    %swap3A_403 = arith.constant 64 : index
    %swap3A_404 = tpu.vector_load %arg6[%swap3A_402, %swap3A_403] {strides = array<i32>} : memref<8x128xi32, #tpu.memory_space<vmem>>, vector<16xi32>,
    tpu.vector_store %arg6[%swap3A_402, %swap3A_403], %add3A_400 {strides = array<i32>} : memref<8x128xi32, #tpu.memory_space<vmem>>, vector<16xi32>,
    %get3A_405 = arith.constant 4 : i32
    %get3A_406 = arith.index_cast %get3A_405 : i32 to index
    %get3A_407 = arith.constant 80 : index
    %get3A_408 = tpu.vector_load %arg5[%get3A_406, %get3A_407] {strides = array<i32>} : memref<8x128xi32, #tpu.memory_space<vmem>>, vector<16xi32>,
    %add3A_409 = vector.broadcast %mul3A_354 : i32 to vector<16xi32>
    %add3A_410 = arith.addi %get3A_408, %add3A_409 : vector<16xi32>
    %swap3A_411 = arith.constant 4 : i32
    %swap3A_412 = arith.index_cast %swap3A_411 : i32 to index
    %swap3A_413 = arith.constant 80 : index
    %swap3A_414 = tpu.vector_load %arg6[%swap3A_412, %swap3A_413] {strides = array<i32>} : memref<8x128xi32, #tpu.memory_space<vmem>>, vector<16xi32>,
    tpu.vector_store %arg6[%swap3A_412, %swap3A_413], %add3A_410 {strides = array<i32>} : memref<8x128xi32, #tpu.memory_space<vmem>>, vector<16xi32>,
    %get3A_415 = arith.constant 4 : i32
    %get3A_416 = arith.index_cast %get3A_415 : i32 to index
    %get3A_417 = arith.constant 96 : index
    %get3A_418 = tpu.vector_load %arg5[%get3A_416, %get3A_417] {strides = array<i32>} : memref<8x128xi32, #tpu.memory_space<vmem>>, vector<16xi32>,
    %add3A_419 = vector.broadcast %mul3A_354 : i32 to vector<16xi32>
    %add3A_420 = arith.addi %get3A_418, %add3A_419 : vector<16xi32>
    %swap3A_421 = arith.constant 4 : i32
    %swap3A_422 = arith.index_cast %swap3A_421 : i32 to index
    %swap3A_423 = arith.constant 96 : index
    %swap3A_424 = tpu.vector_load %arg6[%swap3A_422, %swap3A_423] {strides = array<i32>} : memref<8x128xi32, #tpu.memory_space<vmem>>, vector<16xi32>,
    tpu.vector_store %arg6[%swap3A_422, %swap3A_423], %add3A_420 {strides = array<i32>} : memref<8x128xi32, #tpu.memory_space<vmem>>, vector<16xi32>,
    %get3A_425 = arith.constant 4 : i32
    %get3A_426 = arith.index_cast %get3A_425 : i32 to index
    %get3A_427 = arith.constant 112 : index
    %get3A_428 = tpu.vector_load %arg5[%get3A_426, %get3A_427] {strides = array<i32>} : memref<8x128xi32, #tpu.memory_space<vmem>>, vector<16xi32>,
    %add3A_429 = vector.broadcast %mul3A_354 : i32 to vector<16xi32>
    %add3A_430 = arith.addi %get3A_428, %add3A_429 : vector<16xi32>
    %swap3A_431 = arith.constant 4 : i32
    %swap3A_432 = arith.index_cast %swap3A_431 : i32 to index
    %swap3A_433 = arith.constant 112 : index
    %swap3A_434 = tpu.vector_load %arg6[%swap3A_432, %swap3A_433] {strides = array<i32>} : memref<8x128xi32, #tpu.memory_space<vmem>>, vector<16xi32>,
    tpu.vector_store %arg6[%swap3A_432, %swap3A_433], %add3A_430 {strides = array<i32>} : memref<8x128xi32, #tpu.memory_space<vmem>>, vector<16xi32>,
    %add3A_435 = arith.constant 1 : i32
    %add3A_436 = arith.addi %mul3A_2, %add3A_435 : i32
    %mul3A_437 = arith.constant 100000 : i32
    %mul3A_438 = arith.muli %add3A_436, %mul3A_437 : i32
    %get3A_439 = arith.constant 5 : i32
    %get3A_440 = arith.index_cast %get3A_439 : i32 to index
    %get3A_441 = arith.constant 0 : index
    %get3A_442 = tpu.vector_load %arg5[%get3A_440, %get3A_441] {strides = array<i32>} : memref<8x128xi32, #tpu.memory_space<vmem>>, vector<16xi32>,
    %add3A_443 = vector.broadcast %mul3A_438 : i32 to vector<16xi32>
    %add3A_444 = arith.addi %get3A_442, %add3A_443 : vector<16xi32>
    %swap3A_445 = arith.constant 5 : i32
    %swap3A_446 = arith.index_cast %swap3A_445 : i32 to index
    %swap3A_447 = arith.constant 0 : index
    %swap3A_448 = tpu.vector_load %arg6[%swap3A_446, %swap3A_447] {strides = array<i32>} : memref<8x128xi32, #tpu.memory_space<vmem>>, vector<16xi32>,
    tpu.vector_store %arg6[%swap3A_446, %swap3A_447], %add3A_444 {strides = array<i32>} : memref<8x128xi32, #tpu.memory_space<vmem>>, vector<16xi32>,
    %get3A_449 = arith.constant 5 : i32
    %get3A_450 = arith.index_cast %get3A_449 : i32 to index
    %get3A_451 = arith.constant 16 : index
    %get3A_452 = tpu.vector_load %arg5[%get3A_450, %get3A_451] {strides = array<i32>} : memref<8x128xi32, #tpu.memory_space<vmem>>, vector<16xi32>,
    %add3A_453 = vector.broadcast %mul3A_438 : i32 to vector<16xi32>
    %add3A_454 = arith.addi %get3A_452, %add3A_453 : vector<16xi32>
    %swap3A_455 = arith.constant 5 : i32
    %swap3A_456 = arith.index_cast %swap3A_455 : i32 to index
    %swap3A_457 = arith.constant 16 : index
    %swap3A_458 = tpu.vector_load %arg6[%swap3A_456, %swap3A_457] {strides = array<i32>} : memref<8x128xi32, #tpu.memory_space<vmem>>, vector<16xi32>,
    tpu.vector_store %arg6[%swap3A_456, %swap3A_457], %add3A_454 {strides = array<i32>} : memref<8x128xi32, #tpu.memory_space<vmem>>, vector<16xi32>,
    %get3A_459 = arith.constant 5 : i32
    %get3A_460 = arith.index_cast %get3A_459 : i32 to index
    %get3A_461 = arith.constant 32 : index
    %get3A_462 = tpu.vector_load %arg5[%get3A_460, %get3A_461] {strides = array<i32>} : memref<8x128xi32, #tpu.memory_space<vmem>>, vector<16xi32>,
    %add3A_463 = vector.broadcast %mul3A_438 : i32 to vector<16xi32>
    %add3A_464 = arith.addi %get3A_462, %add3A_463 : vector<16xi32>
    %swap3A_465 = arith.constant 5 : i32
    %swap3A_466 = arith.index_cast %swap3A_465 : i32 to index
    %swap3A_467 = arith.constant 32 : index
    %swap3A_468 = tpu.vector_load %arg6[%swap3A_466, %swap3A_467] {strides = array<i32>} : memref<8x128xi32, #tpu.memory_space<vmem>>, vector<16xi32>,
    tpu.vector_store %arg6[%swap3A_466, %swap3A_467], %add3A_464 {strides = array<i32>} : memref<8x128xi32, #tpu.memory_space<vmem>>, vector<16xi32>,
    %get3A_469 = arith.constant 5 : i32
    %get3A_470 = arith.index_cast %get3A_469 : i32 to index
    %get3A_471 = arith.constant 48 : index
    %get3A_472 = tpu.vector_load %arg5[%get3A_470, %get3A_471] {strides = array<i32>} : memref<8x128xi32, #tpu.memory_space<vmem>>, vector<16xi32>,
    %add3A_473 = vector.broadcast %mul3A_438 : i32 to vector<16xi32>
    %add3A_474 = arith.addi %get3A_472, %add3A_473 : vector<16xi32>
    %swap3A_475 = arith.constant 5 : i32
    %swap3A_476 = arith.index_cast %swap3A_475 : i32 to index
    %swap3A_477 = arith.constant 48 : index
    %swap3A_478 = tpu.vector_load %arg6[%swap3A_476, %swap3A_477] {strides = array<i32>} : memref<8x128xi32, #tpu.memory_space<vmem>>, vector<16xi32>,
    tpu.vector_store %arg6[%swap3A_476, %swap3A_477], %add3A_474 {strides = array<i32>} : memref<8x128xi32, #tpu.memory_space<vmem>>, vector<16xi32>,
    %get3A_479 = arith.constant 5 : i32
    %get3A_480 = arith.index_cast %get3A_479 : i32 to index
    %get3A_481 = arith.constant 64 : index
    %get3A_482 = tpu.vector_load %arg5[%get3A_480, %get3A_481] {strides = array<i32>} : memref<8x128xi32, #tpu.memory_space<vmem>>, vector<16xi32>,
    %add3A_483 = vector.broadcast %mul3A_438 : i32 to vector<16xi32>
    %add3A_484 = arith.addi %get3A_482, %add3A_483 : vector<16xi32>
    %swap3A_485 = arith.constant 5 : i32
    %swap3A_486 = arith.index_cast %swap3A_485 : i32 to index
    %swap3A_487 = arith.constant 64 : index
    %swap3A_488 = tpu.vector_load %arg6[%swap3A_486, %swap3A_487] {strides = array<i32>} : memref<8x128xi32, #tpu.memory_space<vmem>>, vector<16xi32>,
    tpu.vector_store %arg6[%swap3A_486, %swap3A_487], %add3A_484 {strides = array<i32>} : memref<8x128xi32, #tpu.memory_space<vmem>>, vector<16xi32>,
    %get3A_489 = arith.constant 5 : i32
    %get3A_490 = arith.index_cast %get3A_489 : i32 to index
    %get3A_491 = arith.constant 80 : index
    %get3A_492 = tpu.vector_load %arg5[%get3A_490, %get3A_491] {strides = array<i32>} : memref<8x128xi32, #tpu.memory_space<vmem>>, vector<16xi32>,
    %add3A_493 = vector.broadcast %mul3A_438 : i32 to vector<16xi32>
    %add3A_494 = arith.addi %get3A_492, %add3A_493 : vector<16xi32>
    %swap3A_495 = arith.constant 5 : i32
    %swap3A_496 = arith.index_cast %swap3A_495 : i32 to index
    %swap3A_497 = arith.constant 80 : index
    %swap3A_498 = tpu.vector_load %arg6[%swap3A_496, %swap3A_497] {strides = array<i32>} : memref<8x128xi32, #tpu.memory_space<vmem>>, vector<16xi32>,
    tpu.vector_store %arg6[%swap3A_496, %swap3A_497], %add3A_494 {strides = array<i32>} : memref<8x128xi32, #tpu.memory_space<vmem>>, vector<16xi32>,
    %get3A_499 = arith.constant 5 : i32
    %get3A_500 = arith.index_cast %get3A_499 : i32 to index
    %get3A_501 = arith.constant 96 : index
    %get3A_502 = tpu.vector_load %arg5[%get3A_500, %get3A_501] {strides = array<i32>} : memref<8x128xi32, #tpu.memory_space<vmem>>, vector<16xi32>,
    %add3A_503 = vector.broadcast %mul3A_438 : i32 to vector<16xi32>
    %add3A_504 = arith.addi %get3A_502, %add3A_503 : vector<16xi32>
    %swap3A_505 = arith.constant 5 : i32
    %swap3A_506 = arith.index_cast %swap3A_505 : i32 to index
    %swap3A_507 = arith.constant 96 : index
    %swap3A_508 = tpu.vector_load %arg6[%swap3A_506, %swap3A_507] {strides = array<i32>} : memref<8x128xi32, #tpu.memory_space<vmem>>, vector<16xi32>,
    tpu.vector_store %arg6[%swap3A_506, %swap3A_507], %add3A_504 {strides = array<i32>} : memref<8x128xi32, #tpu.memory_space<vmem>>, vector<16xi32>,
    %get3A_509 = arith.constant 5 : i32
    %get3A_510 = arith.index_cast %get3A_509 : i32 to index
    %get3A_511 = arith.constant 112 : index
    %get3A_512 = tpu.vector_load %arg5[%get3A_510, %get3A_511] {strides = array<i32>} : memref<8x128xi32, #tpu.memory_space<vmem>>, vector<16xi32>,
    %add3A_513 = vector.broadcast %mul3A_438 : i32 to vector<16xi32>
    %add3A_514 = arith.addi %get3A_512, %add3A_513 : vector<16xi32>
    %swap3A_515 = arith.constant 5 : i32
    %swap3A_516 = arith.index_cast %swap3A_515 : i32 to index
    %swap3A_517 = arith.constant 112 : index
    %swap3A_518 = tpu.vector_load %arg6[%swap3A_516, %swap3A_517] {strides = array<i32>} : memref<8x128xi32, #tpu.memory_space<vmem>>, vector<16xi32>,
    tpu.vector_store %arg6[%swap3A_516, %swap3A_517], %add3A_514 {strides = array<i32>} : memref<8x128xi32, #tpu.memory_space<vmem>>, vector<16xi32>,
    %add3A_519 = arith.constant 1 : i32
    %add3A_520 = arith.addi %mul3A_2, %add3A_519 : i32
    %mul3A_521 = arith.constant 100000 : i32
    %mul3A_522 = arith.muli %add3A_520, %mul3A_521 : i32
    %get3A_523 = arith.constant 6 : i32
    %get3A_524 = arith.index_cast %get3A_523 : i32 to index
    %get3A_525 = arith.constant 0 : index
    %get3A_526 = tpu.vector_load %arg5[%get3A_524, %get3A_525] {strides = array<i32>} : memref<8x128xi32, #tpu.memory_space<vmem>>, vector<16xi32>,
    %add3A_527 = vector.broadcast %mul3A_522 : i32 to vector<16xi32>
    %add3A_528 = arith.addi %get3A_526, %add3A_527 : vector<16xi32>
    %swap3A_529 = arith.constant 6 : i32
    %swap3A_530 = arith.index_cast %swap3A_529 : i32 to index
    %swap3A_531 = arith.constant 0 : index
    %swap3A_532 = tpu.vector_load %arg6[%swap3A_530, %swap3A_531] {strides = array<i32>} : memref<8x128xi32, #tpu.memory_space<vmem>>, vector<16xi32>,
    tpu.vector_store %arg6[%swap3A_530, %swap3A_531], %add3A_528 {strides = array<i32>} : memref<8x128xi32, #tpu.memory_space<vmem>>, vector<16xi32>,
    %get3A_533 = arith.constant 6 : i32
    %get3A_534 = arith.index_cast %get3A_533 : i32 to index
    %get3A_535 = arith.constant 16 : index
    %get3A_536 = tpu.vector_load %arg5[%get3A_534, %get3A_535] {strides = array<i32>} : memref<8x128xi32, #tpu.memory_space<vmem>>, vector<16xi32>,
    %add3A_537 = vector.broadcast %mul3A_522 : i32 to vector<16xi32>
    %add3A_538 = arith.addi %get3A_536, %add3A_537 : vector<16xi32>
    %swap3A_539 = arith.constant 6 : i32
    %swap3A_540 = arith.index_cast %swap3A_539 : i32 to index
    %swap3A_541 = arith.constant 16 : index
    %swap3A_542 = tpu.vector_load %arg6[%swap3A_540, %swap3A_541] {strides = array<i32>} : memref<8x128xi32, #tpu.memory_space<vmem>>, vector<16xi32>,
    tpu.vector_store %arg6[%swap3A_540, %swap3A_541], %add3A_538 {strides = array<i32>} : memref<8x128xi32, #tpu.memory_space<vmem>>, vector<16xi32>,
    %get3A_543 = arith.constant 6 : i32
    %get3A_544 = arith.index_cast %get3A_543 : i32 to index
    %get3A_545 = arith.constant 32 : index
    %get3A_546 = tpu.vector_load %arg5[%get3A_544, %get3A_545] {strides = array<i32>} : memref<8x128xi32, #tpu.memory_space<vmem>>, vector<16xi32>,
    %add3A_547 = vector.broadcast %mul3A_522 : i32 to vector<16xi32>
    %add3A_548 = arith.addi %get3A_546, %add3A_547 : vector<16xi32>
    %swap3A_549 = arith.constant 6 : i32
    %swap3A_550 = arith.index_cast %swap3A_549 : i32 to index
    %swap3A_551 = arith.constant 32 : index
    %swap3A_552 = tpu.vector_load %arg6[%swap3A_550, %swap3A_551] {strides = array<i32>} : memref<8x128xi32, #tpu.memory_space<vmem>>, vector<16xi32>,
    tpu.vector_store %arg6[%swap3A_550, %swap3A_551], %add3A_548 {strides = array<i32>} : memref<8x128xi32, #tpu.memory_space<vmem>>, vector<16xi32>,
    %get3A_553 = arith.constant 6 : i32
    %get3A_554 = arith.index_cast %get3A_553 : i32 to index
    %get3A_555 = arith.constant 48 : index
    %get3A_556 = tpu.vector_load %arg5[%get3A_554, %get3A_555] {strides = array<i32>} : memref<8x128xi32, #tpu.memory_space<vmem>>, vector<16xi32>,
    %add3A_557 = vector.broadcast %mul3A_522 : i32 to vector<16xi32>
    %add3A_558 = arith.addi %get3A_556, %add3A_557 : vector<16xi32>
    %swap3A_559 = arith.constant 6 : i32
    %swap3A_560 = arith.index_cast %swap3A_559 : i32 to index
    %swap3A_561 = arith.constant 48 : index
    %swap3A_562 = tpu.vector_load %arg6[%swap3A_560, %swap3A_561] {strides = array<i32>} : memref<8x128xi32, #tpu.memory_space<vmem>>, vector<16xi32>,
    tpu.vector_store %arg6[%swap3A_560, %swap3A_561], %add3A_558 {strides = array<i32>} : memref<8x128xi32, #tpu.memory_space<vmem>>, vector<16xi32>,
    %get3A_563 = arith.constant 6 : i32
    %get3A_564 = arith.index_cast %get3A_563 : i32 to index
    %get3A_565 = arith.constant 64 : index
    %get3A_566 = tpu.vector_load %arg5[%get3A_564, %get3A_565] {strides = array<i32>} : memref<8x128xi32, #tpu.memory_space<vmem>>, vector<16xi32>,
    %add3A_567 = vector.broadcast %mul3A_522 : i32 to vector<16xi32>
    %add3A_568 = arith.addi %get3A_566, %add3A_567 : vector<16xi32>
    %swap3A_569 = arith.constant 6 : i32
    %swap3A_570 = arith.index_cast %swap3A_569 : i32 to index
    %swap3A_571 = arith.constant 64 : index
    %swap3A_572 = tpu.vector_load %arg6[%swap3A_570, %swap3A_571] {strides = array<i32>} : memref<8x128xi32, #tpu.memory_space<vmem>>, vector<16xi32>,
    tpu.vector_store %arg6[%swap3A_570, %swap3A_571], %add3A_568 {strides = array<i32>} : memref<8x128xi32, #tpu.memory_space<vmem>>, vector<16xi32>,
    %get3A_573 = arith.constant 6 : i32
    %get3A_574 = arith.index_cast %get3A_573 : i32 to index
    %get3A_575 = arith.constant 80 : index
    %get3A_576 = tpu.vector_load %arg5[%get3A_574, %get3A_575] {strides = array<i32>} : memref<8x128xi32, #tpu.memory_space<vmem>>, vector<16xi32>,
    %add3A_577 = vector.broadcast %mul3A_522 : i32 to vector<16xi32>
    %add3A_578 = arith.addi %get3A_576, %add3A_577 : vector<16xi32>
    %swap3A_579 = arith.constant 6 : i32
    %swap3A_580 = arith.index_cast %swap3A_579 : i32 to index
    %swap3A_581 = arith.constant 80 : index
    %swap3A_582 = tpu.vector_load %arg6[%swap3A_580, %swap3A_581] {strides = array<i32>} : memref<8x128xi32, #tpu.memory_space<vmem>>, vector<16xi32>,
    tpu.vector_store %arg6[%swap3A_580, %swap3A_581], %add3A_578 {strides = array<i32>} : memref<8x128xi32, #tpu.memory_space<vmem>>, vector<16xi32>,
    %get3A_583 = arith.constant 6 : i32
    %get3A_584 = arith.index_cast %get3A_583 : i32 to index
    %get3A_585 = arith.constant 96 : index
    %get3A_586 = tpu.vector_load %arg5[%get3A_584, %get3A_585] {strides = array<i32>} : memref<8x128xi32, #tpu.memory_space<vmem>>, vector<16xi32>,
    %add3A_587 = vector.broadcast %mul3A_522 : i32 to vector<16xi32>
    %add3A_588 = arith.addi %get3A_586, %add3A_587 : vector<16xi32>
    %swap3A_589 = arith.constant 6 : i32
    %swap3A_590 = arith.index_cast %swap3A_589 : i32 to index
    %swap3A_591 = arith.constant 96 : index
    %swap3A_592 = tpu.vector_load %arg6[%swap3A_590, %swap3A_591] {strides = array<i32>} : memref<8x128xi32, #tpu.memory_space<vmem>>, vector<16xi32>,
    tpu.vector_store %arg6[%swap3A_590, %swap3A_591], %add3A_588 {strides = array<i32>} : memref<8x128xi32, #tpu.memory_space<vmem>>, vector<16xi32>,
    %get3A_593 = arith.constant 6 : i32
    %get3A_594 = arith.index_cast %get3A_593 : i32 to index
    %get3A_595 = arith.constant 112 : index
    %get3A_596 = tpu.vector_load %arg5[%get3A_594, %get3A_595] {strides = array<i32>} : memref<8x128xi32, #tpu.memory_space<vmem>>, vector<16xi32>,
    %add3A_597 = vector.broadcast %mul3A_522 : i32 to vector<16xi32>
    %add3A_598 = arith.addi %get3A_596, %add3A_597 : vector<16xi32>
    %swap3A_599 = arith.constant 6 : i32
    %swap3A_600 = arith.index_cast %swap3A_599 : i32 to index
    %swap3A_601 = arith.constant 112 : index
    %swap3A_602 = tpu.vector_load %arg6[%swap3A_600, %swap3A_601] {strides = array<i32>} : memref<8x128xi32, #tpu.memory_space<vmem>>, vector<16xi32>,
    tpu.vector_store %arg6[%swap3A_600, %swap3A_601], %add3A_598 {strides = array<i32>} : memref<8x128xi32, #tpu.memory_space<vmem>>, vector<16xi32>,
    %add3A_603 = arith.constant 1 : i32
    %add3A_604 = arith.addi %mul3A_2, %add3A_603 : i32
    %mul3A_605 = arith.constant 100000 : i32
    %mul3A_606 = arith.muli %add3A_604, %mul3A_605 : i32
    %get3A_607 = arith.constant 7 : i32
    %get3A_608 = arith.index_cast %get3A_607 : i32 to index
    %get3A_609 = arith.constant 0 : index
    %get3A_610 = tpu.vector_load %arg5[%get3A_608, %get3A_609] {strides = array<i32>} : memref<8x128xi32, #tpu.memory_space<vmem>>, vector<16xi32>,
    %add3A_611 = vector.broadcast %mul3A_606 : i32 to vector<16xi32>
    %add3A_612 = arith.addi %get3A_610, %add3A_611 : vector<16xi32>
    %swap3A_613 = arith.constant 7 : i32
    %swap3A_614 = arith.index_cast %swap3A_613 : i32 to index
    %swap3A_615 = arith.constant 0 : index
    %swap3A_616 = tpu.vector_load %arg6[%swap3A_614, %swap3A_615] {strides = array<i32>} : memref<8x128xi32, #tpu.memory_space<vmem>>, vector<16xi32>,
    tpu.vector_store %arg6[%swap3A_614, %swap3A_615], %add3A_612 {strides = array<i32>} : memref<8x128xi32, #tpu.memory_space<vmem>>, vector<16xi32>,
    %get3A_617 = arith.constant 7 : i32
    %get3A_618 = arith.index_cast %get3A_617 : i32 to index
    %get3A_619 = arith.constant 16 : index
    %get3A_620 = tpu.vector_load %arg5[%get3A_618, %get3A_619] {strides = array<i32>} : memref<8x128xi32, #tpu.memory_space<vmem>>, vector<16xi32>,
    %add3A_621 = vector.broadcast %mul3A_606 : i32 to vector<16xi32>
    %add3A_622 = arith.addi %get3A_620, %add3A_621 : vector<16xi32>
    %swap3A_623 = arith.constant 7 : i32
    %swap3A_624 = arith.index_cast %swap3A_623 : i32 to index
    %swap3A_625 = arith.constant 16 : index
    %swap3A_626 = tpu.vector_load %arg6[%swap3A_624, %swap3A_625] {strides = array<i32>} : memref<8x128xi32, #tpu.memory_space<vmem>>, vector<16xi32>,
    tpu.vector_store %arg6[%swap3A_624, %swap3A_625], %add3A_622 {strides = array<i32>} : memref<8x128xi32, #tpu.memory_space<vmem>>, vector<16xi32>,
    %get3A_627 = arith.constant 7 : i32
    %get3A_628 = arith.index_cast %get3A_627 : i32 to index
    %get3A_629 = arith.constant 32 : index
    %get3A_630 = tpu.vector_load %arg5[%get3A_628, %get3A_629] {strides = array<i32>} : memref<8x128xi32, #tpu.memory_space<vmem>>, vector<16xi32>,
    %add3A_631 = vector.broadcast %mul3A_606 : i32 to vector<16xi32>
    %add3A_632 = arith.addi %get3A_630, %add3A_631 : vector<16xi32>
    %swap3A_633 = arith.constant 7 : i32
    %swap3A_634 = arith.index_cast %swap3A_633 : i32 to index
    %swap3A_635 = arith.constant 32 : index
    %swap3A_636 = tpu.vector_load %arg6[%swap3A_634, %swap3A_635] {strides = array<i32>} : memref<8x128xi32, #tpu.memory_space<vmem>>, vector<16xi32>,
    tpu.vector_store %arg6[%swap3A_634, %swap3A_635], %add3A_632 {strides = array<i32>} : memref<8x128xi32, #tpu.memory_space<vmem>>, vector<16xi32>,
    %get3A_637 = arith.constant 7 : i32
    %get3A_638 = arith.index_cast %get3A_637 : i32 to index
    %get3A_639 = arith.constant 48 : index
    %get3A_640 = tpu.vector_load %arg5[%get3A_638, %get3A_639] {strides = array<i32>} : memref<8x128xi32, #tpu.memory_space<vmem>>, vector<16xi32>,
    %add3A_641 = vector.broadcast %mul3A_606 : i32 to vector<16xi32>
    %add3A_642 = arith.addi %get3A_640, %add3A_641 : vector<16xi32>
    %swap3A_643 = arith.constant 7 : i32
    %swap3A_644 = arith.index_cast %swap3A_643 : i32 to index
    %swap3A_645 = arith.constant 48 : index
    %swap3A_646 = tpu.vector_load %arg6[%swap3A_644, %swap3A_645] {strides = array<i32>} : memref<8x128xi32, #tpu.memory_space<vmem>>, vector<16xi32>,
    tpu.vector_store %arg6[%swap3A_644, %swap3A_645], %add3A_642 {strides = array<i32>} : memref<8x128xi32, #tpu.memory_space<vmem>>, vector<16xi32>,
    %get3A_647 = arith.constant 7 : i32
    %get3A_648 = arith.index_cast %get3A_647 : i32 to index
    %get3A_649 = arith.constant 64 : index
    %get3A_650 = tpu.vector_load %arg5[%get3A_648, %get3A_649] {strides = array<i32>} : memref<8x128xi32, #tpu.memory_space<vmem>>, vector<16xi32>,
    %add3A_651 = vector.broadcast %mul3A_606 : i32 to vector<16xi32>
    %add3A_652 = arith.addi %get3A_650, %add3A_651 : vector<16xi32>
    %swap3A_653 = arith.constant 7 : i32
    %swap3A_654 = arith.index_cast %swap3A_653 : i32 to index
    %swap3A_655 = arith.constant 64 : index
    %swap3A_656 = tpu.vector_load %arg6[%swap3A_654, %swap3A_655] {strides = array<i32>} : memref<8x128xi32, #tpu.memory_space<vmem>>, vector<16xi32>,
    tpu.vector_store %arg6[%swap3A_654, %swap3A_655], %add3A_652 {strides = array<i32>} : memref<8x128xi32, #tpu.memory_space<vmem>>, vector<16xi32>,
    %get3A_657 = arith.constant 7 : i32
    %get3A_658 = arith.index_cast %get3A_657 : i32 to index
    %get3A_659 = arith.constant 80 : index
    %get3A_660 = tpu.vector_load %arg5[%get3A_658, %get3A_659] {strides = array<i32>} : memref<8x128xi32, #tpu.memory_space<vmem>>, vector<16xi32>,
    %add3A_661 = vector.broadcast %mul3A_606 : i32 to vector<16xi32>
    %add3A_662 = arith.addi %get3A_660, %add3A_661 : vector<16xi32>
    %swap3A_663 = arith.constant 7 : i32
    %swap3A_664 = arith.index_cast %swap3A_663 : i32 to index
    %swap3A_665 = arith.constant 80 : index
    %swap3A_666 = tpu.vector_load %arg6[%swap3A_664, %swap3A_665] {strides = array<i32>} : memref<8x128xi32, #tpu.memory_space<vmem>>, vector<16xi32>,
    tpu.vector_store %arg6[%swap3A_664, %swap3A_665], %add3A_662 {strides = array<i32>} : memref<8x128xi32, #tpu.memory_space<vmem>>, vector<16xi32>,
    %get3A_667 = arith.constant 7 : i32
    %get3A_668 = arith.index_cast %get3A_667 : i32 to index
    %get3A_669 = arith.constant 96 : index
    %get3A_670 = tpu.vector_load %arg5[%get3A_668, %get3A_669] {strides = array<i32>} : memref<8x128xi32, #tpu.memory_space<vmem>>, vector<16xi32>,
    %add3A_671 = vector.broadcast %mul3A_606 : i32 to vector<16xi32>
    %add3A_672 = arith.addi %get3A_670, %add3A_671 : vector<16xi32>
    %swap3A_673 = arith.constant 7 : i32
    %swap3A_674 = arith.index_cast %swap3A_673 : i32 to index
    %swap3A_675 = arith.constant 96 : index
    %swap3A_676 = tpu.vector_load %arg6[%swap3A_674, %swap3A_675] {strides = array<i32>} : memref<8x128xi32, #tpu.memory_space<vmem>>, vector<16xi32>,
    tpu.vector_store %arg6[%swap3A_674, %swap3A_675], %add3A_672 {strides = array<i32>} : memref<8x128xi32, #tpu.memory_space<vmem>>, vector<16xi32>,
    %get3A_677 = arith.constant 7 : i32
    %get3A_678 = arith.index_cast %get3A_677 : i32 to index
    %get3A_679 = arith.constant 112 : index
    %get3A_680 = tpu.vector_load %arg5[%get3A_678, %get3A_679] {strides = array<i32>} : memref<8x128xi32, #tpu.memory_space<vmem>>, vector<16xi32>,
    %add3A_681 = vector.broadcast %mul3A_606 : i32 to vector<16xi32>
    %add3A_682 = arith.addi %get3A_680, %add3A_681 : vector<16xi32>
    %swap3A_683 = arith.constant 7 : i32
    %swap3A_684 = arith.index_cast %swap3A_683 : i32 to index
    %swap3A_685 = arith.constant 112 : index
    %swap3A_686 = tpu.vector_load %arg6[%swap3A_684, %swap3A_685] {strides = array<i32>} : memref<8x128xi32, #tpu.memory_space<vmem>>, vector<16xi32>,
    tpu.vector_store %arg6[%swap3A_684, %swap3A_685], %add3A_682 {strides = array<i32>} : memref<8x128xi32, #tpu.memory_space<vmem>>, vector<16xi32>,
    %dma_start3A_687 = arith.constant 0 : i32
    %dma_start3A_688 = arith.constant 0 : i32
    %dma_start3A_689 = arith.constant 0 : i32
    %dma_start3A_690 = tpu.memref_slice %arg7[%dma_start3A_688, %dma_start3A_689] : memref<8x128xf32, #tpu.memory_space<vmem>> -> memref<1x128xf32, #tpu.memory_space<vmem>>
    %dma_start3A_691 = tpu.memref_squeeze %dma_start3A_690 : memref<1x128xf32, #tpu.memory_space<vmem>> -> memref<128xf32, #tpu.memory_space<vmem>>
    %dma_start3A_692 = arith.constant 0 : i32
    %dma_start3A_693 = tpu.memref_slice %arg6[%dma_start3A_687, %dma_start3A_692] : memref<8x128xi32, #tpu.memory_space<vmem>> -> memref<1x128xi32, #tpu.memory_space<vmem>>
    %dma_start3A_694 = tpu.memref_squeeze %dma_start3A_693 : memref<1x128xi32, #tpu.memory_space<vmem>> -> memref<128xi32, #tpu.memory_space<vmem>>
    %dma_start3A_695 = arith.constant 0 : i32
    %dma_start3A_696 = tpu.memref_slice %arg2[%dma_start3A_695] : memref<6400000xf32, #tpu.memory_space<hbm>> -> memref<6400000xf32, #tpu.memory_space<hbm>>
    tpu.enqueue_indirect_dma source(%dma_start3A_696 : memref<6400000xf32, #tpu.memory_space<hbm>>) target(%dma_start3A_691 : memref<128xf32, #tpu.memory_space<vmem>>) offsets(%dma_start3A_694 : memref<128xi32, #tpu.memory_space<vmem>>) semaphore(%arg9 : memref<!tpu.dma_semaphore, #tpu.memory_space<semaphore_mem>>)
    %dma_start3A_697 = arith.constant 1 : i32
    %dma_start3A_698 = arith.constant 1 : i32
    %dma_start3A_699 = arith.constant 0 : i32
    %dma_start3A_700 = tpu.memref_slice %arg7[%dma_start3A_698, %dma_start3A_699] : memref<8x128xf32, #tpu.memory_space<vmem>> -> memref<1x128xf32, #tpu.memory_space<vmem>>
    %dma_start3A_701 = tpu.memref_squeeze %dma_start3A_700 : memref<1x128xf32, #tpu.memory_space<vmem>> -> memref<128xf32, #tpu.memory_space<vmem>>
    %dma_start3A_702 = arith.constant 0 : i32
    %dma_start3A_703 = tpu.memref_slice %arg6[%dma_start3A_697, %dma_start3A_702] : memref<8x128xi32, #tpu.memory_space<vmem>> -> memref<1x128xi32, #tpu.memory_space<vmem>>
    %dma_start3A_704 = tpu.memref_squeeze %dma_start3A_703 : memref<1x128xi32, #tpu.memory_space<vmem>> -> memref<128xi32, #tpu.memory_space<vmem>>
    %dma_start3A_705 = arith.constant 0 : i32
    %dma_start3A_706 = tpu.memref_slice %arg2[%dma_start3A_705] : memref<6400000xf32, #tpu.memory_space<hbm>> -> memref<6400000xf32, #tpu.memory_space<hbm>>
    tpu.enqueue_indirect_dma source(%dma_start3A_706 : memref<6400000xf32, #tpu.memory_space<hbm>>) target(%dma_start3A_701 : memref<128xf32, #tpu.memory_space<vmem>>) offsets(%dma_start3A_704 : memref<128xi32, #tpu.memory_space<vmem>>) semaphore(%arg9 : memref<!tpu.dma_semaphore, #tpu.memory_space<semaphore_mem>>)
    %dma_start3A_707 = arith.constant 2 : i32
    %dma_start3A_708 = arith.constant 2 : i32
    %dma_start3A_709 = arith.constant 0 : i32
    %dma_start3A_710 = tpu.memref_slice %arg7[%dma_start3A_708, %dma_start3A_709] : memref<8x128xf32, #tpu.memory_space<vmem>> -> memref<1x128xf32, #tpu.memory_space<vmem>>
    %dma_start3A_711 = tpu.memref_squeeze %dma_start3A_710 : memref<1x128xf32, #tpu.memory_space<vmem>> -> memref<128xf32, #tpu.memory_space<vmem>>
    %dma_start3A_712 = arith.constant 0 : i32
    %dma_start3A_713 = tpu.memref_slice %arg6[%dma_start3A_707, %dma_start3A_712] : memref<8x128xi32, #tpu.memory_space<vmem>> -> memref<1x128xi32, #tpu.memory_space<vmem>>
    %dma_start3A_714 = tpu.memref_squeeze %dma_start3A_713 : memref<1x128xi32, #tpu.memory_space<vmem>> -> memref<128xi32, #tpu.memory_space<vmem>>
    %dma_start3A_715 = arith.constant 0 : i32
    %dma_start3A_716 = tpu.memref_slice %arg2[%dma_start3A_715] : memref<6400000xf32, #tpu.memory_space<hbm>> -> memref<6400000xf32, #tpu.memory_space<hbm>>
    tpu.enqueue_indirect_dma source(%dma_start3A_716 : memref<6400000xf32, #tpu.memory_space<hbm>>) target(%dma_start3A_711 : memref<128xf32, #tpu.memory_space<vmem>>) offsets(%dma_start3A_714 : memref<128xi32, #tpu.memory_space<vmem>>) semaphore(%arg9 : memref<!tpu.dma_semaphore, #tpu.memory_space<semaphore_mem>>)
    %dma_start3A_717 = arith.constant 3 : i32
    %dma_start3A_718 = arith.constant 3 : i32
    %dma_start3A_719 = arith.constant 0 : i32
    %dma_start3A_720 = tpu.memref_slice %arg7[%dma_start3A_718, %dma_start3A_719] : memref<8x128xf32, #tpu.memory_space<vmem>> -> memref<1x128xf32, #tpu.memory_space<vmem>>
    %dma_start3A_721 = tpu.memref_squeeze %dma_start3A_720 : memref<1x128xf32, #tpu.memory_space<vmem>> -> memref<128xf32, #tpu.memory_space<vmem>>
    %dma_start3A_722 = arith.constant 0 : i32
    %dma_start3A_723 = tpu.memref_slice %arg6[%dma_start3A_717, %dma_start3A_722] : memref<8x128xi32, #tpu.memory_space<vmem>> -> memref<1x128xi32, #tpu.memory_space<vmem>>
    %dma_start3A_724 = tpu.memref_squeeze %dma_start3A_723 : memref<1x128xi32, #tpu.memory_space<vmem>> -> memref<128xi32, #tpu.memory_space<vmem>>
    %dma_start3A_725 = arith.constant 0 : i32
    %dma_start3A_726 = tpu.memref_slice %arg2[%dma_start3A_725] : memref<6400000xf32, #tpu.memory_space<hbm>> -> memref<6400000xf32, #tpu.memory_space<hbm>>
    tpu.enqueue_indirect_dma source(%dma_start3A_726 : memref<6400000xf32, #tpu.memory_space<hbm>>) target(%dma_start3A_721 : memref<128xf32, #tpu.memory_space<vmem>>) offsets(%dma_start3A_724 : memref<128xi32, #tpu.memory_space<vmem>>) semaphore(%arg9 : memref<!tpu.dma_semaphore, #tpu.memory_space<semaphore_mem>>)
    %dma_start3A_727 = arith.constant 4 : i32
    %dma_start3A_728 = arith.constant 4 : i32
    %dma_start3A_729 = arith.constant 0 : i32
    %dma_start3A_730 = tpu.memref_slice %arg7[%dma_start3A_728, %dma_start3A_729] : memref<8x128xf32, #tpu.memory_space<vmem>> -> memref<1x128xf32, #tpu.memory_space<vmem>>
    %dma_start3A_731 = tpu.memref_squeeze %dma_start3A_730 : memref<1x128xf32, #tpu.memory_space<vmem>> -> memref<128xf32, #tpu.memory_space<vmem>>
    %dma_start3A_732 = arith.constant 0 : i32
    %dma_start3A_733 = tpu.memref_slice %arg6[%dma_start3A_727, %dma_start3A_732] : memref<8x128xi32, #tpu.memory_space<vmem>> -> memref<1x128xi32, #tpu.memory_space<vmem>>
    %dma_start3A_734 = tpu.memref_squeeze %dma_start3A_733 : memref<1x128xi32, #tpu.memory_space<vmem>> -> memref<128xi32, #tpu.memory_space<vmem>>
    %dma_start3A_735 = arith.constant 0 : i32
    %dma_start3A_736 = tpu.memref_slice %arg2[%dma_start3A_735] : memref<6400000xf32, #tpu.memory_space<hbm>> -> memref<6400000xf32, #tpu.memory_space<hbm>>
    tpu.enqueue_indirect_dma source(%dma_start3A_736 : memref<6400000xf32, #tpu.memory_space<hbm>>) target(%dma_start3A_731 : memref<128xf32, #tpu.memory_space<vmem>>) offsets(%dma_start3A_734 : memref<128xi32, #tpu.memory_space<vmem>>) semaphore(%arg9 : memref<!tpu.dma_semaphore, #tpu.memory_space<semaphore_mem>>)
    %dma_start3A_737 = arith.constant 5 : i32
    %dma_start3A_738 = arith.constant 5 : i32
    %dma_start3A_739 = arith.constant 0 : i32
    %dma_start3A_740 = tpu.memref_slice %arg7[%dma_start3A_738, %dma_start3A_739] : memref<8x128xf32, #tpu.memory_space<vmem>> -> memref<1x128xf32, #tpu.memory_space<vmem>>
    %dma_start3A_741 = tpu.memref_squeeze %dma_start3A_740 : memref<1x128xf32, #tpu.memory_space<vmem>> -> memref<128xf32, #tpu.memory_space<vmem>>
    %dma_start3A_742 = arith.constant 0 : i32
    %dma_start3A_743 = tpu.memref_slice %arg6[%dma_start3A_737, %dma_start3A_742] : memref<8x128xi32, #tpu.memory_space<vmem>> -> memref<1x128xi32, #tpu.memory_space<vmem>>
    %dma_start3A_744 = tpu.memref_squeeze %dma_start3A_743 : memref<1x128xi32, #tpu.memory_space<vmem>> -> memref<128xi32, #tpu.memory_space<vmem>>
    %dma_start3A_745 = arith.constant 0 : i32
    %dma_start3A_746 = tpu.memref_slice %arg2[%dma_start3A_745] : memref<6400000xf32, #tpu.memory_space<hbm>> -> memref<6400000xf32, #tpu.memory_space<hbm>>
    tpu.enqueue_indirect_dma source(%dma_start3A_746 : memref<6400000xf32, #tpu.memory_space<hbm>>) target(%dma_start3A_741 : memref<128xf32, #tpu.memory_space<vmem>>) offsets(%dma_start3A_744 : memref<128xi32, #tpu.memory_space<vmem>>) semaphore(%arg9 : memref<!tpu.dma_semaphore, #tpu.memory_space<semaphore_mem>>)
    %dma_start3A_747 = arith.constant 6 : i32
    %dma_start3A_748 = arith.constant 6 : i32
    %dma_start3A_749 = arith.constant 0 : i32
    %dma_start3A_750 = tpu.memref_slice %arg7[%dma_start3A_748, %dma_start3A_749] : memref<8x128xf32, #tpu.memory_space<vmem>> -> memref<1x128xf32, #tpu.memory_space<vmem>>
    %dma_start3A_751 = tpu.memref_squeeze %dma_start3A_750 : memref<1x128xf32, #tpu.memory_space<vmem>> -> memref<128xf32, #tpu.memory_space<vmem>>
    %dma_start3A_752 = arith.constant 0 : i32
    %dma_start3A_753 = tpu.memref_slice %arg6[%dma_start3A_747, %dma_start3A_752] : memref<8x128xi32, #tpu.memory_space<vmem>> -> memref<1x128xi32, #tpu.memory_space<vmem>>
    %dma_start3A_754 = tpu.memref_squeeze %dma_start3A_753 : memref<1x128xi32, #tpu.memory_space<vmem>> -> memref<128xi32, #tpu.memory_space<vmem>>
    %dma_start3A_755 = arith.constant 0 : i32
    %dma_start3A_756 = tpu.memref_slice %arg2[%dma_start3A_755] : memref<6400000xf32, #tpu.memory_space<hbm>> -> memref<6400000xf32, #tpu.memory_space<hbm>>
    tpu.enqueue_indirect_dma source(%dma_start3A_756 : memref<6400000xf32, #tpu.memory_space<hbm>>) target(%dma_start3A_751 : memref<128xf32, #tpu.memory_space<vmem>>) offsets(%dma_start3A_754 : memref<128xi32, #tpu.memory_space<vmem>>) semaphore(%arg9 : memref<!tpu.dma_semaphore, #tpu.memory_space<semaphore_mem>>)
    %dma_start3A_757 = arith.constant 7 : i32
    %dma_start3A_758 = arith.constant 7 : i32
    %dma_start3A_759 = arith.constant 0 : i32
    %dma_start3A_760 = tpu.memref_slice %arg7[%dma_start3A_758, %dma_start3A_759] : memref<8x128xf32, #tpu.memory_space<vmem>> -> memref<1x128xf32, #tpu.memory_space<vmem>>
    %dma_start3A_761 = tpu.memref_squeeze %dma_start3A_760 : memref<1x128xf32, #tpu.memory_space<vmem>> -> memref<128xf32, #tpu.memory_space<vmem>>
    %dma_start3A_762 = arith.constant 0 : i32
    %dma_start3A_763 = tpu.memref_slice %arg6[%dma_start3A_757, %dma_start3A_762] : memref<8x128xi32, #tpu.memory_space<vmem>> -> memref<1x128xi32, #tpu.memory_space<vmem>>
    %dma_start3A_764 = tpu.memref_squeeze %dma_start3A_763 : memref<1x128xi32, #tpu.memory_space<vmem>> -> memref<128xi32, #tpu.memory_space<vmem>>
    %dma_start3A_765 = arith.constant 0 : i32
    %dma_start3A_766 = tpu.memref_slice %arg2[%dma_start3A_765] : memref<6400000xf32, #tpu.memory_space<hbm>> -> memref<6400000xf32, #tpu.memory_space<hbm>>
    tpu.enqueue_indirect_dma source(%dma_start3A_766 : memref<6400000xf32, #tpu.memory_space<hbm>>) target(%dma_start3A_761 : memref<128xf32, #tpu.memory_space<vmem>>) offsets(%dma_start3A_764 : memref<128xi32, #tpu.memory_space<vmem>>) semaphore(%arg9 : memref<!tpu.dma_semaphore, #tpu.memory_space<semaphore_mem>>)
    %broadcast_in_dim3A = arith.constant 0.000000e+00 : f32
    %broadcast_in_dim3A_767 = vector.broadcast %broadcast_in_dim3A : f32 to vector<16xf32>
    %scan3A = arith.constant 0 : i32
    %scan3A_768 = arith.constant 0 : i32
    %scan3A_769 = arith.constant 391 : i32
    %scan3A_770 = arith.addi %scan3A_768, %scan3A_769 : i32
    %scan3A_771 = arith.constant 1 : i32
    scf.for %scan3A_4023 = %scan3A_768 to %scan3A_770 step %scan3A_771  : i32 {
      %mul3A_4024 = arith.constant 2 : i32
      %mul3A_4025 = arith.muli %scan3A_4023, %mul3A_4024 : i32
      %add3A_4026 = arith.constant 0 : i32
      %add3A_4027 = arith.addi %mul3A_4025, %add3A_4026 : i32
      %swap3A_4028 = arith.index_cast %add3A_4027 : i32 to index
      %swap3A_4029 = arith.constant 0 : index
      %swap3A_4030 = tpu.vector_load %arg8[%swap3A_4028, %swap3A_4029] {strides = array<i32>} : memref<782x128xf32, #tpu.memory_space<vmem>>, vector<16xf32>,
      tpu.vector_store %arg8[%swap3A_4028, %swap3A_4029], %broadcast_in_dim3A_767 {strides = array<i32>} : memref<782x128xf32, #tpu.memory_space<vmem>>, vector<16xf32>,
      %swap3A_4031 = arith.index_cast %add3A_4027 : i32 to index
      %swap3A_4032 = arith.constant 16 : index
      %swap3A_4033 = tpu.vector_load %arg8[%swap3A_4031, %swap3A_4032] {strides = array<i32>} : memref<782x128xf32, #tpu.memory_space<vmem>>, vector<16xf32>,
      tpu.vector_store %arg8[%swap3A_4031, %swap3A_4032], %broadcast_in_dim3A_767 {strides = array<i32>} : memref<782x128xf32, #tpu.memory_space<vmem>>, vector<16xf32>,
      %swap3A_4034 = arith.index_cast %add3A_4027 : i32 to index
      %swap3A_4035 = arith.constant 32 : index
      %swap3A_4036 = tpu.vector_load %arg8[%swap3A_4034, %swap3A_4035] {strides = array<i32>} : memref<782x128xf32, #tpu.memory_space<vmem>>, vector<16xf32>,
      tpu.vector_store %arg8[%swap3A_4034, %swap3A_4035], %broadcast_in_dim3A_767 {strides = array<i32>} : memref<782x128xf32, #tpu.memory_space<vmem>>, vector<16xf32>,
      %swap3A_4037 = arith.index_cast %add3A_4027 : i32 to index
      %swap3A_4038 = arith.constant 48 : index
      %swap3A_4039 = tpu.vector_load %arg8[%swap3A_4037, %swap3A_4038] {strides = array<i32>} : memref<782x128xf32, #tpu.memory_space<vmem>>, vector<16xf32>,
      tpu.vector_store %arg8[%swap3A_4037, %swap3A_4038], %broadcast_in_dim3A_767 {strides = array<i32>} : memref<782x128xf32, #tpu.memory_space<vmem>>, vector<16xf32>,
      %swap3A_4040 = arith.index_cast %add3A_4027 : i32 to index
      %swap3A_4041 = arith.constant 64 : index
      %swap3A_4042 = tpu.vector_load %arg8[%swap3A_4040, %swap3A_4041] {strides = array<i32>} : memref<782x128xf32, #tpu.memory_space<vmem>>, vector<16xf32>,
      tpu.vector_store %arg8[%swap3A_4040, %swap3A_4041], %broadcast_in_dim3A_767 {strides = array<i32>} : memref<782x128xf32, #tpu.memory_space<vmem>>, vector<16xf32>,
      %swap3A_4043 = arith.index_cast %add3A_4027 : i32 to index
      %swap3A_4044 = arith.constant 80 : index
      %swap3A_4045 = tpu.vector_load %arg8[%swap3A_4043, %swap3A_4044] {strides = array<i32>} : memref<782x128xf32, #tpu.memory_space<vmem>>, vector<16xf32>,
      tpu.vector_store %arg8[%swap3A_4043, %swap3A_4044], %broadcast_in_dim3A_767 {strides = array<i32>} : memref<782x128xf32, #tpu.memory_space<vmem>>, vector<16xf32>,
      %swap3A_4046 = arith.index_cast %add3A_4027 : i32 to index
      %swap3A_4047 = arith.constant 96 : index
      %swap3A_4048 = tpu.vector_load %arg8[%swap3A_4046, %swap3A_4047] {strides = array<i32>} : memref<782x128xf32, #tpu.memory_space<vmem>>, vector<16xf32>,
      tpu.vector_store %arg8[%swap3A_4046, %swap3A_4047], %broadcast_in_dim3A_767 {strides = array<i32>} : memref<782x128xf32, #tpu.memory_space<vmem>>, vector<16xf32>,
      %swap3A_4049 = arith.index_cast %add3A_4027 : i32 to index
      %swap3A_4050 = arith.constant 112 : index
      %swap3A_4051 = tpu.vector_load %arg8[%swap3A_4049, %swap3A_4050] {strides = array<i32>} : memref<782x128xf32, #tpu.memory_space<vmem>>, vector<16xf32>,
      tpu.vector_store %arg8[%swap3A_4049, %swap3A_4050], %broadcast_in_dim3A_767 {strides = array<i32>} : memref<782x128xf32, #tpu.memory_space<vmem>>, vector<16xf32>,
      %mul3A_4052 = arith.constant 2 : i32
      %mul3A_4053 = arith.muli %scan3A_4023, %mul3A_4052 : i32
      %add3A_4054 = arith.constant 1 : i32
      %add3A_4055 = arith.addi %mul3A_4053, %add3A_4054 : i32
      %swap3A_4056 = arith.index_cast %add3A_4055 : i32 to index
      %swap3A_4057 = arith.constant 0 : index
      %swap3A_4058 = tpu.vector_load %arg8[%swap3A_4056, %swap3A_4057] {strides = array<i32>} : memref<782x128xf32, #tpu.memory_space<vmem>>, vector<16xf32>,
      tpu.vector_store %arg8[%swap3A_4056, %swap3A_4057], %broadcast_in_dim3A_767 {strides = array<i32>} : memref<782x128xf32, #tpu.memory_space<vmem>>, vector<16xf32>,
      %swap3A_4059 = arith.index_cast %add3A_4055 : i32 to index
      %swap3A_4060 = arith.constant 16 : index
      %swap3A_4061 = tpu.vector_load %arg8[%swap3A_4059, %swap3A_4060] {strides = array<i32>} : memref<782x128xf32, #tpu.memory_space<vmem>>, vector<16xf32>,
      tpu.vector_store %arg8[%swap3A_4059, %swap3A_4060], %broadcast_in_dim3A_767 {strides = array<i32>} : memref<782x128xf32, #tpu.memory_space<vmem>>, vector<16xf32>,
      %swap3A_4062 = arith.index_cast %add3A_4055 : i32 to index
      %swap3A_4063 = arith.constant 32 : index
      %swap3A_4064 = tpu.vector_load %arg8[%swap3A_4062, %swap3A_4063] {strides = array<i32>} : memref<782x128xf32, #tpu.memory_space<vmem>>, vector<16xf32>,
      tpu.vector_store %arg8[%swap3A_4062, %swap3A_4063], %broadcast_in_dim3A_767 {strides = array<i32>} : memref<782x128xf32, #tpu.memory_space<vmem>>, vector<16xf32>,
      %swap3A_4065 = arith.index_cast %add3A_4055 : i32 to index
      %swap3A_4066 = arith.constant 48 : index
      %swap3A_4067 = tpu.vector_load %arg8[%swap3A_4065, %swap3A_4066] {strides = array<i32>} : memref<782x128xf32, #tpu.memory_space<vmem>>, vector<16xf32>,
      tpu.vector_store %arg8[%swap3A_4065, %swap3A_4066], %broadcast_in_dim3A_767 {strides = array<i32>} : memref<782x128xf32, #tpu.memory_space<vmem>>, vector<16xf32>,
      %swap3A_4068 = arith.index_cast %add3A_4055 : i32 to index
      %swap3A_4069 = arith.constant 64 : index
      %swap3A_4070 = tpu.vector_load %arg8[%swap3A_4068, %swap3A_4069] {strides = array<i32>} : memref<782x128xf32, #tpu.memory_space<vmem>>, vector<16xf32>,
      tpu.vector_store %arg8[%swap3A_4068, %swap3A_4069], %broadcast_in_dim3A_767 {strides = array<i32>} : memref<782x128xf32, #tpu.memory_space<vmem>>, vector<16xf32>,
      %swap3A_4071 = arith.index_cast %add3A_4055 : i32 to index
      %swap3A_4072 = arith.constant 80 : index
      %swap3A_4073 = tpu.vector_load %arg8[%swap3A_4071, %swap3A_4072] {strides = array<i32>} : memref<782x128xf32, #tpu.memory_space<vmem>>, vector<16xf32>,
      tpu.vector_store %arg8[%swap3A_4071, %swap3A_4072], %broadcast_in_dim3A_767 {strides = array<i32>} : memref<782x128xf32, #tpu.memory_space<vmem>>, vector<16xf32>,
      %swap3A_4074 = arith.index_cast %add3A_4055 : i32 to index
      %swap3A_4075 = arith.constant 96 : index
      %swap3A_4076 = tpu.vector_load %arg8[%swap3A_4074, %swap3A_4075] {strides = array<i32>} : memref<782x128xf32, #tpu.memory_space<vmem>>, vector<16xf32>,
      tpu.vector_store %arg8[%swap3A_4074, %swap3A_4075], %broadcast_in_dim3A_767 {strides = array<i32>} : memref<782x128xf32, #tpu.memory_space<vmem>>, vector<16xf32>,
      %swap3A_4077 = arith.index_cast %add3A_4055 : i32 to index
      %swap3A_4078 = arith.constant 112 : index
      %swap3A_4079 = tpu.vector_load %arg8[%swap3A_4077, %swap3A_4078] {strides = array<i32>} : memref<782x128xf32, #tpu.memory_space<vmem>>, vector<16xf32>,
      tpu.vector_store %arg8[%swap3A_4077, %swap3A_4078], %broadcast_in_dim3A_767 {strides = array<i32>} : memref<782x128xf32, #tpu.memory_space<vmem>>, vector<16xf32>,
    }
    %scan3A_772 = arith.constant 391 : i32
    %dma_wait3A_773 = arith.constant 0 : i32
    %dma_wait3A_774 = arith.constant 0 : i32
    %dma_wait3A_775 = arith.constant 0 : i32
    %dma_wait3A_776 = tpu.memref_slice %arg7[%dma_wait3A_774, %dma_wait3A_775] : memref<8x128xf32, #tpu.memory_space<vmem>> -> memref<1x128xf32, #tpu.memory_space<vmem>>
    %dma_wait3A_777 = tpu.memref_squeeze %dma_wait3A_776 : memref<1x128xf32, #tpu.memory_space<vmem>> -> memref<128xf32, #tpu.memory_space<vmem>>
    %dma_wait3A_778 = arith.constant 0 : i32
    %dma_wait3A_779 = tpu.memref_slice %arg6[%dma_wait3A_773, %dma_wait3A_778] : memref<8x128xi32, #tpu.memory_space<vmem>> -> memref<1x128xi32, #tpu.memory_space<vmem>>
    %dma_wait3A_780 = tpu.memref_squeeze %dma_wait3A_779 : memref<1x128xi32, #tpu.memory_space<vmem>> -> memref<128xi32, #tpu.memory_space<vmem>>
    %dma_wait3A_781 = arith.constant 0 : i32
    %dma_wait3A_782 = tpu.memref_slice %arg2[%dma_wait3A_781] : memref<6400000xf32, #tpu.memory_space<hbm>> -> memref<6400000xf32, #tpu.memory_space<hbm>>
    tpu.wait_indirect_dma semaphore(%arg9 : memref<!tpu.dma_semaphore, #tpu.memory_space<semaphore_mem>>) src(%dma_wait3A_782 : memref<6400000xf32, #tpu.memory_space<hbm>>) dst(%dma_wait3A_777 : memref<128xf32, #tpu.memory_space<vmem>>)
    %dma_wait3A_783 = arith.constant 1 : i32
    %dma_wait3A_784 = arith.constant 1 : i32
    %dma_wait3A_785 = arith.constant 0 : i32
    %dma_wait3A_786 = tpu.memref_slice %arg7[%dma_wait3A_784, %dma_wait3A_785] : memref<8x128xf32, #tpu.memory_space<vmem>> -> memref<1x128xf32, #tpu.memory_space<vmem>>
    %dma_wait3A_787 = tpu.memref_squeeze %dma_wait3A_786 : memref<1x128xf32, #tpu.memory_space<vmem>> -> memref<128xf32, #tpu.memory_space<vmem>>
    %dma_wait3A_788 = arith.constant 0 : i32
    %dma_wait3A_789 = tpu.memref_slice %arg6[%dma_wait3A_783, %dma_wait3A_788] : memref<8x128xi32, #tpu.memory_space<vmem>> -> memref<1x128xi32, #tpu.memory_space<vmem>>
    %dma_wait3A_790 = tpu.memref_squeeze %dma_wait3A_789 : memref<1x128xi32, #tpu.memory_space<vmem>> -> memref<128xi32, #tpu.memory_space<vmem>>
    %dma_wait3A_791 = arith.constant 0 : i32
    %dma_wait3A_792 = tpu.memref_slice %arg2[%dma_wait3A_791] : memref<6400000xf32, #tpu.memory_space<hbm>> -> memref<6400000xf32, #tpu.memory_space<hbm>>
    tpu.wait_indirect_dma semaphore(%arg9 : memref<!tpu.dma_semaphore, #tpu.memory_space<semaphore_mem>>) src(%dma_wait3A_792 : memref<6400000xf32, #tpu.memory_space<hbm>>) dst(%dma_wait3A_787 : memref<128xf32, #tpu.memory_space<vmem>>)
    %dma_wait3A_793 = arith.constant 2 : i32
    %dma_wait3A_794 = arith.constant 2 : i32
    %dma_wait3A_795 = arith.constant 0 : i32
    %dma_wait3A_796 = tpu.memref_slice %arg7[%dma_wait3A_794, %dma_wait3A_795] : memref<8x128xf32, #tpu.memory_space<vmem>> -> memref<1x128xf32, #tpu.memory_space<vmem>>
    %dma_wait3A_797 = tpu.memref_squeeze %dma_wait3A_796 : memref<1x128xf32, #tpu.memory_space<vmem>> -> memref<128xf32, #tpu.memory_space<vmem>>
    %dma_wait3A_798 = arith.constant 0 : i32
    %dma_wait3A_799 = tpu.memref_slice %arg6[%dma_wait3A_793, %dma_wait3A_798] : memref<8x128xi32, #tpu.memory_space<vmem>> -> memref<1x128xi32, #tpu.memory_space<vmem>>
    %dma_wait3A_800 = tpu.memref_squeeze %dma_wait3A_799 : memref<1x128xi32, #tpu.memory_space<vmem>> -> memref<128xi32, #tpu.memory_space<vmem>>
    %dma_wait3A_801 = arith.constant 0 : i32
    %dma_wait3A_802 = tpu.memref_slice %arg2[%dma_wait3A_801] : memref<6400000xf32, #tpu.memory_space<hbm>> -> memref<6400000xf32, #tpu.memory_space<hbm>>
    tpu.wait_indirect_dma semaphore(%arg9 : memref<!tpu.dma_semaphore, #tpu.memory_space<semaphore_mem>>) src(%dma_wait3A_802 : memref<6400000xf32, #tpu.memory_space<hbm>>) dst(%dma_wait3A_797 : memref<128xf32, #tpu.memory_space<vmem>>)
    %dma_wait3A_803 = arith.constant 3 : i32
    %dma_wait3A_804 = arith.constant 3 : i32
    %dma_wait3A_805 = arith.constant 0 : i32
    %dma_wait3A_806 = tpu.memref_slice %arg7[%dma_wait3A_804, %dma_wait3A_805] : memref<8x128xf32, #tpu.memory_space<vmem>> -> memref<1x128xf32, #tpu.memory_space<vmem>>
    %dma_wait3A_807 = tpu.memref_squeeze %dma_wait3A_806 : memref<1x128xf32, #tpu.memory_space<vmem>> -> memref<128xf32, #tpu.memory_space<vmem>>
    %dma_wait3A_808 = arith.constant 0 : i32
    %dma_wait3A_809 = tpu.memref_slice %arg6[%dma_wait3A_803, %dma_wait3A_808] : memref<8x128xi32, #tpu.memory_space<vmem>> -> memref<1x128xi32, #tpu.memory_space<vmem>>
    %dma_wait3A_810 = tpu.memref_squeeze %dma_wait3A_809 : memref<1x128xi32, #tpu.memory_space<vmem>> -> memref<128xi32, #tpu.memory_space<vmem>>
    %dma_wait3A_811 = arith.constant 0 : i32
    %dma_wait3A_812 = tpu.memref_slice %arg2[%dma_wait3A_811] : memref<6400000xf32, #tpu.memory_space<hbm>> -> memref<6400000xf32, #tpu.memory_space<hbm>>
    tpu.wait_indirect_dma semaphore(%arg9 : memref<!tpu.dma_semaphore, #tpu.memory_space<semaphore_mem>>) src(%dma_wait3A_812 : memref<6400000xf32, #tpu.memory_space<hbm>>) dst(%dma_wait3A_807 : memref<128xf32, #tpu.memory_space<vmem>>)
    %dma_wait3A_813 = arith.constant 4 : i32
    %dma_wait3A_814 = arith.constant 4 : i32
    %dma_wait3A_815 = arith.constant 0 : i32
    %dma_wait3A_816 = tpu.memref_slice %arg7[%dma_wait3A_814, %dma_wait3A_815] : memref<8x128xf32, #tpu.memory_space<vmem>> -> memref<1x128xf32, #tpu.memory_space<vmem>>
    %dma_wait3A_817 = tpu.memref_squeeze %dma_wait3A_816 : memref<1x128xf32, #tpu.memory_space<vmem>> -> memref<128xf32, #tpu.memory_space<vmem>>
    %dma_wait3A_818 = arith.constant 0 : i32
    %dma_wait3A_819 = tpu.memref_slice %arg6[%dma_wait3A_813, %dma_wait3A_818] : memref<8x128xi32, #tpu.memory_space<vmem>> -> memref<1x128xi32, #tpu.memory_space<vmem>>
    %dma_wait3A_820 = tpu.memref_squeeze %dma_wait3A_819 : memref<1x128xi32, #tpu.memory_space<vmem>> -> memref<128xi32, #tpu.memory_space<vmem>>
    %dma_wait3A_821 = arith.constant 0 : i32
    %dma_wait3A_822 = tpu.memref_slice %arg2[%dma_wait3A_821] : memref<6400000xf32, #tpu.memory_space<hbm>> -> memref<6400000xf32, #tpu.memory_space<hbm>>
    tpu.wait_indirect_dma semaphore(%arg9 : memref<!tpu.dma_semaphore, #tpu.memory_space<semaphore_mem>>) src(%dma_wait3A_822 : memref<6400000xf32, #tpu.memory_space<hbm>>) dst(%dma_wait3A_817 : memref<128xf32, #tpu.memory_space<vmem>>)
    %dma_wait3A_823 = arith.constant 5 : i32
    %dma_wait3A_824 = arith.constant 5 : i32
    %dma_wait3A_825 = arith.constant 0 : i32
    %dma_wait3A_826 = tpu.memref_slice %arg7[%dma_wait3A_824, %dma_wait3A_825] : memref<8x128xf32, #tpu.memory_space<vmem>> -> memref<1x128xf32, #tpu.memory_space<vmem>>
    %dma_wait3A_827 = tpu.memref_squeeze %dma_wait3A_826 : memref<1x128xf32, #tpu.memory_space<vmem>> -> memref<128xf32, #tpu.memory_space<vmem>>
    %dma_wait3A_828 = arith.constant 0 : i32
    %dma_wait3A_829 = tpu.memref_slice %arg6[%dma_wait3A_823, %dma_wait3A_828] : memref<8x128xi32, #tpu.memory_space<vmem>> -> memref<1x128xi32, #tpu.memory_space<vmem>>
    %dma_wait3A_830 = tpu.memref_squeeze %dma_wait3A_829 : memref<1x128xi32, #tpu.memory_space<vmem>> -> memref<128xi32, #tpu.memory_space<vmem>>
    %dma_wait3A_831 = arith.constant 0 : i32
    %dma_wait3A_832 = tpu.memref_slice %arg2[%dma_wait3A_831] : memref<6400000xf32, #tpu.memory_space<hbm>> -> memref<6400000xf32, #tpu.memory_space<hbm>>
    tpu.wait_indirect_dma semaphore(%arg9 : memref<!tpu.dma_semaphore, #tpu.memory_space<semaphore_mem>>) src(%dma_wait3A_832 : memref<6400000xf32, #tpu.memory_space<hbm>>) dst(%dma_wait3A_827 : memref<128xf32, #tpu.memory_space<vmem>>)
    %dma_wait3A_833 = arith.constant 6 : i32
    %dma_wait3A_834 = arith.constant 6 : i32
    %dma_wait3A_835 = arith.constant 0 : i32
    %dma_wait3A_836 = tpu.memref_slice %arg7[%dma_wait3A_834, %dma_wait3A_835] : memref<8x128xf32, #tpu.memory_space<vmem>> -> memref<1x128xf32, #tpu.memory_space<vmem>>
    %dma_wait3A_837 = tpu.memref_squeeze %dma_wait3A_836 : memref<1x128xf32, #tpu.memory_space<vmem>> -> memref<128xf32, #tpu.memory_space<vmem>>
    %dma_wait3A_838 = arith.constant 0 : i32
    %dma_wait3A_839 = tpu.memref_slice %arg6[%dma_wait3A_833, %dma_wait3A_838] : memref<8x128xi32, #tpu.memory_space<vmem>> -> memref<1x128xi32, #tpu.memory_space<vmem>>
    %dma_wait3A_840 = tpu.memref_squeeze %dma_wait3A_839 : memref<1x128xi32, #tpu.memory_space<vmem>> -> memref<128xi32, #tpu.memory_space<vmem>>
    %dma_wait3A_841 = arith.constant 0 : i32
    %dma_wait3A_842 = tpu.memref_slice %arg2[%dma_wait3A_841] : memref<6400000xf32, #tpu.memory_space<hbm>> -> memref<6400000xf32, #tpu.memory_space<hbm>>
    tpu.wait_indirect_dma semaphore(%arg9 : memref<!tpu.dma_semaphore, #tpu.memory_space<semaphore_mem>>) src(%dma_wait3A_842 : memref<6400000xf32, #tpu.memory_space<hbm>>) dst(%dma_wait3A_837 : memref<128xf32, #tpu.memory_space<vmem>>)
    %dma_wait3A_843 = arith.constant 7 : i32
    %dma_wait3A_844 = arith.constant 7 : i32
    %dma_wait3A_845 = arith.constant 0 : i32
    %dma_wait3A_846 = tpu.memref_slice %arg7[%dma_wait3A_844, %dma_wait3A_845] : memref<8x128xf32, #tpu.memory_space<vmem>> -> memref<1x128xf32, #tpu.memory_space<vmem>>
    %dma_wait3A_847 = tpu.memref_squeeze %dma_wait3A_846 : memref<1x128xf32, #tpu.memory_space<vmem>> -> memref<128xf32, #tpu.memory_space<vmem>>
    %dma_wait3A_848 = arith.constant 0 : i32
    %dma_wait3A_849 = tpu.memref_slice %arg6[%dma_wait3A_843, %dma_wait3A_848] : memref<8x128xi32, #tpu.memory_space<vmem>> -> memref<1x128xi32, #tpu.memory_space<vmem>>
    %dma_wait3A_850 = tpu.memref_squeeze %dma_wait3A_849 : memref<1x128xi32, #tpu.memory_space<vmem>> -> memref<128xi32, #tpu.memory_space<vmem>>
    %dma_wait3A_851 = arith.constant 0 : i32
    %dma_wait3A_852 = tpu.memref_slice %arg2[%dma_wait3A_851] : memref<6400000xf32, #tpu.memory_space<hbm>> -> memref<6400000xf32, #tpu.memory_space<hbm>>
    tpu.wait_indirect_dma semaphore(%arg9 : memref<!tpu.dma_semaphore, #tpu.memory_space<semaphore_mem>>) src(%dma_wait3A_852 : memref<6400000xf32, #tpu.memory_space<hbm>>) dst(%dma_wait3A_847 : memref<128xf32, #tpu.memory_space<vmem>>)
    %get3A_853 = arith.constant 0 : i32
    %get3A_854 = arith.index_cast %get3A_853 : i32 to index
    %get3A_855 = arith.constant 0 : index
    %get3A_856 = tpu.vector_load %arg7[%get3A_854, %get3A_855] {strides = array<i32>} : memref<8x128xf32, #tpu.memory_space<vmem>>, vector<16xf32>,
    %get3A_857 = arith.constant 0 : i32
    %get3A_858 = arith.index_cast %get3A_857 : i32 to index
    %get3A_859 = arith.constant 16 : index
    %get3A_860 = tpu.vector_load %arg7[%get3A_858, %get3A_859] {strides = array<i32>} : memref<8x128xf32, #tpu.memory_space<vmem>>, vector<16xf32>,
    %max3A = arith.maximumf %get3A_856, %get3A_860 : vector<16xf32>
    %get3A_861 = arith.constant 0 : i32
    %get3A_862 = arith.index_cast %get3A_861 : i32 to index
    %get3A_863 = arith.constant 32 : index
    %get3A_864 = tpu.vector_load %arg7[%get3A_862, %get3A_863] {strides = array<i32>} : memref<8x128xf32, #tpu.memory_space<vmem>>, vector<16xf32>,
    %max3A_865 = arith.maximumf %max3A, %get3A_864 : vector<16xf32>
    %get3A_866 = arith.constant 0 : i32
    %get3A_867 = arith.index_cast %get3A_866 : i32 to index
    %get3A_868 = arith.constant 48 : index
    %get3A_869 = tpu.vector_load %arg7[%get3A_867, %get3A_868] {strides = array<i32>} : memref<8x128xf32, #tpu.memory_space<vmem>>, vector<16xf32>,
    %max3A_870 = arith.maximumf %max3A_865, %get3A_869 : vector<16xf32>
    %get3A_871 = arith.constant 0 : i32
    %get3A_872 = arith.index_cast %get3A_871 : i32 to index
    %get3A_873 = arith.constant 64 : index
    %get3A_874 = tpu.vector_load %arg7[%get3A_872, %get3A_873] {strides = array<i32>} : memref<8x128xf32, #tpu.memory_space<vmem>>, vector<16xf32>,
    %max3A_875 = arith.maximumf %max3A_870, %get3A_874 : vector<16xf32>
    %get3A_876 = arith.constant 0 : i32
    %get3A_877 = arith.index_cast %get3A_876 : i32 to index
    %get3A_878 = arith.constant 80 : index
    %get3A_879 = tpu.vector_load %arg7[%get3A_877, %get3A_878] {strides = array<i32>} : memref<8x128xf32, #tpu.memory_space<vmem>>, vector<16xf32>,
    %max3A_880 = arith.maximumf %max3A_875, %get3A_879 : vector<16xf32>
    %get3A_881 = arith.constant 0 : i32
    %get3A_882 = arith.index_cast %get3A_881 : i32 to index
    %get3A_883 = arith.constant 96 : index
    %get3A_884 = tpu.vector_load %arg7[%get3A_882, %get3A_883] {strides = array<i32>} : memref<8x128xf32, #tpu.memory_space<vmem>>, vector<16xf32>,
    %max3A_885 = arith.maximumf %max3A_880, %get3A_884 : vector<16xf32>
    %get3A_886 = arith.constant 0 : i32
    %get3A_887 = arith.index_cast %get3A_886 : i32 to index
    %get3A_888 = arith.constant 112 : index
    %get3A_889 = tpu.vector_load %arg7[%get3A_887, %get3A_888] {strides = array<i32>} : memref<8x128xf32, #tpu.memory_space<vmem>>, vector<16xf32>,
    %max3A_890 = arith.maximumf %max3A_885, %get3A_889 : vector<16xf32>
    %get3A_891 = arith.constant 1 : i32
    %get3A_892 = arith.index_cast %get3A_891 : i32 to index
    %get3A_893 = arith.constant 0 : index
    %get3A_894 = tpu.vector_load %arg7[%get3A_892, %get3A_893] {strides = array<i32>} : memref<8x128xf32, #tpu.memory_space<vmem>>, vector<16xf32>,
    %max3A_895 = arith.maximumf %max3A_890, %get3A_894 : vector<16xf32>
    %get3A_896 = arith.constant 1 : i32
    %get3A_897 = arith.index_cast %get3A_896 : i32 to index
    %get3A_898 = arith.constant 16 : index
    %get3A_899 = tpu.vector_load %arg7[%get3A_897, %get3A_898] {strides = array<i32>} : memref<8x128xf32, #tpu.memory_space<vmem>>, vector<16xf32>,
    %max3A_900 = arith.maximumf %max3A_895, %get3A_899 : vector<16xf32>
    %get3A_901 = arith.constant 1 : i32
    %get3A_902 = arith.index_cast %get3A_901 : i32 to index
    %get3A_903 = arith.constant 32 : index
    %get3A_904 = tpu.vector_load %arg7[%get3A_902, %get3A_903] {strides = array<i32>} : memref<8x128xf32, #tpu.memory_space<vmem>>, vector<16xf32>,
    %max3A_905 = arith.maximumf %max3A_900, %get3A_904 : vector<16xf32>
    %get3A_906 = arith.constant 1 : i32
    %get3A_907 = arith.index_cast %get3A_906 : i32 to index
    %get3A_908 = arith.constant 48 : index
    %get3A_909 = tpu.vector_load %arg7[%get3A_907, %get3A_908] {strides = array<i32>} : memref<8x128xf32, #tpu.memory_space<vmem>>, vector<16xf32>,
    %max3A_910 = arith.maximumf %max3A_905, %get3A_909 : vector<16xf32>
    %get3A_911 = arith.constant 1 : i32
    %get3A_912 = arith.index_cast %get3A_911 : i32 to index
    %get3A_913 = arith.constant 64 : index
    %get3A_914 = tpu.vector_load %arg7[%get3A_912, %get3A_913] {strides = array<i32>} : memref<8x128xf32, #tpu.memory_space<vmem>>, vector<16xf32>,
    %max3A_915 = arith.maximumf %max3A_910, %get3A_914 : vector<16xf32>
    %get3A_916 = arith.constant 1 : i32
    %get3A_917 = arith.index_cast %get3A_916 : i32 to index
    %get3A_918 = arith.constant 80 : index
    %get3A_919 = tpu.vector_load %arg7[%get3A_917, %get3A_918] {strides = array<i32>} : memref<8x128xf32, #tpu.memory_space<vmem>>, vector<16xf32>,
    %max3A_920 = arith.maximumf %max3A_915, %get3A_919 : vector<16xf32>
    %get3A_921 = arith.constant 1 : i32
    %get3A_922 = arith.index_cast %get3A_921 : i32 to index
    %get3A_923 = arith.constant 96 : index
    %get3A_924 = tpu.vector_load %arg7[%get3A_922, %get3A_923] {strides = array<i32>} : memref<8x128xf32, #tpu.memory_space<vmem>>, vector<16xf32>,
    %max3A_925 = arith.maximumf %max3A_920, %get3A_924 : vector<16xf32>
    %get3A_926 = arith.constant 1 : i32
    %get3A_927 = arith.index_cast %get3A_926 : i32 to index
    %get3A_928 = arith.constant 112 : index
    %get3A_929 = tpu.vector_load %arg7[%get3A_927, %get3A_928] {strides = array<i32>} : memref<8x128xf32, #tpu.memory_space<vmem>>, vector<16xf32>,
    %max3A_930 = arith.maximumf %max3A_925, %get3A_929 : vector<16xf32>
    %get3A_931 = arith.constant 2 : i32
    %get3A_932 = arith.index_cast %get3A_931 : i32 to index
    %get3A_933 = arith.constant 0 : index
    %get3A_934 = tpu.vector_load %arg7[%get3A_932, %get3A_933] {strides = array<i32>} : memref<8x128xf32, #tpu.memory_space<vmem>>, vector<16xf32>,
    %max3A_935 = arith.maximumf %max3A_930, %get3A_934 : vector<16xf32>
    %get3A_936 = arith.constant 2 : i32
    %get3A_937 = arith.index_cast %get3A_936 : i32 to index
    %get3A_938 = arith.constant 16 : index
    %get3A_939 = tpu.vector_load %arg7[%get3A_937, %get3A_938] {strides = array<i32>} : memref<8x128xf32, #tpu.memory_space<vmem>>, vector<16xf32>,
    %max3A_940 = arith.maximumf %max3A_935, %get3A_939 : vector<16xf32>
    %get3A_941 = arith.constant 2 : i32
    %get3A_942 = arith.index_cast %get3A_941 : i32 to index
    %get3A_943 = arith.constant 32 : index
    %get3A_944 = tpu.vector_load %arg7[%get3A_942, %get3A_943] {strides = array<i32>} : memref<8x128xf32, #tpu.memory_space<vmem>>, vector<16xf32>,
    %max3A_945 = arith.maximumf %max3A_940, %get3A_944 : vector<16xf32>
    %get3A_946 = arith.constant 2 : i32
    %get3A_947 = arith.index_cast %get3A_946 : i32 to index
    %get3A_948 = arith.constant 48 : index
    %get3A_949 = tpu.vector_load %arg7[%get3A_947, %get3A_948] {strides = array<i32>} : memref<8x128xf32, #tpu.memory_space<vmem>>, vector<16xf32>,
    %max3A_950 = arith.maximumf %max3A_945, %get3A_949 : vector<16xf32>
    %get3A_951 = arith.constant 2 : i32
    %get3A_952 = arith.index_cast %get3A_951 : i32 to index
    %get3A_953 = arith.constant 64 : index
    %get3A_954 = tpu.vector_load %arg7[%get3A_952, %get3A_953] {strides = array<i32>} : memref<8x128xf32, #tpu.memory_space<vmem>>, vector<16xf32>,
    %max3A_955 = arith.maximumf %max3A_950, %get3A_954 : vector<16xf32>
    %get3A_956 = arith.constant 2 : i32
    %get3A_957 = arith.index_cast %get3A_956 : i32 to index
    %get3A_958 = arith.constant 80 : index
    %get3A_959 = tpu.vector_load %arg7[%get3A_957, %get3A_958] {strides = array<i32>} : memref<8x128xf32, #tpu.memory_space<vmem>>, vector<16xf32>,
    %max3A_960 = arith.maximumf %max3A_955, %get3A_959 : vector<16xf32>
    %get3A_961 = arith.constant 2 : i32
    %get3A_962 = arith.index_cast %get3A_961 : i32 to index
    %get3A_963 = arith.constant 96 : index
    %get3A_964 = tpu.vector_load %arg7[%get3A_962, %get3A_963] {strides = array<i32>} : memref<8x128xf32, #tpu.memory_space<vmem>>, vector<16xf32>,
    %max3A_965 = arith.maximumf %max3A_960, %get3A_964 : vector<16xf32>
    %get3A_966 = arith.constant 2 : i32
    %get3A_967 = arith.index_cast %get3A_966 : i32 to index
    %get3A_968 = arith.constant 112 : index
    %get3A_969 = tpu.vector_load %arg7[%get3A_967, %get3A_968] {strides = array<i32>} : memref<8x128xf32, #tpu.memory_space<vmem>>, vector<16xf32>,
    %max3A_970 = arith.maximumf %max3A_965, %get3A_969 : vector<16xf32>
    %get3A_971 = arith.constant 3 : i32
    %get3A_972 = arith.index_cast %get3A_971 : i32 to index
    %get3A_973 = arith.constant 0 : index
    %get3A_974 = tpu.vector_load %arg7[%get3A_972, %get3A_973] {strides = array<i32>} : memref<8x128xf32, #tpu.memory_space<vmem>>, vector<16xf32>,
    %max3A_975 = arith.maximumf %max3A_970, %get3A_974 : vector<16xf32>
    %get3A_976 = arith.constant 3 : i32
    %get3A_977 = arith.index_cast %get3A_976 : i32 to index
    %get3A_978 = arith.constant 16 : index
    %get3A_979 = tpu.vector_load %arg7[%get3A_977, %get3A_978] {strides = array<i32>} : memref<8x128xf32, #tpu.memory_space<vmem>>, vector<16xf32>,
    %max3A_980 = arith.maximumf %max3A_975, %get3A_979 : vector<16xf32>
    %get3A_981 = arith.constant 3 : i32
    %get3A_982 = arith.index_cast %get3A_981 : i32 to index
    %get3A_983 = arith.constant 32 : index
    %get3A_984 = tpu.vector_load %arg7[%get3A_982, %get3A_983] {strides = array<i32>} : memref<8x128xf32, #tpu.memory_space<vmem>>, vector<16xf32>,
    %max3A_985 = arith.maximumf %max3A_980, %get3A_984 : vector<16xf32>
    %get3A_986 = arith.constant 3 : i32
    %get3A_987 = arith.index_cast %get3A_986 : i32 to index
    %get3A_988 = arith.constant 48 : index
    %get3A_989 = tpu.vector_load %arg7[%get3A_987, %get3A_988] {strides = array<i32>} : memref<8x128xf32, #tpu.memory_space<vmem>>, vector<16xf32>,
    %max3A_990 = arith.maximumf %max3A_985, %get3A_989 : vector<16xf32>
    %get3A_991 = arith.constant 3 : i32
    %get3A_992 = arith.index_cast %get3A_991 : i32 to index
    %get3A_993 = arith.constant 64 : index
    %get3A_994 = tpu.vector_load %arg7[%get3A_992, %get3A_993] {strides = array<i32>} : memref<8x128xf32, #tpu.memory_space<vmem>>, vector<16xf32>,
    %max3A_995 = arith.maximumf %max3A_990, %get3A_994 : vector<16xf32>
    %get3A_996 = arith.constant 3 : i32
    %get3A_997 = arith.index_cast %get3A_996 : i32 to index
    %get3A_998 = arith.constant 80 : index
    %get3A_999 = tpu.vector_load %arg7[%get3A_997, %get3A_998] {strides = array<i32>} : memref<8x128xf32, #tpu.memory_space<vmem>>, vector<16xf32>,
    %max3A_1000 = arith.maximumf %max3A_995, %get3A_999 : vector<16xf32>
    %get3A_1001 = arith.constant 3 : i32
    %get3A_1002 = arith.index_cast %get3A_1001 : i32 to index
    %get3A_1003 = arith.constant 96 : index
    %get3A_1004 = tpu.vector_load %arg7[%get3A_1002, %get3A_1003] {strides = array<i32>} : memref<8x128xf32, #tpu.memory_space<vmem>>, vector<16xf32>,
    %max3A_1005 = arith.maximumf %max3A_1000, %get3A_1004 : vector<16xf32>
    %get3A_1006 = arith.constant 3 : i32
    %get3A_1007 = arith.index_cast %get3A_1006 : i32 to index
    %get3A_1008 = arith.constant 112 : index
    %get3A_1009 = tpu.vector_load %arg7[%get3A_1007, %get3A_1008] {strides = array<i32>} : memref<8x128xf32, #tpu.memory_space<vmem>>, vector<16xf32>,
    %max3A_1010 = arith.maximumf %max3A_1005, %get3A_1009 : vector<16xf32>
    %slice3A = vector.extract_strided_slice %max3A_1010 {offsets = [0], sizes = [1], strides = [1]} : vector<16xf32> to vector<1xf32>
    %squeeze3A = vector.extract %slice3A[0] : f32 from vector<1xf32>
    %slice3A_1011 = vector.extract_strided_slice %max3A_1010 {offsets = [1], sizes = [1], strides = [1]} : vector<16xf32> to vector<1xf32>
    %squeeze3A_1012 = vector.extract %slice3A_1011[0] : f32 from vector<1xf32>
    %max3A_1013 = arith.maximumf %squeeze3A, %squeeze3A_1012 : f32
    %slice3A_1014 = vector.extract_strided_slice %max3A_1010 {offsets = [2], sizes = [1], strides = [1]} : vector<16xf32> to vector<1xf32>
    %squeeze3A_1015 = vector.extract %slice3A_1014[0] : f32 from vector<1xf32>
    %max3A_1016 = arith.maximumf %max3A_1013, %squeeze3A_1015 : f32
    %slice3A_1017 = vector.extract_strided_slice %max3A_1010 {offsets = [3], sizes = [1], strides = [1]} : vector<16xf32> to vector<1xf32>
    %squeeze3A_1018 = vector.extract %slice3A_1017[0] : f32 from vector<1xf32>
    %max3A_1019 = arith.maximumf %max3A_1016, %squeeze3A_1018 : f32
    %slice3A_1020 = vector.extract_strided_slice %max3A_1010 {offsets = [4], sizes = [1], strides = [1]} : vector<16xf32> to vector<1xf32>
    %squeeze3A_1021 = vector.extract %slice3A_1020[0] : f32 from vector<1xf32>
    %max3A_1022 = arith.maximumf %max3A_1019, %squeeze3A_1021 : f32
    %slice3A_1023 = vector.extract_strided_slice %max3A_1010 {offsets = [5], sizes = [1], strides = [1]} : vector<16xf32> to vector<1xf32>
    %squeeze3A_1024 = vector.extract %slice3A_1023[0] : f32 from vector<1xf32>
    %max3A_1025 = arith.maximumf %max3A_1022, %squeeze3A_1024 : f32
    %slice3A_1026 = vector.extract_strided_slice %max3A_1010 {offsets = [6], sizes = [1], strides = [1]} : vector<16xf32> to vector<1xf32>
    %squeeze3A_1027 = vector.extract %slice3A_1026[0] : f32 from vector<1xf32>
    %max3A_1028 = arith.maximumf %max3A_1025, %squeeze3A_1027 : f32
    %slice3A_1029 = vector.extract_strided_slice %max3A_1010 {offsets = [7], sizes = [1], strides = [1]} : vector<16xf32> to vector<1xf32>
    %squeeze3A_1030 = vector.extract %slice3A_1029[0] : f32 from vector<1xf32>
    %max3A_1031 = arith.maximumf %max3A_1028, %squeeze3A_1030 : f32
    %slice3A_1032 = vector.extract_strided_slice %max3A_1010 {offsets = [8], sizes = [1], strides = [1]} : vector<16xf32> to vector<1xf32>
    %squeeze3A_1033 = vector.extract %slice3A_1032[0] : f32 from vector<1xf32>
    %max3A_1034 = arith.maximumf %max3A_1031, %squeeze3A_1033 : f32
    %slice3A_1035 = vector.extract_strided_slice %max3A_1010 {offsets = [9], sizes = [1], strides = [1]} : vector<16xf32> to vector<1xf32>
    %squeeze3A_1036 = vector.extract %slice3A_1035[0] : f32 from vector<1xf32>
    %max3A_1037 = arith.maximumf %max3A_1034, %squeeze3A_1036 : f32
    %slice3A_1038 = vector.extract_strided_slice %max3A_1010 {offsets = [10], sizes = [1], strides = [1]} : vector<16xf32> to vector<1xf32>
    %squeeze3A_1039 = vector.extract %slice3A_1038[0] : f32 from vector<1xf32>
    %max3A_1040 = arith.maximumf %max3A_1037, %squeeze3A_1039 : f32
    %slice3A_1041 = vector.extract_strided_slice %max3A_1010 {offsets = [11], sizes = [1], strides = [1]} : vector<16xf32> to vector<1xf32>
    %squeeze3A_1042 = vector.extract %slice3A_1041[0] : f32 from vector<1xf32>
    %max3A_1043 = arith.maximumf %max3A_1040, %squeeze3A_1042 : f32
    %slice3A_1044 = vector.extract_strided_slice %max3A_1010 {offsets = [12], sizes = [1], strides = [1]} : vector<16xf32> to vector<1xf32>
    %squeeze3A_1045 = vector.extract %slice3A_1044[0] : f32 from vector<1xf32>
    %max3A_1046 = arith.maximumf %max3A_1043, %squeeze3A_1045 : f32
    %slice3A_1047 = vector.extract_strided_slice %max3A_1010 {offsets = [13], sizes = [1], strides = [1]} : vector<16xf32> to vector<1xf32>
    %squeeze3A_1048 = vector.extract %slice3A_1047[0] : f32 from vector<1xf32>
    %max3A_1049 = arith.maximumf %max3A_1046, %squeeze3A_1048 : f32
    %slice3A_1050 = vector.extract_strided_slice %max3A_1010 {offsets = [14], sizes = [1], strides = [1]} : vector<16xf32> to vector<1xf32>
    %squeeze3A_1051 = vector.extract %slice3A_1050[0] : f32 from vector<1xf32>
    %max3A_1052 = arith.maximumf %max3A_1049, %squeeze3A_1051 : f32
    %slice3A_1053 = vector.extract_strided_slice %max3A_1010 {offsets = [15], sizes = [1], strides = [1]} : vector<16xf32> to vector<1xf32>
    %squeeze3A_1054 = vector.extract %slice3A_1053[0] : f32 from vector<1xf32>
    %max3A_1055 = arith.maximumf %max3A_1052, %squeeze3A_1054 : f32
    %broadcast_in_dim3A_1056 = arith.constant 0.000000e+00 : f32
    %broadcast_in_dim3A_1057 = vector.broadcast %broadcast_in_dim3A_1056 : f32 to vector<16xf32>
    %get3A_1058 = arith.constant 0 : i32
    %get3A_1059 = arith.index_cast %get3A_1058 : i32 to index
    %get3A_1060 = arith.constant 0 : index
    %get3A_1061 = tpu.vector_load %arg7[%get3A_1059, %get3A_1060] {strides = array<i32>} : memref<8x128xf32, #tpu.memory_space<vmem>>, vector<16xf32>,
    %sub3A = vector.broadcast %max3A_1055 : f32 to vector<16xf32>
    %sub3A_1062 = arith.subf %get3A_1061, %sub3A : vector<16xf32>
    %exp3A = math.exp %sub3A_1062 : vector<16xf32>
    %swap3A_1063 = arith.constant 0 : i32
    %swap3A_1064 = arith.index_cast %swap3A_1063 : i32 to index
    %swap3A_1065 = arith.constant 0 : index
    %swap3A_1066 = tpu.vector_load %arg7[%swap3A_1064, %swap3A_1065] {strides = array<i32>} : memref<8x128xf32, #tpu.memory_space<vmem>>, vector<16xf32>,
    tpu.vector_store %arg7[%swap3A_1064, %swap3A_1065], %exp3A {strides = array<i32>} : memref<8x128xf32, #tpu.memory_space<vmem>>, vector<16xf32>,
    %add3A_1067 = arith.addf %broadcast_in_dim3A_1057, %exp3A : vector<16xf32>
    %get3A_1068 = arith.constant 0 : i32
    %get3A_1069 = arith.index_cast %get3A_1068 : i32 to index
    %get3A_1070 = arith.constant 16 : index
    %get3A_1071 = tpu.vector_load %arg7[%get3A_1069, %get3A_1070] {strides = array<i32>} : memref<8x128xf32, #tpu.memory_space<vmem>>, vector<16xf32>,
    %sub3A_1072 = vector.broadcast %max3A_1055 : f32 to vector<16xf32>
    %sub3A_1073 = arith.subf %get3A_1071, %sub3A_1072 : vector<16xf32>
    %exp3A_1074 = math.exp %sub3A_1073 : vector<16xf32>
    %swap3A_1075 = arith.constant 0 : i32
    %swap3A_1076 = arith.index_cast %swap3A_1075 : i32 to index
    %swap3A_1077 = arith.constant 16 : index
    %swap3A_1078 = tpu.vector_load %arg7[%swap3A_1076, %swap3A_1077] {strides = array<i32>} : memref<8x128xf32, #tpu.memory_space<vmem>>, vector<16xf32>,
    tpu.vector_store %arg7[%swap3A_1076, %swap3A_1077], %exp3A_1074 {strides = array<i32>} : memref<8x128xf32, #tpu.memory_space<vmem>>, vector<16xf32>,
    %add3A_1079 = arith.addf %add3A_1067, %exp3A_1074 : vector<16xf32>
    %get3A_1080 = arith.constant 0 : i32
    %get3A_1081 = arith.index_cast %get3A_1080 : i32 to index
    %get3A_1082 = arith.constant 32 : index
    %get3A_1083 = tpu.vector_load %arg7[%get3A_1081, %get3A_1082] {strides = array<i32>} : memref<8x128xf32, #tpu.memory_space<vmem>>, vector<16xf32>,
    %sub3A_1084 = vector.broadcast %max3A_1055 : f32 to vector<16xf32>
    %sub3A_1085 = arith.subf %get3A_1083, %sub3A_1084 : vector<16xf32>
    %exp3A_1086 = math.exp %sub3A_1085 : vector<16xf32>
    %swap3A_1087 = arith.constant 0 : i32
    %swap3A_1088 = arith.index_cast %swap3A_1087 : i32 to index
    %swap3A_1089 = arith.constant 32 : index
    %swap3A_1090 = tpu.vector_load %arg7[%swap3A_1088, %swap3A_1089] {strides = array<i32>} : memref<8x128xf32, #tpu.memory_space<vmem>>, vector<16xf32>,
    tpu.vector_store %arg7[%swap3A_1088, %swap3A_1089], %exp3A_1086 {strides = array<i32>} : memref<8x128xf32, #tpu.memory_space<vmem>>, vector<16xf32>,
    %add3A_1091 = arith.addf %add3A_1079, %exp3A_1086 : vector<16xf32>
    %get3A_1092 = arith.constant 0 : i32
    %get3A_1093 = arith.index_cast %get3A_1092 : i32 to index
    %get3A_1094 = arith.constant 48 : index
    %get3A_1095 = tpu.vector_load %arg7[%get3A_1093, %get3A_1094] {strides = array<i32>} : memref<8x128xf32, #tpu.memory_space<vmem>>, vector<16xf32>,
    %sub3A_1096 = vector.broadcast %max3A_1055 : f32 to vector<16xf32>
    %sub3A_1097 = arith.subf %get3A_1095, %sub3A_1096 : vector<16xf32>
    %exp3A_1098 = math.exp %sub3A_1097 : vector<16xf32>
    %swap3A_1099 = arith.constant 0 : i32
    %swap3A_1100 = arith.index_cast %swap3A_1099 : i32 to index
    %swap3A_1101 = arith.constant 48 : index
    %swap3A_1102 = tpu.vector_load %arg7[%swap3A_1100, %swap3A_1101] {strides = array<i32>} : memref<8x128xf32, #tpu.memory_space<vmem>>, vector<16xf32>,
    tpu.vector_store %arg7[%swap3A_1100, %swap3A_1101], %exp3A_1098 {strides = array<i32>} : memref<8x128xf32, #tpu.memory_space<vmem>>, vector<16xf32>,
    %add3A_1103 = arith.addf %add3A_1091, %exp3A_1098 : vector<16xf32>
    %get3A_1104 = arith.constant 0 : i32
    %get3A_1105 = arith.index_cast %get3A_1104 : i32 to index
    %get3A_1106 = arith.constant 64 : index
    %get3A_1107 = tpu.vector_load %arg7[%get3A_1105, %get3A_1106] {strides = array<i32>} : memref<8x128xf32, #tpu.memory_space<vmem>>, vector<16xf32>,
    %sub3A_1108 = vector.broadcast %max3A_1055 : f32 to vector<16xf32>
    %sub3A_1109 = arith.subf %get3A_1107, %sub3A_1108 : vector<16xf32>
    %exp3A_1110 = math.exp %sub3A_1109 : vector<16xf32>
    %swap3A_1111 = arith.constant 0 : i32
    %swap3A_1112 = arith.index_cast %swap3A_1111 : i32 to index
    %swap3A_1113 = arith.constant 64 : index
    %swap3A_1114 = tpu.vector_load %arg7[%swap3A_1112, %swap3A_1113] {strides = array<i32>} : memref<8x128xf32, #tpu.memory_space<vmem>>, vector<16xf32>,
    tpu.vector_store %arg7[%swap3A_1112, %swap3A_1113], %exp3A_1110 {strides = array<i32>} : memref<8x128xf32, #tpu.memory_space<vmem>>, vector<16xf32>,
    %add3A_1115 = arith.addf %add3A_1103, %exp3A_1110 : vector<16xf32>
    %get3A_1116 = arith.constant 0 : i32
    %get3A_1117 = arith.index_cast %get3A_1116 : i32 to index
    %get3A_1118 = arith.constant 80 : index
    %get3A_1119 = tpu.vector_load %arg7[%get3A_1117, %get3A_1118] {strides = array<i32>} : memref<8x128xf32, #tpu.memory_space<vmem>>, vector<16xf32>,
    %sub3A_1120 = vector.broadcast %max3A_1055 : f32 to vector<16xf32>
    %sub3A_1121 = arith.subf %get3A_1119, %sub3A_1120 : vector<16xf32>
    %exp3A_1122 = math.exp %sub3A_1121 : vector<16xf32>
    %swap3A_1123 = arith.constant 0 : i32
    %swap3A_1124 = arith.index_cast %swap3A_1123 : i32 to index
    %swap3A_1125 = arith.constant 80 : index
    %swap3A_1126 = tpu.vector_load %arg7[%swap3A_1124, %swap3A_1125] {strides = array<i32>} : memref<8x128xf32, #tpu.memory_space<vmem>>, vector<16xf32>,
    tpu.vector_store %arg7[%swap3A_1124, %swap3A_1125], %exp3A_1122 {strides = array<i32>} : memref<8x128xf32, #tpu.memory_space<vmem>>, vector<16xf32>,
    %add3A_1127 = arith.addf %add3A_1115, %exp3A_1122 : vector<16xf32>
    %get3A_1128 = arith.constant 0 : i32
    %get3A_1129 = arith.index_cast %get3A_1128 : i32 to index
    %get3A_1130 = arith.constant 96 : index
    %get3A_1131 = tpu.vector_load %arg7[%get3A_1129, %get3A_1130] {strides = array<i32>} : memref<8x128xf32, #tpu.memory_space<vmem>>, vector<16xf32>,
    %sub3A_1132 = vector.broadcast %max3A_1055 : f32 to vector<16xf32>
    %sub3A_1133 = arith.subf %get3A_1131, %sub3A_1132 : vector<16xf32>
    %exp3A_1134 = math.exp %sub3A_1133 : vector<16xf32>
    %swap3A_1135 = arith.constant 0 : i32
    %swap3A_1136 = arith.index_cast %swap3A_1135 : i32 to index
    %swap3A_1137 = arith.constant 96 : index
    %swap3A_1138 = tpu.vector_load %arg7[%swap3A_1136, %swap3A_1137] {strides = array<i32>} : memref<8x128xf32, #tpu.memory_space<vmem>>, vector<16xf32>,
    tpu.vector_store %arg7[%swap3A_1136, %swap3A_1137], %exp3A_1134 {strides = array<i32>} : memref<8x128xf32, #tpu.memory_space<vmem>>, vector<16xf32>,
    %add3A_1139 = arith.addf %add3A_1127, %exp3A_1134 : vector<16xf32>
    %get3A_1140 = arith.constant 0 : i32
    %get3A_1141 = arith.index_cast %get3A_1140 : i32 to index
    %get3A_1142 = arith.constant 112 : index
    %get3A_1143 = tpu.vector_load %arg7[%get3A_1141, %get3A_1142] {strides = array<i32>} : memref<8x128xf32, #tpu.memory_space<vmem>>, vector<16xf32>,
    %sub3A_1144 = vector.broadcast %max3A_1055 : f32 to vector<16xf32>
    %sub3A_1145 = arith.subf %get3A_1143, %sub3A_1144 : vector<16xf32>
    %exp3A_1146 = math.exp %sub3A_1145 : vector<16xf32>
    %swap3A_1147 = arith.constant 0 : i32
    %swap3A_1148 = arith.index_cast %swap3A_1147 : i32 to index
    %swap3A_1149 = arith.constant 112 : index
    %swap3A_1150 = tpu.vector_load %arg7[%swap3A_1148, %swap3A_1149] {strides = array<i32>} : memref<8x128xf32, #tpu.memory_space<vmem>>, vector<16xf32>,
    tpu.vector_store %arg7[%swap3A_1148, %swap3A_1149], %exp3A_1146 {strides = array<i32>} : memref<8x128xf32, #tpu.memory_space<vmem>>, vector<16xf32>,
    %add3A_1151 = arith.addf %add3A_1139, %exp3A_1146 : vector<16xf32>
    %get3A_1152 = arith.constant 1 : i32
    %get3A_1153 = arith.index_cast %get3A_1152 : i32 to index
    %get3A_1154 = arith.constant 0 : index
    %get3A_1155 = tpu.vector_load %arg7[%get3A_1153, %get3A_1154] {strides = array<i32>} : memref<8x128xf32, #tpu.memory_space<vmem>>, vector<16xf32>,
    %sub3A_1156 = vector.broadcast %max3A_1055 : f32 to vector<16xf32>
    %sub3A_1157 = arith.subf %get3A_1155, %sub3A_1156 : vector<16xf32>
    %exp3A_1158 = math.exp %sub3A_1157 : vector<16xf32>
    %swap3A_1159 = arith.constant 1 : i32
    %swap3A_1160 = arith.index_cast %swap3A_1159 : i32 to index
    %swap3A_1161 = arith.constant 0 : index
    %swap3A_1162 = tpu.vector_load %arg7[%swap3A_1160, %swap3A_1161] {strides = array<i32>} : memref<8x128xf32, #tpu.memory_space<vmem>>, vector<16xf32>,
    tpu.vector_store %arg7[%swap3A_1160, %swap3A_1161], %exp3A_1158 {strides = array<i32>} : memref<8x128xf32, #tpu.memory_space<vmem>>, vector<16xf32>,
    %add3A_1163 = arith.addf %add3A_1151, %exp3A_1158 : vector<16xf32>
    %get3A_1164 = arith.constant 1 : i32
    %get3A_1165 = arith.index_cast %get3A_1164 : i32 to index
    %get3A_1166 = arith.constant 16 : index
    %get3A_1167 = tpu.vector_load %arg7[%get3A_1165, %get3A_1166] {strides = array<i32>} : memref<8x128xf32, #tpu.memory_space<vmem>>, vector<16xf32>,
    %sub3A_1168 = vector.broadcast %max3A_1055 : f32 to vector<16xf32>
    %sub3A_1169 = arith.subf %get3A_1167, %sub3A_1168 : vector<16xf32>
    %exp3A_1170 = math.exp %sub3A_1169 : vector<16xf32>
    %swap3A_1171 = arith.constant 1 : i32
    %swap3A_1172 = arith.index_cast %swap3A_1171 : i32 to index
    %swap3A_1173 = arith.constant 16 : index
    %swap3A_1174 = tpu.vector_load %arg7[%swap3A_1172, %swap3A_1173] {strides = array<i32>} : memref<8x128xf32, #tpu.memory_space<vmem>>, vector<16xf32>,
    tpu.vector_store %arg7[%swap3A_1172, %swap3A_1173], %exp3A_1170 {strides = array<i32>} : memref<8x128xf32, #tpu.memory_space<vmem>>, vector<16xf32>,
    %add3A_1175 = arith.addf %add3A_1163, %exp3A_1170 : vector<16xf32>
    %get3A_1176 = arith.constant 1 : i32
    %get3A_1177 = arith.index_cast %get3A_1176 : i32 to index
    %get3A_1178 = arith.constant 32 : index
    %get3A_1179 = tpu.vector_load %arg7[%get3A_1177, %get3A_1178] {strides = array<i32>} : memref<8x128xf32, #tpu.memory_space<vmem>>, vector<16xf32>,
    %sub3A_1180 = vector.broadcast %max3A_1055 : f32 to vector<16xf32>
    %sub3A_1181 = arith.subf %get3A_1179, %sub3A_1180 : vector<16xf32>
    %exp3A_1182 = math.exp %sub3A_1181 : vector<16xf32>
    %swap3A_1183 = arith.constant 1 : i32
    %swap3A_1184 = arith.index_cast %swap3A_1183 : i32 to index
    %swap3A_1185 = arith.constant 32 : index
    %swap3A_1186 = tpu.vector_load %arg7[%swap3A_1184, %swap3A_1185] {strides = array<i32>} : memref<8x128xf32, #tpu.memory_space<vmem>>, vector<16xf32>,
    tpu.vector_store %arg7[%swap3A_1184, %swap3A_1185], %exp3A_1182 {strides = array<i32>} : memref<8x128xf32, #tpu.memory_space<vmem>>, vector<16xf32>,
    %add3A_1187 = arith.addf %add3A_1175, %exp3A_1182 : vector<16xf32>
    %get3A_1188 = arith.constant 1 : i32
    %get3A_1189 = arith.index_cast %get3A_1188 : i32 to index
    %get3A_1190 = arith.constant 48 : index
    %get3A_1191 = tpu.vector_load %arg7[%get3A_1189, %get3A_1190] {strides = array<i32>} : memref<8x128xf32, #tpu.memory_space<vmem>>, vector<16xf32>,
    %sub3A_1192 = vector.broadcast %max3A_1055 : f32 to vector<16xf32>
    %sub3A_1193 = arith.subf %get3A_1191, %sub3A_1192 : vector<16xf32>
    %exp3A_1194 = math.exp %sub3A_1193 : vector<16xf32>
    %swap3A_1195 = arith.constant 1 : i32
    %swap3A_1196 = arith.index_cast %swap3A_1195 : i32 to index
    %swap3A_1197 = arith.constant 48 : index
    %swap3A_1198 = tpu.vector_load %arg7[%swap3A_1196, %swap3A_1197] {strides = array<i32>} : memref<8x128xf32, #tpu.memory_space<vmem>>, vector<16xf32>,
    tpu.vector_store %arg7[%swap3A_1196, %swap3A_1197], %exp3A_1194 {strides = array<i32>} : memref<8x128xf32, #tpu.memory_space<vmem>>, vector<16xf32>,
    %add3A_1199 = arith.addf %add3A_1187, %exp3A_1194 : vector<16xf32>
    %get3A_1200 = arith.constant 1 : i32
    %get3A_1201 = arith.index_cast %get3A_1200 : i32 to index
    %get3A_1202 = arith.constant 64 : index
    %get3A_1203 = tpu.vector_load %arg7[%get3A_1201, %get3A_1202] {strides = array<i32>} : memref<8x128xf32, #tpu.memory_space<vmem>>, vector<16xf32>,
    %sub3A_1204 = vector.broadcast %max3A_1055 : f32 to vector<16xf32>
    %sub3A_1205 = arith.subf %get3A_1203, %sub3A_1204 : vector<16xf32>
    %exp3A_1206 = math.exp %sub3A_1205 : vector<16xf32>
    %swap3A_1207 = arith.constant 1 : i32
    %swap3A_1208 = arith.index_cast %swap3A_1207 : i32 to index
    %swap3A_1209 = arith.constant 64 : index
    %swap3A_1210 = tpu.vector_load %arg7[%swap3A_1208, %swap3A_1209] {strides = array<i32>} : memref<8x128xf32, #tpu.memory_space<vmem>>, vector<16xf32>,
    tpu.vector_store %arg7[%swap3A_1208, %swap3A_1209], %exp3A_1206 {strides = array<i32>} : memref<8x128xf32, #tpu.memory_space<vmem>>, vector<16xf32>,
    %add3A_1211 = arith.addf %add3A_1199, %exp3A_1206 : vector<16xf32>
    %get3A_1212 = arith.constant 1 : i32
    %get3A_1213 = arith.index_cast %get3A_1212 : i32 to index
    %get3A_1214 = arith.constant 80 : index
    %get3A_1215 = tpu.vector_load %arg7[%get3A_1213, %get3A_1214] {strides = array<i32>} : memref<8x128xf32, #tpu.memory_space<vmem>>, vector<16xf32>,
    %sub3A_1216 = vector.broadcast %max3A_1055 : f32 to vector<16xf32>
    %sub3A_1217 = arith.subf %get3A_1215, %sub3A_1216 : vector<16xf32>
    %exp3A_1218 = math.exp %sub3A_1217 : vector<16xf32>
    %swap3A_1219 = arith.constant 1 : i32
    %swap3A_1220 = arith.index_cast %swap3A_1219 : i32 to index
    %swap3A_1221 = arith.constant 80 : index
    %swap3A_1222 = tpu.vector_load %arg7[%swap3A_1220, %swap3A_1221] {strides = array<i32>} : memref<8x128xf32, #tpu.memory_space<vmem>>, vector<16xf32>,
    tpu.vector_store %arg7[%swap3A_1220, %swap3A_1221], %exp3A_1218 {strides = array<i32>} : memref<8x128xf32, #tpu.memory_space<vmem>>, vector<16xf32>,
    %add3A_1223 = arith.addf %add3A_1211, %exp3A_1218 : vector<16xf32>
    %get3A_1224 = arith.constant 1 : i32
    %get3A_1225 = arith.index_cast %get3A_1224 : i32 to index
    %get3A_1226 = arith.constant 96 : index
    %get3A_1227 = tpu.vector_load %arg7[%get3A_1225, %get3A_1226] {strides = array<i32>} : memref<8x128xf32, #tpu.memory_space<vmem>>, vector<16xf32>,
    %sub3A_1228 = vector.broadcast %max3A_1055 : f32 to vector<16xf32>
    %sub3A_1229 = arith.subf %get3A_1227, %sub3A_1228 : vector<16xf32>
    %exp3A_1230 = math.exp %sub3A_1229 : vector<16xf32>
    %swap3A_1231 = arith.constant 1 : i32
    %swap3A_1232 = arith.index_cast %swap3A_1231 : i32 to index
    %swap3A_1233 = arith.constant 96 : index
    %swap3A_1234 = tpu.vector_load %arg7[%swap3A_1232, %swap3A_1233] {strides = array<i32>} : memref<8x128xf32, #tpu.memory_space<vmem>>, vector<16xf32>,
    tpu.vector_store %arg7[%swap3A_1232, %swap3A_1233], %exp3A_1230 {strides = array<i32>} : memref<8x128xf32, #tpu.memory_space<vmem>>, vector<16xf32>,
    %add3A_1235 = arith.addf %add3A_1223, %exp3A_1230 : vector<16xf32>
    %get3A_1236 = arith.constant 1 : i32
    %get3A_1237 = arith.index_cast %get3A_1236 : i32 to index
    %get3A_1238 = arith.constant 112 : index
    %get3A_1239 = tpu.vector_load %arg7[%get3A_1237, %get3A_1238] {strides = array<i32>} : memref<8x128xf32, #tpu.memory_space<vmem>>, vector<16xf32>,
    %sub3A_1240 = vector.broadcast %max3A_1055 : f32 to vector<16xf32>
    %sub3A_1241 = arith.subf %get3A_1239, %sub3A_1240 : vector<16xf32>
    %exp3A_1242 = math.exp %sub3A_1241 : vector<16xf32>
    %swap3A_1243 = arith.constant 1 : i32
    %swap3A_1244 = arith.index_cast %swap3A_1243 : i32 to index
    %swap3A_1245 = arith.constant 112 : index
    %swap3A_1246 = tpu.vector_load %arg7[%swap3A_1244, %swap3A_1245] {strides = array<i32>} : memref<8x128xf32, #tpu.memory_space<vmem>>, vector<16xf32>,
    tpu.vector_store %arg7[%swap3A_1244, %swap3A_1245], %exp3A_1242 {strides = array<i32>} : memref<8x128xf32, #tpu.memory_space<vmem>>, vector<16xf32>,
    %add3A_1247 = arith.addf %add3A_1235, %exp3A_1242 : vector<16xf32>
    %get3A_1248 = arith.constant 2 : i32
    %get3A_1249 = arith.index_cast %get3A_1248 : i32 to index
    %get3A_1250 = arith.constant 0 : index
    %get3A_1251 = tpu.vector_load %arg7[%get3A_1249, %get3A_1250] {strides = array<i32>} : memref<8x128xf32, #tpu.memory_space<vmem>>, vector<16xf32>,
    %sub3A_1252 = vector.broadcast %max3A_1055 : f32 to vector<16xf32>
    %sub3A_1253 = arith.subf %get3A_1251, %sub3A_1252 : vector<16xf32>
    %exp3A_1254 = math.exp %sub3A_1253 : vector<16xf32>
    %swap3A_1255 = arith.constant 2 : i32
    %swap3A_1256 = arith.index_cast %swap3A_1255 : i32 to index
    %swap3A_1257 = arith.constant 0 : index
    %swap3A_1258 = tpu.vector_load %arg7[%swap3A_1256, %swap3A_1257] {strides = array<i32>} : memref<8x128xf32, #tpu.memory_space<vmem>>, vector<16xf32>,
    tpu.vector_store %arg7[%swap3A_1256, %swap3A_1257], %exp3A_1254 {strides = array<i32>} : memref<8x128xf32, #tpu.memory_space<vmem>>, vector<16xf32>,
    %add3A_1259 = arith.addf %add3A_1247, %exp3A_1254 : vector<16xf32>
    %get3A_1260 = arith.constant 2 : i32
    %get3A_1261 = arith.index_cast %get3A_1260 : i32 to index
    %get3A_1262 = arith.constant 16 : index
    %get3A_1263 = tpu.vector_load %arg7[%get3A_1261, %get3A_1262] {strides = array<i32>} : memref<8x128xf32, #tpu.memory_space<vmem>>, vector<16xf32>,
    %sub3A_1264 = vector.broadcast %max3A_1055 : f32 to vector<16xf32>
    %sub3A_1265 = arith.subf %get3A_1263, %sub3A_1264 : vector<16xf32>
    %exp3A_1266 = math.exp %sub3A_1265 : vector<16xf32>
    %swap3A_1267 = arith.constant 2 : i32
    %swap3A_1268 = arith.index_cast %swap3A_1267 : i32 to index
    %swap3A_1269 = arith.constant 16 : index
    %swap3A_1270 = tpu.vector_load %arg7[%swap3A_1268, %swap3A_1269] {strides = array<i32>} : memref<8x128xf32, #tpu.memory_space<vmem>>, vector<16xf32>,
    tpu.vector_store %arg7[%swap3A_1268, %swap3A_1269], %exp3A_1266 {strides = array<i32>} : memref<8x128xf32, #tpu.memory_space<vmem>>, vector<16xf32>,
    %add3A_1271 = arith.addf %add3A_1259, %exp3A_1266 : vector<16xf32>
    %get3A_1272 = arith.constant 2 : i32
    %get3A_1273 = arith.index_cast %get3A_1272 : i32 to index
    %get3A_1274 = arith.constant 32 : index
    %get3A_1275 = tpu.vector_load %arg7[%get3A_1273, %get3A_1274] {strides = array<i32>} : memref<8x128xf32, #tpu.memory_space<vmem>>, vector<16xf32>,
    %sub3A_1276 = vector.broadcast %max3A_1055 : f32 to vector<16xf32>
    %sub3A_1277 = arith.subf %get3A_1275, %sub3A_1276 : vector<16xf32>
    %exp3A_1278 = math.exp %sub3A_1277 : vector<16xf32>
    %swap3A_1279 = arith.constant 2 : i32
    %swap3A_1280 = arith.index_cast %swap3A_1279 : i32 to index
    %swap3A_1281 = arith.constant 32 : index
    %swap3A_1282 = tpu.vector_load %arg7[%swap3A_1280, %swap3A_1281] {strides = array<i32>} : memref<8x128xf32, #tpu.memory_space<vmem>>, vector<16xf32>,
    tpu.vector_store %arg7[%swap3A_1280, %swap3A_1281], %exp3A_1278 {strides = array<i32>} : memref<8x128xf32, #tpu.memory_space<vmem>>, vector<16xf32>,
    %add3A_1283 = arith.addf %add3A_1271, %exp3A_1278 : vector<16xf32>
    %get3A_1284 = arith.constant 2 : i32
    %get3A_1285 = arith.index_cast %get3A_1284 : i32 to index
    %get3A_1286 = arith.constant 48 : index
    %get3A_1287 = tpu.vector_load %arg7[%get3A_1285, %get3A_1286] {strides = array<i32>} : memref<8x128xf32, #tpu.memory_space<vmem>>, vector<16xf32>,
    %sub3A_1288 = vector.broadcast %max3A_1055 : f32 to vector<16xf32>
    %sub3A_1289 = arith.subf %get3A_1287, %sub3A_1288 : vector<16xf32>
    %exp3A_1290 = math.exp %sub3A_1289 : vector<16xf32>
    %swap3A_1291 = arith.constant 2 : i32
    %swap3A_1292 = arith.index_cast %swap3A_1291 : i32 to index
    %swap3A_1293 = arith.constant 48 : index
    %swap3A_1294 = tpu.vector_load %arg7[%swap3A_1292, %swap3A_1293] {strides = array<i32>} : memref<8x128xf32, #tpu.memory_space<vmem>>, vector<16xf32>,
    tpu.vector_store %arg7[%swap3A_1292, %swap3A_1293], %exp3A_1290 {strides = array<i32>} : memref<8x128xf32, #tpu.memory_space<vmem>>, vector<16xf32>,
    %add3A_1295 = arith.addf %add3A_1283, %exp3A_1290 : vector<16xf32>
    %get3A_1296 = arith.constant 2 : i32
    %get3A_1297 = arith.index_cast %get3A_1296 : i32 to index
    %get3A_1298 = arith.constant 64 : index
    %get3A_1299 = tpu.vector_load %arg7[%get3A_1297, %get3A_1298] {strides = array<i32>} : memref<8x128xf32, #tpu.memory_space<vmem>>, vector<16xf32>,
    %sub3A_1300 = vector.broadcast %max3A_1055 : f32 to vector<16xf32>
    %sub3A_1301 = arith.subf %get3A_1299, %sub3A_1300 : vector<16xf32>
    %exp3A_1302 = math.exp %sub3A_1301 : vector<16xf32>
    %swap3A_1303 = arith.constant 2 : i32
    %swap3A_1304 = arith.index_cast %swap3A_1303 : i32 to index
    %swap3A_1305 = arith.constant 64 : index
    %swap3A_1306 = tpu.vector_load %arg7[%swap3A_1304, %swap3A_1305] {strides = array<i32>} : memref<8x128xf32, #tpu.memory_space<vmem>>, vector<16xf32>,
    tpu.vector_store %arg7[%swap3A_1304, %swap3A_1305], %exp3A_1302 {strides = array<i32>} : memref<8x128xf32, #tpu.memory_space<vmem>>, vector<16xf32>,
    %add3A_1307 = arith.addf %add3A_1295, %exp3A_1302 : vector<16xf32>
    %get3A_1308 = arith.constant 2 : i32
    %get3A_1309 = arith.index_cast %get3A_1308 : i32 to index
    %get3A_1310 = arith.constant 80 : index
    %get3A_1311 = tpu.vector_load %arg7[%get3A_1309, %get3A_1310] {strides = array<i32>} : memref<8x128xf32, #tpu.memory_space<vmem>>, vector<16xf32>,
    %sub3A_1312 = vector.broadcast %max3A_1055 : f32 to vector<16xf32>
    %sub3A_1313 = arith.subf %get3A_1311, %sub3A_1312 : vector<16xf32>
    %exp3A_1314 = math.exp %sub3A_1313 : vector<16xf32>
    %swap3A_1315 = arith.constant 2 : i32
    %swap3A_1316 = arith.index_cast %swap3A_1315 : i32 to index
    %swap3A_1317 = arith.constant 80 : index
    %swap3A_1318 = tpu.vector_load %arg7[%swap3A_1316, %swap3A_1317] {strides = array<i32>} : memref<8x128xf32, #tpu.memory_space<vmem>>, vector<16xf32>,
    tpu.vector_store %arg7[%swap3A_1316, %swap3A_1317], %exp3A_1314 {strides = array<i32>} : memref<8x128xf32, #tpu.memory_space<vmem>>, vector<16xf32>,
    %add3A_1319 = arith.addf %add3A_1307, %exp3A_1314 : vector<16xf32>
    %get3A_1320 = arith.constant 2 : i32
    %get3A_1321 = arith.index_cast %get3A_1320 : i32 to index
    %get3A_1322 = arith.constant 96 : index
    %get3A_1323 = tpu.vector_load %arg7[%get3A_1321, %get3A_1322] {strides = array<i32>} : memref<8x128xf32, #tpu.memory_space<vmem>>, vector<16xf32>,
    %sub3A_1324 = vector.broadcast %max3A_1055 : f32 to vector<16xf32>
    %sub3A_1325 = arith.subf %get3A_1323, %sub3A_1324 : vector<16xf32>
    %exp3A_1326 = math.exp %sub3A_1325 : vector<16xf32>
    %swap3A_1327 = arith.constant 2 : i32
    %swap3A_1328 = arith.index_cast %swap3A_1327 : i32 to index
    %swap3A_1329 = arith.constant 96 : index
    %swap3A_1330 = tpu.vector_load %arg7[%swap3A_1328, %swap3A_1329] {strides = array<i32>} : memref<8x128xf32, #tpu.memory_space<vmem>>, vector<16xf32>,
    tpu.vector_store %arg7[%swap3A_1328, %swap3A_1329], %exp3A_1326 {strides = array<i32>} : memref<8x128xf32, #tpu.memory_space<vmem>>, vector<16xf32>,
    %add3A_1331 = arith.addf %add3A_1319, %exp3A_1326 : vector<16xf32>
    %get3A_1332 = arith.constant 2 : i32
    %get3A_1333 = arith.index_cast %get3A_1332 : i32 to index
    %get3A_1334 = arith.constant 112 : index
    %get3A_1335 = tpu.vector_load %arg7[%get3A_1333, %get3A_1334] {strides = array<i32>} : memref<8x128xf32, #tpu.memory_space<vmem>>, vector<16xf32>,
    %sub3A_1336 = vector.broadcast %max3A_1055 : f32 to vector<16xf32>
    %sub3A_1337 = arith.subf %get3A_1335, %sub3A_1336 : vector<16xf32>
    %exp3A_1338 = math.exp %sub3A_1337 : vector<16xf32>
    %swap3A_1339 = arith.constant 2 : i32
    %swap3A_1340 = arith.index_cast %swap3A_1339 : i32 to index
    %swap3A_1341 = arith.constant 112 : index
    %swap3A_1342 = tpu.vector_load %arg7[%swap3A_1340, %swap3A_1341] {strides = array<i32>} : memref<8x128xf32, #tpu.memory_space<vmem>>, vector<16xf32>,
    tpu.vector_store %arg7[%swap3A_1340, %swap3A_1341], %exp3A_1338 {strides = array<i32>} : memref<8x128xf32, #tpu.memory_space<vmem>>, vector<16xf32>,
    %add3A_1343 = arith.addf %add3A_1331, %exp3A_1338 : vector<16xf32>
    %get3A_1344 = arith.constant 3 : i32
    %get3A_1345 = arith.index_cast %get3A_1344 : i32 to index
    %get3A_1346 = arith.constant 0 : index
    %get3A_1347 = tpu.vector_load %arg7[%get3A_1345, %get3A_1346] {strides = array<i32>} : memref<8x128xf32, #tpu.memory_space<vmem>>, vector<16xf32>,
    %sub3A_1348 = vector.broadcast %max3A_1055 : f32 to vector<16xf32>
    %sub3A_1349 = arith.subf %get3A_1347, %sub3A_1348 : vector<16xf32>
    %exp3A_1350 = math.exp %sub3A_1349 : vector<16xf32>
    %swap3A_1351 = arith.constant 3 : i32
    %swap3A_1352 = arith.index_cast %swap3A_1351 : i32 to index
    %swap3A_1353 = arith.constant 0 : index
    %swap3A_1354 = tpu.vector_load %arg7[%swap3A_1352, %swap3A_1353] {strides = array<i32>} : memref<8x128xf32, #tpu.memory_space<vmem>>, vector<16xf32>,
    tpu.vector_store %arg7[%swap3A_1352, %swap3A_1353], %exp3A_1350 {strides = array<i32>} : memref<8x128xf32, #tpu.memory_space<vmem>>, vector<16xf32>,
    %add3A_1355 = arith.addf %add3A_1343, %exp3A_1350 : vector<16xf32>
    %get3A_1356 = arith.constant 3 : i32
    %get3A_1357 = arith.index_cast %get3A_1356 : i32 to index
    %get3A_1358 = arith.constant 16 : index
    %get3A_1359 = tpu.vector_load %arg7[%get3A_1357, %get3A_1358] {strides = array<i32>} : memref<8x128xf32, #tpu.memory_space<vmem>>, vector<16xf32>,
    %sub3A_1360 = vector.broadcast %max3A_1055 : f32 to vector<16xf32>
    %sub3A_1361 = arith.subf %get3A_1359, %sub3A_1360 : vector<16xf32>
    %exp3A_1362 = math.exp %sub3A_1361 : vector<16xf32>
    %swap3A_1363 = arith.constant 3 : i32
    %swap3A_1364 = arith.index_cast %swap3A_1363 : i32 to index
    %swap3A_1365 = arith.constant 16 : index
    %swap3A_1366 = tpu.vector_load %arg7[%swap3A_1364, %swap3A_1365] {strides = array<i32>} : memref<8x128xf32, #tpu.memory_space<vmem>>, vector<16xf32>,
    tpu.vector_store %arg7[%swap3A_1364, %swap3A_1365], %exp3A_1362 {strides = array<i32>} : memref<8x128xf32, #tpu.memory_space<vmem>>, vector<16xf32>,
    %add3A_1367 = arith.addf %add3A_1355, %exp3A_1362 : vector<16xf32>
    %get3A_1368 = arith.constant 3 : i32
    %get3A_1369 = arith.index_cast %get3A_1368 : i32 to index
    %get3A_1370 = arith.constant 32 : index
    %get3A_1371 = tpu.vector_load %arg7[%get3A_1369, %get3A_1370] {strides = array<i32>} : memref<8x128xf32, #tpu.memory_space<vmem>>, vector<16xf32>,
    %sub3A_1372 = vector.broadcast %max3A_1055 : f32 to vector<16xf32>
    %sub3A_1373 = arith.subf %get3A_1371, %sub3A_1372 : vector<16xf32>
    %exp3A_1374 = math.exp %sub3A_1373 : vector<16xf32>
    %swap3A_1375 = arith.constant 3 : i32
    %swap3A_1376 = arith.index_cast %swap3A_1375 : i32 to index
    %swap3A_1377 = arith.constant 32 : index
    %swap3A_1378 = tpu.vector_load %arg7[%swap3A_1376, %swap3A_1377] {strides = array<i32>} : memref<8x128xf32, #tpu.memory_space<vmem>>, vector<16xf32>,
    tpu.vector_store %arg7[%swap3A_1376, %swap3A_1377], %exp3A_1374 {strides = array<i32>} : memref<8x128xf32, #tpu.memory_space<vmem>>, vector<16xf32>,
    %add3A_1379 = arith.addf %add3A_1367, %exp3A_1374 : vector<16xf32>
    %get3A_1380 = arith.constant 3 : i32
    %get3A_1381 = arith.index_cast %get3A_1380 : i32 to index
    %get3A_1382 = arith.constant 48 : index
    %get3A_1383 = tpu.vector_load %arg7[%get3A_1381, %get3A_1382] {strides = array<i32>} : memref<8x128xf32, #tpu.memory_space<vmem>>, vector<16xf32>,
    %sub3A_1384 = vector.broadcast %max3A_1055 : f32 to vector<16xf32>
    %sub3A_1385 = arith.subf %get3A_1383, %sub3A_1384 : vector<16xf32>
    %exp3A_1386 = math.exp %sub3A_1385 : vector<16xf32>
    %swap3A_1387 = arith.constant 3 : i32
    %swap3A_1388 = arith.index_cast %swap3A_1387 : i32 to index
    %swap3A_1389 = arith.constant 48 : index
    %swap3A_1390 = tpu.vector_load %arg7[%swap3A_1388, %swap3A_1389] {strides = array<i32>} : memref<8x128xf32, #tpu.memory_space<vmem>>, vector<16xf32>,
    tpu.vector_store %arg7[%swap3A_1388, %swap3A_1389], %exp3A_1386 {strides = array<i32>} : memref<8x128xf32, #tpu.memory_space<vmem>>, vector<16xf32>,
    %add3A_1391 = arith.addf %add3A_1379, %exp3A_1386 : vector<16xf32>
    %get3A_1392 = arith.constant 3 : i32
    %get3A_1393 = arith.index_cast %get3A_1392 : i32 to index
    %get3A_1394 = arith.constant 64 : index
    %get3A_1395 = tpu.vector_load %arg7[%get3A_1393, %get3A_1394] {strides = array<i32>} : memref<8x128xf32, #tpu.memory_space<vmem>>, vector<16xf32>,
    %sub3A_1396 = vector.broadcast %max3A_1055 : f32 to vector<16xf32>
    %sub3A_1397 = arith.subf %get3A_1395, %sub3A_1396 : vector<16xf32>
    %exp3A_1398 = math.exp %sub3A_1397 : vector<16xf32>
    %swap3A_1399 = arith.constant 3 : i32
    %swap3A_1400 = arith.index_cast %swap3A_1399 : i32 to index
    %swap3A_1401 = arith.constant 64 : index
    %swap3A_1402 = tpu.vector_load %arg7[%swap3A_1400, %swap3A_1401] {strides = array<i32>} : memref<8x128xf32, #tpu.memory_space<vmem>>, vector<16xf32>,
    tpu.vector_store %arg7[%swap3A_1400, %swap3A_1401], %exp3A_1398 {strides = array<i32>} : memref<8x128xf32, #tpu.memory_space<vmem>>, vector<16xf32>,
    %add3A_1403 = arith.addf %add3A_1391, %exp3A_1398 : vector<16xf32>
    %get3A_1404 = arith.constant 3 : i32
    %get3A_1405 = arith.index_cast %get3A_1404 : i32 to index
    %get3A_1406 = arith.constant 80 : index
    %get3A_1407 = tpu.vector_load %arg7[%get3A_1405, %get3A_1406] {strides = array<i32>} : memref<8x128xf32, #tpu.memory_space<vmem>>, vector<16xf32>,
    %sub3A_1408 = vector.broadcast %max3A_1055 : f32 to vector<16xf32>
    %sub3A_1409 = arith.subf %get3A_1407, %sub3A_1408 : vector<16xf32>
    %exp3A_1410 = math.exp %sub3A_1409 : vector<16xf32>
    %swap3A_1411 = arith.constant 3 : i32
    %swap3A_1412 = arith.index_cast %swap3A_1411 : i32 to index
    %swap3A_1413 = arith.constant 80 : index
    %swap3A_1414 = tpu.vector_load %arg7[%swap3A_1412, %swap3A_1413] {strides = array<i32>} : memref<8x128xf32, #tpu.memory_space<vmem>>, vector<16xf32>,
    tpu.vector_store %arg7[%swap3A_1412, %swap3A_1413], %exp3A_1410 {strides = array<i32>} : memref<8x128xf32, #tpu.memory_space<vmem>>, vector<16xf32>,
    %add3A_1415 = arith.addf %add3A_1403, %exp3A_1410 : vector<16xf32>
    %get3A_1416 = arith.constant 3 : i32
    %get3A_1417 = arith.index_cast %get3A_1416 : i32 to index
    %get3A_1418 = arith.constant 96 : index
    %get3A_1419 = tpu.vector_load %arg7[%get3A_1417, %get3A_1418] {strides = array<i32>} : memref<8x128xf32, #tpu.memory_space<vmem>>, vector<16xf32>,
    %sub3A_1420 = vector.broadcast %max3A_1055 : f32 to vector<16xf32>
    %sub3A_1421 = arith.subf %get3A_1419, %sub3A_1420 : vector<16xf32>
    %exp3A_1422 = math.exp %sub3A_1421 : vector<16xf32>
    %swap3A_1423 = arith.constant 3 : i32
    %swap3A_1424 = arith.index_cast %swap3A_1423 : i32 to index
    %swap3A_1425 = arith.constant 96 : index
    %swap3A_1426 = tpu.vector_load %arg7[%swap3A_1424, %swap3A_1425] {strides = array<i32>} : memref<8x128xf32, #tpu.memory_space<vmem>>, vector<16xf32>,
    tpu.vector_store %arg7[%swap3A_1424, %swap3A_1425], %exp3A_1422 {strides = array<i32>} : memref<8x128xf32, #tpu.memory_space<vmem>>, vector<16xf32>,
    %add3A_1427 = arith.addf %add3A_1415, %exp3A_1422 : vector<16xf32>
    %get3A_1428 = arith.constant 3 : i32
    %get3A_1429 = arith.index_cast %get3A_1428 : i32 to index
    %get3A_1430 = arith.constant 112 : index
    %get3A_1431 = tpu.vector_load %arg7[%get3A_1429, %get3A_1430] {strides = array<i32>} : memref<8x128xf32, #tpu.memory_space<vmem>>, vector<16xf32>,
    %sub3A_1432 = vector.broadcast %max3A_1055 : f32 to vector<16xf32>
    %sub3A_1433 = arith.subf %get3A_1431, %sub3A_1432 : vector<16xf32>
    %exp3A_1434 = math.exp %sub3A_1433 : vector<16xf32>
    %swap3A_1435 = arith.constant 3 : i32
    %swap3A_1436 = arith.index_cast %swap3A_1435 : i32 to index
    %swap3A_1437 = arith.constant 112 : index
    %swap3A_1438 = tpu.vector_load %arg7[%swap3A_1436, %swap3A_1437] {strides = array<i32>} : memref<8x128xf32, #tpu.memory_space<vmem>>, vector<16xf32>,
    tpu.vector_store %arg7[%swap3A_1436, %swap3A_1437], %exp3A_1434 {strides = array<i32>} : memref<8x128xf32, #tpu.memory_space<vmem>>, vector<16xf32>,
    %add3A_1439 = arith.addf %add3A_1427, %exp3A_1434 : vector<16xf32>
    %slice3A_1440 = vector.extract_strided_slice %add3A_1439 {offsets = [0], sizes = [1], strides = [1]} : vector<16xf32> to vector<1xf32>
    %squeeze3A_1441 = vector.extract %slice3A_1440[0] : f32 from vector<1xf32>
    %slice3A_1442 = vector.extract_strided_slice %add3A_1439 {offsets = [1], sizes = [1], strides = [1]} : vector<16xf32> to vector<1xf32>
    %squeeze3A_1443 = vector.extract %slice3A_1442[0] : f32 from vector<1xf32>
    %add3A_1444 = arith.addf %squeeze3A_1441, %squeeze3A_1443 : f32
    %slice3A_1445 = vector.extract_strided_slice %add3A_1439 {offsets = [2], sizes = [1], strides = [1]} : vector<16xf32> to vector<1xf32>
    %squeeze3A_1446 = vector.extract %slice3A_1445[0] : f32 from vector<1xf32>
    %add3A_1447 = arith.addf %add3A_1444, %squeeze3A_1446 : f32
    %slice3A_1448 = vector.extract_strided_slice %add3A_1439 {offsets = [3], sizes = [1], strides = [1]} : vector<16xf32> to vector<1xf32>
    %squeeze3A_1449 = vector.extract %slice3A_1448[0] : f32 from vector<1xf32>
    %add3A_1450 = arith.addf %add3A_1447, %squeeze3A_1449 : f32
    %slice3A_1451 = vector.extract_strided_slice %add3A_1439 {offsets = [4], sizes = [1], strides = [1]} : vector<16xf32> to vector<1xf32>
    %squeeze3A_1452 = vector.extract %slice3A_1451[0] : f32 from vector<1xf32>
    %add3A_1453 = arith.addf %add3A_1450, %squeeze3A_1452 : f32
    %slice3A_1454 = vector.extract_strided_slice %add3A_1439 {offsets = [5], sizes = [1], strides = [1]} : vector<16xf32> to vector<1xf32>
    %squeeze3A_1455 = vector.extract %slice3A_1454[0] : f32 from vector<1xf32>
    %add3A_1456 = arith.addf %add3A_1453, %squeeze3A_1455 : f32
    %slice3A_1457 = vector.extract_strided_slice %add3A_1439 {offsets = [6], sizes = [1], strides = [1]} : vector<16xf32> to vector<1xf32>
    %squeeze3A_1458 = vector.extract %slice3A_1457[0] : f32 from vector<1xf32>
    %add3A_1459 = arith.addf %add3A_1456, %squeeze3A_1458 : f32
    %slice3A_1460 = vector.extract_strided_slice %add3A_1439 {offsets = [7], sizes = [1], strides = [1]} : vector<16xf32> to vector<1xf32>
    %squeeze3A_1461 = vector.extract %slice3A_1460[0] : f32 from vector<1xf32>
    %add3A_1462 = arith.addf %add3A_1459, %squeeze3A_1461 : f32
    %slice3A_1463 = vector.extract_strided_slice %add3A_1439 {offsets = [8], sizes = [1], strides = [1]} : vector<16xf32> to vector<1xf32>
    %squeeze3A_1464 = vector.extract %slice3A_1463[0] : f32 from vector<1xf32>
    %add3A_1465 = arith.addf %add3A_1462, %squeeze3A_1464 : f32
    %slice3A_1466 = vector.extract_strided_slice %add3A_1439 {offsets = [9], sizes = [1], strides = [1]} : vector<16xf32> to vector<1xf32>
    %squeeze3A_1467 = vector.extract %slice3A_1466[0] : f32 from vector<1xf32>
    %add3A_1468 = arith.addf %add3A_1465, %squeeze3A_1467 : f32
    %slice3A_1469 = vector.extract_strided_slice %add3A_1439 {offsets = [10], sizes = [1], strides = [1]} : vector<16xf32> to vector<1xf32>
    %squeeze3A_1470 = vector.extract %slice3A_1469[0] : f32 from vector<1xf32>
    %add3A_1471 = arith.addf %add3A_1468, %squeeze3A_1470 : f32
    %slice3A_1472 = vector.extract_strided_slice %add3A_1439 {offsets = [11], sizes = [1], strides = [1]} : vector<16xf32> to vector<1xf32>
    %squeeze3A_1473 = vector.extract %slice3A_1472[0] : f32 from vector<1xf32>
    %add3A_1474 = arith.addf %add3A_1471, %squeeze3A_1473 : f32
    %slice3A_1475 = vector.extract_strided_slice %add3A_1439 {offsets = [12], sizes = [1], strides = [1]} : vector<16xf32> to vector<1xf32>
    %squeeze3A_1476 = vector.extract %slice3A_1475[0] : f32 from vector<1xf32>
    %add3A_1477 = arith.addf %add3A_1474, %squeeze3A_1476 : f32
    %slice3A_1478 = vector.extract_strided_slice %add3A_1439 {offsets = [13], sizes = [1], strides = [1]} : vector<16xf32> to vector<1xf32>
    %squeeze3A_1479 = vector.extract %slice3A_1478[0] : f32 from vector<1xf32>
    %add3A_1480 = arith.addf %add3A_1477, %squeeze3A_1479 : f32
    %slice3A_1481 = vector.extract_strided_slice %add3A_1439 {offsets = [14], sizes = [1], strides = [1]} : vector<16xf32> to vector<1xf32>
    %squeeze3A_1482 = vector.extract %slice3A_1481[0] : f32 from vector<1xf32>
    %add3A_1483 = arith.addf %add3A_1480, %squeeze3A_1482 : f32
    %slice3A_1484 = vector.extract_strided_slice %add3A_1439 {offsets = [15], sizes = [1], strides = [1]} : vector<16xf32> to vector<1xf32>
    %squeeze3A_1485 = vector.extract %slice3A_1484[0] : f32 from vector<1xf32>
    %add3A_1486 = arith.addf %add3A_1483, %squeeze3A_1485 : f32
    %get3A_1487 = arith.constant 0 : i32
    %get3A_1488 = arith.index_cast %get3A_1487 : i32 to index
    %get3A_1489 = arith.constant 0 : index
    %get3A_1490 = tpu.vector_load %arg7[%get3A_1488, %get3A_1489] {strides = array<i32>} : memref<8x128xf32, #tpu.memory_space<vmem>>, vector<16xf32>,
    %div3A = vector.broadcast %add3A_1486 : f32 to vector<16xf32>
    %div3A_1491 = arith.divf %get3A_1490, %div3A : vector<16xf32>
    %swap3A_1492 = arith.constant 0 : i32
    %swap3A_1493 = arith.index_cast %swap3A_1492 : i32 to index
    %swap3A_1494 = arith.constant 0 : index
    %swap3A_1495 = tpu.vector_load %arg7[%swap3A_1493, %swap3A_1494] {strides = array<i32>} : memref<8x128xf32, #tpu.memory_space<vmem>>, vector<16xf32>,
    tpu.vector_store %arg7[%swap3A_1493, %swap3A_1494], %div3A_1491 {strides = array<i32>} : memref<8x128xf32, #tpu.memory_space<vmem>>, vector<16xf32>,
    %get3A_1496 = arith.constant 0 : i32
    %get3A_1497 = arith.index_cast %get3A_1496 : i32 to index
    %get3A_1498 = arith.constant 16 : index
    %get3A_1499 = tpu.vector_load %arg7[%get3A_1497, %get3A_1498] {strides = array<i32>} : memref<8x128xf32, #tpu.memory_space<vmem>>, vector<16xf32>,
    %div3A_1500 = vector.broadcast %add3A_1486 : f32 to vector<16xf32>
    %div3A_1501 = arith.divf %get3A_1499, %div3A_1500 : vector<16xf32>
    %swap3A_1502 = arith.constant 0 : i32
    %swap3A_1503 = arith.index_cast %swap3A_1502 : i32 to index
    %swap3A_1504 = arith.constant 16 : index
    %swap3A_1505 = tpu.vector_load %arg7[%swap3A_1503, %swap3A_1504] {strides = array<i32>} : memref<8x128xf32, #tpu.memory_space<vmem>>, vector<16xf32>,
    tpu.vector_store %arg7[%swap3A_1503, %swap3A_1504], %div3A_1501 {strides = array<i32>} : memref<8x128xf32, #tpu.memory_space<vmem>>, vector<16xf32>,
    %get3A_1506 = arith.constant 0 : i32
    %get3A_1507 = arith.index_cast %get3A_1506 : i32 to index
    %get3A_1508 = arith.constant 32 : index
    %get3A_1509 = tpu.vector_load %arg7[%get3A_1507, %get3A_1508] {strides = array<i32>} : memref<8x128xf32, #tpu.memory_space<vmem>>, vector<16xf32>,
    %div3A_1510 = vector.broadcast %add3A_1486 : f32 to vector<16xf32>
    %div3A_1511 = arith.divf %get3A_1509, %div3A_1510 : vector<16xf32>
    %swap3A_1512 = arith.constant 0 : i32
    %swap3A_1513 = arith.index_cast %swap3A_1512 : i32 to index
    %swap3A_1514 = arith.constant 32 : index
    %swap3A_1515 = tpu.vector_load %arg7[%swap3A_1513, %swap3A_1514] {strides = array<i32>} : memref<8x128xf32, #tpu.memory_space<vmem>>, vector<16xf32>,
    tpu.vector_store %arg7[%swap3A_1513, %swap3A_1514], %div3A_1511 {strides = array<i32>} : memref<8x128xf32, #tpu.memory_space<vmem>>, vector<16xf32>,
    %get3A_1516 = arith.constant 0 : i32
    %get3A_1517 = arith.index_cast %get3A_1516 : i32 to index
    %get3A_1518 = arith.constant 48 : index
    %get3A_1519 = tpu.vector_load %arg7[%get3A_1517, %get3A_1518] {strides = array<i32>} : memref<8x128xf32, #tpu.memory_space<vmem>>, vector<16xf32>,
    %div3A_1520 = vector.broadcast %add3A_1486 : f32 to vector<16xf32>
    %div3A_1521 = arith.divf %get3A_1519, %div3A_1520 : vector<16xf32>
    %swap3A_1522 = arith.constant 0 : i32
    %swap3A_1523 = arith.index_cast %swap3A_1522 : i32 to index
    %swap3A_1524 = arith.constant 48 : index
    %swap3A_1525 = tpu.vector_load %arg7[%swap3A_1523, %swap3A_1524] {strides = array<i32>} : memref<8x128xf32, #tpu.memory_space<vmem>>, vector<16xf32>,
    tpu.vector_store %arg7[%swap3A_1523, %swap3A_1524], %div3A_1521 {strides = array<i32>} : memref<8x128xf32, #tpu.memory_space<vmem>>, vector<16xf32>,
    %get3A_1526 = arith.constant 0 : i32
    %get3A_1527 = arith.index_cast %get3A_1526 : i32 to index
    %get3A_1528 = arith.constant 64 : index
    %get3A_1529 = tpu.vector_load %arg7[%get3A_1527, %get3A_1528] {strides = array<i32>} : memref<8x128xf32, #tpu.memory_space<vmem>>, vector<16xf32>,
    %div3A_1530 = vector.broadcast %add3A_1486 : f32 to vector<16xf32>
    %div3A_1531 = arith.divf %get3A_1529, %div3A_1530 : vector<16xf32>
    %swap3A_1532 = arith.constant 0 : i32
    %swap3A_1533 = arith.index_cast %swap3A_1532 : i32 to index
    %swap3A_1534 = arith.constant 64 : index
    %swap3A_1535 = tpu.vector_load %arg7[%swap3A_1533, %swap3A_1534] {strides = array<i32>} : memref<8x128xf32, #tpu.memory_space<vmem>>, vector<16xf32>,
    tpu.vector_store %arg7[%swap3A_1533, %swap3A_1534], %div3A_1531 {strides = array<i32>} : memref<8x128xf32, #tpu.memory_space<vmem>>, vector<16xf32>,
    %get3A_1536 = arith.constant 0 : i32
    %get3A_1537 = arith.index_cast %get3A_1536 : i32 to index
    %get3A_1538 = arith.constant 80 : index
    %get3A_1539 = tpu.vector_load %arg7[%get3A_1537, %get3A_1538] {strides = array<i32>} : memref<8x128xf32, #tpu.memory_space<vmem>>, vector<16xf32>,
    %div3A_1540 = vector.broadcast %add3A_1486 : f32 to vector<16xf32>
    %div3A_1541 = arith.divf %get3A_1539, %div3A_1540 : vector<16xf32>
    %swap3A_1542 = arith.constant 0 : i32
    %swap3A_1543 = arith.index_cast %swap3A_1542 : i32 to index
    %swap3A_1544 = arith.constant 80 : index
    %swap3A_1545 = tpu.vector_load %arg7[%swap3A_1543, %swap3A_1544] {strides = array<i32>} : memref<8x128xf32, #tpu.memory_space<vmem>>, vector<16xf32>,
    tpu.vector_store %arg7[%swap3A_1543, %swap3A_1544], %div3A_1541 {strides = array<i32>} : memref<8x128xf32, #tpu.memory_space<vmem>>, vector<16xf32>,
    %get3A_1546 = arith.constant 0 : i32
    %get3A_1547 = arith.index_cast %get3A_1546 : i32 to index
    %get3A_1548 = arith.constant 96 : index
    %get3A_1549 = tpu.vector_load %arg7[%get3A_1547, %get3A_1548] {strides = array<i32>} : memref<8x128xf32, #tpu.memory_space<vmem>>, vector<16xf32>,
    %div3A_1550 = vector.broadcast %add3A_1486 : f32 to vector<16xf32>
    %div3A_1551 = arith.divf %get3A_1549, %div3A_1550 : vector<16xf32>
    %swap3A_1552 = arith.constant 0 : i32
    %swap3A_1553 = arith.index_cast %swap3A_1552 : i32 to index
    %swap3A_1554 = arith.constant 96 : index
    %swap3A_1555 = tpu.vector_load %arg7[%swap3A_1553, %swap3A_1554] {strides = array<i32>} : memref<8x128xf32, #tpu.memory_space<vmem>>, vector<16xf32>,
    tpu.vector_store %arg7[%swap3A_1553, %swap3A_1554], %div3A_1551 {strides = array<i32>} : memref<8x128xf32, #tpu.memory_space<vmem>>, vector<16xf32>,
    %get3A_1556 = arith.constant 0 : i32
    %get3A_1557 = arith.index_cast %get3A_1556 : i32 to index
    %get3A_1558 = arith.constant 112 : index
    %get3A_1559 = tpu.vector_load %arg7[%get3A_1557, %get3A_1558] {strides = array<i32>} : memref<8x128xf32, #tpu.memory_space<vmem>>, vector<16xf32>,
    %div3A_1560 = vector.broadcast %add3A_1486 : f32 to vector<16xf32>
    %div3A_1561 = arith.divf %get3A_1559, %div3A_1560 : vector<16xf32>
    %swap3A_1562 = arith.constant 0 : i32
    %swap3A_1563 = arith.index_cast %swap3A_1562 : i32 to index
    %swap3A_1564 = arith.constant 112 : index
    %swap3A_1565 = tpu.vector_load %arg7[%swap3A_1563, %swap3A_1564] {strides = array<i32>} : memref<8x128xf32, #tpu.memory_space<vmem>>, vector<16xf32>,
    tpu.vector_store %arg7[%swap3A_1563, %swap3A_1564], %div3A_1561 {strides = array<i32>} : memref<8x128xf32, #tpu.memory_space<vmem>>, vector<16xf32>,
    %get3A_1566 = arith.constant 1 : i32
    %get3A_1567 = arith.index_cast %get3A_1566 : i32 to index
    %get3A_1568 = arith.constant 0 : index
    %get3A_1569 = tpu.vector_load %arg7[%get3A_1567, %get3A_1568] {strides = array<i32>} : memref<8x128xf32, #tpu.memory_space<vmem>>, vector<16xf32>,
    %div3A_1570 = vector.broadcast %add3A_1486 : f32 to vector<16xf32>
    %div3A_1571 = arith.divf %get3A_1569, %div3A_1570 : vector<16xf32>
    %swap3A_1572 = arith.constant 1 : i32
    %swap3A_1573 = arith.index_cast %swap3A_1572 : i32 to index
    %swap3A_1574 = arith.constant 0 : index
    %swap3A_1575 = tpu.vector_load %arg7[%swap3A_1573, %swap3A_1574] {strides = array<i32>} : memref<8x128xf32, #tpu.memory_space<vmem>>, vector<16xf32>,
    tpu.vector_store %arg7[%swap3A_1573, %swap3A_1574], %div3A_1571 {strides = array<i32>} : memref<8x128xf32, #tpu.memory_space<vmem>>, vector<16xf32>,
    %get3A_1576 = arith.constant 1 : i32
    %get3A_1577 = arith.index_cast %get3A_1576 : i32 to index
    %get3A_1578 = arith.constant 16 : index
    %get3A_1579 = tpu.vector_load %arg7[%get3A_1577, %get3A_1578] {strides = array<i32>} : memref<8x128xf32, #tpu.memory_space<vmem>>, vector<16xf32>,
    %div3A_1580 = vector.broadcast %add3A_1486 : f32 to vector<16xf32>
    %div3A_1581 = arith.divf %get3A_1579, %div3A_1580 : vector<16xf32>
    %swap3A_1582 = arith.constant 1 : i32
    %swap3A_1583 = arith.index_cast %swap3A_1582 : i32 to index
    %swap3A_1584 = arith.constant 16 : index
    %swap3A_1585 = tpu.vector_load %arg7[%swap3A_1583, %swap3A_1584] {strides = array<i32>} : memref<8x128xf32, #tpu.memory_space<vmem>>, vector<16xf32>,
    tpu.vector_store %arg7[%swap3A_1583, %swap3A_1584], %div3A_1581 {strides = array<i32>} : memref<8x128xf32, #tpu.memory_space<vmem>>, vector<16xf32>,
    %get3A_1586 = arith.constant 1 : i32
    %get3A_1587 = arith.index_cast %get3A_1586 : i32 to index
    %get3A_1588 = arith.constant 32 : index
    %get3A_1589 = tpu.vector_load %arg7[%get3A_1587, %get3A_1588] {strides = array<i32>} : memref<8x128xf32, #tpu.memory_space<vmem>>, vector<16xf32>,
    %div3A_1590 = vector.broadcast %add3A_1486 : f32 to vector<16xf32>
    %div3A_1591 = arith.divf %get3A_1589, %div3A_1590 : vector<16xf32>
    %swap3A_1592 = arith.constant 1 : i32
    %swap3A_1593 = arith.index_cast %swap3A_1592 : i32 to index
    %swap3A_1594 = arith.constant 32 : index
    %swap3A_1595 = tpu.vector_load %arg7[%swap3A_1593, %swap3A_1594] {strides = array<i32>} : memref<8x128xf32, #tpu.memory_space<vmem>>, vector<16xf32>,
    tpu.vector_store %arg7[%swap3A_1593, %swap3A_1594], %div3A_1591 {strides = array<i32>} : memref<8x128xf32, #tpu.memory_space<vmem>>, vector<16xf32>,
    %get3A_1596 = arith.constant 1 : i32
    %get3A_1597 = arith.index_cast %get3A_1596 : i32 to index
    %get3A_1598 = arith.constant 48 : index
    %get3A_1599 = tpu.vector_load %arg7[%get3A_1597, %get3A_1598] {strides = array<i32>} : memref<8x128xf32, #tpu.memory_space<vmem>>, vector<16xf32>,
    %div3A_1600 = vector.broadcast %add3A_1486 : f32 to vector<16xf32>
    %div3A_1601 = arith.divf %get3A_1599, %div3A_1600 : vector<16xf32>
    %swap3A_1602 = arith.constant 1 : i32
    %swap3A_1603 = arith.index_cast %swap3A_1602 : i32 to index
    %swap3A_1604 = arith.constant 48 : index
    %swap3A_1605 = tpu.vector_load %arg7[%swap3A_1603, %swap3A_1604] {strides = array<i32>} : memref<8x128xf32, #tpu.memory_space<vmem>>, vector<16xf32>,
    tpu.vector_store %arg7[%swap3A_1603, %swap3A_1604], %div3A_1601 {strides = array<i32>} : memref<8x128xf32, #tpu.memory_space<vmem>>, vector<16xf32>,
    %get3A_1606 = arith.constant 1 : i32
    %get3A_1607 = arith.index_cast %get3A_1606 : i32 to index
    %get3A_1608 = arith.constant 64 : index
    %get3A_1609 = tpu.vector_load %arg7[%get3A_1607, %get3A_1608] {strides = array<i32>} : memref<8x128xf32, #tpu.memory_space<vmem>>, vector<16xf32>,
    %div3A_1610 = vector.broadcast %add3A_1486 : f32 to vector<16xf32>
    %div3A_1611 = arith.divf %get3A_1609, %div3A_1610 : vector<16xf32>
    %swap3A_1612 = arith.constant 1 : i32
    %swap3A_1613 = arith.index_cast %swap3A_1612 : i32 to index
    %swap3A_1614 = arith.constant 64 : index
    %swap3A_1615 = tpu.vector_load %arg7[%swap3A_1613, %swap3A_1614] {strides = array<i32>} : memref<8x128xf32, #tpu.memory_space<vmem>>, vector<16xf32>,
    tpu.vector_store %arg7[%swap3A_1613, %swap3A_1614], %div3A_1611 {strides = array<i32>} : memref<8x128xf32, #tpu.memory_space<vmem>>, vector<16xf32>,
    %get3A_1616 = arith.constant 1 : i32
    %get3A_1617 = arith.index_cast %get3A_1616 : i32 to index
    %get3A_1618 = arith.constant 80 : index
    %get3A_1619 = tpu.vector_load %arg7[%get3A_1617, %get3A_1618] {strides = array<i32>} : memref<8x128xf32, #tpu.memory_space<vmem>>, vector<16xf32>,
    %div3A_1620 = vector.broadcast %add3A_1486 : f32 to vector<16xf32>
    %div3A_1621 = arith.divf %get3A_1619, %div3A_1620 : vector<16xf32>
    %swap3A_1622 = arith.constant 1 : i32
    %swap3A_1623 = arith.index_cast %swap3A_1622 : i32 to index
    %swap3A_1624 = arith.constant 80 : index
    %swap3A_1625 = tpu.vector_load %arg7[%swap3A_1623, %swap3A_1624] {strides = array<i32>} : memref<8x128xf32, #tpu.memory_space<vmem>>, vector<16xf32>,
    tpu.vector_store %arg7[%swap3A_1623, %swap3A_1624], %div3A_1621 {strides = array<i32>} : memref<8x128xf32, #tpu.memory_space<vmem>>, vector<16xf32>,
    %get3A_1626 = arith.constant 1 : i32
    %get3A_1627 = arith.index_cast %get3A_1626 : i32 to index
    %get3A_1628 = arith.constant 96 : index
    %get3A_1629 = tpu.vector_load %arg7[%get3A_1627, %get3A_1628] {strides = array<i32>} : memref<8x128xf32, #tpu.memory_space<vmem>>, vector<16xf32>,
    %div3A_1630 = vector.broadcast %add3A_1486 : f32 to vector<16xf32>
    %div3A_1631 = arith.divf %get3A_1629, %div3A_1630 : vector<16xf32>
    %swap3A_1632 = arith.constant 1 : i32
    %swap3A_1633 = arith.index_cast %swap3A_1632 : i32 to index
    %swap3A_1634 = arith.constant 96 : index
    %swap3A_1635 = tpu.vector_load %arg7[%swap3A_1633, %swap3A_1634] {strides = array<i32>} : memref<8x128xf32, #tpu.memory_space<vmem>>, vector<16xf32>,
    tpu.vector_store %arg7[%swap3A_1633, %swap3A_1634], %div3A_1631 {strides = array<i32>} : memref<8x128xf32, #tpu.memory_space<vmem>>, vector<16xf32>,
    %get3A_1636 = arith.constant 1 : i32
    %get3A_1637 = arith.index_cast %get3A_1636 : i32 to index
    %get3A_1638 = arith.constant 112 : index
    %get3A_1639 = tpu.vector_load %arg7[%get3A_1637, %get3A_1638] {strides = array<i32>} : memref<8x128xf32, #tpu.memory_space<vmem>>, vector<16xf32>,
    %div3A_1640 = vector.broadcast %add3A_1486 : f32 to vector<16xf32>
    %div3A_1641 = arith.divf %get3A_1639, %div3A_1640 : vector<16xf32>
    %swap3A_1642 = arith.constant 1 : i32
    %swap3A_1643 = arith.index_cast %swap3A_1642 : i32 to index
    %swap3A_1644 = arith.constant 112 : index
    %swap3A_1645 = tpu.vector_load %arg7[%swap3A_1643, %swap3A_1644] {strides = array<i32>} : memref<8x128xf32, #tpu.memory_space<vmem>>, vector<16xf32>,
    tpu.vector_store %arg7[%swap3A_1643, %swap3A_1644], %div3A_1641 {strides = array<i32>} : memref<8x128xf32, #tpu.memory_space<vmem>>, vector<16xf32>,
    %get3A_1646 = arith.constant 2 : i32
    %get3A_1647 = arith.index_cast %get3A_1646 : i32 to index
    %get3A_1648 = arith.constant 0 : index
    %get3A_1649 = tpu.vector_load %arg7[%get3A_1647, %get3A_1648] {strides = array<i32>} : memref<8x128xf32, #tpu.memory_space<vmem>>, vector<16xf32>,
    %div3A_1650 = vector.broadcast %add3A_1486 : f32 to vector<16xf32>
    %div3A_1651 = arith.divf %get3A_1649, %div3A_1650 : vector<16xf32>
    %swap3A_1652 = arith.constant 2 : i32
    %swap3A_1653 = arith.index_cast %swap3A_1652 : i32 to index
    %swap3A_1654 = arith.constant 0 : index
    %swap3A_1655 = tpu.vector_load %arg7[%swap3A_1653, %swap3A_1654] {strides = array<i32>} : memref<8x128xf32, #tpu.memory_space<vmem>>, vector<16xf32>,
    tpu.vector_store %arg7[%swap3A_1653, %swap3A_1654], %div3A_1651 {strides = array<i32>} : memref<8x128xf32, #tpu.memory_space<vmem>>, vector<16xf32>,
    %get3A_1656 = arith.constant 2 : i32
    %get3A_1657 = arith.index_cast %get3A_1656 : i32 to index
    %get3A_1658 = arith.constant 16 : index
    %get3A_1659 = tpu.vector_load %arg7[%get3A_1657, %get3A_1658] {strides = array<i32>} : memref<8x128xf32, #tpu.memory_space<vmem>>, vector<16xf32>,
    %div3A_1660 = vector.broadcast %add3A_1486 : f32 to vector<16xf32>
    %div3A_1661 = arith.divf %get3A_1659, %div3A_1660 : vector<16xf32>
    %swap3A_1662 = arith.constant 2 : i32
    %swap3A_1663 = arith.index_cast %swap3A_1662 : i32 to index
    %swap3A_1664 = arith.constant 16 : index
    %swap3A_1665 = tpu.vector_load %arg7[%swap3A_1663, %swap3A_1664] {strides = array<i32>} : memref<8x128xf32, #tpu.memory_space<vmem>>, vector<16xf32>,
    tpu.vector_store %arg7[%swap3A_1663, %swap3A_1664], %div3A_1661 {strides = array<i32>} : memref<8x128xf32, #tpu.memory_space<vmem>>, vector<16xf32>,
    %get3A_1666 = arith.constant 2 : i32
    %get3A_1667 = arith.index_cast %get3A_1666 : i32 to index
    %get3A_1668 = arith.constant 32 : index
    %get3A_1669 = tpu.vector_load %arg7[%get3A_1667, %get3A_1668] {strides = array<i32>} : memref<8x128xf32, #tpu.memory_space<vmem>>, vector<16xf32>,
    %div3A_1670 = vector.broadcast %add3A_1486 : f32 to vector<16xf32>
    %div3A_1671 = arith.divf %get3A_1669, %div3A_1670 : vector<16xf32>
    %swap3A_1672 = arith.constant 2 : i32
    %swap3A_1673 = arith.index_cast %swap3A_1672 : i32 to index
    %swap3A_1674 = arith.constant 32 : index
    %swap3A_1675 = tpu.vector_load %arg7[%swap3A_1673, %swap3A_1674] {strides = array<i32>} : memref<8x128xf32, #tpu.memory_space<vmem>>, vector<16xf32>,
    tpu.vector_store %arg7[%swap3A_1673, %swap3A_1674], %div3A_1671 {strides = array<i32>} : memref<8x128xf32, #tpu.memory_space<vmem>>, vector<16xf32>,
    %get3A_1676 = arith.constant 2 : i32
    %get3A_1677 = arith.index_cast %get3A_1676 : i32 to index
    %get3A_1678 = arith.constant 48 : index
    %get3A_1679 = tpu.vector_load %arg7[%get3A_1677, %get3A_1678] {strides = array<i32>} : memref<8x128xf32, #tpu.memory_space<vmem>>, vector<16xf32>,
    %div3A_1680 = vector.broadcast %add3A_1486 : f32 to vector<16xf32>
    %div3A_1681 = arith.divf %get3A_1679, %div3A_1680 : vector<16xf32>
    %swap3A_1682 = arith.constant 2 : i32
    %swap3A_1683 = arith.index_cast %swap3A_1682 : i32 to index
    %swap3A_1684 = arith.constant 48 : index
    %swap3A_1685 = tpu.vector_load %arg7[%swap3A_1683, %swap3A_1684] {strides = array<i32>} : memref<8x128xf32, #tpu.memory_space<vmem>>, vector<16xf32>,
    tpu.vector_store %arg7[%swap3A_1683, %swap3A_1684], %div3A_1681 {strides = array<i32>} : memref<8x128xf32, #tpu.memory_space<vmem>>, vector<16xf32>,
    %get3A_1686 = arith.constant 2 : i32
    %get3A_1687 = arith.index_cast %get3A_1686 : i32 to index
    %get3A_1688 = arith.constant 64 : index
    %get3A_1689 = tpu.vector_load %arg7[%get3A_1687, %get3A_1688] {strides = array<i32>} : memref<8x128xf32, #tpu.memory_space<vmem>>, vector<16xf32>,
    %div3A_1690 = vector.broadcast %add3A_1486 : f32 to vector<16xf32>
    %div3A_1691 = arith.divf %get3A_1689, %div3A_1690 : vector<16xf32>
    %swap3A_1692 = arith.constant 2 : i32
    %swap3A_1693 = arith.index_cast %swap3A_1692 : i32 to index
    %swap3A_1694 = arith.constant 64 : index
    %swap3A_1695 = tpu.vector_load %arg7[%swap3A_1693, %swap3A_1694] {strides = array<i32>} : memref<8x128xf32, #tpu.memory_space<vmem>>, vector<16xf32>,
    tpu.vector_store %arg7[%swap3A_1693, %swap3A_1694], %div3A_1691 {strides = array<i32>} : memref<8x128xf32, #tpu.memory_space<vmem>>, vector<16xf32>,
    %get3A_1696 = arith.constant 2 : i32
    %get3A_1697 = arith.index_cast %get3A_1696 : i32 to index
    %get3A_1698 = arith.constant 80 : index
    %get3A_1699 = tpu.vector_load %arg7[%get3A_1697, %get3A_1698] {strides = array<i32>} : memref<8x128xf32, #tpu.memory_space<vmem>>, vector<16xf32>,
    %div3A_1700 = vector.broadcast %add3A_1486 : f32 to vector<16xf32>
    %div3A_1701 = arith.divf %get3A_1699, %div3A_1700 : vector<16xf32>
    %swap3A_1702 = arith.constant 2 : i32
    %swap3A_1703 = arith.index_cast %swap3A_1702 : i32 to index
    %swap3A_1704 = arith.constant 80 : index
    %swap3A_1705 = tpu.vector_load %arg7[%swap3A_1703, %swap3A_1704] {strides = array<i32>} : memref<8x128xf32, #tpu.memory_space<vmem>>, vector<16xf32>,
    tpu.vector_store %arg7[%swap3A_1703, %swap3A_1704], %div3A_1701 {strides = array<i32>} : memref<8x128xf32, #tpu.memory_space<vmem>>, vector<16xf32>,
    %get3A_1706 = arith.constant 2 : i32
    %get3A_1707 = arith.index_cast %get3A_1706 : i32 to index
    %get3A_1708 = arith.constant 96 : index
    %get3A_1709 = tpu.vector_load %arg7[%get3A_1707, %get3A_1708] {strides = array<i32>} : memref<8x128xf32, #tpu.memory_space<vmem>>, vector<16xf32>,
    %div3A_1710 = vector.broadcast %add3A_1486 : f32 to vector<16xf32>
    %div3A_1711 = arith.divf %get3A_1709, %div3A_1710 : vector<16xf32>
    %swap3A_1712 = arith.constant 2 : i32
    %swap3A_1713 = arith.index_cast %swap3A_1712 : i32 to index
    %swap3A_1714 = arith.constant 96 : index
    %swap3A_1715 = tpu.vector_load %arg7[%swap3A_1713, %swap3A_1714] {strides = array<i32>} : memref<8x128xf32, #tpu.memory_space<vmem>>, vector<16xf32>,
    tpu.vector_store %arg7[%swap3A_1713, %swap3A_1714], %div3A_1711 {strides = array<i32>} : memref<8x128xf32, #tpu.memory_space<vmem>>, vector<16xf32>,
    %get3A_1716 = arith.constant 2 : i32
    %get3A_1717 = arith.index_cast %get3A_1716 : i32 to index
    %get3A_1718 = arith.constant 112 : index
    %get3A_1719 = tpu.vector_load %arg7[%get3A_1717, %get3A_1718] {strides = array<i32>} : memref<8x128xf32, #tpu.memory_space<vmem>>, vector<16xf32>,
    %div3A_1720 = vector.broadcast %add3A_1486 : f32 to vector<16xf32>
    %div3A_1721 = arith.divf %get3A_1719, %div3A_1720 : vector<16xf32>
    %swap3A_1722 = arith.constant 2 : i32
    %swap3A_1723 = arith.index_cast %swap3A_1722 : i32 to index
    %swap3A_1724 = arith.constant 112 : index
    %swap3A_1725 = tpu.vector_load %arg7[%swap3A_1723, %swap3A_1724] {strides = array<i32>} : memref<8x128xf32, #tpu.memory_space<vmem>>, vector<16xf32>,
    tpu.vector_store %arg7[%swap3A_1723, %swap3A_1724], %div3A_1721 {strides = array<i32>} : memref<8x128xf32, #tpu.memory_space<vmem>>, vector<16xf32>,
    %get3A_1726 = arith.constant 3 : i32
    %get3A_1727 = arith.index_cast %get3A_1726 : i32 to index
    %get3A_1728 = arith.constant 0 : index
    %get3A_1729 = tpu.vector_load %arg7[%get3A_1727, %get3A_1728] {strides = array<i32>} : memref<8x128xf32, #tpu.memory_space<vmem>>, vector<16xf32>,
    %div3A_1730 = vector.broadcast %add3A_1486 : f32 to vector<16xf32>
    %div3A_1731 = arith.divf %get3A_1729, %div3A_1730 : vector<16xf32>
    %swap3A_1732 = arith.constant 3 : i32
    %swap3A_1733 = arith.index_cast %swap3A_1732 : i32 to index
    %swap3A_1734 = arith.constant 0 : index
    %swap3A_1735 = tpu.vector_load %arg7[%swap3A_1733, %swap3A_1734] {strides = array<i32>} : memref<8x128xf32, #tpu.memory_space<vmem>>, vector<16xf32>,
    tpu.vector_store %arg7[%swap3A_1733, %swap3A_1734], %div3A_1731 {strides = array<i32>} : memref<8x128xf32, #tpu.memory_space<vmem>>, vector<16xf32>,
    %get3A_1736 = arith.constant 3 : i32
    %get3A_1737 = arith.index_cast %get3A_1736 : i32 to index
    %get3A_1738 = arith.constant 16 : index
    %get3A_1739 = tpu.vector_load %arg7[%get3A_1737, %get3A_1738] {strides = array<i32>} : memref<8x128xf32, #tpu.memory_space<vmem>>, vector<16xf32>,
    %div3A_1740 = vector.broadcast %add3A_1486 : f32 to vector<16xf32>
    %div3A_1741 = arith.divf %get3A_1739, %div3A_1740 : vector<16xf32>
    %swap3A_1742 = arith.constant 3 : i32
    %swap3A_1743 = arith.index_cast %swap3A_1742 : i32 to index
    %swap3A_1744 = arith.constant 16 : index
    %swap3A_1745 = tpu.vector_load %arg7[%swap3A_1743, %swap3A_1744] {strides = array<i32>} : memref<8x128xf32, #tpu.memory_space<vmem>>, vector<16xf32>,
    tpu.vector_store %arg7[%swap3A_1743, %swap3A_1744], %div3A_1741 {strides = array<i32>} : memref<8x128xf32, #tpu.memory_space<vmem>>, vector<16xf32>,
    %get3A_1746 = arith.constant 3 : i32
    %get3A_1747 = arith.index_cast %get3A_1746 : i32 to index
    %get3A_1748 = arith.constant 32 : index
    %get3A_1749 = tpu.vector_load %arg7[%get3A_1747, %get3A_1748] {strides = array<i32>} : memref<8x128xf32, #tpu.memory_space<vmem>>, vector<16xf32>,
    %div3A_1750 = vector.broadcast %add3A_1486 : f32 to vector<16xf32>
    %div3A_1751 = arith.divf %get3A_1749, %div3A_1750 : vector<16xf32>
    %swap3A_1752 = arith.constant 3 : i32
    %swap3A_1753 = arith.index_cast %swap3A_1752 : i32 to index
    %swap3A_1754 = arith.constant 32 : index
    %swap3A_1755 = tpu.vector_load %arg7[%swap3A_1753, %swap3A_1754] {strides = array<i32>} : memref<8x128xf32, #tpu.memory_space<vmem>>, vector<16xf32>,
    tpu.vector_store %arg7[%swap3A_1753, %swap3A_1754], %div3A_1751 {strides = array<i32>} : memref<8x128xf32, #tpu.memory_space<vmem>>, vector<16xf32>,
    %get3A_1756 = arith.constant 3 : i32
    %get3A_1757 = arith.index_cast %get3A_1756 : i32 to index
    %get3A_1758 = arith.constant 48 : index
    %get3A_1759 = tpu.vector_load %arg7[%get3A_1757, %get3A_1758] {strides = array<i32>} : memref<8x128xf32, #tpu.memory_space<vmem>>, vector<16xf32>,
    %div3A_1760 = vector.broadcast %add3A_1486 : f32 to vector<16xf32>
    %div3A_1761 = arith.divf %get3A_1759, %div3A_1760 : vector<16xf32>
    %swap3A_1762 = arith.constant 3 : i32
    %swap3A_1763 = arith.index_cast %swap3A_1762 : i32 to index
    %swap3A_1764 = arith.constant 48 : index
    %swap3A_1765 = tpu.vector_load %arg7[%swap3A_1763, %swap3A_1764] {strides = array<i32>} : memref<8x128xf32, #tpu.memory_space<vmem>>, vector<16xf32>,
    tpu.vector_store %arg7[%swap3A_1763, %swap3A_1764], %div3A_1761 {strides = array<i32>} : memref<8x128xf32, #tpu.memory_space<vmem>>, vector<16xf32>,
    %get3A_1766 = arith.constant 3 : i32
    %get3A_1767 = arith.index_cast %get3A_1766 : i32 to index
    %get3A_1768 = arith.constant 64 : index
    %get3A_1769 = tpu.vector_load %arg7[%get3A_1767, %get3A_1768] {strides = array<i32>} : memref<8x128xf32, #tpu.memory_space<vmem>>, vector<16xf32>,
    %div3A_1770 = vector.broadcast %add3A_1486 : f32 to vector<16xf32>
    %div3A_1771 = arith.divf %get3A_1769, %div3A_1770 : vector<16xf32>
    %swap3A_1772 = arith.constant 3 : i32
    %swap3A_1773 = arith.index_cast %swap3A_1772 : i32 to index
    %swap3A_1774 = arith.constant 64 : index
    %swap3A_1775 = tpu.vector_load %arg7[%swap3A_1773, %swap3A_1774] {strides = array<i32>} : memref<8x128xf32, #tpu.memory_space<vmem>>, vector<16xf32>,
    tpu.vector_store %arg7[%swap3A_1773, %swap3A_1774], %div3A_1771 {strides = array<i32>} : memref<8x128xf32, #tpu.memory_space<vmem>>, vector<16xf32>,
    %get3A_1776 = arith.constant 3 : i32
    %get3A_1777 = arith.index_cast %get3A_1776 : i32 to index
    %get3A_1778 = arith.constant 80 : index
    %get3A_1779 = tpu.vector_load %arg7[%get3A_1777, %get3A_1778] {strides = array<i32>} : memref<8x128xf32, #tpu.memory_space<vmem>>, vector<16xf32>,
    %div3A_1780 = vector.broadcast %add3A_1486 : f32 to vector<16xf32>
    %div3A_1781 = arith.divf %get3A_1779, %div3A_1780 : vector<16xf32>
    %swap3A_1782 = arith.constant 3 : i32
    %swap3A_1783 = arith.index_cast %swap3A_1782 : i32 to index
    %swap3A_1784 = arith.constant 80 : index
    %swap3A_1785 = tpu.vector_load %arg7[%swap3A_1783, %swap3A_1784] {strides = array<i32>} : memref<8x128xf32, #tpu.memory_space<vmem>>, vector<16xf32>,
    tpu.vector_store %arg7[%swap3A_1783, %swap3A_1784], %div3A_1781 {strides = array<i32>} : memref<8x128xf32, #tpu.memory_space<vmem>>, vector<16xf32>,
    %get3A_1786 = arith.constant 3 : i32
    %get3A_1787 = arith.index_cast %get3A_1786 : i32 to index
    %get3A_1788 = arith.constant 96 : index
    %get3A_1789 = tpu.vector_load %arg7[%get3A_1787, %get3A_1788] {strides = array<i32>} : memref<8x128xf32, #tpu.memory_space<vmem>>, vector<16xf32>,
    %div3A_1790 = vector.broadcast %add3A_1486 : f32 to vector<16xf32>
    %div3A_1791 = arith.divf %get3A_1789, %div3A_1790 : vector<16xf32>
    %swap3A_1792 = arith.constant 3 : i32
    %swap3A_1793 = arith.index_cast %swap3A_1792 : i32 to index
    %swap3A_1794 = arith.constant 96 : index
    %swap3A_1795 = tpu.vector_load %arg7[%swap3A_1793, %swap3A_1794] {strides = array<i32>} : memref<8x128xf32, #tpu.memory_space<vmem>>, vector<16xf32>,
    tpu.vector_store %arg7[%swap3A_1793, %swap3A_1794], %div3A_1791 {strides = array<i32>} : memref<8x128xf32, #tpu.memory_space<vmem>>, vector<16xf32>,
    %get3A_1796 = arith.constant 3 : i32
    %get3A_1797 = arith.index_cast %get3A_1796 : i32 to index
    %get3A_1798 = arith.constant 112 : index
    %get3A_1799 = tpu.vector_load %arg7[%get3A_1797, %get3A_1798] {strides = array<i32>} : memref<8x128xf32, #tpu.memory_space<vmem>>, vector<16xf32>,
    %div3A_1800 = vector.broadcast %add3A_1486 : f32 to vector<16xf32>
    %div3A_1801 = arith.divf %get3A_1799, %div3A_1800 : vector<16xf32>
    %swap3A_1802 = arith.constant 3 : i32
    %swap3A_1803 = arith.index_cast %swap3A_1802 : i32 to index
    %swap3A_1804 = arith.constant 112 : index
    %swap3A_1805 = tpu.vector_load %arg7[%swap3A_1803, %swap3A_1804] {strides = array<i32>} : memref<8x128xf32, #tpu.memory_space<vmem>>, vector<16xf32>,
    tpu.vector_store %arg7[%swap3A_1803, %swap3A_1804], %div3A_1801 {strides = array<i32>} : memref<8x128xf32, #tpu.memory_space<vmem>>, vector<16xf32>,
    %get3A_1806 = arith.constant 4 : i32
    %get3A_1807 = arith.index_cast %get3A_1806 : i32 to index
    %get3A_1808 = arith.constant 0 : index
    %get3A_1809 = tpu.vector_load %arg7[%get3A_1807, %get3A_1808] {strides = array<i32>} : memref<8x128xf32, #tpu.memory_space<vmem>>, vector<16xf32>,
    %get3A_1810 = arith.constant 4 : i32
    %get3A_1811 = arith.index_cast %get3A_1810 : i32 to index
    %get3A_1812 = arith.constant 16 : index
    %get3A_1813 = tpu.vector_load %arg7[%get3A_1811, %get3A_1812] {strides = array<i32>} : memref<8x128xf32, #tpu.memory_space<vmem>>, vector<16xf32>,
    %max3A_1814 = arith.maximumf %get3A_1809, %get3A_1813 : vector<16xf32>
    %get3A_1815 = arith.constant 4 : i32
    %get3A_1816 = arith.index_cast %get3A_1815 : i32 to index
    %get3A_1817 = arith.constant 32 : index
    %get3A_1818 = tpu.vector_load %arg7[%get3A_1816, %get3A_1817] {strides = array<i32>} : memref<8x128xf32, #tpu.memory_space<vmem>>, vector<16xf32>,
    %max3A_1819 = arith.maximumf %max3A_1814, %get3A_1818 : vector<16xf32>
    %get3A_1820 = arith.constant 4 : i32
    %get3A_1821 = arith.index_cast %get3A_1820 : i32 to index
    %get3A_1822 = arith.constant 48 : index
    %get3A_1823 = tpu.vector_load %arg7[%get3A_1821, %get3A_1822] {strides = array<i32>} : memref<8x128xf32, #tpu.memory_space<vmem>>, vector<16xf32>,
    %max3A_1824 = arith.maximumf %max3A_1819, %get3A_1823 : vector<16xf32>
    %get3A_1825 = arith.constant 4 : i32
    %get3A_1826 = arith.index_cast %get3A_1825 : i32 to index
    %get3A_1827 = arith.constant 64 : index
    %get3A_1828 = tpu.vector_load %arg7[%get3A_1826, %get3A_1827] {strides = array<i32>} : memref<8x128xf32, #tpu.memory_space<vmem>>, vector<16xf32>,
    %max3A_1829 = arith.maximumf %max3A_1824, %get3A_1828 : vector<16xf32>
    %get3A_1830 = arith.constant 4 : i32
    %get3A_1831 = arith.index_cast %get3A_1830 : i32 to index
    %get3A_1832 = arith.constant 80 : index
    %get3A_1833 = tpu.vector_load %arg7[%get3A_1831, %get3A_1832] {strides = array<i32>} : memref<8x128xf32, #tpu.memory_space<vmem>>, vector<16xf32>,
    %max3A_1834 = arith.maximumf %max3A_1829, %get3A_1833 : vector<16xf32>
    %get3A_1835 = arith.constant 4 : i32
    %get3A_1836 = arith.index_cast %get3A_1835 : i32 to index
    %get3A_1837 = arith.constant 96 : index
    %get3A_1838 = tpu.vector_load %arg7[%get3A_1836, %get3A_1837] {strides = array<i32>} : memref<8x128xf32, #tpu.memory_space<vmem>>, vector<16xf32>,
    %max3A_1839 = arith.maximumf %max3A_1834, %get3A_1838 : vector<16xf32>
    %get3A_1840 = arith.constant 4 : i32
    %get3A_1841 = arith.index_cast %get3A_1840 : i32 to index
    %get3A_1842 = arith.constant 112 : index
    %get3A_1843 = tpu.vector_load %arg7[%get3A_1841, %get3A_1842] {strides = array<i32>} : memref<8x128xf32, #tpu.memory_space<vmem>>, vector<16xf32>,
    %max3A_1844 = arith.maximumf %max3A_1839, %get3A_1843 : vector<16xf32>
    %get3A_1845 = arith.constant 5 : i32
    %get3A_1846 = arith.index_cast %get3A_1845 : i32 to index
    %get3A_1847 = arith.constant 0 : index
    %get3A_1848 = tpu.vector_load %arg7[%get3A_1846, %get3A_1847] {strides = array<i32>} : memref<8x128xf32, #tpu.memory_space<vmem>>, vector<16xf32>,
    %max3A_1849 = arith.maximumf %max3A_1844, %get3A_1848 : vector<16xf32>
    %get3A_1850 = arith.constant 5 : i32
    %get3A_1851 = arith.index_cast %get3A_1850 : i32 to index
    %get3A_1852 = arith.constant 16 : index
    %get3A_1853 = tpu.vector_load %arg7[%get3A_1851, %get3A_1852] {strides = array<i32>} : memref<8x128xf32, #tpu.memory_space<vmem>>, vector<16xf32>,
    %max3A_1854 = arith.maximumf %max3A_1849, %get3A_1853 : vector<16xf32>
    %get3A_1855 = arith.constant 5 : i32
    %get3A_1856 = arith.index_cast %get3A_1855 : i32 to index
    %get3A_1857 = arith.constant 32 : index
    %get3A_1858 = tpu.vector_load %arg7[%get3A_1856, %get3A_1857] {strides = array<i32>} : memref<8x128xf32, #tpu.memory_space<vmem>>, vector<16xf32>,
    %max3A_1859 = arith.maximumf %max3A_1854, %get3A_1858 : vector<16xf32>
    %get3A_1860 = arith.constant 5 : i32
    %get3A_1861 = arith.index_cast %get3A_1860 : i32 to index
    %get3A_1862 = arith.constant 48 : index
    %get3A_1863 = tpu.vector_load %arg7[%get3A_1861, %get3A_1862] {strides = array<i32>} : memref<8x128xf32, #tpu.memory_space<vmem>>, vector<16xf32>,
    %max3A_1864 = arith.maximumf %max3A_1859, %get3A_1863 : vector<16xf32>
    %get3A_1865 = arith.constant 5 : i32
    %get3A_1866 = arith.index_cast %get3A_1865 : i32 to index
    %get3A_1867 = arith.constant 64 : index
    %get3A_1868 = tpu.vector_load %arg7[%get3A_1866, %get3A_1867] {strides = array<i32>} : memref<8x128xf32, #tpu.memory_space<vmem>>, vector<16xf32>,
    %max3A_1869 = arith.maximumf %max3A_1864, %get3A_1868 : vector<16xf32>
    %get3A_1870 = arith.constant 5 : i32
    %get3A_1871 = arith.index_cast %get3A_1870 : i32 to index
    %get3A_1872 = arith.constant 80 : index
    %get3A_1873 = tpu.vector_load %arg7[%get3A_1871, %get3A_1872] {strides = array<i32>} : memref<8x128xf32, #tpu.memory_space<vmem>>, vector<16xf32>,
    %max3A_1874 = arith.maximumf %max3A_1869, %get3A_1873 : vector<16xf32>
    %get3A_1875 = arith.constant 5 : i32
    %get3A_1876 = arith.index_cast %get3A_1875 : i32 to index
    %get3A_1877 = arith.constant 96 : index
    %get3A_1878 = tpu.vector_load %arg7[%get3A_1876, %get3A_1877] {strides = array<i32>} : memref<8x128xf32, #tpu.memory_space<vmem>>, vector<16xf32>,
    %max3A_1879 = arith.maximumf %max3A_1874, %get3A_1878 : vector<16xf32>
    %get3A_1880 = arith.constant 5 : i32
    %get3A_1881 = arith.index_cast %get3A_1880 : i32 to index
    %get3A_1882 = arith.constant 112 : index
    %get3A_1883 = tpu.vector_load %arg7[%get3A_1881, %get3A_1882] {strides = array<i32>} : memref<8x128xf32, #tpu.memory_space<vmem>>, vector<16xf32>,
    %max3A_1884 = arith.maximumf %max3A_1879, %get3A_1883 : vector<16xf32>
    %get3A_1885 = arith.constant 6 : i32
    %get3A_1886 = arith.index_cast %get3A_1885 : i32 to index
    %get3A_1887 = arith.constant 0 : index
    %get3A_1888 = tpu.vector_load %arg7[%get3A_1886, %get3A_1887] {strides = array<i32>} : memref<8x128xf32, #tpu.memory_space<vmem>>, vector<16xf32>,
    %max3A_1889 = arith.maximumf %max3A_1884, %get3A_1888 : vector<16xf32>
    %get3A_1890 = arith.constant 6 : i32
    %get3A_1891 = arith.index_cast %get3A_1890 : i32 to index
    %get3A_1892 = arith.constant 16 : index
    %get3A_1893 = tpu.vector_load %arg7[%get3A_1891, %get3A_1892] {strides = array<i32>} : memref<8x128xf32, #tpu.memory_space<vmem>>, vector<16xf32>,
    %max3A_1894 = arith.maximumf %max3A_1889, %get3A_1893 : vector<16xf32>
    %get3A_1895 = arith.constant 6 : i32
    %get3A_1896 = arith.index_cast %get3A_1895 : i32 to index
    %get3A_1897 = arith.constant 32 : index
    %get3A_1898 = tpu.vector_load %arg7[%get3A_1896, %get3A_1897] {strides = array<i32>} : memref<8x128xf32, #tpu.memory_space<vmem>>, vector<16xf32>,
    %max3A_1899 = arith.maximumf %max3A_1894, %get3A_1898 : vector<16xf32>
    %get3A_1900 = arith.constant 6 : i32
    %get3A_1901 = arith.index_cast %get3A_1900 : i32 to index
    %get3A_1902 = arith.constant 48 : index
    %get3A_1903 = tpu.vector_load %arg7[%get3A_1901, %get3A_1902] {strides = array<i32>} : memref<8x128xf32, #tpu.memory_space<vmem>>, vector<16xf32>,
    %max3A_1904 = arith.maximumf %max3A_1899, %get3A_1903 : vector<16xf32>
    %get3A_1905 = arith.constant 6 : i32
    %get3A_1906 = arith.index_cast %get3A_1905 : i32 to index
    %get3A_1907 = arith.constant 64 : index
    %get3A_1908 = tpu.vector_load %arg7[%get3A_1906, %get3A_1907] {strides = array<i32>} : memref<8x128xf32, #tpu.memory_space<vmem>>, vector<16xf32>,
    %max3A_1909 = arith.maximumf %max3A_1904, %get3A_1908 : vector<16xf32>
    %get3A_1910 = arith.constant 6 : i32
    %get3A_1911 = arith.index_cast %get3A_1910 : i32 to index
    %get3A_1912 = arith.constant 80 : index
    %get3A_1913 = tpu.vector_load %arg7[%get3A_1911, %get3A_1912] {strides = array<i32>} : memref<8x128xf32, #tpu.memory_space<vmem>>, vector<16xf32>,
    %max3A_1914 = arith.maximumf %max3A_1909, %get3A_1913 : vector<16xf32>
    %get3A_1915 = arith.constant 6 : i32
    %get3A_1916 = arith.index_cast %get3A_1915 : i32 to index
    %get3A_1917 = arith.constant 96 : index
    %get3A_1918 = tpu.vector_load %arg7[%get3A_1916, %get3A_1917] {strides = array<i32>} : memref<8x128xf32, #tpu.memory_space<vmem>>, vector<16xf32>,
    %max3A_1919 = arith.maximumf %max3A_1914, %get3A_1918 : vector<16xf32>
    %get3A_1920 = arith.constant 6 : i32
    %get3A_1921 = arith.index_cast %get3A_1920 : i32 to index
    %get3A_1922 = arith.constant 112 : index
    %get3A_1923 = tpu.vector_load %arg7[%get3A_1921, %get3A_1922] {strides = array<i32>} : memref<8x128xf32, #tpu.memory_space<vmem>>, vector<16xf32>,
    %max3A_1924 = arith.maximumf %max3A_1919, %get3A_1923 : vector<16xf32>
    %get3A_1925 = arith.constant 7 : i32
    %get3A_1926 = arith.index_cast %get3A_1925 : i32 to index
    %get3A_1927 = arith.constant 0 : index
    %get3A_1928 = tpu.vector_load %arg7[%get3A_1926, %get3A_1927] {strides = array<i32>} : memref<8x128xf32, #tpu.memory_space<vmem>>, vector<16xf32>,
    %max3A_1929 = arith.maximumf %max3A_1924, %get3A_1928 : vector<16xf32>
    %get3A_1930 = arith.constant 7 : i32
    %get3A_1931 = arith.index_cast %get3A_1930 : i32 to index
    %get3A_1932 = arith.constant 16 : index
    %get3A_1933 = tpu.vector_load %arg7[%get3A_1931, %get3A_1932] {strides = array<i32>} : memref<8x128xf32, #tpu.memory_space<vmem>>, vector<16xf32>,
    %max3A_1934 = arith.maximumf %max3A_1929, %get3A_1933 : vector<16xf32>
    %get3A_1935 = arith.constant 7 : i32
    %get3A_1936 = arith.index_cast %get3A_1935 : i32 to index
    %get3A_1937 = arith.constant 32 : index
    %get3A_1938 = tpu.vector_load %arg7[%get3A_1936, %get3A_1937] {strides = array<i32>} : memref<8x128xf32, #tpu.memory_space<vmem>>, vector<16xf32>,
    %max3A_1939 = arith.maximumf %max3A_1934, %get3A_1938 : vector<16xf32>
    %get3A_1940 = arith.constant 7 : i32
    %get3A_1941 = arith.index_cast %get3A_1940 : i32 to index
    %get3A_1942 = arith.constant 48 : index
    %get3A_1943 = tpu.vector_load %arg7[%get3A_1941, %get3A_1942] {strides = array<i32>} : memref<8x128xf32, #tpu.memory_space<vmem>>, vector<16xf32>,
    %max3A_1944 = arith.maximumf %max3A_1939, %get3A_1943 : vector<16xf32>
    %get3A_1945 = arith.constant 7 : i32
    %get3A_1946 = arith.index_cast %get3A_1945 : i32 to index
    %get3A_1947 = arith.constant 64 : index
    %get3A_1948 = tpu.vector_load %arg7[%get3A_1946, %get3A_1947] {strides = array<i32>} : memref<8x128xf32, #tpu.memory_space<vmem>>, vector<16xf32>,
    %max3A_1949 = arith.maximumf %max3A_1944, %get3A_1948 : vector<16xf32>
    %get3A_1950 = arith.constant 7 : i32
    %get3A_1951 = arith.index_cast %get3A_1950 : i32 to index
    %get3A_1952 = arith.constant 80 : index
    %get3A_1953 = tpu.vector_load %arg7[%get3A_1951, %get3A_1952] {strides = array<i32>} : memref<8x128xf32, #tpu.memory_space<vmem>>, vector<16xf32>,
    %max3A_1954 = arith.maximumf %max3A_1949, %get3A_1953 : vector<16xf32>
    %get3A_1955 = arith.constant 7 : i32
    %get3A_1956 = arith.index_cast %get3A_1955 : i32 to index
    %get3A_1957 = arith.constant 96 : index
    %get3A_1958 = tpu.vector_load %arg7[%get3A_1956, %get3A_1957] {strides = array<i32>} : memref<8x128xf32, #tpu.memory_space<vmem>>, vector<16xf32>,
    %max3A_1959 = arith.maximumf %max3A_1954, %get3A_1958 : vector<16xf32>
    %get3A_1960 = arith.constant 7 : i32
    %get3A_1961 = arith.index_cast %get3A_1960 : i32 to index
    %get3A_1962 = arith.constant 112 : index
    %get3A_1963 = tpu.vector_load %arg7[%get3A_1961, %get3A_1962] {strides = array<i32>} : memref<8x128xf32, #tpu.memory_space<vmem>>, vector<16xf32>,
    %max3A_1964 = arith.maximumf %max3A_1959, %get3A_1963 : vector<16xf32>
    %slice3A_1965 = vector.extract_strided_slice %max3A_1964 {offsets = [0], sizes = [1], strides = [1]} : vector<16xf32> to vector<1xf32>
    %squeeze3A_1966 = vector.extract %slice3A_1965[0] : f32 from vector<1xf32>
    %slice3A_1967 = vector.extract_strided_slice %max3A_1964 {offsets = [1], sizes = [1], strides = [1]} : vector<16xf32> to vector<1xf32>
    %squeeze3A_1968 = vector.extract %slice3A_1967[0] : f32 from vector<1xf32>
    %max3A_1969 = arith.maximumf %squeeze3A_1966, %squeeze3A_1968 : f32
    %slice3A_1970 = vector.extract_strided_slice %max3A_1964 {offsets = [2], sizes = [1], strides = [1]} : vector<16xf32> to vector<1xf32>
    %squeeze3A_1971 = vector.extract %slice3A_1970[0] : f32 from vector<1xf32>
    %max3A_1972 = arith.maximumf %max3A_1969, %squeeze3A_1971 : f32
    %slice3A_1973 = vector.extract_strided_slice %max3A_1964 {offsets = [3], sizes = [1], strides = [1]} : vector<16xf32> to vector<1xf32>
    %squeeze3A_1974 = vector.extract %slice3A_1973[0] : f32 from vector<1xf32>
    %max3A_1975 = arith.maximumf %max3A_1972, %squeeze3A_1974 : f32
    %slice3A_1976 = vector.extract_strided_slice %max3A_1964 {offsets = [4], sizes = [1], strides = [1]} : vector<16xf32> to vector<1xf32>
    %squeeze3A_1977 = vector.extract %slice3A_1976[0] : f32 from vector<1xf32>
    %max3A_1978 = arith.maximumf %max3A_1975, %squeeze3A_1977 : f32
    %slice3A_1979 = vector.extract_strided_slice %max3A_1964 {offsets = [5], sizes = [1], strides = [1]} : vector<16xf32> to vector<1xf32>
    %squeeze3A_1980 = vector.extract %slice3A_1979[0] : f32 from vector<1xf32>
    %max3A_1981 = arith.maximumf %max3A_1978, %squeeze3A_1980 : f32
    %slice3A_1982 = vector.extract_strided_slice %max3A_1964 {offsets = [6], sizes = [1], strides = [1]} : vector<16xf32> to vector<1xf32>
    %squeeze3A_1983 = vector.extract %slice3A_1982[0] : f32 from vector<1xf32>
    %max3A_1984 = arith.maximumf %max3A_1981, %squeeze3A_1983 : f32
    %slice3A_1985 = vector.extract_strided_slice %max3A_1964 {offsets = [7], sizes = [1], strides = [1]} : vector<16xf32> to vector<1xf32>
    %squeeze3A_1986 = vector.extract %slice3A_1985[0] : f32 from vector<1xf32>
    %max3A_1987 = arith.maximumf %max3A_1984, %squeeze3A_1986 : f32
    %slice3A_1988 = vector.extract_strided_slice %max3A_1964 {offsets = [8], sizes = [1], strides = [1]} : vector<16xf32> to vector<1xf32>
    %squeeze3A_1989 = vector.extract %slice3A_1988[0] : f32 from vector<1xf32>
    %max3A_1990 = arith.maximumf %max3A_1987, %squeeze3A_1989 : f32
    %slice3A_1991 = vector.extract_strided_slice %max3A_1964 {offsets = [9], sizes = [1], strides = [1]} : vector<16xf32> to vector<1xf32>
    %squeeze3A_1992 = vector.extract %slice3A_1991[0] : f32 from vector<1xf32>
    %max3A_1993 = arith.maximumf %max3A_1990, %squeeze3A_1992 : f32
    %slice3A_1994 = vector.extract_strided_slice %max3A_1964 {offsets = [10], sizes = [1], strides = [1]} : vector<16xf32> to vector<1xf32>
    %squeeze3A_1995 = vector.extract %slice3A_1994[0] : f32 from vector<1xf32>
    %max3A_1996 = arith.maximumf %max3A_1993, %squeeze3A_1995 : f32
    %slice3A_1997 = vector.extract_strided_slice %max3A_1964 {offsets = [11], sizes = [1], strides = [1]} : vector<16xf32> to vector<1xf32>
    %squeeze3A_1998 = vector.extract %slice3A_1997[0] : f32 from vector<1xf32>
    %max3A_1999 = arith.maximumf %max3A_1996, %squeeze3A_1998 : f32
    %slice3A_2000 = vector.extract_strided_slice %max3A_1964 {offsets = [12], sizes = [1], strides = [1]} : vector<16xf32> to vector<1xf32>
    %squeeze3A_2001 = vector.extract %slice3A_2000[0] : f32 from vector<1xf32>
    %max3A_2002 = arith.maximumf %max3A_1999, %squeeze3A_2001 : f32
    %slice3A_2003 = vector.extract_strided_slice %max3A_1964 {offsets = [13], sizes = [1], strides = [1]} : vector<16xf32> to vector<1xf32>
    %squeeze3A_2004 = vector.extract %slice3A_2003[0] : f32 from vector<1xf32>
    %max3A_2005 = arith.maximumf %max3A_2002, %squeeze3A_2004 : f32
    %slice3A_2006 = vector.extract_strided_slice %max3A_1964 {offsets = [14], sizes = [1], strides = [1]} : vector<16xf32> to vector<1xf32>
    %squeeze3A_2007 = vector.extract %slice3A_2006[0] : f32 from vector<1xf32>
    %max3A_2008 = arith.maximumf %max3A_2005, %squeeze3A_2007 : f32
    %slice3A_2009 = vector.extract_strided_slice %max3A_1964 {offsets = [15], sizes = [1], strides = [1]} : vector<16xf32> to vector<1xf32>
    %squeeze3A_2010 = vector.extract %slice3A_2009[0] : f32 from vector<1xf32>
    %max3A_2011 = arith.maximumf %max3A_2008, %squeeze3A_2010 : f32
    %broadcast_in_dim3A_2012 = arith.constant 0.000000e+00 : f32
    %broadcast_in_dim3A_2013 = vector.broadcast %broadcast_in_dim3A_2012 : f32 to vector<16xf32>
    %get3A_2014 = arith.constant 4 : i32
    %get3A_2015 = arith.index_cast %get3A_2014 : i32 to index
    %get3A_2016 = arith.constant 0 : index
    %get3A_2017 = tpu.vector_load %arg7[%get3A_2015, %get3A_2016] {strides = array<i32>} : memref<8x128xf32, #tpu.memory_space<vmem>>, vector<16xf32>,
    %sub3A_2018 = vector.broadcast %max3A_2011 : f32 to vector<16xf32>
    %sub3A_2019 = arith.subf %get3A_2017, %sub3A_2018 : vector<16xf32>
    %exp3A_2020 = math.exp %sub3A_2019 : vector<16xf32>
    %swap3A_2021 = arith.constant 4 : i32
    %swap3A_2022 = arith.index_cast %swap3A_2021 : i32 to index
    %swap3A_2023 = arith.constant 0 : index
    %swap3A_2024 = tpu.vector_load %arg7[%swap3A_2022, %swap3A_2023] {strides = array<i32>} : memref<8x128xf32, #tpu.memory_space<vmem>>, vector<16xf32>,
    tpu.vector_store %arg7[%swap3A_2022, %swap3A_2023], %exp3A_2020 {strides = array<i32>} : memref<8x128xf32, #tpu.memory_space<vmem>>, vector<16xf32>,
    %add3A_2025 = arith.addf %broadcast_in_dim3A_2013, %exp3A_2020 : vector<16xf32>
    %get3A_2026 = arith.constant 4 : i32
    %get3A_2027 = arith.index_cast %get3A_2026 : i32 to index
    %get3A_2028 = arith.constant 16 : index
    %get3A_2029 = tpu.vector_load %arg7[%get3A_2027, %get3A_2028] {strides = array<i32>} : memref<8x128xf32, #tpu.memory_space<vmem>>, vector<16xf32>,
    %sub3A_2030 = vector.broadcast %max3A_2011 : f32 to vector<16xf32>
    %sub3A_2031 = arith.subf %get3A_2029, %sub3A_2030 : vector<16xf32>
    %exp3A_2032 = math.exp %sub3A_2031 : vector<16xf32>
    %swap3A_2033 = arith.constant 4 : i32
    %swap3A_2034 = arith.index_cast %swap3A_2033 : i32 to index
    %swap3A_2035 = arith.constant 16 : index
    %swap3A_2036 = tpu.vector_load %arg7[%swap3A_2034, %swap3A_2035] {strides = array<i32>} : memref<8x128xf32, #tpu.memory_space<vmem>>, vector<16xf32>,
    tpu.vector_store %arg7[%swap3A_2034, %swap3A_2035], %exp3A_2032 {strides = array<i32>} : memref<8x128xf32, #tpu.memory_space<vmem>>, vector<16xf32>,
    %add3A_2037 = arith.addf %add3A_2025, %exp3A_2032 : vector<16xf32>
    %get3A_2038 = arith.constant 4 : i32
    %get3A_2039 = arith.index_cast %get3A_2038 : i32 to index
    %get3A_2040 = arith.constant 32 : index
    %get3A_2041 = tpu.vector_load %arg7[%get3A_2039, %get3A_2040] {strides = array<i32>} : memref<8x128xf32, #tpu.memory_space<vmem>>, vector<16xf32>,
    %sub3A_2042 = vector.broadcast %max3A_2011 : f32 to vector<16xf32>
    %sub3A_2043 = arith.subf %get3A_2041, %sub3A_2042 : vector<16xf32>
    %exp3A_2044 = math.exp %sub3A_2043 : vector<16xf32>
    %swap3A_2045 = arith.constant 4 : i32
    %swap3A_2046 = arith.index_cast %swap3A_2045 : i32 to index
    %swap3A_2047 = arith.constant 32 : index
    %swap3A_2048 = tpu.vector_load %arg7[%swap3A_2046, %swap3A_2047] {strides = array<i32>} : memref<8x128xf32, #tpu.memory_space<vmem>>, vector<16xf32>,
    tpu.vector_store %arg7[%swap3A_2046, %swap3A_2047], %exp3A_2044 {strides = array<i32>} : memref<8x128xf32, #tpu.memory_space<vmem>>, vector<16xf32>,
    %add3A_2049 = arith.addf %add3A_2037, %exp3A_2044 : vector<16xf32>
    %get3A_2050 = arith.constant 4 : i32
    %get3A_2051 = arith.index_cast %get3A_2050 : i32 to index
    %get3A_2052 = arith.constant 48 : index
    %get3A_2053 = tpu.vector_load %arg7[%get3A_2051, %get3A_2052] {strides = array<i32>} : memref<8x128xf32, #tpu.memory_space<vmem>>, vector<16xf32>,
    %sub3A_2054 = vector.broadcast %max3A_2011 : f32 to vector<16xf32>
    %sub3A_2055 = arith.subf %get3A_2053, %sub3A_2054 : vector<16xf32>
    %exp3A_2056 = math.exp %sub3A_2055 : vector<16xf32>
    %swap3A_2057 = arith.constant 4 : i32
    %swap3A_2058 = arith.index_cast %swap3A_2057 : i32 to index
    %swap3A_2059 = arith.constant 48 : index
    %swap3A_2060 = tpu.vector_load %arg7[%swap3A_2058, %swap3A_2059] {strides = array<i32>} : memref<8x128xf32, #tpu.memory_space<vmem>>, vector<16xf32>,
    tpu.vector_store %arg7[%swap3A_2058, %swap3A_2059], %exp3A_2056 {strides = array<i32>} : memref<8x128xf32, #tpu.memory_space<vmem>>, vector<16xf32>,
    %add3A_2061 = arith.addf %add3A_2049, %exp3A_2056 : vector<16xf32>
    %get3A_2062 = arith.constant 4 : i32
    %get3A_2063 = arith.index_cast %get3A_2062 : i32 to index
    %get3A_2064 = arith.constant 64 : index
    %get3A_2065 = tpu.vector_load %arg7[%get3A_2063, %get3A_2064] {strides = array<i32>} : memref<8x128xf32, #tpu.memory_space<vmem>>, vector<16xf32>,
    %sub3A_2066 = vector.broadcast %max3A_2011 : f32 to vector<16xf32>
    %sub3A_2067 = arith.subf %get3A_2065, %sub3A_2066 : vector<16xf32>
    %exp3A_2068 = math.exp %sub3A_2067 : vector<16xf32>
    %swap3A_2069 = arith.constant 4 : i32
    %swap3A_2070 = arith.index_cast %swap3A_2069 : i32 to index
    %swap3A_2071 = arith.constant 64 : index
    %swap3A_2072 = tpu.vector_load %arg7[%swap3A_2070, %swap3A_2071] {strides = array<i32>} : memref<8x128xf32, #tpu.memory_space<vmem>>, vector<16xf32>,
    tpu.vector_store %arg7[%swap3A_2070, %swap3A_2071], %exp3A_2068 {strides = array<i32>} : memref<8x128xf32, #tpu.memory_space<vmem>>, vector<16xf32>,
    %add3A_2073 = arith.addf %add3A_2061, %exp3A_2068 : vector<16xf32>
    %get3A_2074 = arith.constant 4 : i32
    %get3A_2075 = arith.index_cast %get3A_2074 : i32 to index
    %get3A_2076 = arith.constant 80 : index
    %get3A_2077 = tpu.vector_load %arg7[%get3A_2075, %get3A_2076] {strides = array<i32>} : memref<8x128xf32, #tpu.memory_space<vmem>>, vector<16xf32>,
    %sub3A_2078 = vector.broadcast %max3A_2011 : f32 to vector<16xf32>
    %sub3A_2079 = arith.subf %get3A_2077, %sub3A_2078 : vector<16xf32>
    %exp3A_2080 = math.exp %sub3A_2079 : vector<16xf32>
    %swap3A_2081 = arith.constant 4 : i32
    %swap3A_2082 = arith.index_cast %swap3A_2081 : i32 to index
    %swap3A_2083 = arith.constant 80 : index
    %swap3A_2084 = tpu.vector_load %arg7[%swap3A_2082, %swap3A_2083] {strides = array<i32>} : memref<8x128xf32, #tpu.memory_space<vmem>>, vector<16xf32>,
    tpu.vector_store %arg7[%swap3A_2082, %swap3A_2083], %exp3A_2080 {strides = array<i32>} : memref<8x128xf32, #tpu.memory_space<vmem>>, vector<16xf32>,
    %add3A_2085 = arith.addf %add3A_2073, %exp3A_2080 : vector<16xf32>
    %get3A_2086 = arith.constant 4 : i32
    %get3A_2087 = arith.index_cast %get3A_2086 : i32 to index
    %get3A_2088 = arith.constant 96 : index
    %get3A_2089 = tpu.vector_load %arg7[%get3A_2087, %get3A_2088] {strides = array<i32>} : memref<8x128xf32, #tpu.memory_space<vmem>>, vector<16xf32>,
    %sub3A_2090 = vector.broadcast %max3A_2011 : f32 to vector<16xf32>
    %sub3A_2091 = arith.subf %get3A_2089, %sub3A_2090 : vector<16xf32>
    %exp3A_2092 = math.exp %sub3A_2091 : vector<16xf32>
    %swap3A_2093 = arith.constant 4 : i32
    %swap3A_2094 = arith.index_cast %swap3A_2093 : i32 to index
    %swap3A_2095 = arith.constant 96 : index
    %swap3A_2096 = tpu.vector_load %arg7[%swap3A_2094, %swap3A_2095] {strides = array<i32>} : memref<8x128xf32, #tpu.memory_space<vmem>>, vector<16xf32>,
    tpu.vector_store %arg7[%swap3A_2094, %swap3A_2095], %exp3A_2092 {strides = array<i32>} : memref<8x128xf32, #tpu.memory_space<vmem>>, vector<16xf32>,
    %add3A_2097 = arith.addf %add3A_2085, %exp3A_2092 : vector<16xf32>
    %get3A_2098 = arith.constant 4 : i32
    %get3A_2099 = arith.index_cast %get3A_2098 : i32 to index
    %get3A_2100 = arith.constant 112 : index
    %get3A_2101 = tpu.vector_load %arg7[%get3A_2099, %get3A_2100] {strides = array<i32>} : memref<8x128xf32, #tpu.memory_space<vmem>>, vector<16xf32>,
    %sub3A_2102 = vector.broadcast %max3A_2011 : f32 to vector<16xf32>
    %sub3A_2103 = arith.subf %get3A_2101, %sub3A_2102 : vector<16xf32>
    %exp3A_2104 = math.exp %sub3A_2103 : vector<16xf32>
    %swap3A_2105 = arith.constant 4 : i32
    %swap3A_2106 = arith.index_cast %swap3A_2105 : i32 to index
    %swap3A_2107 = arith.constant 112 : index
    %swap3A_2108 = tpu.vector_load %arg7[%swap3A_2106, %swap3A_2107] {strides = array<i32>} : memref<8x128xf32, #tpu.memory_space<vmem>>, vector<16xf32>,
    tpu.vector_store %arg7[%swap3A_2106, %swap3A_2107], %exp3A_2104 {strides = array<i32>} : memref<8x128xf32, #tpu.memory_space<vmem>>, vector<16xf32>,
    %add3A_2109 = arith.addf %add3A_2097, %exp3A_2104 : vector<16xf32>
    %get3A_2110 = arith.constant 5 : i32
    %get3A_2111 = arith.index_cast %get3A_2110 : i32 to index
    %get3A_2112 = arith.constant 0 : index
    %get3A_2113 = tpu.vector_load %arg7[%get3A_2111, %get3A_2112] {strides = array<i32>} : memref<8x128xf32, #tpu.memory_space<vmem>>, vector<16xf32>,
    %sub3A_2114 = vector.broadcast %max3A_2011 : f32 to vector<16xf32>
    %sub3A_2115 = arith.subf %get3A_2113, %sub3A_2114 : vector<16xf32>
    %exp3A_2116 = math.exp %sub3A_2115 : vector<16xf32>
    %swap3A_2117 = arith.constant 5 : i32
    %swap3A_2118 = arith.index_cast %swap3A_2117 : i32 to index
    %swap3A_2119 = arith.constant 0 : index
    %swap3A_2120 = tpu.vector_load %arg7[%swap3A_2118, %swap3A_2119] {strides = array<i32>} : memref<8x128xf32, #tpu.memory_space<vmem>>, vector<16xf32>,
    tpu.vector_store %arg7[%swap3A_2118, %swap3A_2119], %exp3A_2116 {strides = array<i32>} : memref<8x128xf32, #tpu.memory_space<vmem>>, vector<16xf32>,
    %add3A_2121 = arith.addf %add3A_2109, %exp3A_2116 : vector<16xf32>
    %get3A_2122 = arith.constant 5 : i32
    %get3A_2123 = arith.index_cast %get3A_2122 : i32 to index
    %get3A_2124 = arith.constant 16 : index
    %get3A_2125 = tpu.vector_load %arg7[%get3A_2123, %get3A_2124] {strides = array<i32>} : memref<8x128xf32, #tpu.memory_space<vmem>>, vector<16xf32>,
    %sub3A_2126 = vector.broadcast %max3A_2011 : f32 to vector<16xf32>
    %sub3A_2127 = arith.subf %get3A_2125, %sub3A_2126 : vector<16xf32>
    %exp3A_2128 = math.exp %sub3A_2127 : vector<16xf32>
    %swap3A_2129 = arith.constant 5 : i32
    %swap3A_2130 = arith.index_cast %swap3A_2129 : i32 to index
    %swap3A_2131 = arith.constant 16 : index
    %swap3A_2132 = tpu.vector_load %arg7[%swap3A_2130, %swap3A_2131] {strides = array<i32>} : memref<8x128xf32, #tpu.memory_space<vmem>>, vector<16xf32>,
    tpu.vector_store %arg7[%swap3A_2130, %swap3A_2131], %exp3A_2128 {strides = array<i32>} : memref<8x128xf32, #tpu.memory_space<vmem>>, vector<16xf32>,
    %add3A_2133 = arith.addf %add3A_2121, %exp3A_2128 : vector<16xf32>
    %get3A_2134 = arith.constant 5 : i32
    %get3A_2135 = arith.index_cast %get3A_2134 : i32 to index
    %get3A_2136 = arith.constant 32 : index
    %get3A_2137 = tpu.vector_load %arg7[%get3A_2135, %get3A_2136] {strides = array<i32>} : memref<8x128xf32, #tpu.memory_space<vmem>>, vector<16xf32>,
    %sub3A_2138 = vector.broadcast %max3A_2011 : f32 to vector<16xf32>
    %sub3A_2139 = arith.subf %get3A_2137, %sub3A_2138 : vector<16xf32>
    %exp3A_2140 = math.exp %sub3A_2139 : vector<16xf32>
    %swap3A_2141 = arith.constant 5 : i32
    %swap3A_2142 = arith.index_cast %swap3A_2141 : i32 to index
    %swap3A_2143 = arith.constant 32 : index
    %swap3A_2144 = tpu.vector_load %arg7[%swap3A_2142, %swap3A_2143] {strides = array<i32>} : memref<8x128xf32, #tpu.memory_space<vmem>>, vector<16xf32>,
    tpu.vector_store %arg7[%swap3A_2142, %swap3A_2143], %exp3A_2140 {strides = array<i32>} : memref<8x128xf32, #tpu.memory_space<vmem>>, vector<16xf32>,
    %add3A_2145 = arith.addf %add3A_2133, %exp3A_2140 : vector<16xf32>
    %get3A_2146 = arith.constant 5 : i32
    %get3A_2147 = arith.index_cast %get3A_2146 : i32 to index
    %get3A_2148 = arith.constant 48 : index
    %get3A_2149 = tpu.vector_load %arg7[%get3A_2147, %get3A_2148] {strides = array<i32>} : memref<8x128xf32, #tpu.memory_space<vmem>>, vector<16xf32>,
    %sub3A_2150 = vector.broadcast %max3A_2011 : f32 to vector<16xf32>
    %sub3A_2151 = arith.subf %get3A_2149, %sub3A_2150 : vector<16xf32>
    %exp3A_2152 = math.exp %sub3A_2151 : vector<16xf32>
    %swap3A_2153 = arith.constant 5 : i32
    %swap3A_2154 = arith.index_cast %swap3A_2153 : i32 to index
    %swap3A_2155 = arith.constant 48 : index
    %swap3A_2156 = tpu.vector_load %arg7[%swap3A_2154, %swap3A_2155] {strides = array<i32>} : memref<8x128xf32, #tpu.memory_space<vmem>>, vector<16xf32>,
    tpu.vector_store %arg7[%swap3A_2154, %swap3A_2155], %exp3A_2152 {strides = array<i32>} : memref<8x128xf32, #tpu.memory_space<vmem>>, vector<16xf32>,
    %add3A_2157 = arith.addf %add3A_2145, %exp3A_2152 : vector<16xf32>
    %get3A_2158 = arith.constant 5 : i32
    %get3A_2159 = arith.index_cast %get3A_2158 : i32 to index
    %get3A_2160 = arith.constant 64 : index
    %get3A_2161 = tpu.vector_load %arg7[%get3A_2159, %get3A_2160] {strides = array<i32>} : memref<8x128xf32, #tpu.memory_space<vmem>>, vector<16xf32>,
    %sub3A_2162 = vector.broadcast %max3A_2011 : f32 to vector<16xf32>
    %sub3A_2163 = arith.subf %get3A_2161, %sub3A_2162 : vector<16xf32>
    %exp3A_2164 = math.exp %sub3A_2163 : vector<16xf32>
    %swap3A_2165 = arith.constant 5 : i32
    %swap3A_2166 = arith.index_cast %swap3A_2165 : i32 to index
    %swap3A_2167 = arith.constant 64 : index
    %swap3A_2168 = tpu.vector_load %arg7[%swap3A_2166, %swap3A_2167] {strides = array<i32>} : memref<8x128xf32, #tpu.memory_space<vmem>>, vector<16xf32>,
    tpu.vector_store %arg7[%swap3A_2166, %swap3A_2167], %exp3A_2164 {strides = array<i32>} : memref<8x128xf32, #tpu.memory_space<vmem>>, vector<16xf32>,
    %add3A_2169 = arith.addf %add3A_2157, %exp3A_2164 : vector<16xf32>
    %get3A_2170 = arith.constant 5 : i32
    %get3A_2171 = arith.index_cast %get3A_2170 : i32 to index
    %get3A_2172 = arith.constant 80 : index
    %get3A_2173 = tpu.vector_load %arg7[%get3A_2171, %get3A_2172] {strides = array<i32>} : memref<8x128xf32, #tpu.memory_space<vmem>>, vector<16xf32>,
    %sub3A_2174 = vector.broadcast %max3A_2011 : f32 to vector<16xf32>
    %sub3A_2175 = arith.subf %get3A_2173, %sub3A_2174 : vector<16xf32>
    %exp3A_2176 = math.exp %sub3A_2175 : vector<16xf32>
    %swap3A_2177 = arith.constant 5 : i32
    %swap3A_2178 = arith.index_cast %swap3A_2177 : i32 to index
    %swap3A_2179 = arith.constant 80 : index
    %swap3A_2180 = tpu.vector_load %arg7[%swap3A_2178, %swap3A_2179] {strides = array<i32>} : memref<8x128xf32, #tpu.memory_space<vmem>>, vector<16xf32>,
    tpu.vector_store %arg7[%swap3A_2178, %swap3A_2179], %exp3A_2176 {strides = array<i32>} : memref<8x128xf32, #tpu.memory_space<vmem>>, vector<16xf32>,
    %add3A_2181 = arith.addf %add3A_2169, %exp3A_2176 : vector<16xf32>
    %get3A_2182 = arith.constant 5 : i32
    %get3A_2183 = arith.index_cast %get3A_2182 : i32 to index
    %get3A_2184 = arith.constant 96 : index
    %get3A_2185 = tpu.vector_load %arg7[%get3A_2183, %get3A_2184] {strides = array<i32>} : memref<8x128xf32, #tpu.memory_space<vmem>>, vector<16xf32>,
    %sub3A_2186 = vector.broadcast %max3A_2011 : f32 to vector<16xf32>
    %sub3A_2187 = arith.subf %get3A_2185, %sub3A_2186 : vector<16xf32>
    %exp3A_2188 = math.exp %sub3A_2187 : vector<16xf32>
    %swap3A_2189 = arith.constant 5 : i32
    %swap3A_2190 = arith.index_cast %swap3A_2189 : i32 to index
    %swap3A_2191 = arith.constant 96 : index
    %swap3A_2192 = tpu.vector_load %arg7[%swap3A_2190, %swap3A_2191] {strides = array<i32>} : memref<8x128xf32, #tpu.memory_space<vmem>>, vector<16xf32>,
    tpu.vector_store %arg7[%swap3A_2190, %swap3A_2191], %exp3A_2188 {strides = array<i32>} : memref<8x128xf32, #tpu.memory_space<vmem>>, vector<16xf32>,
    %add3A_2193 = arith.addf %add3A_2181, %exp3A_2188 : vector<16xf32>
    %get3A_2194 = arith.constant 5 : i32
    %get3A_2195 = arith.index_cast %get3A_2194 : i32 to index
    %get3A_2196 = arith.constant 112 : index
    %get3A_2197 = tpu.vector_load %arg7[%get3A_2195, %get3A_2196] {strides = array<i32>} : memref<8x128xf32, #tpu.memory_space<vmem>>, vector<16xf32>,
    %sub3A_2198 = vector.broadcast %max3A_2011 : f32 to vector<16xf32>
    %sub3A_2199 = arith.subf %get3A_2197, %sub3A_2198 : vector<16xf32>
    %exp3A_2200 = math.exp %sub3A_2199 : vector<16xf32>
    %swap3A_2201 = arith.constant 5 : i32
    %swap3A_2202 = arith.index_cast %swap3A_2201 : i32 to index
    %swap3A_2203 = arith.constant 112 : index
    %swap3A_2204 = tpu.vector_load %arg7[%swap3A_2202, %swap3A_2203] {strides = array<i32>} : memref<8x128xf32, #tpu.memory_space<vmem>>, vector<16xf32>,
    tpu.vector_store %arg7[%swap3A_2202, %swap3A_2203], %exp3A_2200 {strides = array<i32>} : memref<8x128xf32, #tpu.memory_space<vmem>>, vector<16xf32>,
    %add3A_2205 = arith.addf %add3A_2193, %exp3A_2200 : vector<16xf32>
    %get3A_2206 = arith.constant 6 : i32
    %get3A_2207 = arith.index_cast %get3A_2206 : i32 to index
    %get3A_2208 = arith.constant 0 : index
    %get3A_2209 = tpu.vector_load %arg7[%get3A_2207, %get3A_2208] {strides = array<i32>} : memref<8x128xf32, #tpu.memory_space<vmem>>, vector<16xf32>,
    %sub3A_2210 = vector.broadcast %max3A_2011 : f32 to vector<16xf32>
    %sub3A_2211 = arith.subf %get3A_2209, %sub3A_2210 : vector<16xf32>
    %exp3A_2212 = math.exp %sub3A_2211 : vector<16xf32>
    %swap3A_2213 = arith.constant 6 : i32
    %swap3A_2214 = arith.index_cast %swap3A_2213 : i32 to index
    %swap3A_2215 = arith.constant 0 : index
    %swap3A_2216 = tpu.vector_load %arg7[%swap3A_2214, %swap3A_2215] {strides = array<i32>} : memref<8x128xf32, #tpu.memory_space<vmem>>, vector<16xf32>,
    tpu.vector_store %arg7[%swap3A_2214, %swap3A_2215], %exp3A_2212 {strides = array<i32>} : memref<8x128xf32, #tpu.memory_space<vmem>>, vector<16xf32>,
    %add3A_2217 = arith.addf %add3A_2205, %exp3A_2212 : vector<16xf32>
    %get3A_2218 = arith.constant 6 : i32
    %get3A_2219 = arith.index_cast %get3A_2218 : i32 to index
    %get3A_2220 = arith.constant 16 : index
    %get3A_2221 = tpu.vector_load %arg7[%get3A_2219, %get3A_2220] {strides = array<i32>} : memref<8x128xf32, #tpu.memory_space<vmem>>, vector<16xf32>,
    %sub3A_2222 = vector.broadcast %max3A_2011 : f32 to vector<16xf32>
    %sub3A_2223 = arith.subf %get3A_2221, %sub3A_2222 : vector<16xf32>
    %exp3A_2224 = math.exp %sub3A_2223 : vector<16xf32>
    %swap3A_2225 = arith.constant 6 : i32
    %swap3A_2226 = arith.index_cast %swap3A_2225 : i32 to index
    %swap3A_2227 = arith.constant 16 : index
    %swap3A_2228 = tpu.vector_load %arg7[%swap3A_2226, %swap3A_2227] {strides = array<i32>} : memref<8x128xf32, #tpu.memory_space<vmem>>, vector<16xf32>,
    tpu.vector_store %arg7[%swap3A_2226, %swap3A_2227], %exp3A_2224 {strides = array<i32>} : memref<8x128xf32, #tpu.memory_space<vmem>>, vector<16xf32>,
    %add3A_2229 = arith.addf %add3A_2217, %exp3A_2224 : vector<16xf32>
    %get3A_2230 = arith.constant 6 : i32
    %get3A_2231 = arith.index_cast %get3A_2230 : i32 to index
    %get3A_2232 = arith.constant 32 : index
    %get3A_2233 = tpu.vector_load %arg7[%get3A_2231, %get3A_2232] {strides = array<i32>} : memref<8x128xf32, #tpu.memory_space<vmem>>, vector<16xf32>,
    %sub3A_2234 = vector.broadcast %max3A_2011 : f32 to vector<16xf32>
    %sub3A_2235 = arith.subf %get3A_2233, %sub3A_2234 : vector<16xf32>
    %exp3A_2236 = math.exp %sub3A_2235 : vector<16xf32>
    %swap3A_2237 = arith.constant 6 : i32
    %swap3A_2238 = arith.index_cast %swap3A_2237 : i32 to index
    %swap3A_2239 = arith.constant 32 : index
    %swap3A_2240 = tpu.vector_load %arg7[%swap3A_2238, %swap3A_2239] {strides = array<i32>} : memref<8x128xf32, #tpu.memory_space<vmem>>, vector<16xf32>,
    tpu.vector_store %arg7[%swap3A_2238, %swap3A_2239], %exp3A_2236 {strides = array<i32>} : memref<8x128xf32, #tpu.memory_space<vmem>>, vector<16xf32>,
    %add3A_2241 = arith.addf %add3A_2229, %exp3A_2236 : vector<16xf32>
    %get3A_2242 = arith.constant 6 : i32
    %get3A_2243 = arith.index_cast %get3A_2242 : i32 to index
    %get3A_2244 = arith.constant 48 : index
    %get3A_2245 = tpu.vector_load %arg7[%get3A_2243, %get3A_2244] {strides = array<i32>} : memref<8x128xf32, #tpu.memory_space<vmem>>, vector<16xf32>,
    %sub3A_2246 = vector.broadcast %max3A_2011 : f32 to vector<16xf32>
    %sub3A_2247 = arith.subf %get3A_2245, %sub3A_2246 : vector<16xf32>
    %exp3A_2248 = math.exp %sub3A_2247 : vector<16xf32>
    %swap3A_2249 = arith.constant 6 : i32
    %swap3A_2250 = arith.index_cast %swap3A_2249 : i32 to index
    %swap3A_2251 = arith.constant 48 : index
    %swap3A_2252 = tpu.vector_load %arg7[%swap3A_2250, %swap3A_2251] {strides = array<i32>} : memref<8x128xf32, #tpu.memory_space<vmem>>, vector<16xf32>,
    tpu.vector_store %arg7[%swap3A_2250, %swap3A_2251], %exp3A_2248 {strides = array<i32>} : memref<8x128xf32, #tpu.memory_space<vmem>>, vector<16xf32>,
    %add3A_2253 = arith.addf %add3A_2241, %exp3A_2248 : vector<16xf32>
    %get3A_2254 = arith.constant 6 : i32
    %get3A_2255 = arith.index_cast %get3A_2254 : i32 to index
    %get3A_2256 = arith.constant 64 : index
    %get3A_2257 = tpu.vector_load %arg7[%get3A_2255, %get3A_2256] {strides = array<i32>} : memref<8x128xf32, #tpu.memory_space<vmem>>, vector<16xf32>,
    %sub3A_2258 = vector.broadcast %max3A_2011 : f32 to vector<16xf32>
    %sub3A_2259 = arith.subf %get3A_2257, %sub3A_2258 : vector<16xf32>
    %exp3A_2260 = math.exp %sub3A_2259 : vector<16xf32>
    %swap3A_2261 = arith.constant 6 : i32
    %swap3A_2262 = arith.index_cast %swap3A_2261 : i32 to index
    %swap3A_2263 = arith.constant 64 : index
    %swap3A_2264 = tpu.vector_load %arg7[%swap3A_2262, %swap3A_2263] {strides = array<i32>} : memref<8x128xf32, #tpu.memory_space<vmem>>, vector<16xf32>,
    tpu.vector_store %arg7[%swap3A_2262, %swap3A_2263], %exp3A_2260 {strides = array<i32>} : memref<8x128xf32, #tpu.memory_space<vmem>>, vector<16xf32>,
    %add3A_2265 = arith.addf %add3A_2253, %exp3A_2260 : vector<16xf32>
    %get3A_2266 = arith.constant 6 : i32
    %get3A_2267 = arith.index_cast %get3A_2266 : i32 to index
    %get3A_2268 = arith.constant 80 : index
    %get3A_2269 = tpu.vector_load %arg7[%get3A_2267, %get3A_2268] {strides = array<i32>} : memref<8x128xf32, #tpu.memory_space<vmem>>, vector<16xf32>,
    %sub3A_2270 = vector.broadcast %max3A_2011 : f32 to vector<16xf32>
    %sub3A_2271 = arith.subf %get3A_2269, %sub3A_2270 : vector<16xf32>
    %exp3A_2272 = math.exp %sub3A_2271 : vector<16xf32>
    %swap3A_2273 = arith.constant 6 : i32
    %swap3A_2274 = arith.index_cast %swap3A_2273 : i32 to index
    %swap3A_2275 = arith.constant 80 : index
    %swap3A_2276 = tpu.vector_load %arg7[%swap3A_2274, %swap3A_2275] {strides = array<i32>} : memref<8x128xf32, #tpu.memory_space<vmem>>, vector<16xf32>,
    tpu.vector_store %arg7[%swap3A_2274, %swap3A_2275], %exp3A_2272 {strides = array<i32>} : memref<8x128xf32, #tpu.memory_space<vmem>>, vector<16xf32>,
    %add3A_2277 = arith.addf %add3A_2265, %exp3A_2272 : vector<16xf32>
    %get3A_2278 = arith.constant 6 : i32
    %get3A_2279 = arith.index_cast %get3A_2278 : i32 to index
    %get3A_2280 = arith.constant 96 : index
    %get3A_2281 = tpu.vector_load %arg7[%get3A_2279, %get3A_2280] {strides = array<i32>} : memref<8x128xf32, #tpu.memory_space<vmem>>, vector<16xf32>,
    %sub3A_2282 = vector.broadcast %max3A_2011 : f32 to vector<16xf32>
    %sub3A_2283 = arith.subf %get3A_2281, %sub3A_2282 : vector<16xf32>
    %exp3A_2284 = math.exp %sub3A_2283 : vector<16xf32>
    %swap3A_2285 = arith.constant 6 : i32
    %swap3A_2286 = arith.index_cast %swap3A_2285 : i32 to index
    %swap3A_2287 = arith.constant 96 : index
    %swap3A_2288 = tpu.vector_load %arg7[%swap3A_2286, %swap3A_2287] {strides = array<i32>} : memref<8x128xf32, #tpu.memory_space<vmem>>, vector<16xf32>,
    tpu.vector_store %arg7[%swap3A_2286, %swap3A_2287], %exp3A_2284 {strides = array<i32>} : memref<8x128xf32, #tpu.memory_space<vmem>>, vector<16xf32>,
    %add3A_2289 = arith.addf %add3A_2277, %exp3A_2284 : vector<16xf32>
    %get3A_2290 = arith.constant 6 : i32
    %get3A_2291 = arith.index_cast %get3A_2290 : i32 to index
    %get3A_2292 = arith.constant 112 : index
    %get3A_2293 = tpu.vector_load %arg7[%get3A_2291, %get3A_2292] {strides = array<i32>} : memref<8x128xf32, #tpu.memory_space<vmem>>, vector<16xf32>,
    %sub3A_2294 = vector.broadcast %max3A_2011 : f32 to vector<16xf32>
    %sub3A_2295 = arith.subf %get3A_2293, %sub3A_2294 : vector<16xf32>
    %exp3A_2296 = math.exp %sub3A_2295 : vector<16xf32>
    %swap3A_2297 = arith.constant 6 : i32
    %swap3A_2298 = arith.index_cast %swap3A_2297 : i32 to index
    %swap3A_2299 = arith.constant 112 : index
    %swap3A_2300 = tpu.vector_load %arg7[%swap3A_2298, %swap3A_2299] {strides = array<i32>} : memref<8x128xf32, #tpu.memory_space<vmem>>, vector<16xf32>,
    tpu.vector_store %arg7[%swap3A_2298, %swap3A_2299], %exp3A_2296 {strides = array<i32>} : memref<8x128xf32, #tpu.memory_space<vmem>>, vector<16xf32>,
    %add3A_2301 = arith.addf %add3A_2289, %exp3A_2296 : vector<16xf32>
    %get3A_2302 = arith.constant 7 : i32
    %get3A_2303 = arith.index_cast %get3A_2302 : i32 to index
    %get3A_2304 = arith.constant 0 : index
    %get3A_2305 = tpu.vector_load %arg7[%get3A_2303, %get3A_2304] {strides = array<i32>} : memref<8x128xf32, #tpu.memory_space<vmem>>, vector<16xf32>,
    %sub3A_2306 = vector.broadcast %max3A_2011 : f32 to vector<16xf32>
    %sub3A_2307 = arith.subf %get3A_2305, %sub3A_2306 : vector<16xf32>
    %exp3A_2308 = math.exp %sub3A_2307 : vector<16xf32>
    %swap3A_2309 = arith.constant 7 : i32
    %swap3A_2310 = arith.index_cast %swap3A_2309 : i32 to index
    %swap3A_2311 = arith.constant 0 : index
    %swap3A_2312 = tpu.vector_load %arg7[%swap3A_2310, %swap3A_2311] {strides = array<i32>} : memref<8x128xf32, #tpu.memory_space<vmem>>, vector<16xf32>,
    tpu.vector_store %arg7[%swap3A_2310, %swap3A_2311], %exp3A_2308 {strides = array<i32>} : memref<8x128xf32, #tpu.memory_space<vmem>>, vector<16xf32>,
    %add3A_2313 = arith.addf %add3A_2301, %exp3A_2308 : vector<16xf32>
    %get3A_2314 = arith.constant 7 : i32
    %get3A_2315 = arith.index_cast %get3A_2314 : i32 to index
    %get3A_2316 = arith.constant 16 : index
    %get3A_2317 = tpu.vector_load %arg7[%get3A_2315, %get3A_2316] {strides = array<i32>} : memref<8x128xf32, #tpu.memory_space<vmem>>, vector<16xf32>,
    %sub3A_2318 = vector.broadcast %max3A_2011 : f32 to vector<16xf32>
    %sub3A_2319 = arith.subf %get3A_2317, %sub3A_2318 : vector<16xf32>
    %exp3A_2320 = math.exp %sub3A_2319 : vector<16xf32>
    %swap3A_2321 = arith.constant 7 : i32
    %swap3A_2322 = arith.index_cast %swap3A_2321 : i32 to index
    %swap3A_2323 = arith.constant 16 : index
    %swap3A_2324 = tpu.vector_load %arg7[%swap3A_2322, %swap3A_2323] {strides = array<i32>} : memref<8x128xf32, #tpu.memory_space<vmem>>, vector<16xf32>,
    tpu.vector_store %arg7[%swap3A_2322, %swap3A_2323], %exp3A_2320 {strides = array<i32>} : memref<8x128xf32, #tpu.memory_space<vmem>>, vector<16xf32>,
    %add3A_2325 = arith.addf %add3A_2313, %exp3A_2320 : vector<16xf32>
    %get3A_2326 = arith.constant 7 : i32
    %get3A_2327 = arith.index_cast %get3A_2326 : i32 to index
    %get3A_2328 = arith.constant 32 : index
    %get3A_2329 = tpu.vector_load %arg7[%get3A_2327, %get3A_2328] {strides = array<i32>} : memref<8x128xf32, #tpu.memory_space<vmem>>, vector<16xf32>,
    %sub3A_2330 = vector.broadcast %max3A_2011 : f32 to vector<16xf32>
    %sub3A_2331 = arith.subf %get3A_2329, %sub3A_2330 : vector<16xf32>
    %exp3A_2332 = math.exp %sub3A_2331 : vector<16xf32>
    %swap3A_2333 = arith.constant 7 : i32
    %swap3A_2334 = arith.index_cast %swap3A_2333 : i32 to index
    %swap3A_2335 = arith.constant 32 : index
    %swap3A_2336 = tpu.vector_load %arg7[%swap3A_2334, %swap3A_2335] {strides = array<i32>} : memref<8x128xf32, #tpu.memory_space<vmem>>, vector<16xf32>,
    tpu.vector_store %arg7[%swap3A_2334, %swap3A_2335], %exp3A_2332 {strides = array<i32>} : memref<8x128xf32, #tpu.memory_space<vmem>>, vector<16xf32>,
    %add3A_2337 = arith.addf %add3A_2325, %exp3A_2332 : vector<16xf32>
    %get3A_2338 = arith.constant 7 : i32
    %get3A_2339 = arith.index_cast %get3A_2338 : i32 to index
    %get3A_2340 = arith.constant 48 : index
    %get3A_2341 = tpu.vector_load %arg7[%get3A_2339, %get3A_2340] {strides = array<i32>} : memref<8x128xf32, #tpu.memory_space<vmem>>, vector<16xf32>,
    %sub3A_2342 = vector.broadcast %max3A_2011 : f32 to vector<16xf32>
    %sub3A_2343 = arith.subf %get3A_2341, %sub3A_2342 : vector<16xf32>
    %exp3A_2344 = math.exp %sub3A_2343 : vector<16xf32>
    %swap3A_2345 = arith.constant 7 : i32
    %swap3A_2346 = arith.index_cast %swap3A_2345 : i32 to index
    %swap3A_2347 = arith.constant 48 : index
    %swap3A_2348 = tpu.vector_load %arg7[%swap3A_2346, %swap3A_2347] {strides = array<i32>} : memref<8x128xf32, #tpu.memory_space<vmem>>, vector<16xf32>,
    tpu.vector_store %arg7[%swap3A_2346, %swap3A_2347], %exp3A_2344 {strides = array<i32>} : memref<8x128xf32, #tpu.memory_space<vmem>>, vector<16xf32>,
    %add3A_2349 = arith.addf %add3A_2337, %exp3A_2344 : vector<16xf32>
    %get3A_2350 = arith.constant 7 : i32
    %get3A_2351 = arith.index_cast %get3A_2350 : i32 to index
    %get3A_2352 = arith.constant 64 : index
    %get3A_2353 = tpu.vector_load %arg7[%get3A_2351, %get3A_2352] {strides = array<i32>} : memref<8x128xf32, #tpu.memory_space<vmem>>, vector<16xf32>,
    %sub3A_2354 = vector.broadcast %max3A_2011 : f32 to vector<16xf32>
    %sub3A_2355 = arith.subf %get3A_2353, %sub3A_2354 : vector<16xf32>
    %exp3A_2356 = math.exp %sub3A_2355 : vector<16xf32>
    %swap3A_2357 = arith.constant 7 : i32
    %swap3A_2358 = arith.index_cast %swap3A_2357 : i32 to index
    %swap3A_2359 = arith.constant 64 : index
    %swap3A_2360 = tpu.vector_load %arg7[%swap3A_2358, %swap3A_2359] {strides = array<i32>} : memref<8x128xf32, #tpu.memory_space<vmem>>, vector<16xf32>,
    tpu.vector_store %arg7[%swap3A_2358, %swap3A_2359], %exp3A_2356 {strides = array<i32>} : memref<8x128xf32, #tpu.memory_space<vmem>>, vector<16xf32>,
    %add3A_2361 = arith.addf %add3A_2349, %exp3A_2356 : vector<16xf32>
    %get3A_2362 = arith.constant 7 : i32
    %get3A_2363 = arith.index_cast %get3A_2362 : i32 to index
    %get3A_2364 = arith.constant 80 : index
    %get3A_2365 = tpu.vector_load %arg7[%get3A_2363, %get3A_2364] {strides = array<i32>} : memref<8x128xf32, #tpu.memory_space<vmem>>, vector<16xf32>,
    %sub3A_2366 = vector.broadcast %max3A_2011 : f32 to vector<16xf32>
    %sub3A_2367 = arith.subf %get3A_2365, %sub3A_2366 : vector<16xf32>
    %exp3A_2368 = math.exp %sub3A_2367 : vector<16xf32>
    %swap3A_2369 = arith.constant 7 : i32
    %swap3A_2370 = arith.index_cast %swap3A_2369 : i32 to index
    %swap3A_2371 = arith.constant 80 : index
    %swap3A_2372 = tpu.vector_load %arg7[%swap3A_2370, %swap3A_2371] {strides = array<i32>} : memref<8x128xf32, #tpu.memory_space<vmem>>, vector<16xf32>,
    tpu.vector_store %arg7[%swap3A_2370, %swap3A_2371], %exp3A_2368 {strides = array<i32>} : memref<8x128xf32, #tpu.memory_space<vmem>>, vector<16xf32>,
    %add3A_2373 = arith.addf %add3A_2361, %exp3A_2368 : vector<16xf32>
    %get3A_2374 = arith.constant 7 : i32
    %get3A_2375 = arith.index_cast %get3A_2374 : i32 to index
    %get3A_2376 = arith.constant 96 : index
    %get3A_2377 = tpu.vector_load %arg7[%get3A_2375, %get3A_2376] {strides = array<i32>} : memref<8x128xf32, #tpu.memory_space<vmem>>, vector<16xf32>,
    %sub3A_2378 = vector.broadcast %max3A_2011 : f32 to vector<16xf32>
    %sub3A_2379 = arith.subf %get3A_2377, %sub3A_2378 : vector<16xf32>
    %exp3A_2380 = math.exp %sub3A_2379 : vector<16xf32>
    %swap3A_2381 = arith.constant 7 : i32
    %swap3A_2382 = arith.index_cast %swap3A_2381 : i32 to index
    %swap3A_2383 = arith.constant 96 : index
    %swap3A_2384 = tpu.vector_load %arg7[%swap3A_2382, %swap3A_2383] {strides = array<i32>} : memref<8x128xf32, #tpu.memory_space<vmem>>, vector<16xf32>,
    tpu.vector_store %arg7[%swap3A_2382, %swap3A_2383], %exp3A_2380 {strides = array<i32>} : memref<8x128xf32, #tpu.memory_space<vmem>>, vector<16xf32>,
    %add3A_2385 = arith.addf %add3A_2373, %exp3A_2380 : vector<16xf32>
    %get3A_2386 = arith.constant 7 : i32
    %get3A_2387 = arith.index_cast %get3A_2386 : i32 to index
    %get3A_2388 = arith.constant 112 : index
    %get3A_2389 = tpu.vector_load %arg7[%get3A_2387, %get3A_2388] {strides = array<i32>} : memref<8x128xf32, #tpu.memory_space<vmem>>, vector<16xf32>,
    %sub3A_2390 = vector.broadcast %max3A_2011 : f32 to vector<16xf32>
    %sub3A_2391 = arith.subf %get3A_2389, %sub3A_2390 : vector<16xf32>
    %exp3A_2392 = math.exp %sub3A_2391 : vector<16xf32>
    %swap3A_2393 = arith.constant 7 : i32
    %swap3A_2394 = arith.index_cast %swap3A_2393 : i32 to index
    %swap3A_2395 = arith.constant 112 : index
    %swap3A_2396 = tpu.vector_load %arg7[%swap3A_2394, %swap3A_2395] {strides = array<i32>} : memref<8x128xf32, #tpu.memory_space<vmem>>, vector<16xf32>,
    tpu.vector_store %arg7[%swap3A_2394, %swap3A_2395], %exp3A_2392 {strides = array<i32>} : memref<8x128xf32, #tpu.memory_space<vmem>>, vector<16xf32>,
    %add3A_2397 = arith.addf %add3A_2385, %exp3A_2392 : vector<16xf32>
    %slice3A_2398 = vector.extract_strided_slice %add3A_2397 {offsets = [0], sizes = [1], strides = [1]} : vector<16xf32> to vector<1xf32>
    %squeeze3A_2399 = vector.extract %slice3A_2398[0] : f32 from vector<1xf32>
    %slice3A_2400 = vector.extract_strided_slice %add3A_2397 {offsets = [1], sizes = [1], strides = [1]} : vector<16xf32> to vector<1xf32>
    %squeeze3A_2401 = vector.extract %slice3A_2400[0] : f32 from vector<1xf32>
    %add3A_2402 = arith.addf %squeeze3A_2399, %squeeze3A_2401 : f32
    %slice3A_2403 = vector.extract_strided_slice %add3A_2397 {offsets = [2], sizes = [1], strides = [1]} : vector<16xf32> to vector<1xf32>
    %squeeze3A_2404 = vector.extract %slice3A_2403[0] : f32 from vector<1xf32>
    %add3A_2405 = arith.addf %add3A_2402, %squeeze3A_2404 : f32
    %slice3A_2406 = vector.extract_strided_slice %add3A_2397 {offsets = [3], sizes = [1], strides = [1]} : vector<16xf32> to vector<1xf32>
    %squeeze3A_2407 = vector.extract %slice3A_2406[0] : f32 from vector<1xf32>
    %add3A_2408 = arith.addf %add3A_2405, %squeeze3A_2407 : f32
    %slice3A_2409 = vector.extract_strided_slice %add3A_2397 {offsets = [4], sizes = [1], strides = [1]} : vector<16xf32> to vector<1xf32>
    %squeeze3A_2410 = vector.extract %slice3A_2409[0] : f32 from vector<1xf32>
    %add3A_2411 = arith.addf %add3A_2408, %squeeze3A_2410 : f32
    %slice3A_2412 = vector.extract_strided_slice %add3A_2397 {offsets = [5], sizes = [1], strides = [1]} : vector<16xf32> to vector<1xf32>
    %squeeze3A_2413 = vector.extract %slice3A_2412[0] : f32 from vector<1xf32>
    %add3A_2414 = arith.addf %add3A_2411, %squeeze3A_2413 : f32
    %slice3A_2415 = vector.extract_strided_slice %add3A_2397 {offsets = [6], sizes = [1], strides = [1]} : vector<16xf32> to vector<1xf32>
    %squeeze3A_2416 = vector.extract %slice3A_2415[0] : f32 from vector<1xf32>
    %add3A_2417 = arith.addf %add3A_2414, %squeeze3A_2416 : f32
    %slice3A_2418 = vector.extract_strided_slice %add3A_2397 {offsets = [7], sizes = [1], strides = [1]} : vector<16xf32> to vector<1xf32>
    %squeeze3A_2419 = vector.extract %slice3A_2418[0] : f32 from vector<1xf32>
    %add3A_2420 = arith.addf %add3A_2417, %squeeze3A_2419 : f32
    %slice3A_2421 = vector.extract_strided_slice %add3A_2397 {offsets = [8], sizes = [1], strides = [1]} : vector<16xf32> to vector<1xf32>
    %squeeze3A_2422 = vector.extract %slice3A_2421[0] : f32 from vector<1xf32>
    %add3A_2423 = arith.addf %add3A_2420, %squeeze3A_2422 : f32
    %slice3A_2424 = vector.extract_strided_slice %add3A_2397 {offsets = [9], sizes = [1], strides = [1]} : vector<16xf32> to vector<1xf32>
    %squeeze3A_2425 = vector.extract %slice3A_2424[0] : f32 from vector<1xf32>
    %add3A_2426 = arith.addf %add3A_2423, %squeeze3A_2425 : f32
    %slice3A_2427 = vector.extract_strided_slice %add3A_2397 {offsets = [10], sizes = [1], strides = [1]} : vector<16xf32> to vector<1xf32>
    %squeeze3A_2428 = vector.extract %slice3A_2427[0] : f32 from vector<1xf32>
    %add3A_2429 = arith.addf %add3A_2426, %squeeze3A_2428 : f32
    %slice3A_2430 = vector.extract_strided_slice %add3A_2397 {offsets = [11], sizes = [1], strides = [1]} : vector<16xf32> to vector<1xf32>
    %squeeze3A_2431 = vector.extract %slice3A_2430[0] : f32 from vector<1xf32>
    %add3A_2432 = arith.addf %add3A_2429, %squeeze3A_2431 : f32
    %slice3A_2433 = vector.extract_strided_slice %add3A_2397 {offsets = [12], sizes = [1], strides = [1]} : vector<16xf32> to vector<1xf32>
    %squeeze3A_2434 = vector.extract %slice3A_2433[0] : f32 from vector<1xf32>
    %add3A_2435 = arith.addf %add3A_2432, %squeeze3A_2434 : f32
    %slice3A_2436 = vector.extract_strided_slice %add3A_2397 {offsets = [13], sizes = [1], strides = [1]} : vector<16xf32> to vector<1xf32>
    %squeeze3A_2437 = vector.extract %slice3A_2436[0] : f32 from vector<1xf32>
    %add3A_2438 = arith.addf %add3A_2435, %squeeze3A_2437 : f32
    %slice3A_2439 = vector.extract_strided_slice %add3A_2397 {offsets = [14], sizes = [1], strides = [1]} : vector<16xf32> to vector<1xf32>
    %squeeze3A_2440 = vector.extract %slice3A_2439[0] : f32 from vector<1xf32>
    %add3A_2441 = arith.addf %add3A_2438, %squeeze3A_2440 : f32
    %slice3A_2442 = vector.extract_strided_slice %add3A_2397 {offsets = [15], sizes = [1], strides = [1]} : vector<16xf32> to vector<1xf32>
    %squeeze3A_2443 = vector.extract %slice3A_2442[0] : f32 from vector<1xf32>
    %add3A_2444 = arith.addf %add3A_2441, %squeeze3A_2443 : f32
    %get3A_2445 = arith.constant 4 : i32
    %get3A_2446 = arith.index_cast %get3A_2445 : i32 to index
    %get3A_2447 = arith.constant 0 : index
    %get3A_2448 = tpu.vector_load %arg7[%get3A_2446, %get3A_2447] {strides = array<i32>} : memref<8x128xf32, #tpu.memory_space<vmem>>, vector<16xf32>,
    %div3A_2449 = vector.broadcast %add3A_2444 : f32 to vector<16xf32>
    %div3A_2450 = arith.divf %get3A_2448, %div3A_2449 : vector<16xf32>
    %swap3A_2451 = arith.constant 4 : i32
    %swap3A_2452 = arith.index_cast %swap3A_2451 : i32 to index
    %swap3A_2453 = arith.constant 0 : index
    %swap3A_2454 = tpu.vector_load %arg7[%swap3A_2452, %swap3A_2453] {strides = array<i32>} : memref<8x128xf32, #tpu.memory_space<vmem>>, vector<16xf32>,
    tpu.vector_store %arg7[%swap3A_2452, %swap3A_2453], %div3A_2450 {strides = array<i32>} : memref<8x128xf32, #tpu.memory_space<vmem>>, vector<16xf32>,
    %get3A_2455 = arith.constant 4 : i32
    %get3A_2456 = arith.index_cast %get3A_2455 : i32 to index
    %get3A_2457 = arith.constant 16 : index
    %get3A_2458 = tpu.vector_load %arg7[%get3A_2456, %get3A_2457] {strides = array<i32>} : memref<8x128xf32, #tpu.memory_space<vmem>>, vector<16xf32>,
    %div3A_2459 = vector.broadcast %add3A_2444 : f32 to vector<16xf32>
    %div3A_2460 = arith.divf %get3A_2458, %div3A_2459 : vector<16xf32>
    %swap3A_2461 = arith.constant 4 : i32
    %swap3A_2462 = arith.index_cast %swap3A_2461 : i32 to index
    %swap3A_2463 = arith.constant 16 : index
    %swap3A_2464 = tpu.vector_load %arg7[%swap3A_2462, %swap3A_2463] {strides = array<i32>} : memref<8x128xf32, #tpu.memory_space<vmem>>, vector<16xf32>,
    tpu.vector_store %arg7[%swap3A_2462, %swap3A_2463], %div3A_2460 {strides = array<i32>} : memref<8x128xf32, #tpu.memory_space<vmem>>, vector<16xf32>,
    %get3A_2465 = arith.constant 4 : i32
    %get3A_2466 = arith.index_cast %get3A_2465 : i32 to index
    %get3A_2467 = arith.constant 32 : index
    %get3A_2468 = tpu.vector_load %arg7[%get3A_2466, %get3A_2467] {strides = array<i32>} : memref<8x128xf32, #tpu.memory_space<vmem>>, vector<16xf32>,
    %div3A_2469 = vector.broadcast %add3A_2444 : f32 to vector<16xf32>
    %div3A_2470 = arith.divf %get3A_2468, %div3A_2469 : vector<16xf32>
    %swap3A_2471 = arith.constant 4 : i32
    %swap3A_2472 = arith.index_cast %swap3A_2471 : i32 to index
    %swap3A_2473 = arith.constant 32 : index
    %swap3A_2474 = tpu.vector_load %arg7[%swap3A_2472, %swap3A_2473] {strides = array<i32>} : memref<8x128xf32, #tpu.memory_space<vmem>>, vector<16xf32>,
    tpu.vector_store %arg7[%swap3A_2472, %swap3A_2473], %div3A_2470 {strides = array<i32>} : memref<8x128xf32, #tpu.memory_space<vmem>>, vector<16xf32>,
    %get3A_2475 = arith.constant 4 : i32
    %get3A_2476 = arith.index_cast %get3A_2475 : i32 to index
    %get3A_2477 = arith.constant 48 : index
    %get3A_2478 = tpu.vector_load %arg7[%get3A_2476, %get3A_2477] {strides = array<i32>} : memref<8x128xf32, #tpu.memory_space<vmem>>, vector<16xf32>,
    %div3A_2479 = vector.broadcast %add3A_2444 : f32 to vector<16xf32>
    %div3A_2480 = arith.divf %get3A_2478, %div3A_2479 : vector<16xf32>
    %swap3A_2481 = arith.constant 4 : i32
    %swap3A_2482 = arith.index_cast %swap3A_2481 : i32 to index
    %swap3A_2483 = arith.constant 48 : index
    %swap3A_2484 = tpu.vector_load %arg7[%swap3A_2482, %swap3A_2483] {strides = array<i32>} : memref<8x128xf32, #tpu.memory_space<vmem>>, vector<16xf32>,
    tpu.vector_store %arg7[%swap3A_2482, %swap3A_2483], %div3A_2480 {strides = array<i32>} : memref<8x128xf32, #tpu.memory_space<vmem>>, vector<16xf32>,
    %get3A_2485 = arith.constant 4 : i32
    %get3A_2486 = arith.index_cast %get3A_2485 : i32 to index
    %get3A_2487 = arith.constant 64 : index
    %get3A_2488 = tpu.vector_load %arg7[%get3A_2486, %get3A_2487] {strides = array<i32>} : memref<8x128xf32, #tpu.memory_space<vmem>>, vector<16xf32>,
    %div3A_2489 = vector.broadcast %add3A_2444 : f32 to vector<16xf32>
    %div3A_2490 = arith.divf %get3A_2488, %div3A_2489 : vector<16xf32>
    %swap3A_2491 = arith.constant 4 : i32
    %swap3A_2492 = arith.index_cast %swap3A_2491 : i32 to index
    %swap3A_2493 = arith.constant 64 : index
    %swap3A_2494 = tpu.vector_load %arg7[%swap3A_2492, %swap3A_2493] {strides = array<i32>} : memref<8x128xf32, #tpu.memory_space<vmem>>, vector<16xf32>,
    tpu.vector_store %arg7[%swap3A_2492, %swap3A_2493], %div3A_2490 {strides = array<i32>} : memref<8x128xf32, #tpu.memory_space<vmem>>, vector<16xf32>,
    %get3A_2495 = arith.constant 4 : i32
    %get3A_2496 = arith.index_cast %get3A_2495 : i32 to index
    %get3A_2497 = arith.constant 80 : index
    %get3A_2498 = tpu.vector_load %arg7[%get3A_2496, %get3A_2497] {strides = array<i32>} : memref<8x128xf32, #tpu.memory_space<vmem>>, vector<16xf32>,
    %div3A_2499 = vector.broadcast %add3A_2444 : f32 to vector<16xf32>
    %div3A_2500 = arith.divf %get3A_2498, %div3A_2499 : vector<16xf32>
    %swap3A_2501 = arith.constant 4 : i32
    %swap3A_2502 = arith.index_cast %swap3A_2501 : i32 to index
    %swap3A_2503 = arith.constant 80 : index
    %swap3A_2504 = tpu.vector_load %arg7[%swap3A_2502, %swap3A_2503] {strides = array<i32>} : memref<8x128xf32, #tpu.memory_space<vmem>>, vector<16xf32>,
    tpu.vector_store %arg7[%swap3A_2502, %swap3A_2503], %div3A_2500 {strides = array<i32>} : memref<8x128xf32, #tpu.memory_space<vmem>>, vector<16xf32>,
    %get3A_2505 = arith.constant 4 : i32
    %get3A_2506 = arith.index_cast %get3A_2505 : i32 to index
    %get3A_2507 = arith.constant 96 : index
    %get3A_2508 = tpu.vector_load %arg7[%get3A_2506, %get3A_2507] {strides = array<i32>} : memref<8x128xf32, #tpu.memory_space<vmem>>, vector<16xf32>,
    %div3A_2509 = vector.broadcast %add3A_2444 : f32 to vector<16xf32>
    %div3A_2510 = arith.divf %get3A_2508, %div3A_2509 : vector<16xf32>
    %swap3A_2511 = arith.constant 4 : i32
    %swap3A_2512 = arith.index_cast %swap3A_2511 : i32 to index
    %swap3A_2513 = arith.constant 96 : index
    %swap3A_2514 = tpu.vector_load %arg7[%swap3A_2512, %swap3A_2513] {strides = array<i32>} : memref<8x128xf32, #tpu.memory_space<vmem>>, vector<16xf32>,
    tpu.vector_store %arg7[%swap3A_2512, %swap3A_2513], %div3A_2510 {strides = array<i32>} : memref<8x128xf32, #tpu.memory_space<vmem>>, vector<16xf32>,
    %get3A_2515 = arith.constant 4 : i32
    %get3A_2516 = arith.index_cast %get3A_2515 : i32 to index
    %get3A_2517 = arith.constant 112 : index
    %get3A_2518 = tpu.vector_load %arg7[%get3A_2516, %get3A_2517] {strides = array<i32>} : memref<8x128xf32, #tpu.memory_space<vmem>>, vector<16xf32>,
    %div3A_2519 = vector.broadcast %add3A_2444 : f32 to vector<16xf32>
    %div3A_2520 = arith.divf %get3A_2518, %div3A_2519 : vector<16xf32>
    %swap3A_2521 = arith.constant 4 : i32
    %swap3A_2522 = arith.index_cast %swap3A_2521 : i32 to index
    %swap3A_2523 = arith.constant 112 : index
    %swap3A_2524 = tpu.vector_load %arg7[%swap3A_2522, %swap3A_2523] {strides = array<i32>} : memref<8x128xf32, #tpu.memory_space<vmem>>, vector<16xf32>,
    tpu.vector_store %arg7[%swap3A_2522, %swap3A_2523], %div3A_2520 {strides = array<i32>} : memref<8x128xf32, #tpu.memory_space<vmem>>, vector<16xf32>,
    %get3A_2525 = arith.constant 5 : i32
    %get3A_2526 = arith.index_cast %get3A_2525 : i32 to index
    %get3A_2527 = arith.constant 0 : index
    %get3A_2528 = tpu.vector_load %arg7[%get3A_2526, %get3A_2527] {strides = array<i32>} : memref<8x128xf32, #tpu.memory_space<vmem>>, vector<16xf32>,
    %div3A_2529 = vector.broadcast %add3A_2444 : f32 to vector<16xf32>
    %div3A_2530 = arith.divf %get3A_2528, %div3A_2529 : vector<16xf32>
    %swap3A_2531 = arith.constant 5 : i32
    %swap3A_2532 = arith.index_cast %swap3A_2531 : i32 to index
    %swap3A_2533 = arith.constant 0 : index
    %swap3A_2534 = tpu.vector_load %arg7[%swap3A_2532, %swap3A_2533] {strides = array<i32>} : memref<8x128xf32, #tpu.memory_space<vmem>>, vector<16xf32>,
    tpu.vector_store %arg7[%swap3A_2532, %swap3A_2533], %div3A_2530 {strides = array<i32>} : memref<8x128xf32, #tpu.memory_space<vmem>>, vector<16xf32>,
    %get3A_2535 = arith.constant 5 : i32
    %get3A_2536 = arith.index_cast %get3A_2535 : i32 to index
    %get3A_2537 = arith.constant 16 : index
    %get3A_2538 = tpu.vector_load %arg7[%get3A_2536, %get3A_2537] {strides = array<i32>} : memref<8x128xf32, #tpu.memory_space<vmem>>, vector<16xf32>,
    %div3A_2539 = vector.broadcast %add3A_2444 : f32 to vector<16xf32>
    %div3A_2540 = arith.divf %get3A_2538, %div3A_2539 : vector<16xf32>
    %swap3A_2541 = arith.constant 5 : i32
    %swap3A_2542 = arith.index_cast %swap3A_2541 : i32 to index
    %swap3A_2543 = arith.constant 16 : index
    %swap3A_2544 = tpu.vector_load %arg7[%swap3A_2542, %swap3A_2543] {strides = array<i32>} : memref<8x128xf32, #tpu.memory_space<vmem>>, vector<16xf32>,
    tpu.vector_store %arg7[%swap3A_2542, %swap3A_2543], %div3A_2540 {strides = array<i32>} : memref<8x128xf32, #tpu.memory_space<vmem>>, vector<16xf32>,
    %get3A_2545 = arith.constant 5 : i32
    %get3A_2546 = arith.index_cast %get3A_2545 : i32 to index
    %get3A_2547 = arith.constant 32 : index
    %get3A_2548 = tpu.vector_load %arg7[%get3A_2546, %get3A_2547] {strides = array<i32>} : memref<8x128xf32, #tpu.memory_space<vmem>>, vector<16xf32>,
    %div3A_2549 = vector.broadcast %add3A_2444 : f32 to vector<16xf32>
    %div3A_2550 = arith.divf %get3A_2548, %div3A_2549 : vector<16xf32>
    %swap3A_2551 = arith.constant 5 : i32
    %swap3A_2552 = arith.index_cast %swap3A_2551 : i32 to index
    %swap3A_2553 = arith.constant 32 : index
    %swap3A_2554 = tpu.vector_load %arg7[%swap3A_2552, %swap3A_2553] {strides = array<i32>} : memref<8x128xf32, #tpu.memory_space<vmem>>, vector<16xf32>,
    tpu.vector_store %arg7[%swap3A_2552, %swap3A_2553], %div3A_2550 {strides = array<i32>} : memref<8x128xf32, #tpu.memory_space<vmem>>, vector<16xf32>,
    %get3A_2555 = arith.constant 5 : i32
    %get3A_2556 = arith.index_cast %get3A_2555 : i32 to index
    %get3A_2557 = arith.constant 48 : index
    %get3A_2558 = tpu.vector_load %arg7[%get3A_2556, %get3A_2557] {strides = array<i32>} : memref<8x128xf32, #tpu.memory_space<vmem>>, vector<16xf32>,
    %div3A_2559 = vector.broadcast %add3A_2444 : f32 to vector<16xf32>
    %div3A_2560 = arith.divf %get3A_2558, %div3A_2559 : vector<16xf32>
    %swap3A_2561 = arith.constant 5 : i32
    %swap3A_2562 = arith.index_cast %swap3A_2561 : i32 to index
    %swap3A_2563 = arith.constant 48 : index
    %swap3A_2564 = tpu.vector_load %arg7[%swap3A_2562, %swap3A_2563] {strides = array<i32>} : memref<8x128xf32, #tpu.memory_space<vmem>>, vector<16xf32>,
    tpu.vector_store %arg7[%swap3A_2562, %swap3A_2563], %div3A_2560 {strides = array<i32>} : memref<8x128xf32, #tpu.memory_space<vmem>>, vector<16xf32>,
    %get3A_2565 = arith.constant 5 : i32
    %get3A_2566 = arith.index_cast %get3A_2565 : i32 to index
    %get3A_2567 = arith.constant 64 : index
    %get3A_2568 = tpu.vector_load %arg7[%get3A_2566, %get3A_2567] {strides = array<i32>} : memref<8x128xf32, #tpu.memory_space<vmem>>, vector<16xf32>,
    %div3A_2569 = vector.broadcast %add3A_2444 : f32 to vector<16xf32>
    %div3A_2570 = arith.divf %get3A_2568, %div3A_2569 : vector<16xf32>
    %swap3A_2571 = arith.constant 5 : i32
    %swap3A_2572 = arith.index_cast %swap3A_2571 : i32 to index
    %swap3A_2573 = arith.constant 64 : index
    %swap3A_2574 = tpu.vector_load %arg7[%swap3A_2572, %swap3A_2573] {strides = array<i32>} : memref<8x128xf32, #tpu.memory_space<vmem>>, vector<16xf32>,
    tpu.vector_store %arg7[%swap3A_2572, %swap3A_2573], %div3A_2570 {strides = array<i32>} : memref<8x128xf32, #tpu.memory_space<vmem>>, vector<16xf32>,
    %get3A_2575 = arith.constant 5 : i32
    %get3A_2576 = arith.index_cast %get3A_2575 : i32 to index
    %get3A_2577 = arith.constant 80 : index
    %get3A_2578 = tpu.vector_load %arg7[%get3A_2576, %get3A_2577] {strides = array<i32>} : memref<8x128xf32, #tpu.memory_space<vmem>>, vector<16xf32>,
    %div3A_2579 = vector.broadcast %add3A_2444 : f32 to vector<16xf32>
    %div3A_2580 = arith.divf %get3A_2578, %div3A_2579 : vector<16xf32>
    %swap3A_2581 = arith.constant 5 : i32
    %swap3A_2582 = arith.index_cast %swap3A_2581 : i32 to index
    %swap3A_2583 = arith.constant 80 : index
    %swap3A_2584 = tpu.vector_load %arg7[%swap3A_2582, %swap3A_2583] {strides = array<i32>} : memref<8x128xf32, #tpu.memory_space<vmem>>, vector<16xf32>,
    tpu.vector_store %arg7[%swap3A_2582, %swap3A_2583], %div3A_2580 {strides = array<i32>} : memref<8x128xf32, #tpu.memory_space<vmem>>, vector<16xf32>,
    %get3A_2585 = arith.constant 5 : i32
    %get3A_2586 = arith.index_cast %get3A_2585 : i32 to index
    %get3A_2587 = arith.constant 96 : index
    %get3A_2588 = tpu.vector_load %arg7[%get3A_2586, %get3A_2587] {strides = array<i32>} : memref<8x128xf32, #tpu.memory_space<vmem>>, vector<16xf32>,
    %div3A_2589 = vector.broadcast %add3A_2444 : f32 to vector<16xf32>
    %div3A_2590 = arith.divf %get3A_2588, %div3A_2589 : vector<16xf32>
    %swap3A_2591 = arith.constant 5 : i32
    %swap3A_2592 = arith.index_cast %swap3A_2591 : i32 to index
    %swap3A_2593 = arith.constant 96 : index
    %swap3A_2594 = tpu.vector_load %arg7[%swap3A_2592, %swap3A_2593] {strides = array<i32>} : memref<8x128xf32, #tpu.memory_space<vmem>>, vector<16xf32>,
    tpu.vector_store %arg7[%swap3A_2592, %swap3A_2593], %div3A_2590 {strides = array<i32>} : memref<8x128xf32, #tpu.memory_space<vmem>>, vector<16xf32>,
    %get3A_2595 = arith.constant 5 : i32
    %get3A_2596 = arith.index_cast %get3A_2595 : i32 to index
    %get3A_2597 = arith.constant 112 : index
    %get3A_2598 = tpu.vector_load %arg7[%get3A_2596, %get3A_2597] {strides = array<i32>} : memref<8x128xf32, #tpu.memory_space<vmem>>, vector<16xf32>,
    %div3A_2599 = vector.broadcast %add3A_2444 : f32 to vector<16xf32>
    %div3A_2600 = arith.divf %get3A_2598, %div3A_2599 : vector<16xf32>
    %swap3A_2601 = arith.constant 5 : i32
    %swap3A_2602 = arith.index_cast %swap3A_2601 : i32 to index
    %swap3A_2603 = arith.constant 112 : index
    %swap3A_2604 = tpu.vector_load %arg7[%swap3A_2602, %swap3A_2603] {strides = array<i32>} : memref<8x128xf32, #tpu.memory_space<vmem>>, vector<16xf32>,
    tpu.vector_store %arg7[%swap3A_2602, %swap3A_2603], %div3A_2600 {strides = array<i32>} : memref<8x128xf32, #tpu.memory_space<vmem>>, vector<16xf32>,
    %get3A_2605 = arith.constant 6 : i32
    %get3A_2606 = arith.index_cast %get3A_2605 : i32 to index
    %get3A_2607 = arith.constant 0 : index
    %get3A_2608 = tpu.vector_load %arg7[%get3A_2606, %get3A_2607] {strides = array<i32>} : memref<8x128xf32, #tpu.memory_space<vmem>>, vector<16xf32>,
    %div3A_2609 = vector.broadcast %add3A_2444 : f32 to vector<16xf32>
    %div3A_2610 = arith.divf %get3A_2608, %div3A_2609 : vector<16xf32>
    %swap3A_2611 = arith.constant 6 : i32
    %swap3A_2612 = arith.index_cast %swap3A_2611 : i32 to index
    %swap3A_2613 = arith.constant 0 : index
    %swap3A_2614 = tpu.vector_load %arg7[%swap3A_2612, %swap3A_2613] {strides = array<i32>} : memref<8x128xf32, #tpu.memory_space<vmem>>, vector<16xf32>,
    tpu.vector_store %arg7[%swap3A_2612, %swap3A_2613], %div3A_2610 {strides = array<i32>} : memref<8x128xf32, #tpu.memory_space<vmem>>, vector<16xf32>,
    %get3A_2615 = arith.constant 6 : i32
    %get3A_2616 = arith.index_cast %get3A_2615 : i32 to index
    %get3A_2617 = arith.constant 16 : index
    %get3A_2618 = tpu.vector_load %arg7[%get3A_2616, %get3A_2617] {strides = array<i32>} : memref<8x128xf32, #tpu.memory_space<vmem>>, vector<16xf32>,
    %div3A_2619 = vector.broadcast %add3A_2444 : f32 to vector<16xf32>
    %div3A_2620 = arith.divf %get3A_2618, %div3A_2619 : vector<16xf32>
    %swap3A_2621 = arith.constant 6 : i32
    %swap3A_2622 = arith.index_cast %swap3A_2621 : i32 to index
    %swap3A_2623 = arith.constant 16 : index
    %swap3A_2624 = tpu.vector_load %arg7[%swap3A_2622, %swap3A_2623] {strides = array<i32>} : memref<8x128xf32, #tpu.memory_space<vmem>>, vector<16xf32>,
    tpu.vector_store %arg7[%swap3A_2622, %swap3A_2623], %div3A_2620 {strides = array<i32>} : memref<8x128xf32, #tpu.memory_space<vmem>>, vector<16xf32>,
    %get3A_2625 = arith.constant 6 : i32
    %get3A_2626 = arith.index_cast %get3A_2625 : i32 to index
    %get3A_2627 = arith.constant 32 : index
    %get3A_2628 = tpu.vector_load %arg7[%get3A_2626, %get3A_2627] {strides = array<i32>} : memref<8x128xf32, #tpu.memory_space<vmem>>, vector<16xf32>,
    %div3A_2629 = vector.broadcast %add3A_2444 : f32 to vector<16xf32>
    %div3A_2630 = arith.divf %get3A_2628, %div3A_2629 : vector<16xf32>
    %swap3A_2631 = arith.constant 6 : i32
    %swap3A_2632 = arith.index_cast %swap3A_2631 : i32 to index
    %swap3A_2633 = arith.constant 32 : index
    %swap3A_2634 = tpu.vector_load %arg7[%swap3A_2632, %swap3A_2633] {strides = array<i32>} : memref<8x128xf32, #tpu.memory_space<vmem>>, vector<16xf32>,
    tpu.vector_store %arg7[%swap3A_2632, %swap3A_2633], %div3A_2630 {strides = array<i32>} : memref<8x128xf32, #tpu.memory_space<vmem>>, vector<16xf32>,
    %get3A_2635 = arith.constant 6 : i32
    %get3A_2636 = arith.index_cast %get3A_2635 : i32 to index
    %get3A_2637 = arith.constant 48 : index
    %get3A_2638 = tpu.vector_load %arg7[%get3A_2636, %get3A_2637] {strides = array<i32>} : memref<8x128xf32, #tpu.memory_space<vmem>>, vector<16xf32>,
    %div3A_2639 = vector.broadcast %add3A_2444 : f32 to vector<16xf32>
    %div3A_2640 = arith.divf %get3A_2638, %div3A_2639 : vector<16xf32>
    %swap3A_2641 = arith.constant 6 : i32
    %swap3A_2642 = arith.index_cast %swap3A_2641 : i32 to index
    %swap3A_2643 = arith.constant 48 : index
    %swap3A_2644 = tpu.vector_load %arg7[%swap3A_2642, %swap3A_2643] {strides = array<i32>} : memref<8x128xf32, #tpu.memory_space<vmem>>, vector<16xf32>,
    tpu.vector_store %arg7[%swap3A_2642, %swap3A_2643], %div3A_2640 {strides = array<i32>} : memref<8x128xf32, #tpu.memory_space<vmem>>, vector<16xf32>,
    %get3A_2645 = arith.constant 6 : i32
    %get3A_2646 = arith.index_cast %get3A_2645 : i32 to index
    %get3A_2647 = arith.constant 64 : index
    %get3A_2648 = tpu.vector_load %arg7[%get3A_2646, %get3A_2647] {strides = array<i32>} : memref<8x128xf32, #tpu.memory_space<vmem>>, vector<16xf32>,
    %div3A_2649 = vector.broadcast %add3A_2444 : f32 to vector<16xf32>
    %div3A_2650 = arith.divf %get3A_2648, %div3A_2649 : vector<16xf32>
    %swap3A_2651 = arith.constant 6 : i32
    %swap3A_2652 = arith.index_cast %swap3A_2651 : i32 to index
    %swap3A_2653 = arith.constant 64 : index
    %swap3A_2654 = tpu.vector_load %arg7[%swap3A_2652, %swap3A_2653] {strides = array<i32>} : memref<8x128xf32, #tpu.memory_space<vmem>>, vector<16xf32>,
    tpu.vector_store %arg7[%swap3A_2652, %swap3A_2653], %div3A_2650 {strides = array<i32>} : memref<8x128xf32, #tpu.memory_space<vmem>>, vector<16xf32>,
    %get3A_2655 = arith.constant 6 : i32
    %get3A_2656 = arith.index_cast %get3A_2655 : i32 to index
    %get3A_2657 = arith.constant 80 : index
    %get3A_2658 = tpu.vector_load %arg7[%get3A_2656, %get3A_2657] {strides = array<i32>} : memref<8x128xf32, #tpu.memory_space<vmem>>, vector<16xf32>,
    %div3A_2659 = vector.broadcast %add3A_2444 : f32 to vector<16xf32>
    %div3A_2660 = arith.divf %get3A_2658, %div3A_2659 : vector<16xf32>
    %swap3A_2661 = arith.constant 6 : i32
    %swap3A_2662 = arith.index_cast %swap3A_2661 : i32 to index
    %swap3A_2663 = arith.constant 80 : index
    %swap3A_2664 = tpu.vector_load %arg7[%swap3A_2662, %swap3A_2663] {strides = array<i32>} : memref<8x128xf32, #tpu.memory_space<vmem>>, vector<16xf32>,
    tpu.vector_store %arg7[%swap3A_2662, %swap3A_2663], %div3A_2660 {strides = array<i32>} : memref<8x128xf32, #tpu.memory_space<vmem>>, vector<16xf32>,
    %get3A_2665 = arith.constant 6 : i32
    %get3A_2666 = arith.index_cast %get3A_2665 : i32 to index
    %get3A_2667 = arith.constant 96 : index
    %get3A_2668 = tpu.vector_load %arg7[%get3A_2666, %get3A_2667] {strides = array<i32>} : memref<8x128xf32, #tpu.memory_space<vmem>>, vector<16xf32>,
    %div3A_2669 = vector.broadcast %add3A_2444 : f32 to vector<16xf32>
    %div3A_2670 = arith.divf %get3A_2668, %div3A_2669 : vector<16xf32>
    %swap3A_2671 = arith.constant 6 : i32
    %swap3A_2672 = arith.index_cast %swap3A_2671 : i32 to index
    %swap3A_2673 = arith.constant 96 : index
    %swap3A_2674 = tpu.vector_load %arg7[%swap3A_2672, %swap3A_2673] {strides = array<i32>} : memref<8x128xf32, #tpu.memory_space<vmem>>, vector<16xf32>,
    tpu.vector_store %arg7[%swap3A_2672, %swap3A_2673], %div3A_2670 {strides = array<i32>} : memref<8x128xf32, #tpu.memory_space<vmem>>, vector<16xf32>,
    %get3A_2675 = arith.constant 6 : i32
    %get3A_2676 = arith.index_cast %get3A_2675 : i32 to index
    %get3A_2677 = arith.constant 112 : index
    %get3A_2678 = tpu.vector_load %arg7[%get3A_2676, %get3A_2677] {strides = array<i32>} : memref<8x128xf32, #tpu.memory_space<vmem>>, vector<16xf32>,
    %div3A_2679 = vector.broadcast %add3A_2444 : f32 to vector<16xf32>
    %div3A_2680 = arith.divf %get3A_2678, %div3A_2679 : vector<16xf32>
    %swap3A_2681 = arith.constant 6 : i32
    %swap3A_2682 = arith.index_cast %swap3A_2681 : i32 to index
    %swap3A_2683 = arith.constant 112 : index
    %swap3A_2684 = tpu.vector_load %arg7[%swap3A_2682, %swap3A_2683] {strides = array<i32>} : memref<8x128xf32, #tpu.memory_space<vmem>>, vector<16xf32>,
    tpu.vector_store %arg7[%swap3A_2682, %swap3A_2683], %div3A_2680 {strides = array<i32>} : memref<8x128xf32, #tpu.memory_space<vmem>>, vector<16xf32>,
    %get3A_2685 = arith.constant 7 : i32
    %get3A_2686 = arith.index_cast %get3A_2685 : i32 to index
    %get3A_2687 = arith.constant 0 : index
    %get3A_2688 = tpu.vector_load %arg7[%get3A_2686, %get3A_2687] {strides = array<i32>} : memref<8x128xf32, #tpu.memory_space<vmem>>, vector<16xf32>,
    %div3A_2689 = vector.broadcast %add3A_2444 : f32 to vector<16xf32>
    %div3A_2690 = arith.divf %get3A_2688, %div3A_2689 : vector<16xf32>
    %swap3A_2691 = arith.constant 7 : i32
    %swap3A_2692 = arith.index_cast %swap3A_2691 : i32 to index
    %swap3A_2693 = arith.constant 0 : index
    %swap3A_2694 = tpu.vector_load %arg7[%swap3A_2692, %swap3A_2693] {strides = array<i32>} : memref<8x128xf32, #tpu.memory_space<vmem>>, vector<16xf32>,
    tpu.vector_store %arg7[%swap3A_2692, %swap3A_2693], %div3A_2690 {strides = array<i32>} : memref<8x128xf32, #tpu.memory_space<vmem>>, vector<16xf32>,
    %get3A_2695 = arith.constant 7 : i32
    %get3A_2696 = arith.index_cast %get3A_2695 : i32 to index
    %get3A_2697 = arith.constant 16 : index
    %get3A_2698 = tpu.vector_load %arg7[%get3A_2696, %get3A_2697] {strides = array<i32>} : memref<8x128xf32, #tpu.memory_space<vmem>>, vector<16xf32>,
    %div3A_2699 = vector.broadcast %add3A_2444 : f32 to vector<16xf32>
    %div3A_2700 = arith.divf %get3A_2698, %div3A_2699 : vector<16xf32>
    %swap3A_2701 = arith.constant 7 : i32
    %swap3A_2702 = arith.index_cast %swap3A_2701 : i32 to index
    %swap3A_2703 = arith.constant 16 : index
    %swap3A_2704 = tpu.vector_load %arg7[%swap3A_2702, %swap3A_2703] {strides = array<i32>} : memref<8x128xf32, #tpu.memory_space<vmem>>, vector<16xf32>,
    tpu.vector_store %arg7[%swap3A_2702, %swap3A_2703], %div3A_2700 {strides = array<i32>} : memref<8x128xf32, #tpu.memory_space<vmem>>, vector<16xf32>,
    %get3A_2705 = arith.constant 7 : i32
    %get3A_2706 = arith.index_cast %get3A_2705 : i32 to index
    %get3A_2707 = arith.constant 32 : index
    %get3A_2708 = tpu.vector_load %arg7[%get3A_2706, %get3A_2707] {strides = array<i32>} : memref<8x128xf32, #tpu.memory_space<vmem>>, vector<16xf32>,
    %div3A_2709 = vector.broadcast %add3A_2444 : f32 to vector<16xf32>
    %div3A_2710 = arith.divf %get3A_2708, %div3A_2709 : vector<16xf32>
    %swap3A_2711 = arith.constant 7 : i32
    %swap3A_2712 = arith.index_cast %swap3A_2711 : i32 to index
    %swap3A_2713 = arith.constant 32 : index
    %swap3A_2714 = tpu.vector_load %arg7[%swap3A_2712, %swap3A_2713] {strides = array<i32>} : memref<8x128xf32, #tpu.memory_space<vmem>>, vector<16xf32>,
    tpu.vector_store %arg7[%swap3A_2712, %swap3A_2713], %div3A_2710 {strides = array<i32>} : memref<8x128xf32, #tpu.memory_space<vmem>>, vector<16xf32>,
    %get3A_2715 = arith.constant 7 : i32
    %get3A_2716 = arith.index_cast %get3A_2715 : i32 to index
    %get3A_2717 = arith.constant 48 : index
    %get3A_2718 = tpu.vector_load %arg7[%get3A_2716, %get3A_2717] {strides = array<i32>} : memref<8x128xf32, #tpu.memory_space<vmem>>, vector<16xf32>,
    %div3A_2719 = vector.broadcast %add3A_2444 : f32 to vector<16xf32>
    %div3A_2720 = arith.divf %get3A_2718, %div3A_2719 : vector<16xf32>
    %swap3A_2721 = arith.constant 7 : i32
    %swap3A_2722 = arith.index_cast %swap3A_2721 : i32 to index
    %swap3A_2723 = arith.constant 48 : index
    %swap3A_2724 = tpu.vector_load %arg7[%swap3A_2722, %swap3A_2723] {strides = array<i32>} : memref<8x128xf32, #tpu.memory_space<vmem>>, vector<16xf32>,
    tpu.vector_store %arg7[%swap3A_2722, %swap3A_2723], %div3A_2720 {strides = array<i32>} : memref<8x128xf32, #tpu.memory_space<vmem>>, vector<16xf32>,
    %get3A_2725 = arith.constant 7 : i32
    %get3A_2726 = arith.index_cast %get3A_2725 : i32 to index
    %get3A_2727 = arith.constant 64 : index
    %get3A_2728 = tpu.vector_load %arg7[%get3A_2726, %get3A_2727] {strides = array<i32>} : memref<8x128xf32, #tpu.memory_space<vmem>>, vector<16xf32>,
    %div3A_2729 = vector.broadcast %add3A_2444 : f32 to vector<16xf32>
    %div3A_2730 = arith.divf %get3A_2728, %div3A_2729 : vector<16xf32>
    %swap3A_2731 = arith.constant 7 : i32
    %swap3A_2732 = arith.index_cast %swap3A_2731 : i32 to index
    %swap3A_2733 = arith.constant 64 : index
    %swap3A_2734 = tpu.vector_load %arg7[%swap3A_2732, %swap3A_2733] {strides = array<i32>} : memref<8x128xf32, #tpu.memory_space<vmem>>, vector<16xf32>,
    tpu.vector_store %arg7[%swap3A_2732, %swap3A_2733], %div3A_2730 {strides = array<i32>} : memref<8x128xf32, #tpu.memory_space<vmem>>, vector<16xf32>,
    %get3A_2735 = arith.constant 7 : i32
    %get3A_2736 = arith.index_cast %get3A_2735 : i32 to index
    %get3A_2737 = arith.constant 80 : index
    %get3A_2738 = tpu.vector_load %arg7[%get3A_2736, %get3A_2737] {strides = array<i32>} : memref<8x128xf32, #tpu.memory_space<vmem>>, vector<16xf32>,
    %div3A_2739 = vector.broadcast %add3A_2444 : f32 to vector<16xf32>
    %div3A_2740 = arith.divf %get3A_2738, %div3A_2739 : vector<16xf32>
    %swap3A_2741 = arith.constant 7 : i32
    %swap3A_2742 = arith.index_cast %swap3A_2741 : i32 to index
    %swap3A_2743 = arith.constant 80 : index
    %swap3A_2744 = tpu.vector_load %arg7[%swap3A_2742, %swap3A_2743] {strides = array<i32>} : memref<8x128xf32, #tpu.memory_space<vmem>>, vector<16xf32>,
    tpu.vector_store %arg7[%swap3A_2742, %swap3A_2743], %div3A_2740 {strides = array<i32>} : memref<8x128xf32, #tpu.memory_space<vmem>>, vector<16xf32>,
    %get3A_2745 = arith.constant 7 : i32
    %get3A_2746 = arith.index_cast %get3A_2745 : i32 to index
    %get3A_2747 = arith.constant 96 : index
    %get3A_2748 = tpu.vector_load %arg7[%get3A_2746, %get3A_2747] {strides = array<i32>} : memref<8x128xf32, #tpu.memory_space<vmem>>, vector<16xf32>,
    %div3A_2749 = vector.broadcast %add3A_2444 : f32 to vector<16xf32>
    %div3A_2750 = arith.divf %get3A_2748, %div3A_2749 : vector<16xf32>
    %swap3A_2751 = arith.constant 7 : i32
    %swap3A_2752 = arith.index_cast %swap3A_2751 : i32 to index
    %swap3A_2753 = arith.constant 96 : index
    %swap3A_2754 = tpu.vector_load %arg7[%swap3A_2752, %swap3A_2753] {strides = array<i32>} : memref<8x128xf32, #tpu.memory_space<vmem>>, vector<16xf32>,
    tpu.vector_store %arg7[%swap3A_2752, %swap3A_2753], %div3A_2750 {strides = array<i32>} : memref<8x128xf32, #tpu.memory_space<vmem>>, vector<16xf32>,
    %get3A_2755 = arith.constant 7 : i32
    %get3A_2756 = arith.index_cast %get3A_2755 : i32 to index
    %get3A_2757 = arith.constant 112 : index
    %get3A_2758 = tpu.vector_load %arg7[%get3A_2756, %get3A_2757] {strides = array<i32>} : memref<8x128xf32, #tpu.memory_space<vmem>>, vector<16xf32>,
    %div3A_2759 = vector.broadcast %add3A_2444 : f32 to vector<16xf32>
    %div3A_2760 = arith.divf %get3A_2758, %div3A_2759 : vector<16xf32>
    %swap3A_2761 = arith.constant 7 : i32
    %swap3A_2762 = arith.index_cast %swap3A_2761 : i32 to index
    %swap3A_2763 = arith.constant 112 : index
    %swap3A_2764 = tpu.vector_load %arg7[%swap3A_2762, %swap3A_2763] {strides = array<i32>} : memref<8x128xf32, #tpu.memory_space<vmem>>, vector<16xf32>,
    tpu.vector_store %arg7[%swap3A_2762, %swap3A_2763], %div3A_2760 {strides = array<i32>} : memref<8x128xf32, #tpu.memory_space<vmem>>, vector<16xf32>,
    %add3A_2765 = arith.constant 0 : i32
    %add3A_2766 = arith.addi %mul3A_2, %add3A_2765 : i32
    %shift_right_arithmetic3A = arith.constant 3 : i32
    %shift_right_arithmetic3A_2767 = arith.shrsi %add3A_2766, %shift_right_arithmetic3A : i32
    %and3A = arith.constant 7 : i32
    %and3A_2768 = arith.andi %add3A_2766, %and3A : i32
    %get3A_2769 = arith.constant 0 : i32
    %get3A_2770 = arith.index_cast %get3A_2769 : i32 to index
    %get3A_2771 = arith.constant 0 : index
    %get3A_2772 = tpu.vector_load %arg5[%get3A_2770, %get3A_2771] {strides = array<i32>} : memref<8x128xi32, #tpu.memory_space<vmem>>, vector<16xi32>,
    %shift_right_arithmetic3A_2773 = arith.constant 7 : i32
    %shift_right_arithmetic3A_2774 = vector.broadcast %shift_right_arithmetic3A_2773 : i32 to vector<16xi32>
    %shift_right_arithmetic3A_2775 = arith.shrsi %get3A_2772, %shift_right_arithmetic3A_2774 : vector<16xi32>
    %and3A_2776 = arith.constant 127 : i32
    %and3A_2777 = vector.broadcast %and3A_2776 : i32 to vector<16xi32>
    %and3A_2778 = arith.andi %get3A_2772, %and3A_2777 : vector<16xi32>
    %get3A_2779 = arith.constant 0 : i32
    %get3A_2780 = arith.index_cast %get3A_2779 : i32 to index
    %get3A_2781 = arith.constant 0 : index
    %get3A_2782 = tpu.vector_load %arg7[%get3A_2780, %get3A_2781] {strides = array<i32>} : memref<8x128xf32, #tpu.memory_space<vmem>>, vector<16xf32>,
    tpu.vector_store_idx %arg8[%shift_right_arithmetic3A_2775, %and3A_2778], %get3A_2782 : memref<782x128xf32, #tpu.memory_space<vmem>>[vector<16xi32>, vector<16xi32>], vector<16xf32>,
    %get3A_2783 = arith.constant 0 : i32
    %get3A_2784 = arith.index_cast %get3A_2783 : i32 to index
    %get3A_2785 = arith.constant 16 : index
    %get3A_2786 = tpu.vector_load %arg5[%get3A_2784, %get3A_2785] {strides = array<i32>} : memref<8x128xi32, #tpu.memory_space<vmem>>, vector<16xi32>,
    %shift_right_arithmetic3A_2787 = arith.constant 7 : i32
    %shift_right_arithmetic3A_2788 = vector.broadcast %shift_right_arithmetic3A_2787 : i32 to vector<16xi32>
    %shift_right_arithmetic3A_2789 = arith.shrsi %get3A_2786, %shift_right_arithmetic3A_2788 : vector<16xi32>
    %and3A_2790 = arith.constant 127 : i32
    %and3A_2791 = vector.broadcast %and3A_2790 : i32 to vector<16xi32>
    %and3A_2792 = arith.andi %get3A_2786, %and3A_2791 : vector<16xi32>
    %get3A_2793 = arith.constant 0 : i32
    %get3A_2794 = arith.index_cast %get3A_2793 : i32 to index
    %get3A_2795 = arith.constant 16 : index
    %get3A_2796 = tpu.vector_load %arg7[%get3A_2794, %get3A_2795] {strides = array<i32>} : memref<8x128xf32, #tpu.memory_space<vmem>>, vector<16xf32>,
    tpu.vector_store_idx %arg8[%shift_right_arithmetic3A_2789, %and3A_2792], %get3A_2796 : memref<782x128xf32, #tpu.memory_space<vmem>>[vector<16xi32>, vector<16xi32>], vector<16xf32>,
    %get3A_2797 = arith.constant 0 : i32
    %get3A_2798 = arith.index_cast %get3A_2797 : i32 to index
    %get3A_2799 = arith.constant 32 : index
    %get3A_2800 = tpu.vector_load %arg5[%get3A_2798, %get3A_2799] {strides = array<i32>} : memref<8x128xi32, #tpu.memory_space<vmem>>, vector<16xi32>,
    %shift_right_arithmetic3A_2801 = arith.constant 7 : i32
    %shift_right_arithmetic3A_2802 = vector.broadcast %shift_right_arithmetic3A_2801 : i32 to vector<16xi32>
    %shift_right_arithmetic3A_2803 = arith.shrsi %get3A_2800, %shift_right_arithmetic3A_2802 : vector<16xi32>
    %and3A_2804 = arith.constant 127 : i32
    %and3A_2805 = vector.broadcast %and3A_2804 : i32 to vector<16xi32>
    %and3A_2806 = arith.andi %get3A_2800, %and3A_2805 : vector<16xi32>
    %get3A_2807 = arith.constant 0 : i32
    %get3A_2808 = arith.index_cast %get3A_2807 : i32 to index
    %get3A_2809 = arith.constant 32 : index
    %get3A_2810 = tpu.vector_load %arg7[%get3A_2808, %get3A_2809] {strides = array<i32>} : memref<8x128xf32, #tpu.memory_space<vmem>>, vector<16xf32>,
    tpu.vector_store_idx %arg8[%shift_right_arithmetic3A_2803, %and3A_2806], %get3A_2810 : memref<782x128xf32, #tpu.memory_space<vmem>>[vector<16xi32>, vector<16xi32>], vector<16xf32>,
    %get3A_2811 = arith.constant 0 : i32
    %get3A_2812 = arith.index_cast %get3A_2811 : i32 to index
    %get3A_2813 = arith.constant 48 : index
    %get3A_2814 = tpu.vector_load %arg5[%get3A_2812, %get3A_2813] {strides = array<i32>} : memref<8x128xi32, #tpu.memory_space<vmem>>, vector<16xi32>,
    %shift_right_arithmetic3A_2815 = arith.constant 7 : i32
    %shift_right_arithmetic3A_2816 = vector.broadcast %shift_right_arithmetic3A_2815 : i32 to vector<16xi32>
    %shift_right_arithmetic3A_2817 = arith.shrsi %get3A_2814, %shift_right_arithmetic3A_2816 : vector<16xi32>
    %and3A_2818 = arith.constant 127 : i32
    %and3A_2819 = vector.broadcast %and3A_2818 : i32 to vector<16xi32>
    %and3A_2820 = arith.andi %get3A_2814, %and3A_2819 : vector<16xi32>
    %get3A_2821 = arith.constant 0 : i32
    %get3A_2822 = arith.index_cast %get3A_2821 : i32 to index
    %get3A_2823 = arith.constant 48 : index
    %get3A_2824 = tpu.vector_load %arg7[%get3A_2822, %get3A_2823] {strides = array<i32>} : memref<8x128xf32, #tpu.memory_space<vmem>>, vector<16xf32>,
    tpu.vector_store_idx %arg8[%shift_right_arithmetic3A_2817, %and3A_2820], %get3A_2824 : memref<782x128xf32, #tpu.memory_space<vmem>>[vector<16xi32>, vector<16xi32>], vector<16xf32>,
    %get3A_2825 = arith.constant 0 : i32
    %get3A_2826 = arith.index_cast %get3A_2825 : i32 to index
    %get3A_2827 = arith.constant 64 : index
    %get3A_2828 = tpu.vector_load %arg5[%get3A_2826, %get3A_2827] {strides = array<i32>} : memref<8x128xi32, #tpu.memory_space<vmem>>, vector<16xi32>,
    %shift_right_arithmetic3A_2829 = arith.constant 7 : i32
    %shift_right_arithmetic3A_2830 = vector.broadcast %shift_right_arithmetic3A_2829 : i32 to vector<16xi32>
    %shift_right_arithmetic3A_2831 = arith.shrsi %get3A_2828, %shift_right_arithmetic3A_2830 : vector<16xi32>
    %and3A_2832 = arith.constant 127 : i32
    %and3A_2833 = vector.broadcast %and3A_2832 : i32 to vector<16xi32>
    %and3A_2834 = arith.andi %get3A_2828, %and3A_2833 : vector<16xi32>
    %get3A_2835 = arith.constant 0 : i32
    %get3A_2836 = arith.index_cast %get3A_2835 : i32 to index
    %get3A_2837 = arith.constant 64 : index
    %get3A_2838 = tpu.vector_load %arg7[%get3A_2836, %get3A_2837] {strides = array<i32>} : memref<8x128xf32, #tpu.memory_space<vmem>>, vector<16xf32>,
    tpu.vector_store_idx %arg8[%shift_right_arithmetic3A_2831, %and3A_2834], %get3A_2838 : memref<782x128xf32, #tpu.memory_space<vmem>>[vector<16xi32>, vector<16xi32>], vector<16xf32>,
    %get3A_2839 = arith.constant 0 : i32
    %get3A_2840 = arith.index_cast %get3A_2839 : i32 to index
    %get3A_2841 = arith.constant 80 : index
    %get3A_2842 = tpu.vector_load %arg5[%get3A_2840, %get3A_2841] {strides = array<i32>} : memref<8x128xi32, #tpu.memory_space<vmem>>, vector<16xi32>,
    %shift_right_arithmetic3A_2843 = arith.constant 7 : i32
    %shift_right_arithmetic3A_2844 = vector.broadcast %shift_right_arithmetic3A_2843 : i32 to vector<16xi32>
    %shift_right_arithmetic3A_2845 = arith.shrsi %get3A_2842, %shift_right_arithmetic3A_2844 : vector<16xi32>
    %and3A_2846 = arith.constant 127 : i32
    %and3A_2847 = vector.broadcast %and3A_2846 : i32 to vector<16xi32>
    %and3A_2848 = arith.andi %get3A_2842, %and3A_2847 : vector<16xi32>
    %get3A_2849 = arith.constant 0 : i32
    %get3A_2850 = arith.index_cast %get3A_2849 : i32 to index
    %get3A_2851 = arith.constant 80 : index
    %get3A_2852 = tpu.vector_load %arg7[%get3A_2850, %get3A_2851] {strides = array<i32>} : memref<8x128xf32, #tpu.memory_space<vmem>>, vector<16xf32>,
    tpu.vector_store_idx %arg8[%shift_right_arithmetic3A_2845, %and3A_2848], %get3A_2852 : memref<782x128xf32, #tpu.memory_space<vmem>>[vector<16xi32>, vector<16xi32>], vector<16xf32>,
    %get3A_2853 = arith.constant 0 : i32
    %get3A_2854 = arith.index_cast %get3A_2853 : i32 to index
    %get3A_2855 = arith.constant 96 : index
    %get3A_2856 = tpu.vector_load %arg5[%get3A_2854, %get3A_2855] {strides = array<i32>} : memref<8x128xi32, #tpu.memory_space<vmem>>, vector<16xi32>,
    %shift_right_arithmetic3A_2857 = arith.constant 7 : i32
    %shift_right_arithmetic3A_2858 = vector.broadcast %shift_right_arithmetic3A_2857 : i32 to vector<16xi32>
    %shift_right_arithmetic3A_2859 = arith.shrsi %get3A_2856, %shift_right_arithmetic3A_2858 : vector<16xi32>
    %and3A_2860 = arith.constant 127 : i32
    %and3A_2861 = vector.broadcast %and3A_2860 : i32 to vector<16xi32>
    %and3A_2862 = arith.andi %get3A_2856, %and3A_2861 : vector<16xi32>
    %get3A_2863 = arith.constant 0 : i32
    %get3A_2864 = arith.index_cast %get3A_2863 : i32 to index
    %get3A_2865 = arith.constant 96 : index
    %get3A_2866 = tpu.vector_load %arg7[%get3A_2864, %get3A_2865] {strides = array<i32>} : memref<8x128xf32, #tpu.memory_space<vmem>>, vector<16xf32>,
    tpu.vector_store_idx %arg8[%shift_right_arithmetic3A_2859, %and3A_2862], %get3A_2866 : memref<782x128xf32, #tpu.memory_space<vmem>>[vector<16xi32>, vector<16xi32>], vector<16xf32>,
    %get3A_2867 = arith.constant 0 : i32
    %get3A_2868 = arith.index_cast %get3A_2867 : i32 to index
    %get3A_2869 = arith.constant 112 : index
    %get3A_2870 = tpu.vector_load %arg5[%get3A_2868, %get3A_2869] {strides = array<i32>} : memref<8x128xi32, #tpu.memory_space<vmem>>, vector<16xi32>,
    %shift_right_arithmetic3A_2871 = arith.constant 7 : i32
    %shift_right_arithmetic3A_2872 = vector.broadcast %shift_right_arithmetic3A_2871 : i32 to vector<16xi32>
    %shift_right_arithmetic3A_2873 = arith.shrsi %get3A_2870, %shift_right_arithmetic3A_2872 : vector<16xi32>
    %and3A_2874 = arith.constant 127 : i32
    %and3A_2875 = vector.broadcast %and3A_2874 : i32 to vector<16xi32>
    %and3A_2876 = arith.andi %get3A_2870, %and3A_2875 : vector<16xi32>
    %get3A_2877 = arith.constant 0 : i32
    %get3A_2878 = arith.index_cast %get3A_2877 : i32 to index
    %get3A_2879 = arith.constant 112 : index
    %get3A_2880 = tpu.vector_load %arg7[%get3A_2878, %get3A_2879] {strides = array<i32>} : memref<8x128xf32, #tpu.memory_space<vmem>>, vector<16xf32>,
    tpu.vector_store_idx %arg8[%shift_right_arithmetic3A_2873, %and3A_2876], %get3A_2880 : memref<782x128xf32, #tpu.memory_space<vmem>>[vector<16xi32>, vector<16xi32>], vector<16xf32>,
    %get3A_2881 = arith.constant 1 : i32
    %get3A_2882 = arith.index_cast %get3A_2881 : i32 to index
    %get3A_2883 = arith.constant 0 : index
    %get3A_2884 = tpu.vector_load %arg5[%get3A_2882, %get3A_2883] {strides = array<i32>} : memref<8x128xi32, #tpu.memory_space<vmem>>, vector<16xi32>,
    %shift_right_arithmetic3A_2885 = arith.constant 7 : i32
    %shift_right_arithmetic3A_2886 = vector.broadcast %shift_right_arithmetic3A_2885 : i32 to vector<16xi32>
    %shift_right_arithmetic3A_2887 = arith.shrsi %get3A_2884, %shift_right_arithmetic3A_2886 : vector<16xi32>
    %and3A_2888 = arith.constant 127 : i32
    %and3A_2889 = vector.broadcast %and3A_2888 : i32 to vector<16xi32>
    %and3A_2890 = arith.andi %get3A_2884, %and3A_2889 : vector<16xi32>
    %get3A_2891 = arith.constant 1 : i32
    %get3A_2892 = arith.index_cast %get3A_2891 : i32 to index
    %get3A_2893 = arith.constant 0 : index
    %get3A_2894 = tpu.vector_load %arg7[%get3A_2892, %get3A_2893] {strides = array<i32>} : memref<8x128xf32, #tpu.memory_space<vmem>>, vector<16xf32>,
    tpu.vector_store_idx %arg8[%shift_right_arithmetic3A_2887, %and3A_2890], %get3A_2894 : memref<782x128xf32, #tpu.memory_space<vmem>>[vector<16xi32>, vector<16xi32>], vector<16xf32>,
    %get3A_2895 = arith.constant 1 : i32
    %get3A_2896 = arith.index_cast %get3A_2895 : i32 to index
    %get3A_2897 = arith.constant 16 : index
    %get3A_2898 = tpu.vector_load %arg5[%get3A_2896, %get3A_2897] {strides = array<i32>} : memref<8x128xi32, #tpu.memory_space<vmem>>, vector<16xi32>,
    %shift_right_arithmetic3A_2899 = arith.constant 7 : i32
    %shift_right_arithmetic3A_2900 = vector.broadcast %shift_right_arithmetic3A_2899 : i32 to vector<16xi32>
    %shift_right_arithmetic3A_2901 = arith.shrsi %get3A_2898, %shift_right_arithmetic3A_2900 : vector<16xi32>
    %and3A_2902 = arith.constant 127 : i32
    %and3A_2903 = vector.broadcast %and3A_2902 : i32 to vector<16xi32>
    %and3A_2904 = arith.andi %get3A_2898, %and3A_2903 : vector<16xi32>
    %get3A_2905 = arith.constant 1 : i32
    %get3A_2906 = arith.index_cast %get3A_2905 : i32 to index
    %get3A_2907 = arith.constant 16 : index
    %get3A_2908 = tpu.vector_load %arg7[%get3A_2906, %get3A_2907] {strides = array<i32>} : memref<8x128xf32, #tpu.memory_space<vmem>>, vector<16xf32>,
    tpu.vector_store_idx %arg8[%shift_right_arithmetic3A_2901, %and3A_2904], %get3A_2908 : memref<782x128xf32, #tpu.memory_space<vmem>>[vector<16xi32>, vector<16xi32>], vector<16xf32>,
    %get3A_2909 = arith.constant 1 : i32
    %get3A_2910 = arith.index_cast %get3A_2909 : i32 to index
    %get3A_2911 = arith.constant 32 : index
    %get3A_2912 = tpu.vector_load %arg5[%get3A_2910, %get3A_2911] {strides = array<i32>} : memref<8x128xi32, #tpu.memory_space<vmem>>, vector<16xi32>,
    %shift_right_arithmetic3A_2913 = arith.constant 7 : i32
    %shift_right_arithmetic3A_2914 = vector.broadcast %shift_right_arithmetic3A_2913 : i32 to vector<16xi32>
    %shift_right_arithmetic3A_2915 = arith.shrsi %get3A_2912, %shift_right_arithmetic3A_2914 : vector<16xi32>
    %and3A_2916 = arith.constant 127 : i32
    %and3A_2917 = vector.broadcast %and3A_2916 : i32 to vector<16xi32>
    %and3A_2918 = arith.andi %get3A_2912, %and3A_2917 : vector<16xi32>
    %get3A_2919 = arith.constant 1 : i32
    %get3A_2920 = arith.index_cast %get3A_2919 : i32 to index
    %get3A_2921 = arith.constant 32 : index
    %get3A_2922 = tpu.vector_load %arg7[%get3A_2920, %get3A_2921] {strides = array<i32>} : memref<8x128xf32, #tpu.memory_space<vmem>>, vector<16xf32>,
    tpu.vector_store_idx %arg8[%shift_right_arithmetic3A_2915, %and3A_2918], %get3A_2922 : memref<782x128xf32, #tpu.memory_space<vmem>>[vector<16xi32>, vector<16xi32>], vector<16xf32>,
    %get3A_2923 = arith.constant 1 : i32
    %get3A_2924 = arith.index_cast %get3A_2923 : i32 to index
    %get3A_2925 = arith.constant 48 : index
    %get3A_2926 = tpu.vector_load %arg5[%get3A_2924, %get3A_2925] {strides = array<i32>} : memref<8x128xi32, #tpu.memory_space<vmem>>, vector<16xi32>,
    %shift_right_arithmetic3A_2927 = arith.constant 7 : i32
    %shift_right_arithmetic3A_2928 = vector.broadcast %shift_right_arithmetic3A_2927 : i32 to vector<16xi32>
    %shift_right_arithmetic3A_2929 = arith.shrsi %get3A_2926, %shift_right_arithmetic3A_2928 : vector<16xi32>
    %and3A_2930 = arith.constant 127 : i32
    %and3A_2931 = vector.broadcast %and3A_2930 : i32 to vector<16xi32>
    %and3A_2932 = arith.andi %get3A_2926, %and3A_2931 : vector<16xi32>
    %get3A_2933 = arith.constant 1 : i32
    %get3A_2934 = arith.index_cast %get3A_2933 : i32 to index
    %get3A_2935 = arith.constant 48 : index
    %get3A_2936 = tpu.vector_load %arg7[%get3A_2934, %get3A_2935] {strides = array<i32>} : memref<8x128xf32, #tpu.memory_space<vmem>>, vector<16xf32>,
    tpu.vector_store_idx %arg8[%shift_right_arithmetic3A_2929, %and3A_2932], %get3A_2936 : memref<782x128xf32, #tpu.memory_space<vmem>>[vector<16xi32>, vector<16xi32>], vector<16xf32>,
    %get3A_2937 = arith.constant 1 : i32
    %get3A_2938 = arith.index_cast %get3A_2937 : i32 to index
    %get3A_2939 = arith.constant 64 : index
    %get3A_2940 = tpu.vector_load %arg5[%get3A_2938, %get3A_2939] {strides = array<i32>} : memref<8x128xi32, #tpu.memory_space<vmem>>, vector<16xi32>,
    %shift_right_arithmetic3A_2941 = arith.constant 7 : i32
    %shift_right_arithmetic3A_2942 = vector.broadcast %shift_right_arithmetic3A_2941 : i32 to vector<16xi32>
    %shift_right_arithmetic3A_2943 = arith.shrsi %get3A_2940, %shift_right_arithmetic3A_2942 : vector<16xi32>
    %and3A_2944 = arith.constant 127 : i32
    %and3A_2945 = vector.broadcast %and3A_2944 : i32 to vector<16xi32>
    %and3A_2946 = arith.andi %get3A_2940, %and3A_2945 : vector<16xi32>
    %get3A_2947 = arith.constant 1 : i32
    %get3A_2948 = arith.index_cast %get3A_2947 : i32 to index
    %get3A_2949 = arith.constant 64 : index
    %get3A_2950 = tpu.vector_load %arg7[%get3A_2948, %get3A_2949] {strides = array<i32>} : memref<8x128xf32, #tpu.memory_space<vmem>>, vector<16xf32>,
    tpu.vector_store_idx %arg8[%shift_right_arithmetic3A_2943, %and3A_2946], %get3A_2950 : memref<782x128xf32, #tpu.memory_space<vmem>>[vector<16xi32>, vector<16xi32>], vector<16xf32>,
    %get3A_2951 = arith.constant 1 : i32
    %get3A_2952 = arith.index_cast %get3A_2951 : i32 to index
    %get3A_2953 = arith.constant 80 : index
    %get3A_2954 = tpu.vector_load %arg5[%get3A_2952, %get3A_2953] {strides = array<i32>} : memref<8x128xi32, #tpu.memory_space<vmem>>, vector<16xi32>,
    %shift_right_arithmetic3A_2955 = arith.constant 7 : i32
    %shift_right_arithmetic3A_2956 = vector.broadcast %shift_right_arithmetic3A_2955 : i32 to vector<16xi32>
    %shift_right_arithmetic3A_2957 = arith.shrsi %get3A_2954, %shift_right_arithmetic3A_2956 : vector<16xi32>
    %and3A_2958 = arith.constant 127 : i32
    %and3A_2959 = vector.broadcast %and3A_2958 : i32 to vector<16xi32>
    %and3A_2960 = arith.andi %get3A_2954, %and3A_2959 : vector<16xi32>
    %get3A_2961 = arith.constant 1 : i32
    %get3A_2962 = arith.index_cast %get3A_2961 : i32 to index
    %get3A_2963 = arith.constant 80 : index
    %get3A_2964 = tpu.vector_load %arg7[%get3A_2962, %get3A_2963] {strides = array<i32>} : memref<8x128xf32, #tpu.memory_space<vmem>>, vector<16xf32>,
    tpu.vector_store_idx %arg8[%shift_right_arithmetic3A_2957, %and3A_2960], %get3A_2964 : memref<782x128xf32, #tpu.memory_space<vmem>>[vector<16xi32>, vector<16xi32>], vector<16xf32>,
    %get3A_2965 = arith.constant 1 : i32
    %get3A_2966 = arith.index_cast %get3A_2965 : i32 to index
    %get3A_2967 = arith.constant 96 : index
    %get3A_2968 = tpu.vector_load %arg5[%get3A_2966, %get3A_2967] {strides = array<i32>} : memref<8x128xi32, #tpu.memory_space<vmem>>, vector<16xi32>,
    %shift_right_arithmetic3A_2969 = arith.constant 7 : i32
    %shift_right_arithmetic3A_2970 = vector.broadcast %shift_right_arithmetic3A_2969 : i32 to vector<16xi32>
    %shift_right_arithmetic3A_2971 = arith.shrsi %get3A_2968, %shift_right_arithmetic3A_2970 : vector<16xi32>
    %and3A_2972 = arith.constant 127 : i32
    %and3A_2973 = vector.broadcast %and3A_2972 : i32 to vector<16xi32>
    %and3A_2974 = arith.andi %get3A_2968, %and3A_2973 : vector<16xi32>
    %get3A_2975 = arith.constant 1 : i32
    %get3A_2976 = arith.index_cast %get3A_2975 : i32 to index
    %get3A_2977 = arith.constant 96 : index
    %get3A_2978 = tpu.vector_load %arg7[%get3A_2976, %get3A_2977] {strides = array<i32>} : memref<8x128xf32, #tpu.memory_space<vmem>>, vector<16xf32>,
    tpu.vector_store_idx %arg8[%shift_right_arithmetic3A_2971, %and3A_2974], %get3A_2978 : memref<782x128xf32, #tpu.memory_space<vmem>>[vector<16xi32>, vector<16xi32>], vector<16xf32>,
    %get3A_2979 = arith.constant 1 : i32
    %get3A_2980 = arith.index_cast %get3A_2979 : i32 to index
    %get3A_2981 = arith.constant 112 : index
    %get3A_2982 = tpu.vector_load %arg5[%get3A_2980, %get3A_2981] {strides = array<i32>} : memref<8x128xi32, #tpu.memory_space<vmem>>, vector<16xi32>,
    %shift_right_arithmetic3A_2983 = arith.constant 7 : i32
    %shift_right_arithmetic3A_2984 = vector.broadcast %shift_right_arithmetic3A_2983 : i32 to vector<16xi32>
    %shift_right_arithmetic3A_2985 = arith.shrsi %get3A_2982, %shift_right_arithmetic3A_2984 : vector<16xi32>
    %and3A_2986 = arith.constant 127 : i32
    %and3A_2987 = vector.broadcast %and3A_2986 : i32 to vector<16xi32>
    %and3A_2988 = arith.andi %get3A_2982, %and3A_2987 : vector<16xi32>
    %get3A_2989 = arith.constant 1 : i32
    %get3A_2990 = arith.index_cast %get3A_2989 : i32 to index
    %get3A_2991 = arith.constant 112 : index
    %get3A_2992 = tpu.vector_load %arg7[%get3A_2990, %get3A_2991] {strides = array<i32>} : memref<8x128xf32, #tpu.memory_space<vmem>>, vector<16xf32>,
    tpu.vector_store_idx %arg8[%shift_right_arithmetic3A_2985, %and3A_2988], %get3A_2992 : memref<782x128xf32, #tpu.memory_space<vmem>>[vector<16xi32>, vector<16xi32>], vector<16xf32>,
    %get3A_2993 = arith.constant 2 : i32
    %get3A_2994 = arith.index_cast %get3A_2993 : i32 to index
    %get3A_2995 = arith.constant 0 : index
    %get3A_2996 = tpu.vector_load %arg5[%get3A_2994, %get3A_2995] {strides = array<i32>} : memref<8x128xi32, #tpu.memory_space<vmem>>, vector<16xi32>,
    %shift_right_arithmetic3A_2997 = arith.constant 7 : i32
    %shift_right_arithmetic3A_2998 = vector.broadcast %shift_right_arithmetic3A_2997 : i32 to vector<16xi32>
    %shift_right_arithmetic3A_2999 = arith.shrsi %get3A_2996, %shift_right_arithmetic3A_2998 : vector<16xi32>
    %and3A_3000 = arith.constant 127 : i32
    %and3A_3001 = vector.broadcast %and3A_3000 : i32 to vector<16xi32>
    %and3A_3002 = arith.andi %get3A_2996, %and3A_3001 : vector<16xi32>
    %get3A_3003 = arith.constant 2 : i32
    %get3A_3004 = arith.index_cast %get3A_3003 : i32 to index
    %get3A_3005 = arith.constant 0 : index
    %get3A_3006 = tpu.vector_load %arg7[%get3A_3004, %get3A_3005] {strides = array<i32>} : memref<8x128xf32, #tpu.memory_space<vmem>>, vector<16xf32>,
    tpu.vector_store_idx %arg8[%shift_right_arithmetic3A_2999, %and3A_3002], %get3A_3006 : memref<782x128xf32, #tpu.memory_space<vmem>>[vector<16xi32>, vector<16xi32>], vector<16xf32>,
    %get3A_3007 = arith.constant 2 : i32
    %get3A_3008 = arith.index_cast %get3A_3007 : i32 to index
    %get3A_3009 = arith.constant 16 : index
    %get3A_3010 = tpu.vector_load %arg5[%get3A_3008, %get3A_3009] {strides = array<i32>} : memref<8x128xi32, #tpu.memory_space<vmem>>, vector<16xi32>,
    %shift_right_arithmetic3A_3011 = arith.constant 7 : i32
    %shift_right_arithmetic3A_3012 = vector.broadcast %shift_right_arithmetic3A_3011 : i32 to vector<16xi32>
    %shift_right_arithmetic3A_3013 = arith.shrsi %get3A_3010, %shift_right_arithmetic3A_3012 : vector<16xi32>
    %and3A_3014 = arith.constant 127 : i32
    %and3A_3015 = vector.broadcast %and3A_3014 : i32 to vector<16xi32>
    %and3A_3016 = arith.andi %get3A_3010, %and3A_3015 : vector<16xi32>
    %get3A_3017 = arith.constant 2 : i32
    %get3A_3018 = arith.index_cast %get3A_3017 : i32 to index
    %get3A_3019 = arith.constant 16 : index
    %get3A_3020 = tpu.vector_load %arg7[%get3A_3018, %get3A_3019] {strides = array<i32>} : memref<8x128xf32, #tpu.memory_space<vmem>>, vector<16xf32>,
    tpu.vector_store_idx %arg8[%shift_right_arithmetic3A_3013, %and3A_3016], %get3A_3020 : memref<782x128xf32, #tpu.memory_space<vmem>>[vector<16xi32>, vector<16xi32>], vector<16xf32>,
    %get3A_3021 = arith.constant 2 : i32
    %get3A_3022 = arith.index_cast %get3A_3021 : i32 to index
    %get3A_3023 = arith.constant 32 : index
    %get3A_3024 = tpu.vector_load %arg5[%get3A_3022, %get3A_3023] {strides = array<i32>} : memref<8x128xi32, #tpu.memory_space<vmem>>, vector<16xi32>,
    %shift_right_arithmetic3A_3025 = arith.constant 7 : i32
    %shift_right_arithmetic3A_3026 = vector.broadcast %shift_right_arithmetic3A_3025 : i32 to vector<16xi32>
    %shift_right_arithmetic3A_3027 = arith.shrsi %get3A_3024, %shift_right_arithmetic3A_3026 : vector<16xi32>
    %and3A_3028 = arith.constant 127 : i32
    %and3A_3029 = vector.broadcast %and3A_3028 : i32 to vector<16xi32>
    %and3A_3030 = arith.andi %get3A_3024, %and3A_3029 : vector<16xi32>
    %get3A_3031 = arith.constant 2 : i32
    %get3A_3032 = arith.index_cast %get3A_3031 : i32 to index
    %get3A_3033 = arith.constant 32 : index
    %get3A_3034 = tpu.vector_load %arg7[%get3A_3032, %get3A_3033] {strides = array<i32>} : memref<8x128xf32, #tpu.memory_space<vmem>>, vector<16xf32>,
    tpu.vector_store_idx %arg8[%shift_right_arithmetic3A_3027, %and3A_3030], %get3A_3034 : memref<782x128xf32, #tpu.memory_space<vmem>>[vector<16xi32>, vector<16xi32>], vector<16xf32>,
    %get3A_3035 = arith.constant 2 : i32
    %get3A_3036 = arith.index_cast %get3A_3035 : i32 to index
    %get3A_3037 = arith.constant 48 : index
    %get3A_3038 = tpu.vector_load %arg5[%get3A_3036, %get3A_3037] {strides = array<i32>} : memref<8x128xi32, #tpu.memory_space<vmem>>, vector<16xi32>,
    %shift_right_arithmetic3A_3039 = arith.constant 7 : i32
    %shift_right_arithmetic3A_3040 = vector.broadcast %shift_right_arithmetic3A_3039 : i32 to vector<16xi32>
    %shift_right_arithmetic3A_3041 = arith.shrsi %get3A_3038, %shift_right_arithmetic3A_3040 : vector<16xi32>
    %and3A_3042 = arith.constant 127 : i32
    %and3A_3043 = vector.broadcast %and3A_3042 : i32 to vector<16xi32>
    %and3A_3044 = arith.andi %get3A_3038, %and3A_3043 : vector<16xi32>
    %get3A_3045 = arith.constant 2 : i32
    %get3A_3046 = arith.index_cast %get3A_3045 : i32 to index
    %get3A_3047 = arith.constant 48 : index
    %get3A_3048 = tpu.vector_load %arg7[%get3A_3046, %get3A_3047] {strides = array<i32>} : memref<8x128xf32, #tpu.memory_space<vmem>>, vector<16xf32>,
    tpu.vector_store_idx %arg8[%shift_right_arithmetic3A_3041, %and3A_3044], %get3A_3048 : memref<782x128xf32, #tpu.memory_space<vmem>>[vector<16xi32>, vector<16xi32>], vector<16xf32>,
    %get3A_3049 = arith.constant 2 : i32
    %get3A_3050 = arith.index_cast %get3A_3049 : i32 to index
    %get3A_3051 = arith.constant 64 : index
    %get3A_3052 = tpu.vector_load %arg5[%get3A_3050, %get3A_3051] {strides = array<i32>} : memref<8x128xi32, #tpu.memory_space<vmem>>, vector<16xi32>,
    %shift_right_arithmetic3A_3053 = arith.constant 7 : i32
    %shift_right_arithmetic3A_3054 = vector.broadcast %shift_right_arithmetic3A_3053 : i32 to vector<16xi32>
    %shift_right_arithmetic3A_3055 = arith.shrsi %get3A_3052, %shift_right_arithmetic3A_3054 : vector<16xi32>
    %and3A_3056 = arith.constant 127 : i32
    %and3A_3057 = vector.broadcast %and3A_3056 : i32 to vector<16xi32>
    %and3A_3058 = arith.andi %get3A_3052, %and3A_3057 : vector<16xi32>
    %get3A_3059 = arith.constant 2 : i32
    %get3A_3060 = arith.index_cast %get3A_3059 : i32 to index
    %get3A_3061 = arith.constant 64 : index
    %get3A_3062 = tpu.vector_load %arg7[%get3A_3060, %get3A_3061] {strides = array<i32>} : memref<8x128xf32, #tpu.memory_space<vmem>>, vector<16xf32>,
    tpu.vector_store_idx %arg8[%shift_right_arithmetic3A_3055, %and3A_3058], %get3A_3062 : memref<782x128xf32, #tpu.memory_space<vmem>>[vector<16xi32>, vector<16xi32>], vector<16xf32>,
    %get3A_3063 = arith.constant 2 : i32
    %get3A_3064 = arith.index_cast %get3A_3063 : i32 to index
    %get3A_3065 = arith.constant 80 : index
    %get3A_3066 = tpu.vector_load %arg5[%get3A_3064, %get3A_3065] {strides = array<i32>} : memref<8x128xi32, #tpu.memory_space<vmem>>, vector<16xi32>,
    %shift_right_arithmetic3A_3067 = arith.constant 7 : i32
    %shift_right_arithmetic3A_3068 = vector.broadcast %shift_right_arithmetic3A_3067 : i32 to vector<16xi32>
    %shift_right_arithmetic3A_3069 = arith.shrsi %get3A_3066, %shift_right_arithmetic3A_3068 : vector<16xi32>
    %and3A_3070 = arith.constant 127 : i32
    %and3A_3071 = vector.broadcast %and3A_3070 : i32 to vector<16xi32>
    %and3A_3072 = arith.andi %get3A_3066, %and3A_3071 : vector<16xi32>
    %get3A_3073 = arith.constant 2 : i32
    %get3A_3074 = arith.index_cast %get3A_3073 : i32 to index
    %get3A_3075 = arith.constant 80 : index
    %get3A_3076 = tpu.vector_load %arg7[%get3A_3074, %get3A_3075] {strides = array<i32>} : memref<8x128xf32, #tpu.memory_space<vmem>>, vector<16xf32>,
    tpu.vector_store_idx %arg8[%shift_right_arithmetic3A_3069, %and3A_3072], %get3A_3076 : memref<782x128xf32, #tpu.memory_space<vmem>>[vector<16xi32>, vector<16xi32>], vector<16xf32>,
    %get3A_3077 = arith.constant 2 : i32
    %get3A_3078 = arith.index_cast %get3A_3077 : i32 to index
    %get3A_3079 = arith.constant 96 : index
    %get3A_3080 = tpu.vector_load %arg5[%get3A_3078, %get3A_3079] {strides = array<i32>} : memref<8x128xi32, #tpu.memory_space<vmem>>, vector<16xi32>,
    %shift_right_arithmetic3A_3081 = arith.constant 7 : i32
    %shift_right_arithmetic3A_3082 = vector.broadcast %shift_right_arithmetic3A_3081 : i32 to vector<16xi32>
    %shift_right_arithmetic3A_3083 = arith.shrsi %get3A_3080, %shift_right_arithmetic3A_3082 : vector<16xi32>
    %and3A_3084 = arith.constant 127 : i32
    %and3A_3085 = vector.broadcast %and3A_3084 : i32 to vector<16xi32>
    %and3A_3086 = arith.andi %get3A_3080, %and3A_3085 : vector<16xi32>
    %get3A_3087 = arith.constant 2 : i32
    %get3A_3088 = arith.index_cast %get3A_3087 : i32 to index
    %get3A_3089 = arith.constant 96 : index
    %get3A_3090 = tpu.vector_load %arg7[%get3A_3088, %get3A_3089] {strides = array<i32>} : memref<8x128xf32, #tpu.memory_space<vmem>>, vector<16xf32>,
    tpu.vector_store_idx %arg8[%shift_right_arithmetic3A_3083, %and3A_3086], %get3A_3090 : memref<782x128xf32, #tpu.memory_space<vmem>>[vector<16xi32>, vector<16xi32>], vector<16xf32>,
    %get3A_3091 = arith.constant 2 : i32
    %get3A_3092 = arith.index_cast %get3A_3091 : i32 to index
    %get3A_3093 = arith.constant 112 : index
    %get3A_3094 = tpu.vector_load %arg5[%get3A_3092, %get3A_3093] {strides = array<i32>} : memref<8x128xi32, #tpu.memory_space<vmem>>, vector<16xi32>,
    %shift_right_arithmetic3A_3095 = arith.constant 7 : i32
    %shift_right_arithmetic3A_3096 = vector.broadcast %shift_right_arithmetic3A_3095 : i32 to vector<16xi32>
    %shift_right_arithmetic3A_3097 = arith.shrsi %get3A_3094, %shift_right_arithmetic3A_3096 : vector<16xi32>
    %and3A_3098 = arith.constant 127 : i32
    %and3A_3099 = vector.broadcast %and3A_3098 : i32 to vector<16xi32>
    %and3A_3100 = arith.andi %get3A_3094, %and3A_3099 : vector<16xi32>
    %get3A_3101 = arith.constant 2 : i32
    %get3A_3102 = arith.index_cast %get3A_3101 : i32 to index
    %get3A_3103 = arith.constant 112 : index
    %get3A_3104 = tpu.vector_load %arg7[%get3A_3102, %get3A_3103] {strides = array<i32>} : memref<8x128xf32, #tpu.memory_space<vmem>>, vector<16xf32>,
    tpu.vector_store_idx %arg8[%shift_right_arithmetic3A_3097, %and3A_3100], %get3A_3104 : memref<782x128xf32, #tpu.memory_space<vmem>>[vector<16xi32>, vector<16xi32>], vector<16xf32>,
    %get3A_3105 = arith.constant 3 : i32
    %get3A_3106 = arith.index_cast %get3A_3105 : i32 to index
    %get3A_3107 = arith.constant 0 : index
    %get3A_3108 = tpu.vector_load %arg5[%get3A_3106, %get3A_3107] {strides = array<i32>} : memref<8x128xi32, #tpu.memory_space<vmem>>, vector<16xi32>,
    %shift_right_arithmetic3A_3109 = arith.constant 7 : i32
    %shift_right_arithmetic3A_3110 = vector.broadcast %shift_right_arithmetic3A_3109 : i32 to vector<16xi32>
    %shift_right_arithmetic3A_3111 = arith.shrsi %get3A_3108, %shift_right_arithmetic3A_3110 : vector<16xi32>
    %and3A_3112 = arith.constant 127 : i32
    %and3A_3113 = vector.broadcast %and3A_3112 : i32 to vector<16xi32>
    %and3A_3114 = arith.andi %get3A_3108, %and3A_3113 : vector<16xi32>
    %get3A_3115 = arith.constant 3 : i32
    %get3A_3116 = arith.index_cast %get3A_3115 : i32 to index
    %get3A_3117 = arith.constant 0 : index
    %get3A_3118 = tpu.vector_load %arg7[%get3A_3116, %get3A_3117] {strides = array<i32>} : memref<8x128xf32, #tpu.memory_space<vmem>>, vector<16xf32>,
    tpu.vector_store_idx %arg8[%shift_right_arithmetic3A_3111, %and3A_3114], %get3A_3118 : memref<782x128xf32, #tpu.memory_space<vmem>>[vector<16xi32>, vector<16xi32>], vector<16xf32>,
    %get3A_3119 = arith.constant 3 : i32
    %get3A_3120 = arith.index_cast %get3A_3119 : i32 to index
    %get3A_3121 = arith.constant 16 : index
    %get3A_3122 = tpu.vector_load %arg5[%get3A_3120, %get3A_3121] {strides = array<i32>} : memref<8x128xi32, #tpu.memory_space<vmem>>, vector<16xi32>,
    %shift_right_arithmetic3A_3123 = arith.constant 7 : i32
    %shift_right_arithmetic3A_3124 = vector.broadcast %shift_right_arithmetic3A_3123 : i32 to vector<16xi32>
    %shift_right_arithmetic3A_3125 = arith.shrsi %get3A_3122, %shift_right_arithmetic3A_3124 : vector<16xi32>
    %and3A_3126 = arith.constant 127 : i32
    %and3A_3127 = vector.broadcast %and3A_3126 : i32 to vector<16xi32>
    %and3A_3128 = arith.andi %get3A_3122, %and3A_3127 : vector<16xi32>
    %get3A_3129 = arith.constant 3 : i32
    %get3A_3130 = arith.index_cast %get3A_3129 : i32 to index
    %get3A_3131 = arith.constant 16 : index
    %get3A_3132 = tpu.vector_load %arg7[%get3A_3130, %get3A_3131] {strides = array<i32>} : memref<8x128xf32, #tpu.memory_space<vmem>>, vector<16xf32>,
    tpu.vector_store_idx %arg8[%shift_right_arithmetic3A_3125, %and3A_3128], %get3A_3132 : memref<782x128xf32, #tpu.memory_space<vmem>>[vector<16xi32>, vector<16xi32>], vector<16xf32>,
    %get3A_3133 = arith.constant 3 : i32
    %get3A_3134 = arith.index_cast %get3A_3133 : i32 to index
    %get3A_3135 = arith.constant 32 : index
    %get3A_3136 = tpu.vector_load %arg5[%get3A_3134, %get3A_3135] {strides = array<i32>} : memref<8x128xi32, #tpu.memory_space<vmem>>, vector<16xi32>,
    %shift_right_arithmetic3A_3137 = arith.constant 7 : i32
    %shift_right_arithmetic3A_3138 = vector.broadcast %shift_right_arithmetic3A_3137 : i32 to vector<16xi32>
    %shift_right_arithmetic3A_3139 = arith.shrsi %get3A_3136, %shift_right_arithmetic3A_3138 : vector<16xi32>
    %and3A_3140 = arith.constant 127 : i32
    %and3A_3141 = vector.broadcast %and3A_3140 : i32 to vector<16xi32>
    %and3A_3142 = arith.andi %get3A_3136, %and3A_3141 : vector<16xi32>
    %get3A_3143 = arith.constant 3 : i32
    %get3A_3144 = arith.index_cast %get3A_3143 : i32 to index
    %get3A_3145 = arith.constant 32 : index
    %get3A_3146 = tpu.vector_load %arg7[%get3A_3144, %get3A_3145] {strides = array<i32>} : memref<8x128xf32, #tpu.memory_space<vmem>>, vector<16xf32>,
    tpu.vector_store_idx %arg8[%shift_right_arithmetic3A_3139, %and3A_3142], %get3A_3146 : memref<782x128xf32, #tpu.memory_space<vmem>>[vector<16xi32>, vector<16xi32>], vector<16xf32>,
    %get3A_3147 = arith.constant 3 : i32
    %get3A_3148 = arith.index_cast %get3A_3147 : i32 to index
    %get3A_3149 = arith.constant 48 : index
    %get3A_3150 = tpu.vector_load %arg5[%get3A_3148, %get3A_3149] {strides = array<i32>} : memref<8x128xi32, #tpu.memory_space<vmem>>, vector<16xi32>,
    %shift_right_arithmetic3A_3151 = arith.constant 7 : i32
    %shift_right_arithmetic3A_3152 = vector.broadcast %shift_right_arithmetic3A_3151 : i32 to vector<16xi32>
    %shift_right_arithmetic3A_3153 = arith.shrsi %get3A_3150, %shift_right_arithmetic3A_3152 : vector<16xi32>
    %and3A_3154 = arith.constant 127 : i32
    %and3A_3155 = vector.broadcast %and3A_3154 : i32 to vector<16xi32>
    %and3A_3156 = arith.andi %get3A_3150, %and3A_3155 : vector<16xi32>
    %get3A_3157 = arith.constant 3 : i32
    %get3A_3158 = arith.index_cast %get3A_3157 : i32 to index
    %get3A_3159 = arith.constant 48 : index
    %get3A_3160 = tpu.vector_load %arg7[%get3A_3158, %get3A_3159] {strides = array<i32>} : memref<8x128xf32, #tpu.memory_space<vmem>>, vector<16xf32>,
    tpu.vector_store_idx %arg8[%shift_right_arithmetic3A_3153, %and3A_3156], %get3A_3160 : memref<782x128xf32, #tpu.memory_space<vmem>>[vector<16xi32>, vector<16xi32>], vector<16xf32>,
    %get3A_3161 = arith.constant 3 : i32
    %get3A_3162 = arith.index_cast %get3A_3161 : i32 to index
    %get3A_3163 = arith.constant 64 : index
    %get3A_3164 = tpu.vector_load %arg5[%get3A_3162, %get3A_3163] {strides = array<i32>} : memref<8x128xi32, #tpu.memory_space<vmem>>, vector<16xi32>,
    %shift_right_arithmetic3A_3165 = arith.constant 7 : i32
    %shift_right_arithmetic3A_3166 = vector.broadcast %shift_right_arithmetic3A_3165 : i32 to vector<16xi32>
    %shift_right_arithmetic3A_3167 = arith.shrsi %get3A_3164, %shift_right_arithmetic3A_3166 : vector<16xi32>
    %and3A_3168 = arith.constant 127 : i32
    %and3A_3169 = vector.broadcast %and3A_3168 : i32 to vector<16xi32>
    %and3A_3170 = arith.andi %get3A_3164, %and3A_3169 : vector<16xi32>
    %get3A_3171 = arith.constant 3 : i32
    %get3A_3172 = arith.index_cast %get3A_3171 : i32 to index
    %get3A_3173 = arith.constant 64 : index
    %get3A_3174 = tpu.vector_load %arg7[%get3A_3172, %get3A_3173] {strides = array<i32>} : memref<8x128xf32, #tpu.memory_space<vmem>>, vector<16xf32>,
    tpu.vector_store_idx %arg8[%shift_right_arithmetic3A_3167, %and3A_3170], %get3A_3174 : memref<782x128xf32, #tpu.memory_space<vmem>>[vector<16xi32>, vector<16xi32>], vector<16xf32>,
    %get3A_3175 = arith.constant 3 : i32
    %get3A_3176 = arith.index_cast %get3A_3175 : i32 to index
    %get3A_3177 = arith.constant 80 : index
    %get3A_3178 = tpu.vector_load %arg5[%get3A_3176, %get3A_3177] {strides = array<i32>} : memref<8x128xi32, #tpu.memory_space<vmem>>, vector<16xi32>,
    %shift_right_arithmetic3A_3179 = arith.constant 7 : i32
    %shift_right_arithmetic3A_3180 = vector.broadcast %shift_right_arithmetic3A_3179 : i32 to vector<16xi32>
    %shift_right_arithmetic3A_3181 = arith.shrsi %get3A_3178, %shift_right_arithmetic3A_3180 : vector<16xi32>
    %and3A_3182 = arith.constant 127 : i32
    %and3A_3183 = vector.broadcast %and3A_3182 : i32 to vector<16xi32>
    %and3A_3184 = arith.andi %get3A_3178, %and3A_3183 : vector<16xi32>
    %get3A_3185 = arith.constant 3 : i32
    %get3A_3186 = arith.index_cast %get3A_3185 : i32 to index
    %get3A_3187 = arith.constant 80 : index
    %get3A_3188 = tpu.vector_load %arg7[%get3A_3186, %get3A_3187] {strides = array<i32>} : memref<8x128xf32, #tpu.memory_space<vmem>>, vector<16xf32>,
    tpu.vector_store_idx %arg8[%shift_right_arithmetic3A_3181, %and3A_3184], %get3A_3188 : memref<782x128xf32, #tpu.memory_space<vmem>>[vector<16xi32>, vector<16xi32>], vector<16xf32>,
    %get3A_3189 = arith.constant 3 : i32
    %get3A_3190 = arith.index_cast %get3A_3189 : i32 to index
    %get3A_3191 = arith.constant 96 : index
    %get3A_3192 = tpu.vector_load %arg5[%get3A_3190, %get3A_3191] {strides = array<i32>} : memref<8x128xi32, #tpu.memory_space<vmem>>, vector<16xi32>,
    %shift_right_arithmetic3A_3193 = arith.constant 7 : i32
    %shift_right_arithmetic3A_3194 = vector.broadcast %shift_right_arithmetic3A_3193 : i32 to vector<16xi32>
    %shift_right_arithmetic3A_3195 = arith.shrsi %get3A_3192, %shift_right_arithmetic3A_3194 : vector<16xi32>
    %and3A_3196 = arith.constant 127 : i32
    %and3A_3197 = vector.broadcast %and3A_3196 : i32 to vector<16xi32>
    %and3A_3198 = arith.andi %get3A_3192, %and3A_3197 : vector<16xi32>
    %get3A_3199 = arith.constant 3 : i32
    %get3A_3200 = arith.index_cast %get3A_3199 : i32 to index
    %get3A_3201 = arith.constant 96 : index
    %get3A_3202 = tpu.vector_load %arg7[%get3A_3200, %get3A_3201] {strides = array<i32>} : memref<8x128xf32, #tpu.memory_space<vmem>>, vector<16xf32>,
    tpu.vector_store_idx %arg8[%shift_right_arithmetic3A_3195, %and3A_3198], %get3A_3202 : memref<782x128xf32, #tpu.memory_space<vmem>>[vector<16xi32>, vector<16xi32>], vector<16xf32>,
    %get3A_3203 = arith.constant 3 : i32
    %get3A_3204 = arith.index_cast %get3A_3203 : i32 to index
    %get3A_3205 = arith.constant 112 : index
    %get3A_3206 = tpu.vector_load %arg5[%get3A_3204, %get3A_3205] {strides = array<i32>} : memref<8x128xi32, #tpu.memory_space<vmem>>, vector<16xi32>,
    %shift_right_arithmetic3A_3207 = arith.constant 7 : i32
    %shift_right_arithmetic3A_3208 = vector.broadcast %shift_right_arithmetic3A_3207 : i32 to vector<16xi32>
    %shift_right_arithmetic3A_3209 = arith.shrsi %get3A_3206, %shift_right_arithmetic3A_3208 : vector<16xi32>
    %and3A_3210 = arith.constant 127 : i32
    %and3A_3211 = vector.broadcast %and3A_3210 : i32 to vector<16xi32>
    %and3A_3212 = arith.andi %get3A_3206, %and3A_3211 : vector<16xi32>
    %get3A_3213 = arith.constant 3 : i32
    %get3A_3214 = arith.index_cast %get3A_3213 : i32 to index
    %get3A_3215 = arith.constant 112 : index
    %get3A_3216 = tpu.vector_load %arg7[%get3A_3214, %get3A_3215] {strides = array<i32>} : memref<8x128xf32, #tpu.memory_space<vmem>>, vector<16xf32>,
    tpu.vector_store_idx %arg8[%shift_right_arithmetic3A_3209, %and3A_3212], %get3A_3216 : memref<782x128xf32, #tpu.memory_space<vmem>>[vector<16xi32>, vector<16xi32>], vector<16xf32>,
    %dma_start3A_3217 = arith.constant 0 : i32
    %dma_start3A_3218 = arith.constant 0 : i32
    %dma_start3A_3219 = tpu.memref_slice %arg4[%shift_right_arithmetic3A_2767, %dma_start3A_3217, %and3A_2768, %dma_start3A_3218] : memref<8x782x8x128xf32, #tpu.memory_space<hbm>> -> memref<1x782x1x128xf32, #tpu.memory_space<hbm>>
    %dma_start3A_3220 = tpu.memref_squeeze %dma_start3A_3219 : memref<1x782x1x128xf32, #tpu.memory_space<hbm>> -> memref<782x128xf32, #tpu.memory_space<hbm>>
    %dma_start3A_3221 = arith.constant 0 : i32
    %dma_start3A_3222 = arith.constant 0 : i32
    %dma_start3A_3223 = tpu.memref_slice %arg4[%shift_right_arithmetic3A_2767, %dma_start3A_3221, %and3A_2768, %dma_start3A_3222] : memref<8x782x8x128xf32, #tpu.memory_space<hbm>> -> memref<1x782x1x128xf32, #tpu.memory_space<hbm>>
    %dma_start3A_3224 = tpu.memref_squeeze %dma_start3A_3223 : memref<1x782x1x128xf32, #tpu.memory_space<hbm>> -> memref<782x128xf32, #tpu.memory_space<hbm>>
    tpu.enqueue_dma source(%arg8 : memref<782x128xf32, #tpu.memory_space<vmem>>) target(%dma_start3A_3224 : memref<782x128xf32, #tpu.memory_space<hbm>>) target_semaphore(%arg10 : memref<!tpu.dma_semaphore, #tpu.memory_space<semaphore_mem>>)
    %dma_wait3A_3225 = arith.constant 0 : i32
    %dma_wait3A_3226 = arith.constant 0 : i32
    %dma_wait3A_3227 = tpu.memref_slice %arg4[%shift_right_arithmetic3A_2767, %dma_wait3A_3225, %and3A_2768, %dma_wait3A_3226] : memref<8x782x8x128xf32, #tpu.memory_space<hbm>> -> memref<1x782x1x128xf32, #tpu.memory_space<hbm>>
    %dma_wait3A_3228 = tpu.memref_squeeze %dma_wait3A_3227 : memref<1x782x1x128xf32, #tpu.memory_space<hbm>> -> memref<782x128xf32, #tpu.memory_space<hbm>>
    %dma_wait3A_3229 = arith.constant 0 : i32
    %dma_wait3A_3230 = arith.constant 0 : i32
    %dma_wait3A_3231 = tpu.memref_slice %arg4[%shift_right_arithmetic3A_2767, %dma_wait3A_3229, %and3A_2768, %dma_wait3A_3230] : memref<8x782x8x128xf32, #tpu.memory_space<hbm>> -> memref<1x782x1x128xf32, #tpu.memory_space<hbm>>
    %dma_wait3A_3232 = tpu.memref_squeeze %dma_wait3A_3231 : memref<1x782x1x128xf32, #tpu.memory_space<hbm>> -> memref<782x128xf32, #tpu.memory_space<hbm>>
    tpu.wait_dma2 semaphore(%arg10 : memref<!tpu.dma_semaphore, #tpu.memory_space<semaphore_mem>>) src(%arg8 : memref<782x128xf32, #tpu.memory_space<vmem>>) dst(%dma_wait3A_3232 : memref<782x128xf32, #tpu.memory_space<hbm>>)
    %get3A_3233 = arith.constant 0 : i32
    %get3A_3234 = arith.index_cast %get3A_3233 : i32 to index
    %get3A_3235 = arith.constant 0 : index
    %get3A_3236 = tpu.vector_load %arg5[%get3A_3234, %get3A_3235] {strides = array<i32>} : memref<8x128xi32, #tpu.memory_space<vmem>>, vector<16xi32>,
    %shift_right_arithmetic3A_3237 = arith.constant 7 : i32
    %shift_right_arithmetic3A_3238 = vector.broadcast %shift_right_arithmetic3A_3237 : i32 to vector<16xi32>
    %shift_right_arithmetic3A_3239 = arith.shrsi %get3A_3236, %shift_right_arithmetic3A_3238 : vector<16xi32>
    %and3A_3240 = arith.constant 127 : i32
    %and3A_3241 = vector.broadcast %and3A_3240 : i32 to vector<16xi32>
    %and3A_3242 = arith.andi %get3A_3236, %and3A_3241 : vector<16xi32>
    tpu.vector_store_idx %arg8[%shift_right_arithmetic3A_3239, %and3A_3242], %broadcast_in_dim3A_767 : memref<782x128xf32, #tpu.memory_space<vmem>>[vector<16xi32>, vector<16xi32>], vector<16xf32>,
    %get3A_3243 = arith.constant 0 : i32
    %get3A_3244 = arith.index_cast %get3A_3243 : i32 to index
    %get3A_3245 = arith.constant 16 : index
    %get3A_3246 = tpu.vector_load %arg5[%get3A_3244, %get3A_3245] {strides = array<i32>} : memref<8x128xi32, #tpu.memory_space<vmem>>, vector<16xi32>,
    %shift_right_arithmetic3A_3247 = arith.constant 7 : i32
    %shift_right_arithmetic3A_3248 = vector.broadcast %shift_right_arithmetic3A_3247 : i32 to vector<16xi32>
    %shift_right_arithmetic3A_3249 = arith.shrsi %get3A_3246, %shift_right_arithmetic3A_3248 : vector<16xi32>
    %and3A_3250 = arith.constant 127 : i32
    %and3A_3251 = vector.broadcast %and3A_3250 : i32 to vector<16xi32>
    %and3A_3252 = arith.andi %get3A_3246, %and3A_3251 : vector<16xi32>
    tpu.vector_store_idx %arg8[%shift_right_arithmetic3A_3249, %and3A_3252], %broadcast_in_dim3A_767 : memref<782x128xf32, #tpu.memory_space<vmem>>[vector<16xi32>, vector<16xi32>], vector<16xf32>,
    %get3A_3253 = arith.constant 0 : i32
    %get3A_3254 = arith.index_cast %get3A_3253 : i32 to index
    %get3A_3255 = arith.constant 32 : index
    %get3A_3256 = tpu.vector_load %arg5[%get3A_3254, %get3A_3255] {strides = array<i32>} : memref<8x128xi32, #tpu.memory_space<vmem>>, vector<16xi32>,
    %shift_right_arithmetic3A_3257 = arith.constant 7 : i32
    %shift_right_arithmetic3A_3258 = vector.broadcast %shift_right_arithmetic3A_3257 : i32 to vector<16xi32>
    %shift_right_arithmetic3A_3259 = arith.shrsi %get3A_3256, %shift_right_arithmetic3A_3258 : vector<16xi32>
    %and3A_3260 = arith.constant 127 : i32
    %and3A_3261 = vector.broadcast %and3A_3260 : i32 to vector<16xi32>
    %and3A_3262 = arith.andi %get3A_3256, %and3A_3261 : vector<16xi32>
    tpu.vector_store_idx %arg8[%shift_right_arithmetic3A_3259, %and3A_3262], %broadcast_in_dim3A_767 : memref<782x128xf32, #tpu.memory_space<vmem>>[vector<16xi32>, vector<16xi32>], vector<16xf32>,
    %get3A_3263 = arith.constant 0 : i32
    %get3A_3264 = arith.index_cast %get3A_3263 : i32 to index
    %get3A_3265 = arith.constant 48 : index
    %get3A_3266 = tpu.vector_load %arg5[%get3A_3264, %get3A_3265] {strides = array<i32>} : memref<8x128xi32, #tpu.memory_space<vmem>>, vector<16xi32>,
    %shift_right_arithmetic3A_3267 = arith.constant 7 : i32
    %shift_right_arithmetic3A_3268 = vector.broadcast %shift_right_arithmetic3A_3267 : i32 to vector<16xi32>
    %shift_right_arithmetic3A_3269 = arith.shrsi %get3A_3266, %shift_right_arithmetic3A_3268 : vector<16xi32>
    %and3A_3270 = arith.constant 127 : i32
    %and3A_3271 = vector.broadcast %and3A_3270 : i32 to vector<16xi32>
    %and3A_3272 = arith.andi %get3A_3266, %and3A_3271 : vector<16xi32>
    tpu.vector_store_idx %arg8[%shift_right_arithmetic3A_3269, %and3A_3272], %broadcast_in_dim3A_767 : memref<782x128xf32, #tpu.memory_space<vmem>>[vector<16xi32>, vector<16xi32>], vector<16xf32>,
    %get3A_3273 = arith.constant 0 : i32
    %get3A_3274 = arith.index_cast %get3A_3273 : i32 to index
    %get3A_3275 = arith.constant 64 : index
    %get3A_3276 = tpu.vector_load %arg5[%get3A_3274, %get3A_3275] {strides = array<i32>} : memref<8x128xi32, #tpu.memory_space<vmem>>, vector<16xi32>,
    %shift_right_arithmetic3A_3277 = arith.constant 7 : i32
    %shift_right_arithmetic3A_3278 = vector.broadcast %shift_right_arithmetic3A_3277 : i32 to vector<16xi32>
    %shift_right_arithmetic3A_3279 = arith.shrsi %get3A_3276, %shift_right_arithmetic3A_3278 : vector<16xi32>
    %and3A_3280 = arith.constant 127 : i32
    %and3A_3281 = vector.broadcast %and3A_3280 : i32 to vector<16xi32>
    %and3A_3282 = arith.andi %get3A_3276, %and3A_3281 : vector<16xi32>
    tpu.vector_store_idx %arg8[%shift_right_arithmetic3A_3279, %and3A_3282], %broadcast_in_dim3A_767 : memref<782x128xf32, #tpu.memory_space<vmem>>[vector<16xi32>, vector<16xi32>], vector<16xf32>,
    %get3A_3283 = arith.constant 0 : i32
    %get3A_3284 = arith.index_cast %get3A_3283 : i32 to index
    %get3A_3285 = arith.constant 80 : index
    %get3A_3286 = tpu.vector_load %arg5[%get3A_3284, %get3A_3285] {strides = array<i32>} : memref<8x128xi32, #tpu.memory_space<vmem>>, vector<16xi32>,
    %shift_right_arithmetic3A_3287 = arith.constant 7 : i32
    %shift_right_arithmetic3A_3288 = vector.broadcast %shift_right_arithmetic3A_3287 : i32 to vector<16xi32>
    %shift_right_arithmetic3A_3289 = arith.shrsi %get3A_3286, %shift_right_arithmetic3A_3288 : vector<16xi32>
    %and3A_3290 = arith.constant 127 : i32
    %and3A_3291 = vector.broadcast %and3A_3290 : i32 to vector<16xi32>
    %and3A_3292 = arith.andi %get3A_3286, %and3A_3291 : vector<16xi32>
    tpu.vector_store_idx %arg8[%shift_right_arithmetic3A_3289, %and3A_3292], %broadcast_in_dim3A_767 : memref<782x128xf32, #tpu.memory_space<vmem>>[vector<16xi32>, vector<16xi32>], vector<16xf32>,
    %get3A_3293 = arith.constant 0 : i32
    %get3A_3294 = arith.index_cast %get3A_3293 : i32 to index
    %get3A_3295 = arith.constant 96 : index
    %get3A_3296 = tpu.vector_load %arg5[%get3A_3294, %get3A_3295] {strides = array<i32>} : memref<8x128xi32, #tpu.memory_space<vmem>>, vector<16xi32>,
    %shift_right_arithmetic3A_3297 = arith.constant 7 : i32
    %shift_right_arithmetic3A_3298 = vector.broadcast %shift_right_arithmetic3A_3297 : i32 to vector<16xi32>
    %shift_right_arithmetic3A_3299 = arith.shrsi %get3A_3296, %shift_right_arithmetic3A_3298 : vector<16xi32>
    %and3A_3300 = arith.constant 127 : i32
    %and3A_3301 = vector.broadcast %and3A_3300 : i32 to vector<16xi32>
    %and3A_3302 = arith.andi %get3A_3296, %and3A_3301 : vector<16xi32>
    tpu.vector_store_idx %arg8[%shift_right_arithmetic3A_3299, %and3A_3302], %broadcast_in_dim3A_767 : memref<782x128xf32, #tpu.memory_space<vmem>>[vector<16xi32>, vector<16xi32>], vector<16xf32>,
    %get3A_3303 = arith.constant 0 : i32
    %get3A_3304 = arith.index_cast %get3A_3303 : i32 to index
    %get3A_3305 = arith.constant 112 : index
    %get3A_3306 = tpu.vector_load %arg5[%get3A_3304, %get3A_3305] {strides = array<i32>} : memref<8x128xi32, #tpu.memory_space<vmem>>, vector<16xi32>,
    %shift_right_arithmetic3A_3307 = arith.constant 7 : i32
    %shift_right_arithmetic3A_3308 = vector.broadcast %shift_right_arithmetic3A_3307 : i32 to vector<16xi32>
    %shift_right_arithmetic3A_3309 = arith.shrsi %get3A_3306, %shift_right_arithmetic3A_3308 : vector<16xi32>
    %and3A_3310 = arith.constant 127 : i32
    %and3A_3311 = vector.broadcast %and3A_3310 : i32 to vector<16xi32>
    %and3A_3312 = arith.andi %get3A_3306, %and3A_3311 : vector<16xi32>
    tpu.vector_store_idx %arg8[%shift_right_arithmetic3A_3309, %and3A_3312], %broadcast_in_dim3A_767 : memref<782x128xf32, #tpu.memory_space<vmem>>[vector<16xi32>, vector<16xi32>], vector<16xf32>,
    %get3A_3313 = arith.constant 1 : i32
    %get3A_3314 = arith.index_cast %get3A_3313 : i32 to index
    %get3A_3315 = arith.constant 0 : index
    %get3A_3316 = tpu.vector_load %arg5[%get3A_3314, %get3A_3315] {strides = array<i32>} : memref<8x128xi32, #tpu.memory_space<vmem>>, vector<16xi32>,
    %shift_right_arithmetic3A_3317 = arith.constant 7 : i32
    %shift_right_arithmetic3A_3318 = vector.broadcast %shift_right_arithmetic3A_3317 : i32 to vector<16xi32>
    %shift_right_arithmetic3A_3319 = arith.shrsi %get3A_3316, %shift_right_arithmetic3A_3318 : vector<16xi32>
    %and3A_3320 = arith.constant 127 : i32
    %and3A_3321 = vector.broadcast %and3A_3320 : i32 to vector<16xi32>
    %and3A_3322 = arith.andi %get3A_3316, %and3A_3321 : vector<16xi32>
    tpu.vector_store_idx %arg8[%shift_right_arithmetic3A_3319, %and3A_3322], %broadcast_in_dim3A_767 : memref<782x128xf32, #tpu.memory_space<vmem>>[vector<16xi32>, vector<16xi32>], vector<16xf32>,
    %get3A_3323 = arith.constant 1 : i32
    %get3A_3324 = arith.index_cast %get3A_3323 : i32 to index
    %get3A_3325 = arith.constant 16 : index
    %get3A_3326 = tpu.vector_load %arg5[%get3A_3324, %get3A_3325] {strides = array<i32>} : memref<8x128xi32, #tpu.memory_space<vmem>>, vector<16xi32>,
    %shift_right_arithmetic3A_3327 = arith.constant 7 : i32
    %shift_right_arithmetic3A_3328 = vector.broadcast %shift_right_arithmetic3A_3327 : i32 to vector<16xi32>
    %shift_right_arithmetic3A_3329 = arith.shrsi %get3A_3326, %shift_right_arithmetic3A_3328 : vector<16xi32>
    %and3A_3330 = arith.constant 127 : i32
    %and3A_3331 = vector.broadcast %and3A_3330 : i32 to vector<16xi32>
    %and3A_3332 = arith.andi %get3A_3326, %and3A_3331 : vector<16xi32>
    tpu.vector_store_idx %arg8[%shift_right_arithmetic3A_3329, %and3A_3332], %broadcast_in_dim3A_767 : memref<782x128xf32, #tpu.memory_space<vmem>>[vector<16xi32>, vector<16xi32>], vector<16xf32>,
    %get3A_3333 = arith.constant 1 : i32
    %get3A_3334 = arith.index_cast %get3A_3333 : i32 to index
    %get3A_3335 = arith.constant 32 : index
    %get3A_3336 = tpu.vector_load %arg5[%get3A_3334, %get3A_3335] {strides = array<i32>} : memref<8x128xi32, #tpu.memory_space<vmem>>, vector<16xi32>,
    %shift_right_arithmetic3A_3337 = arith.constant 7 : i32
    %shift_right_arithmetic3A_3338 = vector.broadcast %shift_right_arithmetic3A_3337 : i32 to vector<16xi32>
    %shift_right_arithmetic3A_3339 = arith.shrsi %get3A_3336, %shift_right_arithmetic3A_3338 : vector<16xi32>
    %and3A_3340 = arith.constant 127 : i32
    %and3A_3341 = vector.broadcast %and3A_3340 : i32 to vector<16xi32>
    %and3A_3342 = arith.andi %get3A_3336, %and3A_3341 : vector<16xi32>
    tpu.vector_store_idx %arg8[%shift_right_arithmetic3A_3339, %and3A_3342], %broadcast_in_dim3A_767 : memref<782x128xf32, #tpu.memory_space<vmem>>[vector<16xi32>, vector<16xi32>], vector<16xf32>,
    %get3A_3343 = arith.constant 1 : i32
    %get3A_3344 = arith.index_cast %get3A_3343 : i32 to index
    %get3A_3345 = arith.constant 48 : index
    %get3A_3346 = tpu.vector_load %arg5[%get3A_3344, %get3A_3345] {strides = array<i32>} : memref<8x128xi32, #tpu.memory_space<vmem>>, vector<16xi32>,
    %shift_right_arithmetic3A_3347 = arith.constant 7 : i32
    %shift_right_arithmetic3A_3348 = vector.broadcast %shift_right_arithmetic3A_3347 : i32 to vector<16xi32>
    %shift_right_arithmetic3A_3349 = arith.shrsi %get3A_3346, %shift_right_arithmetic3A_3348 : vector<16xi32>
    %and3A_3350 = arith.constant 127 : i32
    %and3A_3351 = vector.broadcast %and3A_3350 : i32 to vector<16xi32>
    %and3A_3352 = arith.andi %get3A_3346, %and3A_3351 : vector<16xi32>
    tpu.vector_store_idx %arg8[%shift_right_arithmetic3A_3349, %and3A_3352], %broadcast_in_dim3A_767 : memref<782x128xf32, #tpu.memory_space<vmem>>[vector<16xi32>, vector<16xi32>], vector<16xf32>,
    %get3A_3353 = arith.constant 1 : i32
    %get3A_3354 = arith.index_cast %get3A_3353 : i32 to index
    %get3A_3355 = arith.constant 64 : index
    %get3A_3356 = tpu.vector_load %arg5[%get3A_3354, %get3A_3355] {strides = array<i32>} : memref<8x128xi32, #tpu.memory_space<vmem>>, vector<16xi32>,
    %shift_right_arithmetic3A_3357 = arith.constant 7 : i32
    %shift_right_arithmetic3A_3358 = vector.broadcast %shift_right_arithmetic3A_3357 : i32 to vector<16xi32>
    %shift_right_arithmetic3A_3359 = arith.shrsi %get3A_3356, %shift_right_arithmetic3A_3358 : vector<16xi32>
    %and3A_3360 = arith.constant 127 : i32
    %and3A_3361 = vector.broadcast %and3A_3360 : i32 to vector<16xi32>
    %and3A_3362 = arith.andi %get3A_3356, %and3A_3361 : vector<16xi32>
    tpu.vector_store_idx %arg8[%shift_right_arithmetic3A_3359, %and3A_3362], %broadcast_in_dim3A_767 : memref<782x128xf32, #tpu.memory_space<vmem>>[vector<16xi32>, vector<16xi32>], vector<16xf32>,
    %get3A_3363 = arith.constant 1 : i32
    %get3A_3364 = arith.index_cast %get3A_3363 : i32 to index
    %get3A_3365 = arith.constant 80 : index
    %get3A_3366 = tpu.vector_load %arg5[%get3A_3364, %get3A_3365] {strides = array<i32>} : memref<8x128xi32, #tpu.memory_space<vmem>>, vector<16xi32>,
    %shift_right_arithmetic3A_3367 = arith.constant 7 : i32
    %shift_right_arithmetic3A_3368 = vector.broadcast %shift_right_arithmetic3A_3367 : i32 to vector<16xi32>
    %shift_right_arithmetic3A_3369 = arith.shrsi %get3A_3366, %shift_right_arithmetic3A_3368 : vector<16xi32>
    %and3A_3370 = arith.constant 127 : i32
    %and3A_3371 = vector.broadcast %and3A_3370 : i32 to vector<16xi32>
    %and3A_3372 = arith.andi %get3A_3366, %and3A_3371 : vector<16xi32>
    tpu.vector_store_idx %arg8[%shift_right_arithmetic3A_3369, %and3A_3372], %broadcast_in_dim3A_767 : memref<782x128xf32, #tpu.memory_space<vmem>>[vector<16xi32>, vector<16xi32>], vector<16xf32>,
    %get3A_3373 = arith.constant 1 : i32
    %get3A_3374 = arith.index_cast %get3A_3373 : i32 to index
    %get3A_3375 = arith.constant 96 : index
    %get3A_3376 = tpu.vector_load %arg5[%get3A_3374, %get3A_3375] {strides = array<i32>} : memref<8x128xi32, #tpu.memory_space<vmem>>, vector<16xi32>,
    %shift_right_arithmetic3A_3377 = arith.constant 7 : i32
    %shift_right_arithmetic3A_3378 = vector.broadcast %shift_right_arithmetic3A_3377 : i32 to vector<16xi32>
    %shift_right_arithmetic3A_3379 = arith.shrsi %get3A_3376, %shift_right_arithmetic3A_3378 : vector<16xi32>
    %and3A_3380 = arith.constant 127 : i32
    %and3A_3381 = vector.broadcast %and3A_3380 : i32 to vector<16xi32>
    %and3A_3382 = arith.andi %get3A_3376, %and3A_3381 : vector<16xi32>
    tpu.vector_store_idx %arg8[%shift_right_arithmetic3A_3379, %and3A_3382], %broadcast_in_dim3A_767 : memref<782x128xf32, #tpu.memory_space<vmem>>[vector<16xi32>, vector<16xi32>], vector<16xf32>,
    %get3A_3383 = arith.constant 1 : i32
    %get3A_3384 = arith.index_cast %get3A_3383 : i32 to index
    %get3A_3385 = arith.constant 112 : index
    %get3A_3386 = tpu.vector_load %arg5[%get3A_3384, %get3A_3385] {strides = array<i32>} : memref<8x128xi32, #tpu.memory_space<vmem>>, vector<16xi32>,
    %shift_right_arithmetic3A_3387 = arith.constant 7 : i32
    %shift_right_arithmetic3A_3388 = vector.broadcast %shift_right_arithmetic3A_3387 : i32 to vector<16xi32>
    %shift_right_arithmetic3A_3389 = arith.shrsi %get3A_3386, %shift_right_arithmetic3A_3388 : vector<16xi32>
    %and3A_3390 = arith.constant 127 : i32
    %and3A_3391 = vector.broadcast %and3A_3390 : i32 to vector<16xi32>
    %and3A_3392 = arith.andi %get3A_3386, %and3A_3391 : vector<16xi32>
    tpu.vector_store_idx %arg8[%shift_right_arithmetic3A_3389, %and3A_3392], %broadcast_in_dim3A_767 : memref<782x128xf32, #tpu.memory_space<vmem>>[vector<16xi32>, vector<16xi32>], vector<16xf32>,
    %get3A_3393 = arith.constant 2 : i32
    %get3A_3394 = arith.index_cast %get3A_3393 : i32 to index
    %get3A_3395 = arith.constant 0 : index
    %get3A_3396 = tpu.vector_load %arg5[%get3A_3394, %get3A_3395] {strides = array<i32>} : memref<8x128xi32, #tpu.memory_space<vmem>>, vector<16xi32>,
    %shift_right_arithmetic3A_3397 = arith.constant 7 : i32
    %shift_right_arithmetic3A_3398 = vector.broadcast %shift_right_arithmetic3A_3397 : i32 to vector<16xi32>
    %shift_right_arithmetic3A_3399 = arith.shrsi %get3A_3396, %shift_right_arithmetic3A_3398 : vector<16xi32>
    %and3A_3400 = arith.constant 127 : i32
    %and3A_3401 = vector.broadcast %and3A_3400 : i32 to vector<16xi32>
    %and3A_3402 = arith.andi %get3A_3396, %and3A_3401 : vector<16xi32>
    tpu.vector_store_idx %arg8[%shift_right_arithmetic3A_3399, %and3A_3402], %broadcast_in_dim3A_767 : memref<782x128xf32, #tpu.memory_space<vmem>>[vector<16xi32>, vector<16xi32>], vector<16xf32>,
    %get3A_3403 = arith.constant 2 : i32
    %get3A_3404 = arith.index_cast %get3A_3403 : i32 to index
    %get3A_3405 = arith.constant 16 : index
    %get3A_3406 = tpu.vector_load %arg5[%get3A_3404, %get3A_3405] {strides = array<i32>} : memref<8x128xi32, #tpu.memory_space<vmem>>, vector<16xi32>,
    %shift_right_arithmetic3A_3407 = arith.constant 7 : i32
    %shift_right_arithmetic3A_3408 = vector.broadcast %shift_right_arithmetic3A_3407 : i32 to vector<16xi32>
    %shift_right_arithmetic3A_3409 = arith.shrsi %get3A_3406, %shift_right_arithmetic3A_3408 : vector<16xi32>
    %and3A_3410 = arith.constant 127 : i32
    %and3A_3411 = vector.broadcast %and3A_3410 : i32 to vector<16xi32>
    %and3A_3412 = arith.andi %get3A_3406, %and3A_3411 : vector<16xi32>
    tpu.vector_store_idx %arg8[%shift_right_arithmetic3A_3409, %and3A_3412], %broadcast_in_dim3A_767 : memref<782x128xf32, #tpu.memory_space<vmem>>[vector<16xi32>, vector<16xi32>], vector<16xf32>,
    %get3A_3413 = arith.constant 2 : i32
    %get3A_3414 = arith.index_cast %get3A_3413 : i32 to index
    %get3A_3415 = arith.constant 32 : index
    %get3A_3416 = tpu.vector_load %arg5[%get3A_3414, %get3A_3415] {strides = array<i32>} : memref<8x128xi32, #tpu.memory_space<vmem>>, vector<16xi32>,
    %shift_right_arithmetic3A_3417 = arith.constant 7 : i32
    %shift_right_arithmetic3A_3418 = vector.broadcast %shift_right_arithmetic3A_3417 : i32 to vector<16xi32>
    %shift_right_arithmetic3A_3419 = arith.shrsi %get3A_3416, %shift_right_arithmetic3A_3418 : vector<16xi32>
    %and3A_3420 = arith.constant 127 : i32
    %and3A_3421 = vector.broadcast %and3A_3420 : i32 to vector<16xi32>
    %and3A_3422 = arith.andi %get3A_3416, %and3A_3421 : vector<16xi32>
    tpu.vector_store_idx %arg8[%shift_right_arithmetic3A_3419, %and3A_3422], %broadcast_in_dim3A_767 : memref<782x128xf32, #tpu.memory_space<vmem>>[vector<16xi32>, vector<16xi32>], vector<16xf32>,
    %get3A_3423 = arith.constant 2 : i32
    %get3A_3424 = arith.index_cast %get3A_3423 : i32 to index
    %get3A_3425 = arith.constant 48 : index
    %get3A_3426 = tpu.vector_load %arg5[%get3A_3424, %get3A_3425] {strides = array<i32>} : memref<8x128xi32, #tpu.memory_space<vmem>>, vector<16xi32>,
    %shift_right_arithmetic3A_3427 = arith.constant 7 : i32
    %shift_right_arithmetic3A_3428 = vector.broadcast %shift_right_arithmetic3A_3427 : i32 to vector<16xi32>
    %shift_right_arithmetic3A_3429 = arith.shrsi %get3A_3426, %shift_right_arithmetic3A_3428 : vector<16xi32>
    %and3A_3430 = arith.constant 127 : i32
    %and3A_3431 = vector.broadcast %and3A_3430 : i32 to vector<16xi32>
    %and3A_3432 = arith.andi %get3A_3426, %and3A_3431 : vector<16xi32>
    tpu.vector_store_idx %arg8[%shift_right_arithmetic3A_3429, %and3A_3432], %broadcast_in_dim3A_767 : memref<782x128xf32, #tpu.memory_space<vmem>>[vector<16xi32>, vector<16xi32>], vector<16xf32>,
    %get3A_3433 = arith.constant 2 : i32
    %get3A_3434 = arith.index_cast %get3A_3433 : i32 to index
    %get3A_3435 = arith.constant 64 : index
    %get3A_3436 = tpu.vector_load %arg5[%get3A_3434, %get3A_3435] {strides = array<i32>} : memref<8x128xi32, #tpu.memory_space<vmem>>, vector<16xi32>,
    %shift_right_arithmetic3A_3437 = arith.constant 7 : i32
    %shift_right_arithmetic3A_3438 = vector.broadcast %shift_right_arithmetic3A_3437 : i32 to vector<16xi32>
    %shift_right_arithmetic3A_3439 = arith.shrsi %get3A_3436, %shift_right_arithmetic3A_3438 : vector<16xi32>
    %and3A_3440 = arith.constant 127 : i32
    %and3A_3441 = vector.broadcast %and3A_3440 : i32 to vector<16xi32>
    %and3A_3442 = arith.andi %get3A_3436, %and3A_3441 : vector<16xi32>
    tpu.vector_store_idx %arg8[%shift_right_arithmetic3A_3439, %and3A_3442], %broadcast_in_dim3A_767 : memref<782x128xf32, #tpu.memory_space<vmem>>[vector<16xi32>, vector<16xi32>], vector<16xf32>,
    %get3A_3443 = arith.constant 2 : i32
    %get3A_3444 = arith.index_cast %get3A_3443 : i32 to index
    %get3A_3445 = arith.constant 80 : index
    %get3A_3446 = tpu.vector_load %arg5[%get3A_3444, %get3A_3445] {strides = array<i32>} : memref<8x128xi32, #tpu.memory_space<vmem>>, vector<16xi32>,
    %shift_right_arithmetic3A_3447 = arith.constant 7 : i32
    %shift_right_arithmetic3A_3448 = vector.broadcast %shift_right_arithmetic3A_3447 : i32 to vector<16xi32>
    %shift_right_arithmetic3A_3449 = arith.shrsi %get3A_3446, %shift_right_arithmetic3A_3448 : vector<16xi32>
    %and3A_3450 = arith.constant 127 : i32
    %and3A_3451 = vector.broadcast %and3A_3450 : i32 to vector<16xi32>
    %and3A_3452 = arith.andi %get3A_3446, %and3A_3451 : vector<16xi32>
    tpu.vector_store_idx %arg8[%shift_right_arithmetic3A_3449, %and3A_3452], %broadcast_in_dim3A_767 : memref<782x128xf32, #tpu.memory_space<vmem>>[vector<16xi32>, vector<16xi32>], vector<16xf32>,
    %get3A_3453 = arith.constant 2 : i32
    %get3A_3454 = arith.index_cast %get3A_3453 : i32 to index
    %get3A_3455 = arith.constant 96 : index
    %get3A_3456 = tpu.vector_load %arg5[%get3A_3454, %get3A_3455] {strides = array<i32>} : memref<8x128xi32, #tpu.memory_space<vmem>>, vector<16xi32>,
    %shift_right_arithmetic3A_3457 = arith.constant 7 : i32
    %shift_right_arithmetic3A_3458 = vector.broadcast %shift_right_arithmetic3A_3457 : i32 to vector<16xi32>
    %shift_right_arithmetic3A_3459 = arith.shrsi %get3A_3456, %shift_right_arithmetic3A_3458 : vector<16xi32>
    %and3A_3460 = arith.constant 127 : i32
    %and3A_3461 = vector.broadcast %and3A_3460 : i32 to vector<16xi32>
    %and3A_3462 = arith.andi %get3A_3456, %and3A_3461 : vector<16xi32>
    tpu.vector_store_idx %arg8[%shift_right_arithmetic3A_3459, %and3A_3462], %broadcast_in_dim3A_767 : memref<782x128xf32, #tpu.memory_space<vmem>>[vector<16xi32>, vector<16xi32>], vector<16xf32>,
    %get3A_3463 = arith.constant 2 : i32
    %get3A_3464 = arith.index_cast %get3A_3463 : i32 to index
    %get3A_3465 = arith.constant 112 : index
    %get3A_3466 = tpu.vector_load %arg5[%get3A_3464, %get3A_3465] {strides = array<i32>} : memref<8x128xi32, #tpu.memory_space<vmem>>, vector<16xi32>,
    %shift_right_arithmetic3A_3467 = arith.constant 7 : i32
    %shift_right_arithmetic3A_3468 = vector.broadcast %shift_right_arithmetic3A_3467 : i32 to vector<16xi32>
    %shift_right_arithmetic3A_3469 = arith.shrsi %get3A_3466, %shift_right_arithmetic3A_3468 : vector<16xi32>
    %and3A_3470 = arith.constant 127 : i32
    %and3A_3471 = vector.broadcast %and3A_3470 : i32 to vector<16xi32>
    %and3A_3472 = arith.andi %get3A_3466, %and3A_3471 : vector<16xi32>
    tpu.vector_store_idx %arg8[%shift_right_arithmetic3A_3469, %and3A_3472], %broadcast_in_dim3A_767 : memref<782x128xf32, #tpu.memory_space<vmem>>[vector<16xi32>, vector<16xi32>], vector<16xf32>,
    %get3A_3473 = arith.constant 3 : i32
    %get3A_3474 = arith.index_cast %get3A_3473 : i32 to index
    %get3A_3475 = arith.constant 0 : index
    %get3A_3476 = tpu.vector_load %arg5[%get3A_3474, %get3A_3475] {strides = array<i32>} : memref<8x128xi32, #tpu.memory_space<vmem>>, vector<16xi32>,
    %shift_right_arithmetic3A_3477 = arith.constant 7 : i32
    %shift_right_arithmetic3A_3478 = vector.broadcast %shift_right_arithmetic3A_3477 : i32 to vector<16xi32>
    %shift_right_arithmetic3A_3479 = arith.shrsi %get3A_3476, %shift_right_arithmetic3A_3478 : vector<16xi32>
    %and3A_3480 = arith.constant 127 : i32
    %and3A_3481 = vector.broadcast %and3A_3480 : i32 to vector<16xi32>
    %and3A_3482 = arith.andi %get3A_3476, %and3A_3481 : vector<16xi32>
    tpu.vector_store_idx %arg8[%shift_right_arithmetic3A_3479, %and3A_3482], %broadcast_in_dim3A_767 : memref<782x128xf32, #tpu.memory_space<vmem>>[vector<16xi32>, vector<16xi32>], vector<16xf32>,
    %get3A_3483 = arith.constant 3 : i32
    %get3A_3484 = arith.index_cast %get3A_3483 : i32 to index
    %get3A_3485 = arith.constant 16 : index
    %get3A_3486 = tpu.vector_load %arg5[%get3A_3484, %get3A_3485] {strides = array<i32>} : memref<8x128xi32, #tpu.memory_space<vmem>>, vector<16xi32>,
    %shift_right_arithmetic3A_3487 = arith.constant 7 : i32
    %shift_right_arithmetic3A_3488 = vector.broadcast %shift_right_arithmetic3A_3487 : i32 to vector<16xi32>
    %shift_right_arithmetic3A_3489 = arith.shrsi %get3A_3486, %shift_right_arithmetic3A_3488 : vector<16xi32>
    %and3A_3490 = arith.constant 127 : i32
    %and3A_3491 = vector.broadcast %and3A_3490 : i32 to vector<16xi32>
    %and3A_3492 = arith.andi %get3A_3486, %and3A_3491 : vector<16xi32>
    tpu.vector_store_idx %arg8[%shift_right_arithmetic3A_3489, %and3A_3492], %broadcast_in_dim3A_767 : memref<782x128xf32, #tpu.memory_space<vmem>>[vector<16xi32>, vector<16xi32>], vector<16xf32>,
    %get3A_3493 = arith.constant 3 : i32
    %get3A_3494 = arith.index_cast %get3A_3493 : i32 to index
    %get3A_3495 = arith.constant 32 : index
    %get3A_3496 = tpu.vector_load %arg5[%get3A_3494, %get3A_3495] {strides = array<i32>} : memref<8x128xi32, #tpu.memory_space<vmem>>, vector<16xi32>,
    %shift_right_arithmetic3A_3497 = arith.constant 7 : i32
    %shift_right_arithmetic3A_3498 = vector.broadcast %shift_right_arithmetic3A_3497 : i32 to vector<16xi32>
    %shift_right_arithmetic3A_3499 = arith.shrsi %get3A_3496, %shift_right_arithmetic3A_3498 : vector<16xi32>
    %and3A_3500 = arith.constant 127 : i32
    %and3A_3501 = vector.broadcast %and3A_3500 : i32 to vector<16xi32>
    %and3A_3502 = arith.andi %get3A_3496, %and3A_3501 : vector<16xi32>
    tpu.vector_store_idx %arg8[%shift_right_arithmetic3A_3499, %and3A_3502], %broadcast_in_dim3A_767 : memref<782x128xf32, #tpu.memory_space<vmem>>[vector<16xi32>, vector<16xi32>], vector<16xf32>,
    %get3A_3503 = arith.constant 3 : i32
    %get3A_3504 = arith.index_cast %get3A_3503 : i32 to index
    %get3A_3505 = arith.constant 48 : index
    %get3A_3506 = tpu.vector_load %arg5[%get3A_3504, %get3A_3505] {strides = array<i32>} : memref<8x128xi32, #tpu.memory_space<vmem>>, vector<16xi32>,
    %shift_right_arithmetic3A_3507 = arith.constant 7 : i32
    %shift_right_arithmetic3A_3508 = vector.broadcast %shift_right_arithmetic3A_3507 : i32 to vector<16xi32>
    %shift_right_arithmetic3A_3509 = arith.shrsi %get3A_3506, %shift_right_arithmetic3A_3508 : vector<16xi32>
    %and3A_3510 = arith.constant 127 : i32
    %and3A_3511 = vector.broadcast %and3A_3510 : i32 to vector<16xi32>
    %and3A_3512 = arith.andi %get3A_3506, %and3A_3511 : vector<16xi32>
    tpu.vector_store_idx %arg8[%shift_right_arithmetic3A_3509, %and3A_3512], %broadcast_in_dim3A_767 : memref<782x128xf32, #tpu.memory_space<vmem>>[vector<16xi32>, vector<16xi32>], vector<16xf32>,
    %get3A_3513 = arith.constant 3 : i32
    %get3A_3514 = arith.index_cast %get3A_3513 : i32 to index
    %get3A_3515 = arith.constant 64 : index
    %get3A_3516 = tpu.vector_load %arg5[%get3A_3514, %get3A_3515] {strides = array<i32>} : memref<8x128xi32, #tpu.memory_space<vmem>>, vector<16xi32>,
    %shift_right_arithmetic3A_3517 = arith.constant 7 : i32
    %shift_right_arithmetic3A_3518 = vector.broadcast %shift_right_arithmetic3A_3517 : i32 to vector<16xi32>
    %shift_right_arithmetic3A_3519 = arith.shrsi %get3A_3516, %shift_right_arithmetic3A_3518 : vector<16xi32>
    %and3A_3520 = arith.constant 127 : i32
    %and3A_3521 = vector.broadcast %and3A_3520 : i32 to vector<16xi32>
    %and3A_3522 = arith.andi %get3A_3516, %and3A_3521 : vector<16xi32>
    tpu.vector_store_idx %arg8[%shift_right_arithmetic3A_3519, %and3A_3522], %broadcast_in_dim3A_767 : memref<782x128xf32, #tpu.memory_space<vmem>>[vector<16xi32>, vector<16xi32>], vector<16xf32>,
    %get3A_3523 = arith.constant 3 : i32
    %get3A_3524 = arith.index_cast %get3A_3523 : i32 to index
    %get3A_3525 = arith.constant 80 : index
    %get3A_3526 = tpu.vector_load %arg5[%get3A_3524, %get3A_3525] {strides = array<i32>} : memref<8x128xi32, #tpu.memory_space<vmem>>, vector<16xi32>,
    %shift_right_arithmetic3A_3527 = arith.constant 7 : i32
    %shift_right_arithmetic3A_3528 = vector.broadcast %shift_right_arithmetic3A_3527 : i32 to vector<16xi32>
    %shift_right_arithmetic3A_3529 = arith.shrsi %get3A_3526, %shift_right_arithmetic3A_3528 : vector<16xi32>
    %and3A_3530 = arith.constant 127 : i32
    %and3A_3531 = vector.broadcast %and3A_3530 : i32 to vector<16xi32>
    %and3A_3532 = arith.andi %get3A_3526, %and3A_3531 : vector<16xi32>
    tpu.vector_store_idx %arg8[%shift_right_arithmetic3A_3529, %and3A_3532], %broadcast_in_dim3A_767 : memref<782x128xf32, #tpu.memory_space<vmem>>[vector<16xi32>, vector<16xi32>], vector<16xf32>,
    %get3A_3533 = arith.constant 3 : i32
    %get3A_3534 = arith.index_cast %get3A_3533 : i32 to index
    %get3A_3535 = arith.constant 96 : index
    %get3A_3536 = tpu.vector_load %arg5[%get3A_3534, %get3A_3535] {strides = array<i32>} : memref<8x128xi32, #tpu.memory_space<vmem>>, vector<16xi32>,
    %shift_right_arithmetic3A_3537 = arith.constant 7 : i32
    %shift_right_arithmetic3A_3538 = vector.broadcast %shift_right_arithmetic3A_3537 : i32 to vector<16xi32>
    %shift_right_arithmetic3A_3539 = arith.shrsi %get3A_3536, %shift_right_arithmetic3A_3538 : vector<16xi32>
    %and3A_3540 = arith.constant 127 : i32
    %and3A_3541 = vector.broadcast %and3A_3540 : i32 to vector<16xi32>
    %and3A_3542 = arith.andi %get3A_3536, %and3A_3541 : vector<16xi32>
    tpu.vector_store_idx %arg8[%shift_right_arithmetic3A_3539, %and3A_3542], %broadcast_in_dim3A_767 : memref<782x128xf32, #tpu.memory_space<vmem>>[vector<16xi32>, vector<16xi32>], vector<16xf32>,
    %get3A_3543 = arith.constant 3 : i32
    %get3A_3544 = arith.index_cast %get3A_3543 : i32 to index
    %get3A_3545 = arith.constant 112 : index
    %get3A_3546 = tpu.vector_load %arg5[%get3A_3544, %get3A_3545] {strides = array<i32>} : memref<8x128xi32, #tpu.memory_space<vmem>>, vector<16xi32>,
    %shift_right_arithmetic3A_3547 = arith.constant 7 : i32
    %shift_right_arithmetic3A_3548 = vector.broadcast %shift_right_arithmetic3A_3547 : i32 to vector<16xi32>
    %shift_right_arithmetic3A_3549 = arith.shrsi %get3A_3546, %shift_right_arithmetic3A_3548 : vector<16xi32>
    %and3A_3550 = arith.constant 127 : i32
    %and3A_3551 = vector.broadcast %and3A_3550 : i32 to vector<16xi32>
    %and3A_3552 = arith.andi %get3A_3546, %and3A_3551 : vector<16xi32>
    tpu.vector_store_idx %arg8[%shift_right_arithmetic3A_3549, %and3A_3552], %broadcast_in_dim3A_767 : memref<782x128xf32, #tpu.memory_space<vmem>>[vector<16xi32>, vector<16xi32>], vector<16xf32>,
    %add3A_3553 = arith.constant 1 : i32
    %add3A_3554 = arith.addi %mul3A_2, %add3A_3553 : i32
    %shift_right_arithmetic3A_3555 = arith.constant 3 : i32
    %shift_right_arithmetic3A_3556 = arith.shrsi %add3A_3554, %shift_right_arithmetic3A_3555 : i32
    %and3A_3557 = arith.constant 7 : i32
    %and3A_3558 = arith.andi %add3A_3554, %and3A_3557 : i32
    %get3A_3559 = arith.constant 4 : i32
    %get3A_3560 = arith.index_cast %get3A_3559 : i32 to index
    %get3A_3561 = arith.constant 0 : index
    %get3A_3562 = tpu.vector_load %arg5[%get3A_3560, %get3A_3561] {strides = array<i32>} : memref<8x128xi32, #tpu.memory_space<vmem>>, vector<16xi32>,
    %shift_right_arithmetic3A_3563 = arith.constant 7 : i32
    %shift_right_arithmetic3A_3564 = vector.broadcast %shift_right_arithmetic3A_3563 : i32 to vector<16xi32>
    %shift_right_arithmetic3A_3565 = arith.shrsi %get3A_3562, %shift_right_arithmetic3A_3564 : vector<16xi32>
    %and3A_3566 = arith.constant 127 : i32
    %and3A_3567 = vector.broadcast %and3A_3566 : i32 to vector<16xi32>
    %and3A_3568 = arith.andi %get3A_3562, %and3A_3567 : vector<16xi32>
    %get3A_3569 = arith.constant 4 : i32
    %get3A_3570 = arith.index_cast %get3A_3569 : i32 to index
    %get3A_3571 = arith.constant 0 : index
    %get3A_3572 = tpu.vector_load %arg7[%get3A_3570, %get3A_3571] {strides = array<i32>} : memref<8x128xf32, #tpu.memory_space<vmem>>, vector<16xf32>,
    tpu.vector_store_idx %arg8[%shift_right_arithmetic3A_3565, %and3A_3568], %get3A_3572 : memref<782x128xf32, #tpu.memory_space<vmem>>[vector<16xi32>, vector<16xi32>], vector<16xf32>,
    %get3A_3573 = arith.constant 4 : i32
    %get3A_3574 = arith.index_cast %get3A_3573 : i32 to index
    %get3A_3575 = arith.constant 16 : index
    %get3A_3576 = tpu.vector_load %arg5[%get3A_3574, %get3A_3575] {strides = array<i32>} : memref<8x128xi32, #tpu.memory_space<vmem>>, vector<16xi32>,
    %shift_right_arithmetic3A_3577 = arith.constant 7 : i32
    %shift_right_arithmetic3A_3578 = vector.broadcast %shift_right_arithmetic3A_3577 : i32 to vector<16xi32>
    %shift_right_arithmetic3A_3579 = arith.shrsi %get3A_3576, %shift_right_arithmetic3A_3578 : vector<16xi32>
    %and3A_3580 = arith.constant 127 : i32
    %and3A_3581 = vector.broadcast %and3A_3580 : i32 to vector<16xi32>
    %and3A_3582 = arith.andi %get3A_3576, %and3A_3581 : vector<16xi32>
    %get3A_3583 = arith.constant 4 : i32
    %get3A_3584 = arith.index_cast %get3A_3583 : i32 to index
    %get3A_3585 = arith.constant 16 : index
    %get3A_3586 = tpu.vector_load %arg7[%get3A_3584, %get3A_3585] {strides = array<i32>} : memref<8x128xf32, #tpu.memory_space<vmem>>, vector<16xf32>,
    tpu.vector_store_idx %arg8[%shift_right_arithmetic3A_3579, %and3A_3582], %get3A_3586 : memref<782x128xf32, #tpu.memory_space<vmem>>[vector<16xi32>, vector<16xi32>], vector<16xf32>,
    %get3A_3587 = arith.constant 4 : i32
    %get3A_3588 = arith.index_cast %get3A_3587 : i32 to index
    %get3A_3589 = arith.constant 32 : index
    %get3A_3590 = tpu.vector_load %arg5[%get3A_3588, %get3A_3589] {strides = array<i32>} : memref<8x128xi32, #tpu.memory_space<vmem>>, vector<16xi32>,
    %shift_right_arithmetic3A_3591 = arith.constant 7 : i32
    %shift_right_arithmetic3A_3592 = vector.broadcast %shift_right_arithmetic3A_3591 : i32 to vector<16xi32>
    %shift_right_arithmetic3A_3593 = arith.shrsi %get3A_3590, %shift_right_arithmetic3A_3592 : vector<16xi32>
    %and3A_3594 = arith.constant 127 : i32
    %and3A_3595 = vector.broadcast %and3A_3594 : i32 to vector<16xi32>
    %and3A_3596 = arith.andi %get3A_3590, %and3A_3595 : vector<16xi32>
    %get3A_3597 = arith.constant 4 : i32
    %get3A_3598 = arith.index_cast %get3A_3597 : i32 to index
    %get3A_3599 = arith.constant 32 : index
    %get3A_3600 = tpu.vector_load %arg7[%get3A_3598, %get3A_3599] {strides = array<i32>} : memref<8x128xf32, #tpu.memory_space<vmem>>, vector<16xf32>,
    tpu.vector_store_idx %arg8[%shift_right_arithmetic3A_3593, %and3A_3596], %get3A_3600 : memref<782x128xf32, #tpu.memory_space<vmem>>[vector<16xi32>, vector<16xi32>], vector<16xf32>,
    %get3A_3601 = arith.constant 4 : i32
    %get3A_3602 = arith.index_cast %get3A_3601 : i32 to index
    %get3A_3603 = arith.constant 48 : index
    %get3A_3604 = tpu.vector_load %arg5[%get3A_3602, %get3A_3603] {strides = array<i32>} : memref<8x128xi32, #tpu.memory_space<vmem>>, vector<16xi32>,
    %shift_right_arithmetic3A_3605 = arith.constant 7 : i32
    %shift_right_arithmetic3A_3606 = vector.broadcast %shift_right_arithmetic3A_3605 : i32 to vector<16xi32>
    %shift_right_arithmetic3A_3607 = arith.shrsi %get3A_3604, %shift_right_arithmetic3A_3606 : vector<16xi32>
    %and3A_3608 = arith.constant 127 : i32
    %and3A_3609 = vector.broadcast %and3A_3608 : i32 to vector<16xi32>
    %and3A_3610 = arith.andi %get3A_3604, %and3A_3609 : vector<16xi32>
    %get3A_3611 = arith.constant 4 : i32
    %get3A_3612 = arith.index_cast %get3A_3611 : i32 to index
    %get3A_3613 = arith.constant 48 : index
    %get3A_3614 = tpu.vector_load %arg7[%get3A_3612, %get3A_3613] {strides = array<i32>} : memref<8x128xf32, #tpu.memory_space<vmem>>, vector<16xf32>,
    tpu.vector_store_idx %arg8[%shift_right_arithmetic3A_3607, %and3A_3610], %get3A_3614 : memref<782x128xf32, #tpu.memory_space<vmem>>[vector<16xi32>, vector<16xi32>], vector<16xf32>,
    %get3A_3615 = arith.constant 4 : i32
    %get3A_3616 = arith.index_cast %get3A_3615 : i32 to index
    %get3A_3617 = arith.constant 64 : index
    %get3A_3618 = tpu.vector_load %arg5[%get3A_3616, %get3A_3617] {strides = array<i32>} : memref<8x128xi32, #tpu.memory_space<vmem>>, vector<16xi32>,
    %shift_right_arithmetic3A_3619 = arith.constant 7 : i32
    %shift_right_arithmetic3A_3620 = vector.broadcast %shift_right_arithmetic3A_3619 : i32 to vector<16xi32>
    %shift_right_arithmetic3A_3621 = arith.shrsi %get3A_3618, %shift_right_arithmetic3A_3620 : vector<16xi32>
    %and3A_3622 = arith.constant 127 : i32
    %and3A_3623 = vector.broadcast %and3A_3622 : i32 to vector<16xi32>
    %and3A_3624 = arith.andi %get3A_3618, %and3A_3623 : vector<16xi32>
    %get3A_3625 = arith.constant 4 : i32
    %get3A_3626 = arith.index_cast %get3A_3625 : i32 to index
    %get3A_3627 = arith.constant 64 : index
    %get3A_3628 = tpu.vector_load %arg7[%get3A_3626, %get3A_3627] {strides = array<i32>} : memref<8x128xf32, #tpu.memory_space<vmem>>, vector<16xf32>,
    tpu.vector_store_idx %arg8[%shift_right_arithmetic3A_3621, %and3A_3624], %get3A_3628 : memref<782x128xf32, #tpu.memory_space<vmem>>[vector<16xi32>, vector<16xi32>], vector<16xf32>,
    %get3A_3629 = arith.constant 4 : i32
    %get3A_3630 = arith.index_cast %get3A_3629 : i32 to index
    %get3A_3631 = arith.constant 80 : index
    %get3A_3632 = tpu.vector_load %arg5[%get3A_3630, %get3A_3631] {strides = array<i32>} : memref<8x128xi32, #tpu.memory_space<vmem>>, vector<16xi32>,
    %shift_right_arithmetic3A_3633 = arith.constant 7 : i32
    %shift_right_arithmetic3A_3634 = vector.broadcast %shift_right_arithmetic3A_3633 : i32 to vector<16xi32>
    %shift_right_arithmetic3A_3635 = arith.shrsi %get3A_3632, %shift_right_arithmetic3A_3634 : vector<16xi32>
    %and3A_3636 = arith.constant 127 : i32
    %and3A_3637 = vector.broadcast %and3A_3636 : i32 to vector<16xi32>
    %and3A_3638 = arith.andi %get3A_3632, %and3A_3637 : vector<16xi32>
    %get3A_3639 = arith.constant 4 : i32
    %get3A_3640 = arith.index_cast %get3A_3639 : i32 to index
    %get3A_3641 = arith.constant 80 : index
    %get3A_3642 = tpu.vector_load %arg7[%get3A_3640, %get3A_3641] {strides = array<i32>} : memref<8x128xf32, #tpu.memory_space<vmem>>, vector<16xf32>,
    tpu.vector_store_idx %arg8[%shift_right_arithmetic3A_3635, %and3A_3638], %get3A_3642 : memref<782x128xf32, #tpu.memory_space<vmem>>[vector<16xi32>, vector<16xi32>], vector<16xf32>,
    %get3A_3643 = arith.constant 4 : i32
    %get3A_3644 = arith.index_cast %get3A_3643 : i32 to index
    %get3A_3645 = arith.constant 96 : index
    %get3A_3646 = tpu.vector_load %arg5[%get3A_3644, %get3A_3645] {strides = array<i32>} : memref<8x128xi32, #tpu.memory_space<vmem>>, vector<16xi32>,
    %shift_right_arithmetic3A_3647 = arith.constant 7 : i32
    %shift_right_arithmetic3A_3648 = vector.broadcast %shift_right_arithmetic3A_3647 : i32 to vector<16xi32>
    %shift_right_arithmetic3A_3649 = arith.shrsi %get3A_3646, %shift_right_arithmetic3A_3648 : vector<16xi32>
    %and3A_3650 = arith.constant 127 : i32
    %and3A_3651 = vector.broadcast %and3A_3650 : i32 to vector<16xi32>
    %and3A_3652 = arith.andi %get3A_3646, %and3A_3651 : vector<16xi32>
    %get3A_3653 = arith.constant 4 : i32
    %get3A_3654 = arith.index_cast %get3A_3653 : i32 to index
    %get3A_3655 = arith.constant 96 : index
    %get3A_3656 = tpu.vector_load %arg7[%get3A_3654, %get3A_3655] {strides = array<i32>} : memref<8x128xf32, #tpu.memory_space<vmem>>, vector<16xf32>,
    tpu.vector_store_idx %arg8[%shift_right_arithmetic3A_3649, %and3A_3652], %get3A_3656 : memref<782x128xf32, #tpu.memory_space<vmem>>[vector<16xi32>, vector<16xi32>], vector<16xf32>,
    %get3A_3657 = arith.constant 4 : i32
    %get3A_3658 = arith.index_cast %get3A_3657 : i32 to index
    %get3A_3659 = arith.constant 112 : index
    %get3A_3660 = tpu.vector_load %arg5[%get3A_3658, %get3A_3659] {strides = array<i32>} : memref<8x128xi32, #tpu.memory_space<vmem>>, vector<16xi32>,
    %shift_right_arithmetic3A_3661 = arith.constant 7 : i32
    %shift_right_arithmetic3A_3662 = vector.broadcast %shift_right_arithmetic3A_3661 : i32 to vector<16xi32>
    %shift_right_arithmetic3A_3663 = arith.shrsi %get3A_3660, %shift_right_arithmetic3A_3662 : vector<16xi32>
    %and3A_3664 = arith.constant 127 : i32
    %and3A_3665 = vector.broadcast %and3A_3664 : i32 to vector<16xi32>
    %and3A_3666 = arith.andi %get3A_3660, %and3A_3665 : vector<16xi32>
    %get3A_3667 = arith.constant 4 : i32
    %get3A_3668 = arith.index_cast %get3A_3667 : i32 to index
    %get3A_3669 = arith.constant 112 : index
    %get3A_3670 = tpu.vector_load %arg7[%get3A_3668, %get3A_3669] {strides = array<i32>} : memref<8x128xf32, #tpu.memory_space<vmem>>, vector<16xf32>,
    tpu.vector_store_idx %arg8[%shift_right_arithmetic3A_3663, %and3A_3666], %get3A_3670 : memref<782x128xf32, #tpu.memory_space<vmem>>[vector<16xi32>, vector<16xi32>], vector<16xf32>,
    %get3A_3671 = arith.constant 5 : i32
    %get3A_3672 = arith.index_cast %get3A_3671 : i32 to index
    %get3A_3673 = arith.constant 0 : index
    %get3A_3674 = tpu.vector_load %arg5[%get3A_3672, %get3A_3673] {strides = array<i32>} : memref<8x128xi32, #tpu.memory_space<vmem>>, vector<16xi32>,
    %shift_right_arithmetic3A_3675 = arith.constant 7 : i32
    %shift_right_arithmetic3A_3676 = vector.broadcast %shift_right_arithmetic3A_3675 : i32 to vector<16xi32>
    %shift_right_arithmetic3A_3677 = arith.shrsi %get3A_3674, %shift_right_arithmetic3A_3676 : vector<16xi32>
    %and3A_3678 = arith.constant 127 : i32
    %and3A_3679 = vector.broadcast %and3A_3678 : i32 to vector<16xi32>
    %and3A_3680 = arith.andi %get3A_3674, %and3A_3679 : vector<16xi32>
    %get3A_3681 = arith.constant 5 : i32
    %get3A_3682 = arith.index_cast %get3A_3681 : i32 to index
    %get3A_3683 = arith.constant 0 : index
    %get3A_3684 = tpu.vector_load %arg7[%get3A_3682, %get3A_3683] {strides = array<i32>} : memref<8x128xf32, #tpu.memory_space<vmem>>, vector<16xf32>,
    tpu.vector_store_idx %arg8[%shift_right_arithmetic3A_3677, %and3A_3680], %get3A_3684 : memref<782x128xf32, #tpu.memory_space<vmem>>[vector<16xi32>, vector<16xi32>], vector<16xf32>,
    %get3A_3685 = arith.constant 5 : i32
    %get3A_3686 = arith.index_cast %get3A_3685 : i32 to index
    %get3A_3687 = arith.constant 16 : index
    %get3A_3688 = tpu.vector_load %arg5[%get3A_3686, %get3A_3687] {strides = array<i32>} : memref<8x128xi32, #tpu.memory_space<vmem>>, vector<16xi32>,
    %shift_right_arithmetic3A_3689 = arith.constant 7 : i32
    %shift_right_arithmetic3A_3690 = vector.broadcast %shift_right_arithmetic3A_3689 : i32 to vector<16xi32>
    %shift_right_arithmetic3A_3691 = arith.shrsi %get3A_3688, %shift_right_arithmetic3A_3690 : vector<16xi32>
    %and3A_3692 = arith.constant 127 : i32
    %and3A_3693 = vector.broadcast %and3A_3692 : i32 to vector<16xi32>
    %and3A_3694 = arith.andi %get3A_3688, %and3A_3693 : vector<16xi32>
    %get3A_3695 = arith.constant 5 : i32
    %get3A_3696 = arith.index_cast %get3A_3695 : i32 to index
    %get3A_3697 = arith.constant 16 : index
    %get3A_3698 = tpu.vector_load %arg7[%get3A_3696, %get3A_3697] {strides = array<i32>} : memref<8x128xf32, #tpu.memory_space<vmem>>, vector<16xf32>,
    tpu.vector_store_idx %arg8[%shift_right_arithmetic3A_3691, %and3A_3694], %get3A_3698 : memref<782x128xf32, #tpu.memory_space<vmem>>[vector<16xi32>, vector<16xi32>], vector<16xf32>,
    %get3A_3699 = arith.constant 5 : i32
    %get3A_3700 = arith.index_cast %get3A_3699 : i32 to index
    %get3A_3701 = arith.constant 32 : index
    %get3A_3702 = tpu.vector_load %arg5[%get3A_3700, %get3A_3701] {strides = array<i32>} : memref<8x128xi32, #tpu.memory_space<vmem>>, vector<16xi32>,
    %shift_right_arithmetic3A_3703 = arith.constant 7 : i32
    %shift_right_arithmetic3A_3704 = vector.broadcast %shift_right_arithmetic3A_3703 : i32 to vector<16xi32>
    %shift_right_arithmetic3A_3705 = arith.shrsi %get3A_3702, %shift_right_arithmetic3A_3704 : vector<16xi32>
    %and3A_3706 = arith.constant 127 : i32
    %and3A_3707 = vector.broadcast %and3A_3706 : i32 to vector<16xi32>
    %and3A_3708 = arith.andi %get3A_3702, %and3A_3707 : vector<16xi32>
    %get3A_3709 = arith.constant 5 : i32
    %get3A_3710 = arith.index_cast %get3A_3709 : i32 to index
    %get3A_3711 = arith.constant 32 : index
    %get3A_3712 = tpu.vector_load %arg7[%get3A_3710, %get3A_3711] {strides = array<i32>} : memref<8x128xf32, #tpu.memory_space<vmem>>, vector<16xf32>,
    tpu.vector_store_idx %arg8[%shift_right_arithmetic3A_3705, %and3A_3708], %get3A_3712 : memref<782x128xf32, #tpu.memory_space<vmem>>[vector<16xi32>, vector<16xi32>], vector<16xf32>,
    %get3A_3713 = arith.constant 5 : i32
    %get3A_3714 = arith.index_cast %get3A_3713 : i32 to index
    %get3A_3715 = arith.constant 48 : index
    %get3A_3716 = tpu.vector_load %arg5[%get3A_3714, %get3A_3715] {strides = array<i32>} : memref<8x128xi32, #tpu.memory_space<vmem>>, vector<16xi32>,
    %shift_right_arithmetic3A_3717 = arith.constant 7 : i32
    %shift_right_arithmetic3A_3718 = vector.broadcast %shift_right_arithmetic3A_3717 : i32 to vector<16xi32>
    %shift_right_arithmetic3A_3719 = arith.shrsi %get3A_3716, %shift_right_arithmetic3A_3718 : vector<16xi32>
    %and3A_3720 = arith.constant 127 : i32
    %and3A_3721 = vector.broadcast %and3A_3720 : i32 to vector<16xi32>
    %and3A_3722 = arith.andi %get3A_3716, %and3A_3721 : vector<16xi32>
    %get3A_3723 = arith.constant 5 : i32
    %get3A_3724 = arith.index_cast %get3A_3723 : i32 to index
    %get3A_3725 = arith.constant 48 : index
    %get3A_3726 = tpu.vector_load %arg7[%get3A_3724, %get3A_3725] {strides = array<i32>} : memref<8x128xf32, #tpu.memory_space<vmem>>, vector<16xf32>,
    tpu.vector_store_idx %arg8[%shift_right_arithmetic3A_3719, %and3A_3722], %get3A_3726 : memref<782x128xf32, #tpu.memory_space<vmem>>[vector<16xi32>, vector<16xi32>], vector<16xf32>,
    %get3A_3727 = arith.constant 5 : i32
    %get3A_3728 = arith.index_cast %get3A_3727 : i32 to index
    %get3A_3729 = arith.constant 64 : index
    %get3A_3730 = tpu.vector_load %arg5[%get3A_3728, %get3A_3729] {strides = array<i32>} : memref<8x128xi32, #tpu.memory_space<vmem>>, vector<16xi32>,
    %shift_right_arithmetic3A_3731 = arith.constant 7 : i32
    %shift_right_arithmetic3A_3732 = vector.broadcast %shift_right_arithmetic3A_3731 : i32 to vector<16xi32>
    %shift_right_arithmetic3A_3733 = arith.shrsi %get3A_3730, %shift_right_arithmetic3A_3732 : vector<16xi32>
    %and3A_3734 = arith.constant 127 : i32
    %and3A_3735 = vector.broadcast %and3A_3734 : i32 to vector<16xi32>
    %and3A_3736 = arith.andi %get3A_3730, %and3A_3735 : vector<16xi32>
    %get3A_3737 = arith.constant 5 : i32
    %get3A_3738 = arith.index_cast %get3A_3737 : i32 to index
    %get3A_3739 = arith.constant 64 : index
    %get3A_3740 = tpu.vector_load %arg7[%get3A_3738, %get3A_3739] {strides = array<i32>} : memref<8x128xf32, #tpu.memory_space<vmem>>, vector<16xf32>,
    tpu.vector_store_idx %arg8[%shift_right_arithmetic3A_3733, %and3A_3736], %get3A_3740 : memref<782x128xf32, #tpu.memory_space<vmem>>[vector<16xi32>, vector<16xi32>], vector<16xf32>,
    %get3A_3741 = arith.constant 5 : i32
    %get3A_3742 = arith.index_cast %get3A_3741 : i32 to index
    %get3A_3743 = arith.constant 80 : index
    %get3A_3744 = tpu.vector_load %arg5[%get3A_3742, %get3A_3743] {strides = array<i32>} : memref<8x128xi32, #tpu.memory_space<vmem>>, vector<16xi32>,
    %shift_right_arithmetic3A_3745 = arith.constant 7 : i32
    %shift_right_arithmetic3A_3746 = vector.broadcast %shift_right_arithmetic3A_3745 : i32 to vector<16xi32>
    %shift_right_arithmetic3A_3747 = arith.shrsi %get3A_3744, %shift_right_arithmetic3A_3746 : vector<16xi32>
    %and3A_3748 = arith.constant 127 : i32
    %and3A_3749 = vector.broadcast %and3A_3748 : i32 to vector<16xi32>
    %and3A_3750 = arith.andi %get3A_3744, %and3A_3749 : vector<16xi32>
    %get3A_3751 = arith.constant 5 : i32
    %get3A_3752 = arith.index_cast %get3A_3751 : i32 to index
    %get3A_3753 = arith.constant 80 : index
    %get3A_3754 = tpu.vector_load %arg7[%get3A_3752, %get3A_3753] {strides = array<i32>} : memref<8x128xf32, #tpu.memory_space<vmem>>, vector<16xf32>,
    tpu.vector_store_idx %arg8[%shift_right_arithmetic3A_3747, %and3A_3750], %get3A_3754 : memref<782x128xf32, #tpu.memory_space<vmem>>[vector<16xi32>, vector<16xi32>], vector<16xf32>,
    %get3A_3755 = arith.constant 5 : i32
    %get3A_3756 = arith.index_cast %get3A_3755 : i32 to index
    %get3A_3757 = arith.constant 96 : index
    %get3A_3758 = tpu.vector_load %arg5[%get3A_3756, %get3A_3757] {strides = array<i32>} : memref<8x128xi32, #tpu.memory_space<vmem>>, vector<16xi32>,
    %shift_right_arithmetic3A_3759 = arith.constant 7 : i32
    %shift_right_arithmetic3A_3760 = vector.broadcast %shift_right_arithmetic3A_3759 : i32 to vector<16xi32>
    %shift_right_arithmetic3A_3761 = arith.shrsi %get3A_3758, %shift_right_arithmetic3A_3760 : vector<16xi32>
    %and3A_3762 = arith.constant 127 : i32
    %and3A_3763 = vector.broadcast %and3A_3762 : i32 to vector<16xi32>
    %and3A_3764 = arith.andi %get3A_3758, %and3A_3763 : vector<16xi32>
    %get3A_3765 = arith.constant 5 : i32
    %get3A_3766 = arith.index_cast %get3A_3765 : i32 to index
    %get3A_3767 = arith.constant 96 : index
    %get3A_3768 = tpu.vector_load %arg7[%get3A_3766, %get3A_3767] {strides = array<i32>} : memref<8x128xf32, #tpu.memory_space<vmem>>, vector<16xf32>,
    tpu.vector_store_idx %arg8[%shift_right_arithmetic3A_3761, %and3A_3764], %get3A_3768 : memref<782x128xf32, #tpu.memory_space<vmem>>[vector<16xi32>, vector<16xi32>], vector<16xf32>,
    %get3A_3769 = arith.constant 5 : i32
    %get3A_3770 = arith.index_cast %get3A_3769 : i32 to index
    %get3A_3771 = arith.constant 112 : index
    %get3A_3772 = tpu.vector_load %arg5[%get3A_3770, %get3A_3771] {strides = array<i32>} : memref<8x128xi32, #tpu.memory_space<vmem>>, vector<16xi32>,
    %shift_right_arithmetic3A_3773 = arith.constant 7 : i32
    %shift_right_arithmetic3A_3774 = vector.broadcast %shift_right_arithmetic3A_3773 : i32 to vector<16xi32>
    %shift_right_arithmetic3A_3775 = arith.shrsi %get3A_3772, %shift_right_arithmetic3A_3774 : vector<16xi32>
    %and3A_3776 = arith.constant 127 : i32
    %and3A_3777 = vector.broadcast %and3A_3776 : i32 to vector<16xi32>
    %and3A_3778 = arith.andi %get3A_3772, %and3A_3777 : vector<16xi32>
    %get3A_3779 = arith.constant 5 : i32
    %get3A_3780 = arith.index_cast %get3A_3779 : i32 to index
    %get3A_3781 = arith.constant 112 : index
    %get3A_3782 = tpu.vector_load %arg7[%get3A_3780, %get3A_3781] {strides = array<i32>} : memref<8x128xf32, #tpu.memory_space<vmem>>, vector<16xf32>,
    tpu.vector_store_idx %arg8[%shift_right_arithmetic3A_3775, %and3A_3778], %get3A_3782 : memref<782x128xf32, #tpu.memory_space<vmem>>[vector<16xi32>, vector<16xi32>], vector<16xf32>,
    %get3A_3783 = arith.constant 6 : i32
    %get3A_3784 = arith.index_cast %get3A_3783 : i32 to index
    %get3A_3785 = arith.constant 0 : index
    %get3A_3786 = tpu.vector_load %arg5[%get3A_3784, %get3A_3785] {strides = array<i32>} : memref<8x128xi32, #tpu.memory_space<vmem>>, vector<16xi32>,
    %shift_right_arithmetic3A_3787 = arith.constant 7 : i32
    %shift_right_arithmetic3A_3788 = vector.broadcast %shift_right_arithmetic3A_3787 : i32 to vector<16xi32>
    %shift_right_arithmetic3A_3789 = arith.shrsi %get3A_3786, %shift_right_arithmetic3A_3788 : vector<16xi32>
    %and3A_3790 = arith.constant 127 : i32
    %and3A_3791 = vector.broadcast %and3A_3790 : i32 to vector<16xi32>
    %and3A_3792 = arith.andi %get3A_3786, %and3A_3791 : vector<16xi32>
    %get3A_3793 = arith.constant 6 : i32
    %get3A_3794 = arith.index_cast %get3A_3793 : i32 to index
    %get3A_3795 = arith.constant 0 : index
    %get3A_3796 = tpu.vector_load %arg7[%get3A_3794, %get3A_3795] {strides = array<i32>} : memref<8x128xf32, #tpu.memory_space<vmem>>, vector<16xf32>,
    tpu.vector_store_idx %arg8[%shift_right_arithmetic3A_3789, %and3A_3792], %get3A_3796 : memref<782x128xf32, #tpu.memory_space<vmem>>[vector<16xi32>, vector<16xi32>], vector<16xf32>,
    %get3A_3797 = arith.constant 6 : i32
    %get3A_3798 = arith.index_cast %get3A_3797 : i32 to index
    %get3A_3799 = arith.constant 16 : index
    %get3A_3800 = tpu.vector_load %arg5[%get3A_3798, %get3A_3799] {strides = array<i32>} : memref<8x128xi32, #tpu.memory_space<vmem>>, vector<16xi32>,
    %shift_right_arithmetic3A_3801 = arith.constant 7 : i32
    %shift_right_arithmetic3A_3802 = vector.broadcast %shift_right_arithmetic3A_3801 : i32 to vector<16xi32>
    %shift_right_arithmetic3A_3803 = arith.shrsi %get3A_3800, %shift_right_arithmetic3A_3802 : vector<16xi32>
    %and3A_3804 = arith.constant 127 : i32
    %and3A_3805 = vector.broadcast %and3A_3804 : i32 to vector<16xi32>
    %and3A_3806 = arith.andi %get3A_3800, %and3A_3805 : vector<16xi32>
    %get3A_3807 = arith.constant 6 : i32
    %get3A_3808 = arith.index_cast %get3A_3807 : i32 to index
    %get3A_3809 = arith.constant 16 : index
    %get3A_3810 = tpu.vector_load %arg7[%get3A_3808, %get3A_3809] {strides = array<i32>} : memref<8x128xf32, #tpu.memory_space<vmem>>, vector<16xf32>,
    tpu.vector_store_idx %arg8[%shift_right_arithmetic3A_3803, %and3A_3806], %get3A_3810 : memref<782x128xf32, #tpu.memory_space<vmem>>[vector<16xi32>, vector<16xi32>], vector<16xf32>,
    %get3A_3811 = arith.constant 6 : i32
    %get3A_3812 = arith.index_cast %get3A_3811 : i32 to index
    %get3A_3813 = arith.constant 32 : index
    %get3A_3814 = tpu.vector_load %arg5[%get3A_3812, %get3A_3813] {strides = array<i32>} : memref<8x128xi32, #tpu.memory_space<vmem>>, vector<16xi32>,
    %shift_right_arithmetic3A_3815 = arith.constant 7 : i32
    %shift_right_arithmetic3A_3816 = vector.broadcast %shift_right_arithmetic3A_3815 : i32 to vector<16xi32>
    %shift_right_arithmetic3A_3817 = arith.shrsi %get3A_3814, %shift_right_arithmetic3A_3816 : vector<16xi32>
    %and3A_3818 = arith.constant 127 : i32
    %and3A_3819 = vector.broadcast %and3A_3818 : i32 to vector<16xi32>
    %and3A_3820 = arith.andi %get3A_3814, %and3A_3819 : vector<16xi32>
    %get3A_3821 = arith.constant 6 : i32
    %get3A_3822 = arith.index_cast %get3A_3821 : i32 to index
    %get3A_3823 = arith.constant 32 : index
    %get3A_3824 = tpu.vector_load %arg7[%get3A_3822, %get3A_3823] {strides = array<i32>} : memref<8x128xf32, #tpu.memory_space<vmem>>, vector<16xf32>,
    tpu.vector_store_idx %arg8[%shift_right_arithmetic3A_3817, %and3A_3820], %get3A_3824 : memref<782x128xf32, #tpu.memory_space<vmem>>[vector<16xi32>, vector<16xi32>], vector<16xf32>,
    %get3A_3825 = arith.constant 6 : i32
    %get3A_3826 = arith.index_cast %get3A_3825 : i32 to index
    %get3A_3827 = arith.constant 48 : index
    %get3A_3828 = tpu.vector_load %arg5[%get3A_3826, %get3A_3827] {strides = array<i32>} : memref<8x128xi32, #tpu.memory_space<vmem>>, vector<16xi32>,
    %shift_right_arithmetic3A_3829 = arith.constant 7 : i32
    %shift_right_arithmetic3A_3830 = vector.broadcast %shift_right_arithmetic3A_3829 : i32 to vector<16xi32>
    %shift_right_arithmetic3A_3831 = arith.shrsi %get3A_3828, %shift_right_arithmetic3A_3830 : vector<16xi32>
    %and3A_3832 = arith.constant 127 : i32
    %and3A_3833 = vector.broadcast %and3A_3832 : i32 to vector<16xi32>
    %and3A_3834 = arith.andi %get3A_3828, %and3A_3833 : vector<16xi32>
    %get3A_3835 = arith.constant 6 : i32
    %get3A_3836 = arith.index_cast %get3A_3835 : i32 to index
    %get3A_3837 = arith.constant 48 : index
    %get3A_3838 = tpu.vector_load %arg7[%get3A_3836, %get3A_3837] {strides = array<i32>} : memref<8x128xf32, #tpu.memory_space<vmem>>, vector<16xf32>,
    tpu.vector_store_idx %arg8[%shift_right_arithmetic3A_3831, %and3A_3834], %get3A_3838 : memref<782x128xf32, #tpu.memory_space<vmem>>[vector<16xi32>, vector<16xi32>], vector<16xf32>,
    %get3A_3839 = arith.constant 6 : i32
    %get3A_3840 = arith.index_cast %get3A_3839 : i32 to index
    %get3A_3841 = arith.constant 64 : index
    %get3A_3842 = tpu.vector_load %arg5[%get3A_3840, %get3A_3841] {strides = array<i32>} : memref<8x128xi32, #tpu.memory_space<vmem>>, vector<16xi32>,
    %shift_right_arithmetic3A_3843 = arith.constant 7 : i32
    %shift_right_arithmetic3A_3844 = vector.broadcast %shift_right_arithmetic3A_3843 : i32 to vector<16xi32>
    %shift_right_arithmetic3A_3845 = arith.shrsi %get3A_3842, %shift_right_arithmetic3A_3844 : vector<16xi32>
    %and3A_3846 = arith.constant 127 : i32
    %and3A_3847 = vector.broadcast %and3A_3846 : i32 to vector<16xi32>
    %and3A_3848 = arith.andi %get3A_3842, %and3A_3847 : vector<16xi32>
    %get3A_3849 = arith.constant 6 : i32
    %get3A_3850 = arith.index_cast %get3A_3849 : i32 to index
    %get3A_3851 = arith.constant 64 : index
    %get3A_3852 = tpu.vector_load %arg7[%get3A_3850, %get3A_3851] {strides = array<i32>} : memref<8x128xf32, #tpu.memory_space<vmem>>, vector<16xf32>,
    tpu.vector_store_idx %arg8[%shift_right_arithmetic3A_3845, %and3A_3848], %get3A_3852 : memref<782x128xf32, #tpu.memory_space<vmem>>[vector<16xi32>, vector<16xi32>], vector<16xf32>,
    %get3A_3853 = arith.constant 6 : i32
    %get3A_3854 = arith.index_cast %get3A_3853 : i32 to index
    %get3A_3855 = arith.constant 80 : index
    %get3A_3856 = tpu.vector_load %arg5[%get3A_3854, %get3A_3855] {strides = array<i32>} : memref<8x128xi32, #tpu.memory_space<vmem>>, vector<16xi32>,
    %shift_right_arithmetic3A_3857 = arith.constant 7 : i32
    %shift_right_arithmetic3A_3858 = vector.broadcast %shift_right_arithmetic3A_3857 : i32 to vector<16xi32>
    %shift_right_arithmetic3A_3859 = arith.shrsi %get3A_3856, %shift_right_arithmetic3A_3858 : vector<16xi32>
    %and3A_3860 = arith.constant 127 : i32
    %and3A_3861 = vector.broadcast %and3A_3860 : i32 to vector<16xi32>
    %and3A_3862 = arith.andi %get3A_3856, %and3A_3861 : vector<16xi32>
    %get3A_3863 = arith.constant 6 : i32
    %get3A_3864 = arith.index_cast %get3A_3863 : i32 to index
    %get3A_3865 = arith.constant 80 : index
    %get3A_3866 = tpu.vector_load %arg7[%get3A_3864, %get3A_3865] {strides = array<i32>} : memref<8x128xf32, #tpu.memory_space<vmem>>, vector<16xf32>,
    tpu.vector_store_idx %arg8[%shift_right_arithmetic3A_3859, %and3A_3862], %get3A_3866 : memref<782x128xf32, #tpu.memory_space<vmem>>[vector<16xi32>, vector<16xi32>], vector<16xf32>,
    %get3A_3867 = arith.constant 6 : i32
    %get3A_3868 = arith.index_cast %get3A_3867 : i32 to index
    %get3A_3869 = arith.constant 96 : index
    %get3A_3870 = tpu.vector_load %arg5[%get3A_3868, %get3A_3869] {strides = array<i32>} : memref<8x128xi32, #tpu.memory_space<vmem>>, vector<16xi32>,
    %shift_right_arithmetic3A_3871 = arith.constant 7 : i32
    %shift_right_arithmetic3A_3872 = vector.broadcast %shift_right_arithmetic3A_3871 : i32 to vector<16xi32>
    %shift_right_arithmetic3A_3873 = arith.shrsi %get3A_3870, %shift_right_arithmetic3A_3872 : vector<16xi32>
    %and3A_3874 = arith.constant 127 : i32
    %and3A_3875 = vector.broadcast %and3A_3874 : i32 to vector<16xi32>
    %and3A_3876 = arith.andi %get3A_3870, %and3A_3875 : vector<16xi32>
    %get3A_3877 = arith.constant 6 : i32
    %get3A_3878 = arith.index_cast %get3A_3877 : i32 to index
    %get3A_3879 = arith.constant 96 : index
    %get3A_3880 = tpu.vector_load %arg7[%get3A_3878, %get3A_3879] {strides = array<i32>} : memref<8x128xf32, #tpu.memory_space<vmem>>, vector<16xf32>,
    tpu.vector_store_idx %arg8[%shift_right_arithmetic3A_3873, %and3A_3876], %get3A_3880 : memref<782x128xf32, #tpu.memory_space<vmem>>[vector<16xi32>, vector<16xi32>], vector<16xf32>,
    %get3A_3881 = arith.constant 6 : i32
    %get3A_3882 = arith.index_cast %get3A_3881 : i32 to index
    %get3A_3883 = arith.constant 112 : index
    %get3A_3884 = tpu.vector_load %arg5[%get3A_3882, %get3A_3883] {strides = array<i32>} : memref<8x128xi32, #tpu.memory_space<vmem>>, vector<16xi32>,
    %shift_right_arithmetic3A_3885 = arith.constant 7 : i32
    %shift_right_arithmetic3A_3886 = vector.broadcast %shift_right_arithmetic3A_3885 : i32 to vector<16xi32>
    %shift_right_arithmetic3A_3887 = arith.shrsi %get3A_3884, %shift_right_arithmetic3A_3886 : vector<16xi32>
    %and3A_3888 = arith.constant 127 : i32
    %and3A_3889 = vector.broadcast %and3A_3888 : i32 to vector<16xi32>
    %and3A_3890 = arith.andi %get3A_3884, %and3A_3889 : vector<16xi32>
    %get3A_3891 = arith.constant 6 : i32
    %get3A_3892 = arith.index_cast %get3A_3891 : i32 to index
    %get3A_3893 = arith.constant 112 : index
    %get3A_3894 = tpu.vector_load %arg7[%get3A_3892, %get3A_3893] {strides = array<i32>} : memref<8x128xf32, #tpu.memory_space<vmem>>, vector<16xf32>,
    tpu.vector_store_idx %arg8[%shift_right_arithmetic3A_3887, %and3A_3890], %get3A_3894 : memref<782x128xf32, #tpu.memory_space<vmem>>[vector<16xi32>, vector<16xi32>], vector<16xf32>,
    %get3A_3895 = arith.constant 7 : i32
    %get3A_3896 = arith.index_cast %get3A_3895 : i32 to index
    %get3A_3897 = arith.constant 0 : index
    %get3A_3898 = tpu.vector_load %arg5[%get3A_3896, %get3A_3897] {strides = array<i32>} : memref<8x128xi32, #tpu.memory_space<vmem>>, vector<16xi32>,
    %shift_right_arithmetic3A_3899 = arith.constant 7 : i32
    %shift_right_arithmetic3A_3900 = vector.broadcast %shift_right_arithmetic3A_3899 : i32 to vector<16xi32>
    %shift_right_arithmetic3A_3901 = arith.shrsi %get3A_3898, %shift_right_arithmetic3A_3900 : vector<16xi32>
    %and3A_3902 = arith.constant 127 : i32
    %and3A_3903 = vector.broadcast %and3A_3902 : i32 to vector<16xi32>
    %and3A_3904 = arith.andi %get3A_3898, %and3A_3903 : vector<16xi32>
    %get3A_3905 = arith.constant 7 : i32
    %get3A_3906 = arith.index_cast %get3A_3905 : i32 to index
    %get3A_3907 = arith.constant 0 : index
    %get3A_3908 = tpu.vector_load %arg7[%get3A_3906, %get3A_3907] {strides = array<i32>} : memref<8x128xf32, #tpu.memory_space<vmem>>, vector<16xf32>,
    tpu.vector_store_idx %arg8[%shift_right_arithmetic3A_3901, %and3A_3904], %get3A_3908 : memref<782x128xf32, #tpu.memory_space<vmem>>[vector<16xi32>, vector<16xi32>], vector<16xf32>,
    %get3A_3909 = arith.constant 7 : i32
    %get3A_3910 = arith.index_cast %get3A_3909 : i32 to index
    %get3A_3911 = arith.constant 16 : index
    %get3A_3912 = tpu.vector_load %arg5[%get3A_3910, %get3A_3911] {strides = array<i32>} : memref<8x128xi32, #tpu.memory_space<vmem>>, vector<16xi32>,
    %shift_right_arithmetic3A_3913 = arith.constant 7 : i32
    %shift_right_arithmetic3A_3914 = vector.broadcast %shift_right_arithmetic3A_3913 : i32 to vector<16xi32>
    %shift_right_arithmetic3A_3915 = arith.shrsi %get3A_3912, %shift_right_arithmetic3A_3914 : vector<16xi32>
    %and3A_3916 = arith.constant 127 : i32
    %and3A_3917 = vector.broadcast %and3A_3916 : i32 to vector<16xi32>
    %and3A_3918 = arith.andi %get3A_3912, %and3A_3917 : vector<16xi32>
    %get3A_3919 = arith.constant 7 : i32
    %get3A_3920 = arith.index_cast %get3A_3919 : i32 to index
    %get3A_3921 = arith.constant 16 : index
    %get3A_3922 = tpu.vector_load %arg7[%get3A_3920, %get3A_3921] {strides = array<i32>} : memref<8x128xf32, #tpu.memory_space<vmem>>, vector<16xf32>,
    tpu.vector_store_idx %arg8[%shift_right_arithmetic3A_3915, %and3A_3918], %get3A_3922 : memref<782x128xf32, #tpu.memory_space<vmem>>[vector<16xi32>, vector<16xi32>], vector<16xf32>,
    %get3A_3923 = arith.constant 7 : i32
    %get3A_3924 = arith.index_cast %get3A_3923 : i32 to index
    %get3A_3925 = arith.constant 32 : index
    %get3A_3926 = tpu.vector_load %arg5[%get3A_3924, %get3A_3925] {strides = array<i32>} : memref<8x128xi32, #tpu.memory_space<vmem>>, vector<16xi32>,
    %shift_right_arithmetic3A_3927 = arith.constant 7 : i32
    %shift_right_arithmetic3A_3928 = vector.broadcast %shift_right_arithmetic3A_3927 : i32 to vector<16xi32>
    %shift_right_arithmetic3A_3929 = arith.shrsi %get3A_3926, %shift_right_arithmetic3A_3928 : vector<16xi32>
    %and3A_3930 = arith.constant 127 : i32
    %and3A_3931 = vector.broadcast %and3A_3930 : i32 to vector<16xi32>
    %and3A_3932 = arith.andi %get3A_3926, %and3A_3931 : vector<16xi32>
    %get3A_3933 = arith.constant 7 : i32
    %get3A_3934 = arith.index_cast %get3A_3933 : i32 to index
    %get3A_3935 = arith.constant 32 : index
    %get3A_3936 = tpu.vector_load %arg7[%get3A_3934, %get3A_3935] {strides = array<i32>} : memref<8x128xf32, #tpu.memory_space<vmem>>, vector<16xf32>,
    tpu.vector_store_idx %arg8[%shift_right_arithmetic3A_3929, %and3A_3932], %get3A_3936 : memref<782x128xf32, #tpu.memory_space<vmem>>[vector<16xi32>, vector<16xi32>], vector<16xf32>,
    %get3A_3937 = arith.constant 7 : i32
    %get3A_3938 = arith.index_cast %get3A_3937 : i32 to index
    %get3A_3939 = arith.constant 48 : index
    %get3A_3940 = tpu.vector_load %arg5[%get3A_3938, %get3A_3939] {strides = array<i32>} : memref<8x128xi32, #tpu.memory_space<vmem>>, vector<16xi32>,
    %shift_right_arithmetic3A_3941 = arith.constant 7 : i32
    %shift_right_arithmetic3A_3942 = vector.broadcast %shift_right_arithmetic3A_3941 : i32 to vector<16xi32>
    %shift_right_arithmetic3A_3943 = arith.shrsi %get3A_3940, %shift_right_arithmetic3A_3942 : vector<16xi32>
    %and3A_3944 = arith.constant 127 : i32
    %and3A_3945 = vector.broadcast %and3A_3944 : i32 to vector<16xi32>
    %and3A_3946 = arith.andi %get3A_3940, %and3A_3945 : vector<16xi32>
    %get3A_3947 = arith.constant 7 : i32
    %get3A_3948 = arith.index_cast %get3A_3947 : i32 to index
    %get3A_3949 = arith.constant 48 : index
    %get3A_3950 = tpu.vector_load %arg7[%get3A_3948, %get3A_3949] {strides = array<i32>} : memref<8x128xf32, #tpu.memory_space<vmem>>, vector<16xf32>,
    tpu.vector_store_idx %arg8[%shift_right_arithmetic3A_3943, %and3A_3946], %get3A_3950 : memref<782x128xf32, #tpu.memory_space<vmem>>[vector<16xi32>, vector<16xi32>], vector<16xf32>,
    %get3A_3951 = arith.constant 7 : i32
    %get3A_3952 = arith.index_cast %get3A_3951 : i32 to index
    %get3A_3953 = arith.constant 64 : index
    %get3A_3954 = tpu.vector_load %arg5[%get3A_3952, %get3A_3953] {strides = array<i32>} : memref<8x128xi32, #tpu.memory_space<vmem>>, vector<16xi32>,
    %shift_right_arithmetic3A_3955 = arith.constant 7 : i32
    %shift_right_arithmetic3A_3956 = vector.broadcast %shift_right_arithmetic3A_3955 : i32 to vector<16xi32>
    %shift_right_arithmetic3A_3957 = arith.shrsi %get3A_3954, %shift_right_arithmetic3A_3956 : vector<16xi32>
    %and3A_3958 = arith.constant 127 : i32
    %and3A_3959 = vector.broadcast %and3A_3958 : i32 to vector<16xi32>
    %and3A_3960 = arith.andi %get3A_3954, %and3A_3959 : vector<16xi32>
    %get3A_3961 = arith.constant 7 : i32
    %get3A_3962 = arith.index_cast %get3A_3961 : i32 to index
    %get3A_3963 = arith.constant 64 : index
    %get3A_3964 = tpu.vector_load %arg7[%get3A_3962, %get3A_3963] {strides = array<i32>} : memref<8x128xf32, #tpu.memory_space<vmem>>, vector<16xf32>,
    tpu.vector_store_idx %arg8[%shift_right_arithmetic3A_3957, %and3A_3960], %get3A_3964 : memref<782x128xf32, #tpu.memory_space<vmem>>[vector<16xi32>, vector<16xi32>], vector<16xf32>,
    %get3A_3965 = arith.constant 7 : i32
    %get3A_3966 = arith.index_cast %get3A_3965 : i32 to index
    %get3A_3967 = arith.constant 80 : index
    %get3A_3968 = tpu.vector_load %arg5[%get3A_3966, %get3A_3967] {strides = array<i32>} : memref<8x128xi32, #tpu.memory_space<vmem>>, vector<16xi32>,
    %shift_right_arithmetic3A_3969 = arith.constant 7 : i32
    %shift_right_arithmetic3A_3970 = vector.broadcast %shift_right_arithmetic3A_3969 : i32 to vector<16xi32>
    %shift_right_arithmetic3A_3971 = arith.shrsi %get3A_3968, %shift_right_arithmetic3A_3970 : vector<16xi32>
    %and3A_3972 = arith.constant 127 : i32
    %and3A_3973 = vector.broadcast %and3A_3972 : i32 to vector<16xi32>
    %and3A_3974 = arith.andi %get3A_3968, %and3A_3973 : vector<16xi32>
    %get3A_3975 = arith.constant 7 : i32
    %get3A_3976 = arith.index_cast %get3A_3975 : i32 to index
    %get3A_3977 = arith.constant 80 : index
    %get3A_3978 = tpu.vector_load %arg7[%get3A_3976, %get3A_3977] {strides = array<i32>} : memref<8x128xf32, #tpu.memory_space<vmem>>, vector<16xf32>,
    tpu.vector_store_idx %arg8[%shift_right_arithmetic3A_3971, %and3A_3974], %get3A_3978 : memref<782x128xf32, #tpu.memory_space<vmem>>[vector<16xi32>, vector<16xi32>], vector<16xf32>,
    %get3A_3979 = arith.constant 7 : i32
    %get3A_3980 = arith.index_cast %get3A_3979 : i32 to index
    %get3A_3981 = arith.constant 96 : index
    %get3A_3982 = tpu.vector_load %arg5[%get3A_3980, %get3A_3981] {strides = array<i32>} : memref<8x128xi32, #tpu.memory_space<vmem>>, vector<16xi32>,
    %shift_right_arithmetic3A_3983 = arith.constant 7 : i32
    %shift_right_arithmetic3A_3984 = vector.broadcast %shift_right_arithmetic3A_3983 : i32 to vector<16xi32>
    %shift_right_arithmetic3A_3985 = arith.shrsi %get3A_3982, %shift_right_arithmetic3A_3984 : vector<16xi32>
    %and3A_3986 = arith.constant 127 : i32
    %and3A_3987 = vector.broadcast %and3A_3986 : i32 to vector<16xi32>
    %and3A_3988 = arith.andi %get3A_3982, %and3A_3987 : vector<16xi32>
    %get3A_3989 = arith.constant 7 : i32
    %get3A_3990 = arith.index_cast %get3A_3989 : i32 to index
    %get3A_3991 = arith.constant 96 : index
    %get3A_3992 = tpu.vector_load %arg7[%get3A_3990, %get3A_3991] {strides = array<i32>} : memref<8x128xf32, #tpu.memory_space<vmem>>, vector<16xf32>,
    tpu.vector_store_idx %arg8[%shift_right_arithmetic3A_3985, %and3A_3988], %get3A_3992 : memref<782x128xf32, #tpu.memory_space<vmem>>[vector<16xi32>, vector<16xi32>], vector<16xf32>,
    %get3A_3993 = arith.constant 7 : i32
    %get3A_3994 = arith.index_cast %get3A_3993 : i32 to index
    %get3A_3995 = arith.constant 112 : index
    %get3A_3996 = tpu.vector_load %arg5[%get3A_3994, %get3A_3995] {strides = array<i32>} : memref<8x128xi32, #tpu.memory_space<vmem>>, vector<16xi32>,
    %shift_right_arithmetic3A_3997 = arith.constant 7 : i32
    %shift_right_arithmetic3A_3998 = vector.broadcast %shift_right_arithmetic3A_3997 : i32 to vector<16xi32>
    %shift_right_arithmetic3A_3999 = arith.shrsi %get3A_3996, %shift_right_arithmetic3A_3998 : vector<16xi32>
    %and3A_4000 = arith.constant 127 : i32
    %and3A_4001 = vector.broadcast %and3A_4000 : i32 to vector<16xi32>
    %and3A_4002 = arith.andi %get3A_3996, %and3A_4001 : vector<16xi32>
    %get3A_4003 = arith.constant 7 : i32
    %get3A_4004 = arith.index_cast %get3A_4003 : i32 to index
    %get3A_4005 = arith.constant 112 : index
    %get3A_4006 = tpu.vector_load %arg7[%get3A_4004, %get3A_4005] {strides = array<i32>} : memref<8x128xf32, #tpu.memory_space<vmem>>, vector<16xf32>,
    tpu.vector_store_idx %arg8[%shift_right_arithmetic3A_3999, %and3A_4002], %get3A_4006 : memref<782x128xf32, #tpu.memory_space<vmem>>[vector<16xi32>, vector<16xi32>], vector<16xf32>,
    %dma_start3A_4007 = arith.constant 0 : i32
    %dma_start3A_4008 = arith.constant 0 : i32
    %dma_start3A_4009 = tpu.memref_slice %arg4[%shift_right_arithmetic3A_3556, %dma_start3A_4007, %and3A_3558, %dma_start3A_4008] : memref<8x782x8x128xf32, #tpu.memory_space<hbm>> -> memref<1x782x1x128xf32, #tpu.memory_space<hbm>>
    %dma_start3A_4010 = tpu.memref_squeeze %dma_start3A_4009 : memref<1x782x1x128xf32, #tpu.memory_space<hbm>> -> memref<782x128xf32, #tpu.memory_space<hbm>>
    %dma_start3A_4011 = arith.constant 0 : i32
    %dma_start3A_4012 = arith.constant 0 : i32
    %dma_start3A_4013 = tpu.memref_slice %arg4[%shift_right_arithmetic3A_3556, %dma_start3A_4011, %and3A_3558, %dma_start3A_4012] : memref<8x782x8x128xf32, #tpu.memory_space<hbm>> -> memref<1x782x1x128xf32, #tpu.memory_space<hbm>>
    %dma_start3A_4014 = tpu.memref_squeeze %dma_start3A_4013 : memref<1x782x1x128xf32, #tpu.memory_space<hbm>> -> memref<782x128xf32, #tpu.memory_space<hbm>>
    tpu.enqueue_dma source(%arg8 : memref<782x128xf32, #tpu.memory_space<vmem>>) target(%dma_start3A_4014 : memref<782x128xf32, #tpu.memory_space<hbm>>) target_semaphore(%arg10 : memref<!tpu.dma_semaphore, #tpu.memory_space<semaphore_mem>>)
    %dma_wait3A_4015 = arith.constant 0 : i32
    %dma_wait3A_4016 = arith.constant 0 : i32
    %dma_wait3A_4017 = tpu.memref_slice %arg4[%shift_right_arithmetic3A_3556, %dma_wait3A_4015, %and3A_3558, %dma_wait3A_4016] : memref<8x782x8x128xf32, #tpu.memory_space<hbm>> -> memref<1x782x1x128xf32, #tpu.memory_space<hbm>>
    %dma_wait3A_4018 = tpu.memref_squeeze %dma_wait3A_4017 : memref<1x782x1x128xf32, #tpu.memory_space<hbm>> -> memref<782x128xf32, #tpu.memory_space<hbm>>
    %dma_wait3A_4019 = arith.constant 0 : i32
    %dma_wait3A_4020 = arith.constant 0 : i32
    %dma_wait3A_4021 = tpu.memref_slice %arg4[%shift_right_arithmetic3A_3556, %dma_wait3A_4019, %and3A_3558, %dma_wait3A_4020] : memref<8x782x8x128xf32, #tpu.memory_space<hbm>> -> memref<1x782x1x128xf32, #tpu.memory_space<hbm>>
    %dma_wait3A_4022 = tpu.memref_squeeze %dma_wait3A_4021 : memref<1x782x1x128xf32, #tpu.memory_space<hbm>> -> memref<782x128xf32, #tpu.memory_space<hbm>>
    tpu.wait_dma2 semaphore(%arg10 : memref<!tpu.dma_semaphore, #tpu.memory_space<semaphore_mem>>) src(%arg8 : memref<782x128xf32, #tpu.memory_space<vmem>>) dst(%dma_wait3A_4022 : memref<782x128xf32, #tpu.memory_space<hbm>>)
    return
  }
}

</mosaic_0001>

<sc_bundles>
// kernel: kernel.3.cloned.1.call-start
scs
__scs_entry_jumppad:
0x0: {  	(pc) =	sbr.rel $0x88, $3  }
0x1: {  	(tag) =	ssettag $0x0;
	lr =	simm.s32 $0x1  }
0x2: {  	[smem:$0x3F9F] =	sst lr;
	_ =	strace $0xD0000000  }
0x3: {  	_ = 	snop  }
0x4: {  	_ = 	snop  }
0x5: {  	_ = 	snop  }
0x6: {  	_ = 	snop  }
0x7: {  	_ = 	snop  }
__scs_overlays_trampoline_lowered:
0x8: {  	[smem:$0x3FAE] =	sst s0  }
0x9: {  	[smem:$0x3FAF] =	sst s1  }
0xa: {  	[smem:$0x3FB0] =	sst s2  }
0xb: {  	[smem:$0x3FB1] =	sst s3  }
0xc: {  	[smem:$0x3FB2] =	sst s4  }
0xd: {  	[smem:$0x3FB3] =	sst s5  }
0xe: {  	[smem:$0x3FB4] =	sst s6  }
0xf: {  	[smem:$0x3FB5] =	sst s7  }
0x10: {  	[smem:$0x3FB6] =	sst s8  }
0x11: {  	[smem:$0x3FB7] =	sst s9;
	s0 =	simm.s32 @!p0 $0x0  }
0x12: {  	s1 =	sld [smem:$0x3F9D];
	s0 =	simm.s32 @p0 $0x1  }
0x13: {  	[smem:$0x3FB8] =	sst s0;
	s0 =	simm.s32 @!p1 $0x0  }
0x14: {  	s2 =	sld [smem:$0x3F9C];
	s0 =	simm.s32 @p1 $0x1  }
0x15: {  	[smem:$0x3FB9] =	sst s0;
	s0 =	simm.s32 @!p2 $0x0  }
0x16: {  	s3 =	sld [smem:$0x3FDB];
	s0 =	simm.s32 @p2 $0x1  }
0x17: {  	s4 =	simm.s32 $0x1BF5;
	[smem:$0x3FBB] =	sst s0  }
0x18: {  	s0 =	sld [smem:$0x3F9E];
	_ =	swait.ge [sflag:s4], $0x0  }
0x19: {  	s7 =	sld [smem:$0x3F9F]  }
0x1a: {  	s8 =	sadd.s32 $0xFFFFE003, lr  }
0x1b: {  	s9 =	sadd.s32 $0xFFFFFEF7, lr;
	s5 =	simm.s32 $0xFFFFFFFF;
	p2 =	slt.u32 s8, $0xFFFFF086  }
0x1c: {  	p1 =	slt.u32 s9, $0xF7A;
	s5 =	simm.s32 @!p2 $0x0  }
0x1d: {  	s5 =	simm.s32 @p1 $0x1;
	p0 =	seq.s32 s7, s2  }
0x1e: {  	s7 =	smul.u32 @!p0 $0xF7A, s2;
	p2 =	seq.s32 @!p0 s5, $0x0  }
0x1f: {  	s9 =	smul.u32 $0xF7A, s1;
	s8 =	simm.s32 @!p0 $0x1BF5;
	p2 =	por !p2, p0  }
0x20: {  	[sflag:s8] =	ssyncset.s32 @!p0 $0xFFFFF086;
	s6 =	sadd.s32 @!p0 s3, s7;
	s7 =	simm.s32 @!p0 $0x108  }
0x21: {  	s3 =	sadd.s32 s3, s9;
	s6 =	sadd.s32 @!p0 $0x88, s6;
	s7 =	simm.s32 @p2 $0x1082  }
0x22: {  	[simem:s7], [sflag:s8] =	dma.local @!p0 [hbm:s6], $0xF7A  }
0x23: {  	s9 =	sor.u32 $0xD0000000, s2;
	s6 =	simm.s32 $0x108;
	_ =	swait.ge @!p0 [sflag:s8], $0x0  }
0x24: {  	s3 =	sadd.s32 $0x88, s3;
	s6 =	simm.s32 @!p1 $0x1082;
	[sflag:s4] =	ssyncset.s32 $0xFFFFF086  }
0x25: {  	[simem:s6], [sflag:s4] =	dma.local [hbm:s3], $0xF7A  }
0x26: {  	[smem:$0x3F9F] =	sst s1;
	(tag) =	ssettag s2;
	_ =	strace s9  }
0x27: {  	s1 =	sld [smem:$0x3FAF]  }
0x28: {  	s2 =	sld [smem:$0x3FB0]  }
0x29: {  	s4 =	sld [smem:$0x3FB2]  }
0x2a: {  	p0 =	seq.s32 s5, $0x0;
	s5 =	sld [smem:$0x3FB3]  }
0x2b: {  	s6 =	sld [smem:$0x3FB4]  }
0x2c: {  	s7 =	sld [smem:$0x3FB5]  }
0x2d: {  	s3 =	simm.s32 $0x108;
	s8 =	sld [smem:$0x3FB6]  }
0x2e: {  	s3 =	simm.s32 @!p0 $0x1082;
	s9 =	sld [smem:$0x3FB7]  }
0x2f: {  	lr =	sadd.s32 s0, s3;
	s0 =	sld [smem:$0x3FAE]  }
0x30: {  	s3 =	sld [smem:$0x3FB1]  }
0x31: {  	[smem:$0x3FBA] =	sst s10  }
0x32: {  	s10 =	sld [smem:$0x3FB8];
	_ =	sdelay $0x3  }
0x33: {  	p0 =	seq.s32 s10, $0x1;
	s10 =	sld [smem:$0x3FBA];
	_ =	sdelay $0x3  }
0x34: {  	[smem:$0x3FBA] =	sst s10  }
0x35: {  	s10 =	sld [smem:$0x3FB9];
	_ =	sdelay $0x3  }
0x36: {  	p1 =	seq.s32 s10, $0x1;
	s10 =	sld [smem:$0x3FBA];
	_ =	sdelay $0x3  }
0x37: {  	[smem:$0x3FBA] =	sst s10  }
0x38: {  	s10 =	sld [smem:$0x3FBB]  }
0x39: {  	_ = 	snop;
	(pc) =	sbr.ind lr, $3  }
0x3a: {  	_ = 	snop  }
0x3b: {  	_ = 	snop  }
0x3c: {  	p2 =	seq.s32 s10, $0x1;
	s10 =	sld [smem:$0x3FBA]  }
0x3d: {  	_ =	shalt  }
0x3e: {  	_ =	shalt  }
0x3f: {  	_ =	shalt  }
0x40: {  	_ =	shalt  }
0x41: {  	_ =	shalt  }
0x42: {  	_ =	shalt  }
0x43: {  	_ =	shalt  }
0x44: {  	_ =	shalt  }
0x45: {  	_ =	shalt  }
0x46: {  	_ =	shalt  }
0x47: {  	_ =	shalt  }
0x48: {  	_ =	shalt  }
0x49: {  	_ =	shalt  }
0x4a: {  	_ =	shalt  }
0x4b: {  	_ =	shalt  }
0x4c: {  	_ =	shalt  }
0x4d: {  	_ =	shalt  }
0x4e: {  	_ =	shalt  }
0x4f: {  	_ =	shalt  }
0x50: {  	_ =	shalt  }
0x51: {  	_ =	shalt  }
0x52: {  	_ =	shalt  }
0x53: {  	_ =	shalt  }
0x54: {  	_ =	shalt  }
0x55: {  	_ =	shalt  }
0x56: {  	_ =	shalt  }
0x57: {  	_ =	shalt  }
0x58: {  	_ =	shalt  }
0x59: {  	_ =	shalt  }
0x5a: {  	_ =	shalt  }
0x5b: {  	_ =	shalt  }
0x5c: {  	_ =	shalt  }
0x5d: {  	_ =	shalt  }
0x5e: {  	_ =	shalt  }
0x5f: {  	_ =	shalt  }
0x60: {  	_ =	shalt  }
0x61: {  	_ =	shalt  }
0x62: {  	_ =	shalt  }
0x63: {  	_ =	shalt  }
0x64: {  	_ =	shalt  }
0x65: {  	_ =	shalt  }
0x66: {  	_ =	shalt  }
0x67: {  	_ =	shalt  }
0x68: {  	_ =	shalt  }
0x69: {  	_ =	shalt  }
0x6a: {  	_ =	shalt  }
0x6b: {  	_ =	shalt  }
0x6c: {  	_ =	shalt  }
0x6d: {  	_ =	shalt  }
0x6e: {  	_ =	shalt  }
0x6f: {  	_ =	shalt  }
0x70: {  	_ =	shalt  }
0x71: {  	_ =	shalt  }
0x72: {  	_ =	shalt  }
0x73: {  	_ =	shalt  }
0x74: {  	_ =	shalt  }
0x75: {  	_ =	shalt  }
0x76: {  	_ =	shalt  }
0x77: {  	_ =	shalt  }
0x78: {  	_ =	shalt  }
0x79: {  	_ =	shalt  }
0x7a: {  	_ =	shalt  }
0x7b: {  	_ =	shalt  }
0x7c: {  	_ =	shalt  }
0x7d: {  	_ =	shalt  }
0x7e: {  	_ =	shalt  }
0x7f: {  	_ =	shalt  }
0x80: {  	_ =	shalt  }
0x81: {  	_ =	shalt  }
0x82: {  	_ =	shalt  }
0x83: {  	_ =	shalt  }
0x84: {  	_ =	shalt  }
0x85: {  	_ =	shalt  }
0x86: {  	_ =	shalt  }
0x87: {  	_ =	shalt  }
.Lfunc_end0:
.L_simem_size_0:
called_computation_lowered:
.L_overlay_start_0:
0x88: {  	s2 =	sld [smem:$0x3FD9]  }
0x89: {  	s3 =	sld [smem:$0x3FFE];
	_ =	sdelay $0x1  }
0x8a: {  	s1 =	srdreg.scid  }
0x8b: {  	s0 =	sand.u32 $0x1, s1  }
0x8c: {  	s17 =	sshll.u32 s0, $0xA;
	s2 =	sadd.s32 s3, s2  }
0x8d: {  	s2 =	sadd.s32 s2, s17  }
0x8e: {  	[smem:$0x3FC6] =	sst s2  }
0x8f: {  	_ = 	snop  }
0x90: {  	s2 =	sld [smem:$0x3FD0];
	(tm) =	ssettm $0x1  }
0x91: {  	s18 =	sld [smem:$0x3FFB];
	_ =	sdelay $0x3  }
0x92: {  	_ =	strace s18  }
0x93: {  	s3 =	sld [smem:$0x3FFC];
	_ =	sdelay $0x3  }
0x94: {  	_ =	strace s3  }
0x95: {  	s3 =	sld [smem:$0x3FFD];
	_ =	sdelay $0x3  }
0x96: {  	_ =	strace s3  }
0x97: {  	_ =	strace $0x8FFFFFFF  }
0x98: {  	s19 =	sld [smem:$0x3FDB];
	_ =	sdelay $0x1  }
0x99: {  	s4 =	simm.s32 $_scs_section_size  }
0x9a: {  	s5 =	simm.s32 $_size__tile_overlayer_lowered;
	s6 =	simm.s32 $_tile_overlayer_lowered  }
0x9b: {  	s22 =	simm.s32 $0x1BFF;
	s21 =	sshll.u32 s6, $0x1;
	s3 =	sadd.s32 s4, s19  }
0x9c: {  	s7 =	simm.s32 $0x0;
	s20 =	sshll.u32 s5, $0x1;
	s5 =	sadd.s32 s21, s3  }
0x9d: {  	[timem:s7], [sflag:s22] =	dma.local [hbm:s5], s20  }
0x9e: {  	_ =	swait.ge [sflag:s22], s20  }
0x9f: {  	s4 =	ssub.s32 $0x0, s20;
	[sflag:s22] =	ssyncset.done $0x0  }
0xa0: {  	[sflag:s22] =	ssyncadd.s32 s4;
	_ =	sdelay $0x1  }
0xa1: {  	s23 =	simm.s32 $0x1B8B  }
0xa2: {  	_ =	swait.ge [sflag:s23], $0x1  }
0xa3: {  	[sflag:s23] =	ssyncset.done $0x0  }
0xa4: {  	s25 =	simm.s32 $0x1B8E;
	s24 =	sld [smem:$0x3FFE];
	[sflag:s23] =	ssyncadd.s32 $0xFFFFFFFF  }
0xa5: {  	s26 =	simm.s32 $execute0_lowered;
	[smem:$0x3FD2] =	sst s25  }
0xa6: {  	s5 =	sshll.u32 s26, $0x1;
	_ =	strace $0x80000046;
	[dreg:$0x1] =	wrdreg $0xFFFFFFFF  }
0xa7: {  	s28 =	simm.s32 $_size_execute0_lowered;
	s3 =	sadd.s32 s3, s5;
	[dreg:$0x0] =	wrdreg $0x0  }
0xa8: {  	s5 =	sshll.u32 s28, $0x1;
	[dreg:$0x2] =	wrdreg s3  }
0xa9: {  	[dreg:$0x3] =	wrdreg s5  }
0xaa: {  	[dreg:$0x4] =	wrdreg $0xC0  }
0xab: {  	_ =	task [dreg:s7], $0x5FFFF  }
0xac: {  	[dreg:$0x1] =	wrdreg $0xFFFFFFFF  }
0xad: {  	[dreg:$0x0] =	wrdreg $0x60  }
0xae: {  	[dreg:$0x2] =	wrdreg s24  }
0xaf: {  	[dreg:$0x3] =	wrdreg s2  }
0xb0: {  	[dreg:$0x4] =	wrdreg $0x9  }
0xb1: {  	_ =	task.clear_ibuf [dreg:s7], $0x5FFFF;
	_ =	strace $0x90000046  }
0xb2: {  	s29 =	simm.s32 $0x9;
	_ =	strace $0x80000048  }
0xb3: {  	_ =	swait.ge [sflag:s29], $0x1  }
0xb4: {  	[sflag:s29] =	ssyncadd.s32 $0xFFFFFFFF  }
0xb5: {  	_ =	strace $0x90000048  }
0xb6: {  	_ =	sfence  }
0xb7: {  	s30 =	sld [smem:$0x0];
	_ =	sdelay $0x2  }
0xb8: {  	s31 =	sshll.u32 s1, $0xD;
	s1 =	sshrl.u32 s1, $0x2  }
0xb9: {  	s3 =	sand.u32 $0x4000, s31;
	s1 =	sadd.s32 s1, s30  }
0xba: {  	s0 =	sor.u32 s3, s0;
	s1 =	sshll.u32 s1, $0x11  }
0xbb: {  	s0 =	sor.u32 s1, s0  }
0xbc: {  	s0 =	sadd.s32 $0x8F2B, s0  }
0xbd: {  	[sflag:s0] =	ssyncadd.remote.s32 $0x1  }
0xbe: {  	_ =	sfence.sel $0xFFFF  }
0xbf: {  	[dreg:$0x0] =	wrdreg $0xFFFFFFFF;
	(pc) =	sbr.abs _section_cstart, $3  }
0xc0: {  	[dreg:$0x1] =	wrdreg $0xFFFFFFFF  }
0xc1: {  	_ =	task.clear_ibuf [dreg:s7], $0x2FFFF;
	_ =	strace $0x9FFFFFFF  }
0xc2: {  	(tm) =	ssettm $0x7FFFFFFF  }
0xc3: {  	_ =	shalt  }
tec
execute0_lowered:
.L_overlay_start_1:
0x0: {  	(tag) =	ssettag $0x1  }
0x1: {  	s0 =	rddreg [dreg:$0x0]  }
0x2: {  	s1 =	rddreg [dreg:$0x1]  }
0x3: {  	s2 =	simm.s32 $0x0;
	s3 =	srdreg.scid;
	s7 =	stileid.u32  }
0x4: {  	s19 =	simm.s32 $0xA00;
	s20 =	simm.s32 $0x680;
	s28 =	simm.s32 $0xC00  }
0x5: {  	s29 =	simm.s32 $0x2;
	s30 =	simm.s32 $0x0;
	[smem:$0x7FF] =	sst s2  }
0x6: {  	s4 =	sand.u32 $0x1, s3;
	s21 =	sshll.u32 s7, $0x1;
	s3 =	sadd.s32 $0x1400, s0  }
0x7: {  	s7 =	sshrl.u32 s7, $0x1;
	_ =	strace $0x80000047;
	s5 =	sor.u32 s4, s21  }
0x8: {  	s4 =	ssub.s32 $0x2, s4;
	s7 =	smul.u32 $0xC3800, s7;
	s21 =	simm.s32 $0xA80  }
0x9: {  	s6 =	sshll.u32 s5, $0x7;
	s22 =	sshrl.u32 s4, $0x1;
	s8 =	sshllo.u32 s5, $0x1  }
0xa: {  	s9 =	sshll.u32 s5, $0x8;
	s11 =	smul.u32 $0x30D40, s5;
	s0 =	sadd.s32 s6, s0  }
0xb: {  	s10 =	ssub.s32 s4, s22;
	s23 =	sand.u32 $0x300, s9;
	s24 =	sshll.u32 s8, $0x7  }
0xc: {  	s12 =	smul.u32 $0x186A0, s8;
	s8 =	simm.s32 $0x3;
	s9 =	simm.s32 $0x80  }
0xd: {  	s22 =	simm.s32 $0x700;
	s4 =	sadd.s32 $0x400, s0;
	s25 =	sor.u32 s7, s23  }
0xe: {  	s26 =	sand.u32 $0x380, s24;
	s23 =	simm.s32 $0xB00;
	s24 =	simm.s32 $0x780  }
0xf: {  	s0 =	sshrl.u32 s25, $0x3;
	s6 =	sor.u32 s7, s26;
	s7 =	smax.u32 s10, $0x1  }
0x10: {  	s10 =	simm.s32 $0x400;
	s25 =	simm.s32 $0xB80;
	s31 =	sshrl.u32 s6, $0x3  }
0x11: {  	v2 =	vimm.f32 $0.0e+00;
	v62 =	vmov s11;
	s26 =	simm.s32 $0x1;
	v1 =	vmov s12;
	s5 =	sadd.s32 s1, s0;
	s6 =	sadd.s32 s1, s31  }
.LBB2_1:
0x12: {  	[tilespmem:s2], [sflag:$0x3] =	stream.linear.gather [hbm4b:s4+s2], $0x400, $0x38;
	[tilespmem:$0x19400] =	vst v63  }
0x13: {  	_ =	swait.ge [sflag:s8], $0x400  }
0x14: {  	[sflag:s8] =	ssyncset.done $0x0  }
0x15: {  	[sflag:s8] =	ssyncadd.s32 $0xFFFFFC00  }
0x16: {  	v3 =	vld [tilespmem:$0x0]  }
0x17: {  	v4 =	vld [tilespmem:$0x10]  }
0x18: {  	v5 =	vld [tilespmem:$0x20]  }
0x19: {  	v6 =	vld [tilespmem:$0x30]  }
0x1a: {  	v7 =	vld [tilespmem:$0x40]  }
0x1b: {  	v8 =	vld [tilespmem:$0x50];
	v3 =	vadd.s32 v62, v3  }
0x1c: {  	v56 =	vld [tilespmem:$0x60];
	[tilespmem:$0x400] =	vst v3;
	v3 =	vadd.s32 v62, v4  }
0x1d: {  	v57 =	vld [tilespmem:$0x70];
	[tilespmem:$0x410] =	vst v3;
	v3 =	vadd.s32 v62, v5  }
0x1e: {  	v58 =	vld [tilespmem:$0x80];
	[tilespmem:$0x420] =	vst v3;
	v3 =	vadd.s32 v62, v6  }
0x1f: {  	v59 =	vld [tilespmem:$0x90];
	[tilespmem:$0x430] =	vst v3;
	v3 =	vadd.s32 v62, v7  }
0x20: {  	v60 =	vld [tilespmem:$0xA0];
	[tilespmem:$0x440] =	vst v3;
	v3 =	vadd.s32 v62, v8  }
0x21: {  	v61 =	vld [tilespmem:$0xB0];
	[tilespmem:$0x450] =	vst v3;
	v3 =	vadd.s32 v62, v56  }
0x22: {  	v63 =	vld [tilespmem:$0xC0];
	[tilespmem:$0x460] =	vst v3;
	v3 =	vadd.s32 v62, v57  }
0x23: {  	v12 =	vld [tilespmem:$0xD0];
	[tilespmem:$0x470] =	vst v3;
	v3 =	vadd.s32 v62, v58  }
0x24: {  	v13 =	vld [tilespmem:$0xE0];
	[tilespmem:$0x480] =	vst v3;
	v3 =	vadd.s32 v62, v59  }
0x25: {  	v14 =	vld [tilespmem:$0xF0];
	[tilespmem:$0x490] =	vst v3;
	v3 =	vadd.s32 v62, v60  }
0x26: {  	v15 =	vld [tilespmem:$0x100];
	[tilespmem:$0x4A0] =	vst v3;
	v3 =	vadd.s32 v62, v61  }
0x27: {  	v16 =	vld [tilespmem:$0x110];
	[tilespmem:$0x4B0] =	vst v3;
	v3 =	vadd.s32 v62, v63  }
0x28: {  	v17 =	vld [tilespmem:$0x120];
	[tilespmem:$0x4C0] =	vst v3;
	v3 =	vadd.s32 v62, v12  }
0x29: {  	v18 =	vld [tilespmem:$0x130];
	[tilespmem:$0x4D0] =	vst v3;
	v3 =	vadd.s32 v62, v13  }
0x2a: {  	v19 =	vld [tilespmem:$0x140];
	[tilespmem:$0x4E0] =	vst v3;
	v3 =	vadd.s32 v62, v14  }
0x2b: {  	v20 =	vld [tilespmem:$0x150];
	[tilespmem:$0x4F0] =	vst v3;
	v3 =	vadd.s32 v62, v15  }
0x2c: {  	v21 =	vld [tilespmem:$0x160];
	[tilespmem:$0x500] =	vst v3;
	v3 =	vadd.s32 v62, v16  }
0x2d: {  	v22 =	vld [tilespmem:$0x170];
	[tilespmem:$0x510] =	vst v3;
	v3 =	vadd.s32 v62, v17  }
0x2e: {  	v23 =	vld [tilespmem:$0x180];
	[tilespmem:$0x520] =	vst v3;
	v3 =	vadd.s32 v62, v18  }
0x2f: {  	v24 =	vld [tilespmem:$0x190];
	[tilespmem:$0x530] =	vst v3;
	v3 =	vadd.s32 v62, v19  }
0x30: {  	v25 =	vld [tilespmem:$0x1A0];
	[tilespmem:$0x540] =	vst v3;
	v3 =	vadd.s32 v62, v20  }
0x31: {  	v26 =	vld [tilespmem:$0x1B0];
	[tilespmem:$0x550] =	vst v3;
	v3 =	vadd.s32 v62, v21  }
0x32: {  	v27 =	vld [tilespmem:$0x1C0];
	[tilespmem:$0x560] =	vst v3;
	v3 =	vadd.s32 v62, v22  }
0x33: {  	v28 =	vld [tilespmem:$0x1D0];
	[tilespmem:$0x570] =	vst v3;
	v3 =	vadd.s32 v62, v23  }
0x34: {  	v29 =	vld [tilespmem:$0x1E0];
	[tilespmem:$0x580] =	vst v3;
	v3 =	vadd.s32 v62, v24  }
0x35: {  	v30 =	vld [tilespmem:$0x1F0];
	[tilespmem:$0x590] =	vst v3;
	v3 =	vadd.s32 v62, v25  }
0x36: {  	v31 =	vld [tilespmem:$0x200];
	[tilespmem:$0x5A0] =	vst v3;
	v3 =	vadd.s32 v62, v26  }
0x37: {  	v32 =	vld [tilespmem:$0x210];
	[tilespmem:$0x5B0] =	vst v3;
	v3 =	vadd.s32 v62, v27  }
0x38: {  	v33 =	vld [tilespmem:$0x220];
	[tilespmem:$0x5C0] =	vst v3;
	v3 =	vadd.s32 v62, v28  }
0x39: {  	v34 =	vld [tilespmem:$0x230];
	[tilespmem:$0x5D0] =	vst v3;
	v3 =	vadd.s32 v62, v29  }
0x3a: {  	v35 =	vld [tilespmem:$0x240];
	[tilespmem:$0x5E0] =	vst v3;
	v3 =	vadd.s32 v62, v30  }
0x3b: {  	v36 =	vld [tilespmem:$0x250];
	[tilespmem:$0x5F0] =	vst v3;
	v3 =	vadd.s32 v1, v31  }
0x3c: {  	v37 =	vld [tilespmem:$0x260];
	[tilespmem:$0x600] =	vst v3;
	v3 =	vadd.s32 v1, v32  }
0x3d: {  	v38 =	vld [tilespmem:$0x270];
	[tilespmem:$0x610] =	vst v3;
	v3 =	vadd.s32 v1, v33  }
0x3e: {  	v39 =	vld [tilespmem:$0x280];
	[tilespmem:$0x620] =	vst v3;
	v3 =	vadd.s32 v1, v34  }
0x3f: {  	v40 =	vld [tilespmem:$0x290];
	[tilespmem:$0x630] =	vst v3;
	v3 =	vadd.s32 v1, v35  }
0x40: {  	v41 =	vld [tilespmem:$0x2A0];
	[tilespmem:$0x640] =	vst v3;
	v3 =	vadd.s32 v1, v36  }
0x41: {  	v42 =	vld [tilespmem:$0x2B0];
	[tilespmem:$0x650] =	vst v3;
	v3 =	vadd.s32 v1, v37  }
0x42: {  	v43 =	vld [tilespmem:$0x2C0];
	[tilespmem:$0x660] =	vst v3;
	v3 =	vadd.s32 v1, v38  }
0x43: {  	v44 =	vld [tilespmem:$0x2D0];
	[tilespmem:$0x670] =	vst v3;
	v3 =	vadd.s32 v1, v39  }
0x44: {  	v45 =	vld [tilespmem:$0x2E0];
	[tilespmem:$0x680] =	vst v3;
	v3 =	vadd.s32 v1, v40  }
0x45: {  	v46 =	vld [tilespmem:$0x2F0];
	[tilespmem:$0x690] =	vst v3;
	v3 =	vadd.s32 v1, v41  }
0x46: {  	v47 =	vld [tilespmem:$0x300];
	[tilespmem:$0x6A0] =	vst v3;
	v3 =	vadd.s32 v1, v42  }
0x47: {  	v48 =	vld [tilespmem:$0x310];
	[tilespmem:$0x6B0] =	vst v3;
	v3 =	vadd.s32 v1, v43  }
0x48: {  	v49 =	vld [tilespmem:$0x320];
	[tilespmem:$0x6C0] =	vst v3;
	v3 =	vadd.s32 v1, v44  }
0x49: {  	v50 =	vld [tilespmem:$0x330];
	[tilespmem:$0x6D0] =	vst v3;
	v3 =	vadd.s32 v1, v45  }
0x4a: {  	v51 =	vld [tilespmem:$0x340];
	[tilespmem:$0x6E0] =	vst v3;
	v3 =	vadd.s32 v1, v46  }
0x4b: {  	v52 =	vld [tilespmem:$0x350];
	[tilespmem:$0x6F0] =	vst v3;
	v3 =	vadd.s32 v1, v47  }
0x4c: {  	v53 =	vld [tilespmem:$0x360];
	[tilespmem:$0x700] =	vst v3;
	v3 =	vadd.s32 v1, v48  }
0x4d: {  	v54 =	vld [tilespmem:$0x370];
	[tilespmem:$0x710] =	vst v3;
	v3 =	vadd.s32 v1, v49  }
0x4e: {  	v55 =	vld [tilespmem:$0x380];
	[tilespmem:$0x720] =	vst v3;
	v3 =	vadd.s32 v1, v50  }
0x4f: {  	v56 =	vld [tilespmem:$0x390];
	[tilespmem:$0x730] =	vst v3;
	v3 =	vadd.s32 v1, v51  }
0x50: {  	v57 =	vld [tilespmem:$0x3A0];
	[tilespmem:$0x740] =	vst v3;
	v3 =	vadd.s32 v1, v52  }
0x51: {  	v58 =	vld [tilespmem:$0x3B0];
	[tilespmem:$0x750] =	vst v3;
	v3 =	vadd.s32 v1, v53  }
0x52: {  	v59 =	vld [tilespmem:$0x3C0];
	[tilespmem:$0x760] =	vst v3;
	v3 =	vadd.s32 v1, v54  }
0x53: {  	v60 =	vld [tilespmem:$0x3D0];
	[tilespmem:$0x770] =	vst v3;
	v3 =	vadd.s32 v1, v55  }
0x54: {  	v61 =	vld [tilespmem:$0x3E0];
	[tilespmem:$0x780] =	vst v3;
	v3 =	vadd.s32 v1, v56  }
0x55: {  	v63 =	vld [tilespmem:$0x3F0];
	[tilespmem:$0x790] =	vst v3;
	v3 =	vadd.s32 v1, v57  }
0x56: {  	[tilespmem:$0x7A0] =	vst v3;
	v3 =	vadd.s32 v1, v58  }
0x57: {  	[tilespmem:$0x7B0] =	vst v3;
	v3 =	vadd.s32 v1, v59  }
0x58: {  	[tilespmem:$0x7C0] =	vst v3;
	v3 =	vadd.s32 v1, v60  }
0x59: {  	[tilespmem:$0x7D0] =	vst v3;
	v3 =	vadd.s32 v1, v61  }
0x5a: {  	[tilespmem:$0x7E0] =	vst v3;
	v3 =	vadd.s32 v1, v63  }
0x5b: {  	s0 =	simm.s32 $0x800;
	[tilespmem:$0x7F0] =	vst v3  }
0x5c: {  	[tilespmem:s0], [sflag:$0x1] =	stream.indirect.gather [hbm4b:s3+s9], $0x1, s10, s9, $0xb8;
	[tilespmem:$0x19400] =	vst v63  }
0x5d: {  	s14 =	simm.s32 $0x480;
	s1 =	simm.s32 $0x880  }
0x5e: {  	[tilespmem:s1], [sflag:$0x1] =	stream.indirect.gather [hbm4b:s3+s9], $0x1, s14, s9, $0xb8;
	[tilespmem:$0x19400] =	vst v63  }
0x5f: {  	s15 =	simm.s32 $0x500;
	s16 =	simm.s32 $0x900  }
0x60: {  	[tilespmem:s16], [sflag:$0x1] =	stream.indirect.gather [hbm4b:s3+s9], $0x1, s15, s9, $0xb8;
	[tilespmem:$0x19400] =	vst v63  }
0x61: {  	s17 =	simm.s32 $0x580;
	s18 =	simm.s32 $0x980  }
0x62: {  	[tilespmem:s18], [sflag:$0x1] =	stream.indirect.gather [hbm4b:s3+s9], $0x1, s17, s9, $0xb8;
	[tilespmem:$0x19400] =	vst v63  }
0x63: {  	s31 =	simm.s32 $0x600  }
0x64: {  	[tilespmem:s19], [sflag:$0x1] =	stream.indirect.gather [hbm4b:s3+s9], $0x1, s31, s9, $0xb8;
	[tilespmem:$0x19400] =	vst v63  }
0x65: {  	_ = 	snop  }
0x66: {  	[tilespmem:s21], [sflag:$0x1] =	stream.indirect.gather [hbm4b:s3+s9], $0x1, s20, s9, $0xb8;
	[tilespmem:$0x19400] =	vst v63  }
0x67: {  	_ = 	snop  }
0x68: {  	[tilespmem:s23], [sflag:$0x1] =	stream.indirect.gather [hbm4b:s3+s9], $0x1, s22, s9, $0xb8;
	[tilespmem:$0x19400] =	vst v63  }
0x69: {  	s0 =	simm.s32 $0x0;
	s1 =	simm.s32 $0x400  }
0x6a: {  	[tilespmem:s25], [sflag:$0x1] =	stream.indirect.gather [hbm4b:s3+s9], $0x1, s24, s9, $0xb8;
	[tilespmem:$0x19400] =	vst v63  }
.LBB2_2:
0x6b: {  	p0 =	sne.s32 s1, $0x61800;
	[tilespmem:s0+$0xCF0] =	vst v2  }
0x6c: {  	[tilespmem:s0+$0xC00] =	vst v2  }
0x6d: {  	[tilespmem:s0+$0xC10] =	vst v2  }
0x6e: {  	[tilespmem:s0+$0xC20] =	vst v2  }
0x6f: {  	[tilespmem:s0+$0xC30] =	vst v2  }
0x70: {  	[tilespmem:s0+$0xC40] =	vst v2  }
0x71: {  	[tilespmem:s0+$0xC50] =	vst v2  }
0x72: {  	[tilespmem:s0+$0xC60] =	vst v2  }
0x73: {  	[tilespmem:s0+$0xC70] =	vst v2  }
0x74: {  	[tilespmem:s0+$0xC80] =	vst v2  }
0x75: {  	[tilespmem:s0+$0xC90] =	vst v2  }
.Ltmp0:
0x76: {  	[tilespmem:s0+$0xCA0] =	vst v2;
	(pc) =	sbr.rel @p0 .LBB2_2-.Ltmp0, $4  }
0x77: {  	[tilespmem:s0+$0xCB0] =	vst v2  }
0x78: {  	[tilespmem:s0+$0xCC0] =	vst v2  }
0x79: {  	[tilespmem:s0+$0xCD0] =	vst v2  }
0x7a: {  	[tilespmem:s0+$0xCE0] =	vst v2;
	s0 =	sshra.s32 s1, $0x2;
	s1 =	sadd.s32 $0x400, s1  }
0x7b: {  	[tilespmem:s0+$0xCF0] =	vst v2  }
0x7c: {  	[tilespmem:s0+$0xC00] =	vst v2  }
0x7d: {  	[tilespmem:s0+$0xC10] =	vst v2  }
0x7e: {  	[tilespmem:s0+$0xC20] =	vst v2  }
0x7f: {  	[tilespmem:s0+$0xC30] =	vst v2  }
0x80: {  	[tilespmem:s0+$0xC40] =	vst v2  }
0x81: {  	[tilespmem:s0+$0xC50] =	vst v2  }
0x82: {  	[tilespmem:s0+$0xC60] =	vst v2  }
0x83: {  	[tilespmem:s0+$0xC70] =	vst v2  }
0x84: {  	[tilespmem:s0+$0xC80] =	vst v2  }
0x85: {  	[tilespmem:s0+$0xC90] =	vst v2  }
0x86: {  	[tilespmem:s0+$0xCA0] =	vst v2  }
0x87: {  	[tilespmem:s0+$0xCB0] =	vst v2  }
0x88: {  	[tilespmem:s0+$0xCC0] =	vst v2  }
0x89: {  	[tilespmem:s0+$0xCD0] =	vst v2  }
0x8a: {  	[tilespmem:s0+$0xCE0] =	vst v2  }
0x8b: {  	_ =	swait.ge [sflag:s26], $0x80  }
0x8c: {  	[sflag:s26] =	ssyncset.done $0x0  }
0x8d: {  	[sflag:s26] =	ssyncadd.s32 $0xFFFFFF80  }
0x8e: {  	_ =	swait.ge [sflag:s26], $0x80  }
0x8f: {  	[sflag:s26] =	ssyncset.done $0x0  }
0x90: {  	[sflag:s26] =	ssyncadd.s32 $0xFFFFFF80  }
0x91: {  	_ =	swait.ge [sflag:s26], $0x80  }
0x92: {  	[sflag:s26] =	ssyncset.done $0x0  }
0x93: {  	[sflag:s26] =	ssyncadd.s32 $0xFFFFFF80  }
0x94: {  	_ =	swait.ge [sflag:s26], $0x80  }
0x95: {  	[sflag:s26] =	ssyncset.done $0x0  }
0x96: {  	[sflag:s26] =	ssyncadd.s32 $0xFFFFFF80  }
0x97: {  	_ =	swait.ge [sflag:s26], $0x80  }
0x98: {  	[sflag:s26] =	ssyncset.done $0x0  }
0x99: {  	[sflag:s26] =	ssyncadd.s32 $0xFFFFFF80  }
0x9a: {  	_ =	swait.ge [sflag:s26], $0x80  }
0x9b: {  	[sflag:s26] =	ssyncset.done $0x0  }
0x9c: {  	[sflag:s26] =	ssyncadd.s32 $0xFFFFFF80  }
0x9d: {  	_ =	swait.ge [sflag:s26], $0x80  }
0x9e: {  	[sflag:s26] =	ssyncset.done $0x0  }
0x9f: {  	[sflag:s26] =	ssyncadd.s32 $0xFFFFFF80  }
0xa0: {  	_ =	swait.ge [sflag:s26], $0x80  }
0xa1: {  	[sflag:s26] =	ssyncset.done $0x0  }
0xa2: {  	[sflag:s26] =	ssyncadd.s32 $0xFFFFFF80  }
0xa3: {  	v19 =	vld [tilespmem:$0x800]  }
0xa4: {  	v20 =	vld [tilespmem:$0x810]  }
0xa5: {  	v21 =	vld [tilespmem:$0x820]  }
0xa6: {  	v22 =	vld [tilespmem:$0x830]  }
0xa7: {  	v31 =	vld [tilespmem:$0x840]  }
0xa8: {  	v32 =	vld [tilespmem:$0x850]  }
0xa9: {  	v33 =	vld [tilespmem:$0x860];
	v3 =	vmax.f32 v19, v20  }
0xaa: {  	v34 =	vld [tilespmem:$0x870];
	v3 =	vmax.f32 v3, v21  }
0xab: {  	v35 =	vld [tilespmem:$0x880];
	v3 =	vmax.f32 v3, v22  }
0xac: {  	v8 =	vld [tilespmem:$0x890];
	v3 =	vmax.f32 v3, v31  }
0xad: {  	v7 =	vld [tilespmem:$0x8A0];
	v3 =	vmax.f32 v3, v32  }
0xae: {  	v9 =	vld [tilespmem:$0x8B0];
	v3 =	vmax.f32 v3, v33  }
0xaf: {  	v10 =	vld [tilespmem:$0x8C0];
	v3 =	vmax.f32 v3, v34  }
0xb0: {  	v11 =	vld [tilespmem:$0x8D0];
	v3 =	vmax.f32 v3, v35  }
0xb1: {  	v12 =	vld [tilespmem:$0x8E0];
	v3 =	vmax.f32 v3, v8  }
0xb2: {  	v13 =	vld [tilespmem:$0x8F0];
	v3 =	vmax.f32 v3, v7  }
0xb3: {  	v15 =	vld [tilespmem:$0x900];
	v3 =	vmax.f32 v3, v9  }
0xb4: {  	v14 =	vld [tilespmem:$0x910];
	v3 =	vmax.f32 v3, v10  }
0xb5: {  	v16 =	vld [tilespmem:$0x920];
	v3 =	vmax.f32 v3, v11  }
0xb6: {  	v17 =	vld [tilespmem:$0x930];
	v3 =	vmax.f32 v3, v12  }
0xb7: {  	v18 =	vld [tilespmem:$0x940];
	v3 =	vmax.f32 v3, v13  }
0xb8: {  	v6 =	vld [tilespmem:$0x950];
	v3 =	vmax.f32 v3, v15  }
0xb9: {  	v5 =	vld [tilespmem:$0x960];
	v3 =	vmax.f32 v3, v14  }
0xba: {  	v4 =	vld [tilespmem:$0x970];
	v3 =	vmax.f32 v3, v16  }
0xbb: {  	v23 =	vmax.f32 v3, v17;
	v3 =	vld [tilespmem:$0x980]  }
0xbc: {  	v24 =	vmax.f32 v23, v18;
	v23 =	vld [tilespmem:$0x990]  }
0xbd: {  	v25 =	vmax.f32 v24, v6;
	v24 =	vld [tilespmem:$0x9A0]  }
0xbe: {  	v26 =	vmax.f32 v25, v5;
	v25 =	vld [tilespmem:$0x9B0]  }
0xbf: {  	v27 =	vmax.f32 v26, v4;
	v26 =	vld [tilespmem:$0x9C0]  }
0xc0: {  	v28 =	vmax.f32 v27, v3;
	v27 =	vld [tilespmem:$0x9D0]  }
0xc1: {  	v29 =	vld [tilespmem:$0x9E0];
	v28 =	vmax.f32 v28, v23  }
0xc2: {  	v30 =	vmax.f32 v28, v24;
	v28 =	vld [tilespmem:$0x9F0]  }
0xc3: {  	v30 =	vmax.f32 v30, v25  }
0xc4: {  	v30 =	vmax.f32 v30, v26  }
0xc5: {  	v30 =	vmax.f32 v30, v27  }
0xc6: {  	v30 =	vmax.f32 v30, v29  }
0xc7: {  	v30 =	vmax.f32 v30, v28  }
0xc8: {  	(v2sf) =	vpush v30, $0x0  }
0xc9: {  	(v2sf) =	vpush v30, $0x1  }
0xca: {  	(v2sf) =	vpush v30, $0x2  }
0xcb: {  	(v2sf) =	vpush v30, $0x3  }
0xcc: {  	(v2sf) =	vpush v30, $0x4  }
0xcd: {  	(v2sf) =	vpush v30, $0x5  }
0xce: {  	(v2sf) =	vpush v30, $0x6  }
0xcf: {  	(v2sf) =	vpush v30, $0x7  }
0xd0: {  	(v2sf) =	vpush v30, $0x8  }
0xd1: {  	(v2sf) =	vpush v30, $0x9  }
0xd2: {  	(v2sf) =	vpush v30, $0xA  }
0xd3: {  	(v2sf) =	vpush v30, $0xB  }
0xd4: {  	(v2sf) =	vpush v30, $0xC  }
0xd5: {  	(v2sf) =	vpush v30, $0xD  }
0xd6: {  	(v2sf) =	vpush v30, $0xE  }
0xd7: {  	s16 =	spop (v2sf);
	(v2sf) =	vpush v30, $0xF  }
0xd8: {  	s1 =	spop (v2sf)  }
0xd9: {  	s0 =	smax.f32 s16, s1;
	s17 =	spop (v2sf)  }
0xda: {  	s0 =	smax.f32 s0, s17;
	s18 =	spop (v2sf)  }
0xdb: {  	s0 =	smax.f32 s0, s18;
	s31 =	spop (v2sf)  }
0xdc: {  	s0 =	smax.f32 s0, s31;
	s11 =	spop (v2sf)  }
0xdd: {  	s0 =	smax.f32 s0, s11;
	s12 =	spop (v2sf)  }
0xde: {  	s0 =	smax.f32 s0, s12;
	s13 =	spop (v2sf)  }
0xdf: {  	s0 =	smax.f32 s0, s13;
	s14 =	spop (v2sf)  }
0xe0: {  	s0 =	smax.f32 s0, s14;
	s15 =	spop (v2sf)  }
0xe1: {  	s0 =	smax.f32 s0, s15;
	s16 =	spop (v2sf)  }
0xe2: {  	s0 =	smax.f32 s0, s16;
	s17 =	spop (v2sf)  }
0xe3: {  	s0 =	smax.f32 s0, s17;
	s18 =	spop (v2sf)  }
0xe4: {  	s0 =	smax.f32 s0, s18;
	s31 =	spop (v2sf)  }
0xe5: {  	s0 =	smax.f32 s0, s31;
	s11 =	spop (v2sf)  }
0xe6: {  	s0 =	smax.f32 s0, s11;
	s12 =	spop (v2sf)  }
0xe7: {  	s0 =	smax.f32 s0, s12  }
0xe8: {  	v30 =	vmov s0  }
0xe9: {  	v19 =	vsub.f32 v19, v30;
	_ =	sdelay $0x1  }
0xea: {  	v20 =	vsub.f32 v20, v30;
	v19 =	vmul.f32 $1.442695020e+00, v19;
	_ =	sdelay $0x1  }
0xeb: {  	v50 =	vsub.f32 v21, v30;
	v49 =	vmul.f32 $1.442695020e+00, v20;
	(erf) = vpow2.f32 v19;
	_ =	sdelay $0x1  }
0xec: {  	v52 =	vsub.f32 v22, v30;
	v51 =	vmul.f32 $1.442695020e+00, v50;
	(erf) = vpow2.f32 v49;
	_ =	sdelay $0x1  }
0xed: {  	v53 =	vmul.f32 $1.442695020e+00, v52;
	(erf) = vpow2.f32 v51  }
0xee: {  	v54 =	vsub.f32 v31, v30  }
0xef: {  	(erf) = vpow2.f32 v53  }
0xf0: {  	v56 =	vsub.f32 v32, v30;
	v55 =	vmul.f32 $1.442695020e+00, v54;
	_ =	sdelay $0x1  }
0xf1: {  	v58 =	vsub.f32 v33, v30;
	v57 =	vmul.f32 $1.442695020e+00, v56;
	v0 =	vpop (erf);
	(erf) = vpow2.f32 v55  }
0xf2: {  	v63 =	vsub.f32 v34, v30  }
0xf3: {  	v60 =	vmul.f32 $1.442695020e+00, v58;
	v59 =	vadd.f32 $0.0e+00, v0;
	v61 =	vpop (erf);
	(erf) = vpow2.f32 v57  }
0xf4: {  	v32 =	vsub.f32 v35, v30  }
0xf5: {  	v31 =	vmul.f32 $1.442695020e+00, v63;
	[tilespmem:$0x1FFF0] =	vst v0;
	v0 =	vpop (erf);
	(erf) = vpow2.f32 v60;
	v21 =	vadd.f32 v59, v61  }
0xf6: {  	v8 =	vsub.f32 v8, v30  }
0xf7: {  	v33 =	vmul.f32 $1.442695020e+00, v32;
	[tilespmem:$0x1FFA0] =	vst v0;
	v21 =	vadd.f32 v21, v0;
	v0 =	vpop (erf);
	(erf) = vpow2.f32 v31  }
0xf8: {  	v35 =	vsub.f32 v7, v30;
	v8 =	vmul.f32 $1.442695020e+00, v8  }
0xf9: {  	(erf) = vpow2.f32 v33;
	v34 =	vadd.f32 v21, v0  }
0xfa: {  	v19 =	vmul.f32 $1.442695020e+00, v35;
	[tilespmem:$0x1FFB0] =	vst v0;
	v0 =	vpop (erf);
	(erf) = vpow2.f32 v8  }
0xfb: {  	v36 =	vsub.f32 v9, v30;
	v20 =	vadd.f32 v34, v0  }
0xfc: {  	[tilespmem:$0x1FFC0] =	vst v0;
	v0 =	vpop (erf);
	(erf) = vpow2.f32 v19  }
0xfd: {  	v38 =	vsub.f32 v10, v30;
	v37 =	vmul.f32 $1.442695020e+00, v36;
	v20 =	vadd.f32 v20, v0  }
0xfe: {  	v40 =	vsub.f32 v11, v30;
	[tilespmem:$0x1FFD0] =	vst v0;
	v0 =	vpop (erf)  }
0xff: {  	v39 =	vmul.f32 $1.442695020e+00, v38;
	(erf) = vpow2.f32 v37;
	v20 =	vadd.f32 v20, v0  }
0x100: {  	v42 =	vsub.f32 v12, v30;
	v10 =	vpop (erf)  }
0x101: {  	v41 =	vmul.f32 $1.442695020e+00, v40;
	(erf) = vpow2.f32 v39;
	v20 =	vadd.f32 v20, v10  }
0x102: {  	v44 =	vsub.f32 v13, v30;
	v11 =	vpop (erf)  }
0x103: {  	v43 =	vmul.f32 $1.442695020e+00, v42;
	v20 =	vadd.f32 v20, v11;
	v12 =	vpop (erf);
	(erf) = vpow2.f32 v41  }
0x104: {  	v15 =	vsub.f32 v15, v30  }
0x105: {  	v45 =	vmul.f32 $1.442695020e+00, v44;
	v13 =	vpop (erf);
	(erf) = vpow2.f32 v43;
	v20 =	vadd.f32 v20, v12  }
0x106: {  	v15 =	vmul.f32 $1.442695020e+00, v15  }
0x107: {  	(erf) = vpow2.f32 v45;
	v20 =	vadd.f32 v20, v13  }
0x108: {  	v46 =	vsub.f32 v14, v30;
	v14 =	vpop (erf)  }
0x109: {  	v20 =	vadd.f32 v20, v14  }
0x10a: {  	v19 =	vmul.f32 $1.442695020e+00, v46;
	(erf) = vpow2.f32 v15;
	v15 =	vpop (erf)  }
0x10b: {  	v47 =	vsub.f32 v16, v30;
	v20 =	vadd.f32 v20, v15  }
0x10c: {  	(erf) = vpow2.f32 v19;
	v16 =	vpop (erf)  }
0x10d: {  	v48 =	vmul.f32 $1.442695020e+00, v47;
	v49 =	vsub.f32 v17, v30;
	v20 =	vadd.f32 v20, v16  }
0x10e: {  	v51 =	vsub.f32 v18, v30;
	v17 =	vpop (erf)  }
0x10f: {  	v50 =	vmul.f32 $1.442695020e+00, v49;
	(erf) = vpow2.f32 v48;
	v20 =	vadd.f32 v20, v17  }
0x110: {  	v6 =	vsub.f32 v6, v30;
	v18 =	vpop (erf)  }
0x111: {  	v21 =	vmul.f32 $1.442695020e+00, v51;
	(erf) = vpow2.f32 v50;
	v20 =	vadd.f32 v20, v18;
	_ =	sdelay $0x1  }
0x112: {  	v5 =	vsub.f32 v5, v30;
	v6 =	vmul.f32 $1.442695020e+00, v6;
	v19 =	vpop (erf);
	(erf) = vpow2.f32 v21  }
0x113: {  	v4 =	vsub.f32 v4, v30  }
0x114: {  	v5 =	vmul.f32 $1.442695020e+00, v5;
	v52 =	vadd.f32 v20, v19;
	v20 =	vpop (erf);
	(erf) = vpow2.f32 v6  }
0x115: {  	v3 =	vsub.f32 v3, v30;
	v4 =	vmul.f32 $1.442695020e+00, v4  }
0x116: {  	v53 =	vadd.f32 v52, v20;
	(erf) = vpow2.f32 v5  }
0x117: {  	v3 =	vmul.f32 $1.442695020e+00, v3;
	v21 =	vpop (erf);
	(erf) = vpow2.f32 v4  }
0x118: {  	v55 =	vsub.f32 v23, v30;
	v54 =	vadd.f32 v53, v21  }
0x119: {  	v22 =	vpop (erf);
	(erf) = vpow2.f32 v3  }
0x11a: {  	v56 =	vsub.f32 v24, v30;
	v3 =	vmul.f32 $1.442695020e+00, v55;
	v5 =	vadd.f32 v54, v22  }
0x11b: {  	v57 =	vsub.f32 v25, v30;
	v23 =	vpop (erf)  }
0x11c: {  	(erf) = vpow2.f32 v3;
	v3 =	vmul.f32 $1.442695020e+00, v56;
	v5 =	vadd.f32 v5, v23  }
0x11d: {  	v58 =	vsub.f32 v26, v30;
	v24 =	vpop (erf)  }
0x11e: {  	(erf) = vpow2.f32 v3;
	v3 =	vmul.f32 $1.442695020e+00, v57;
	v5 =	vadd.f32 v5, v24  }
0x11f: {  	v59 =	vsub.f32 v27, v30;
	v25 =	vpop (erf)  }
0x120: {  	v26 =	vpop (erf);
	(erf) = vpow2.f32 v3;
	v3 =	vmul.f32 $1.442695020e+00, v58;
	v5 =	vadd.f32 v5, v25  }
0x121: {  	v60 =	vsub.f32 v29, v30  }
0x122: {  	v27 =	vpop (erf);
	(erf) = vpow2.f32 v3;
	v3 =	vmul.f32 $1.442695020e+00, v59;
	v5 =	vadd.f32 v5, v26  }
0x123: {  	v63 =	vsub.f32 v28, v30  }
0x124: {  	(erf) = vpow2.f32 v3;
	v3 =	vmul.f32 $1.442695020e+00, v60;
	v5 =	vadd.f32 v5, v27  }
0x125: {  	v28 =	vpop (erf)  }
0x126: {  	(erf) = vpow2.f32 v3;
	v3 =	vmul.f32 $1.442695020e+00, v63;
	v5 =	vadd.f32 v5, v28  }
0x127: {  	v30 =	vpop (erf)  }
0x128: {  	(erf) = vpow2.f32 v3;
	v8 =	vadd.f32 v5, v30  }
0x129: {  	v31 =	vpop (erf)  }
0x12a: {  	v3 =	vadd.f32 v8, v31  }
0x12b: {  	v32 =	vpop (erf)  }
0x12c: {  	v3 =	vadd.f32 v3, v32  }
0x12d: {  	v33 =	vpop (erf)  }
0x12e: {  	v3 =	vadd.f32 v3, v33  }
0x12f: {  	v34 =	vpop (erf)  }
0x130: {  	v3 =	vadd.f32 v3, v34  }
0x131: {  	v29 =	vpop (erf)  }
0x132: {  	v63 =	vadd.f32 v3, v29;
	_ =	sdelay $0x1  }
0x133: {  	(v2sf) =	vpush v63, $0x0  }
0x134: {  	(v2sf) =	vpush v63, $0x1  }
0x135: {  	(v2sf) =	vpush v63, $0x2  }
0x136: {  	(v2sf) =	vpush v63, $0x3  }
0x137: {  	(v2sf) =	vpush v63, $0x4  }
0x138: {  	(v2sf) =	vpush v63, $0x5  }
0x139: {  	(v2sf) =	vpush v63, $0x6  }
0x13a: {  	(v2sf) =	vpush v63, $0x7  }
0x13b: {  	(v2sf) =	vpush v63, $0x8  }
0x13c: {  	(v2sf) =	vpush v63, $0x9  }
0x13d: {  	(v2sf) =	vpush v63, $0xA;
	_ =	sdelay $0x4  }
0x13e: {  	s17 =	spop (v2sf)  }
0x13f: {  	s18 =	spop (v2sf)  }
0x140: {  	s16 =	spop (v2sf)  }
0x141: {  	s15 =	spop (v2sf)  }
0x142: {  	s14 =	spop (v2sf)  }
0x143: {  	s13 =	spop (v2sf)  }
0x144: {  	v46 =	vld [tilespmem:$0xA00];
	s12 =	spop (v2sf)  }
0x145: {  	v45 =	vld [tilespmem:$0xA10];
	s11 =	spop (v2sf)  }
0x146: {  	v44 =	vld [tilespmem:$0xA20];
	s1 =	spop (v2sf)  }
0x147: {  	v43 =	vld [tilespmem:$0xA30];
	s0 =	spop (v2sf)  }
0x148: {  	v36 =	vld [tilespmem:$0xA40];
	[tilespmem:$0x1FFE0] =	vst v0;
	s31 =	spop (v2sf)  }
0x149: {  	v35 =	vld [tilespmem:$0xA50]  }
0x14a: {  	v3 =	vmax.f32 v46, v45;
	v37 =	vld [tilespmem:$0xA60]  }
0x14b: {  	v3 =	vmax.f32 v3, v44;
	v38 =	vld [tilespmem:$0xA70]  }
0x14c: {  	v3 =	vmax.f32 v3, v43;
	v39 =	vld [tilespmem:$0xA80]  }
0x14d: {  	v3 =	vmax.f32 v3, v36;
	v41 =	vld [tilespmem:$0xA90]  }
0x14e: {  	v40 =	vld [tilespmem:$0xAA0];
	v3 =	vmax.f32 v3, v35  }
0x14f: {  	v42 =	vld [tilespmem:$0xAB0];
	v3 =	vmax.f32 v3, v37  }
0x150: {  	v6 =	vld [tilespmem:$0xAC0];
	v3 =	vmax.f32 v3, v38  }
0x151: {  	v5 =	vld [tilespmem:$0xAD0];
	v3 =	vmax.f32 v3, v39  }
0x152: {  	v4 =	vld [tilespmem:$0xAE0];
	v3 =	vmax.f32 v3, v41  }
0x153: {  	v47 =	vmax.f32 v3, v40;
	v3 =	vld [tilespmem:$0xAF0]  }
0x154: {  	v50 =	vld [tilespmem:$0xB00];
	v47 =	vmax.f32 v47, v42  }
0x155: {  	v48 =	vld [tilespmem:$0xB10];
	v47 =	vmax.f32 v47, v6  }
0x156: {  	v52 =	vld [tilespmem:$0xB20];
	v47 =	vmax.f32 v47, v5  }
0x157: {  	v54 =	vld [tilespmem:$0xB30];
	v47 =	vmax.f32 v47, v4  }
0x158: {  	v56 =	vld [tilespmem:$0xB40];
	v47 =	vmax.f32 v47, v3  }
0x159: {  	v58 =	vld [tilespmem:$0xB50];
	v47 =	vmax.f32 v47, v50  }
0x15a: {  	v60 =	vld [tilespmem:$0xB60];
	v47 =	vmax.f32 v47, v48  }
0x15b: {  	v8 =	vld [tilespmem:$0xB70];
	v47 =	vmax.f32 v47, v52  }
0x15c: {  	v7 =	vld [tilespmem:$0xB80];
	v47 =	vmax.f32 v47, v54  }
0x15d: {  	v59 =	vld [tilespmem:$0xB90];
	v47 =	vmax.f32 v47, v56  }
0x15e: {  	v57 =	vld [tilespmem:$0xBA0];
	v47 =	vmax.f32 v47, v58  }
0x15f: {  	v55 =	vld [tilespmem:$0xBB0];
	v47 =	vmax.f32 v47, v60  }
0x160: {  	v53 =	vld [tilespmem:$0xBC0];
	v47 =	vmax.f32 v47, v8  }
0x161: {  	s17 =	sadd.f32 s18, s17;
	v51 =	vld [tilespmem:$0xBD0];
	v47 =	vmax.f32 v47, v7  }
0x162: {  	v49 =	vld [tilespmem:$0xBE0];
	v47 =	vmax.f32 v47, v59  }
0x163: {  	s16 =	sadd.f32 s17, s16;
	v0 =	vmax.f32 v47, v57;
	v47 =	vld [tilespmem:$0xBF0]  }
0x164: {  	(v2sf) =	vpush v63, $0xB;
	v0 =	vmax.f32 v0, v55  }
0x165: {  	s15 =	sadd.f32 s16, s15;
	(v2sf) =	vpush v63, $0xC;
	v0 =	vmax.f32 v0, v53  }
0x166: {  	(v2sf) =	vpush v63, $0xD;
	v0 =	vmax.f32 v0, v51  }
0x167: {  	s14 =	sadd.f32 s15, s14;
	(v2sf) =	vpush v63, $0xE;
	v0 =	vmax.f32 v0, v49  }
0x168: {  	(v2sf) =	vpush v63, $0xF;
	v0 =	vmax.f32 v0, v47  }
0x169: {  	s13 =	sadd.f32 s14, s13;
	(v2sf) =	vpush v0, $0x0  }
0x16a: {  	(v2sf) =	vpush v0, $0x1  }
0x16b: {  	s12 =	sadd.f32 s13, s12;
	(v2sf) =	vpush v0, $0x2  }
0x16c: {  	(v2sf) =	vpush v0, $0x3  }
0x16d: {  	s11 =	sadd.f32 s12, s11;
	(v2sf) =	vpush v0, $0x4  }
0x16e: {  	(v2sf) =	vpush v0, $0x5  }
0x16f: {  	s1 =	sadd.f32 s11, s1;
	(v2sf) =	vpush v0, $0x6  }
0x170: {  	(v2sf) =	vpush v0, $0x7  }
0x171: {  	s0 =	sadd.f32 s1, s0;
	(v2sf) =	vpush v0, $0x8  }
0x172: {  	(v2sf) =	vpush v0, $0x9  }
0x173: {  	s0 =	sadd.f32 s0, s31;
	s13 =	spop (v2sf);
	(v2sf) =	vpush v0, $0xA  }
0x174: {  	s14 =	spop (v2sf);
	(v2sf) =	vpush v0, $0xB  }
0x175: {  	s0 =	sadd.f32 s0, s13;
	s15 =	spop (v2sf);
	(v2sf) =	vpush v0, $0xC  }
0x176: {  	s12 =	spop (v2sf);
	(v2sf) =	vpush v0, $0xD  }
0x177: {  	s0 =	sadd.f32 s0, s14;
	s11 =	spop (v2sf);
	(v2sf) =	vpush v0, $0xE  }
0x178: {  	(v2sf) =	vpush v0, $0xF;
	s16 =	spop (v2sf)  }
0x179: {  	s0 =	sadd.f32 s0, s15;
	s17 =	spop (v2sf)  }
0x17a: {  	s1 =	smax.f32 s16, s17;
	s18 =	spop (v2sf)  }
0x17b: {  	s1 =	smax.f32 s1, s18;
	s31 =	spop (v2sf)  }
0x17c: {  	s1 =	smax.f32 s1, s31;
	s14 =	spop (v2sf)  }
0x17d: {  	s1 =	smax.f32 s1, s14;
	s15 =	spop (v2sf)  }
0x17e: {  	s1 =	smax.f32 s1, s15;
	s16 =	spop (v2sf)  }
0x17f: {  	s1 =	smax.f32 s1, s16;
	s17 =	spop (v2sf)  }
0x180: {  	s1 =	smax.f32 s1, s17;
	s18 =	spop (v2sf)  }
0x181: {  	s1 =	smax.f32 s1, s18;
	s31 =	spop (v2sf)  }
0x182: {  	s1 =	smax.f32 s1, s31;
	s14 =	spop (v2sf)  }
0x183: {  	s1 =	smax.f32 s1, s14;
	s15 =	spop (v2sf)  }
0x184: {  	s1 =	smax.f32 s1, s15;
	s16 =	spop (v2sf)  }
0x185: {  	s1 =	smax.f32 s1, s16;
	s17 =	spop (v2sf)  }
0x186: {  	s1 =	smax.f32 s1, s17;
	s18 =	spop (v2sf)  }
0x187: {  	s1 =	smax.f32 s1, s18;
	s31 =	spop (v2sf)  }
0x188: {  	s0 =	sadd.f32 s0, s12;
	s1 =	smax.f32 s1, s31  }
0x189: {  	v63 =	vmov s1  }
0x18a: {  	s0 =	sadd.f32 s0, s11;
	v0 =	vsub.f32 v46, v63;
	_ =	sdelay $0x1  }
0x18b: {  	v9 =	vmov s0;
	v45 =	vsub.f32 v45, v63;
	v0 =	vmul.f32 $1.442695020e+00, v0  }
0x18c: {  	(erf) = vrcp.f32 v9  }
0x18d: {  	v44 =	vsub.f32 v44, v63;
	(erf) = vpow2.f32 v0;
	v0 =	vmul.f32 $1.442695020e+00, v45;
	_ =	sdelay $0x1  }
0x18e: {  	v43 =	vsub.f32 v43, v63;
	(erf) = vpow2.f32 v0;
	v0 =	vmul.f32 $1.442695020e+00, v44;
	_ =	sdelay $0x1  }
0x18f: {  	v36 =	vsub.f32 v36, v63;
	(erf) = vpow2.f32 v0;
	v0 =	vmul.f32 $1.442695020e+00, v43;
	_ =	sdelay $0x1  }
0x190: {  	v46 =	vsub.f32 v35, v63;
	(erf) = vpow2.f32 v0;
	v0 =	vmul.f32 $1.442695020e+00, v36;
	_ =	sdelay $0x1  }
0x191: {  	v9 =	vsub.f32 v37, v63;
	v36 =	vpop (erf);
	(erf) = vpow2.f32 v0;
	v0 =	vmul.f32 $1.442695020e+00, v46;
	_ =	sdelay $0x1  }
0x192: {  	v35 =	vpop (erf);
	(erf) = vpow2.f32 v0;
	v0 =	vmul.f32 $1.442695020e+00, v9;
	v9 =	vsub.f32 v38, v63  }
0x193: {  	v44 =	vadd.f32 $0.0e+00, v35  }
0x194: {  	v37 =	vpop (erf);
	(erf) = vpow2.f32 v0;
	v0 =	vmul.f32 $1.442695020e+00, v9;
	v9 =	vsub.f32 v39, v63  }
0x195: {  	v44 =	vadd.f32 v44, v37  }
0x196: {  	v41 =	vsub.f32 v41, v63;
	v38 =	vpop (erf);
	(erf) = vpow2.f32 v0;
	v0 =	vmul.f32 $1.442695020e+00, v9  }
0x197: {  	v44 =	vadd.f32 v44, v38  }
0x198: {  	v46 =	vsub.f32 v40, v63;
	v39 =	vpop (erf);
	(erf) = vpow2.f32 v0;
	v0 =	vmul.f32 $1.442695020e+00, v41  }
0x199: {  	v45 =	vadd.f32 v44, v39  }
0x19a: {  	v40 =	vpop (erf);
	(erf) = vpow2.f32 v0;
	v0 =	vmul.f32 $1.442695020e+00, v46  }
0x19b: {  	v9 =	vsub.f32 v42, v63;
	v43 =	vadd.f32 v45, v40  }
0x19c: {  	v41 =	vpop (erf);
	(erf) = vpow2.f32 v0  }
0x19d: {  	v6 =	vsub.f32 v6, v63;
	v43 =	vadd.f32 v43, v41;
	v0 =	vmul.f32 $1.442695020e+00, v9;
	_ =	sdelay $0x1  }
0x19e: {  	v5 =	vsub.f32 v5, v63;
	v42 =	vpop (erf);
	(erf) = vpow2.f32 v0;
	v0 =	vmul.f32 $1.442695020e+00, v6  }
0x19f: {  	v9 =	vadd.f32 v43, v42  }
0x1a0: {  	v4 =	vsub.f32 v4, v63;
	v43 =	vpop (erf);
	(erf) = vpow2.f32 v0;
	v0 =	vmul.f32 $1.442695020e+00, v5  }
0x1a1: {  	v9 =	vadd.f32 v9, v43;
	v44 =	vpop (erf)  }
0x1a2: {  	v3 =	vsub.f32 v3, v63;
	v45 =	vpop (erf);
	(erf) = vpow2.f32 v0;
	v0 =	vmul.f32 $1.442695020e+00, v4  }
0x1a3: {  	v9 =	vadd.f32 v9, v44  }
0x1a4: {  	v46 =	vpop (erf);
	(erf) = vpow2.f32 v0;
	v0 =	vmul.f32 $1.442695020e+00, v3;
	v3 =	vsub.f32 v50, v63  }
0x1a5: {  	v9 =	vadd.f32 v9, v45  }
0x1a6: {  	(erf) = vpow2.f32 v0;
	v0 =	vmul.f32 $1.442695020e+00, v3;
	v3 =	vsub.f32 v48, v63;
	_ =	sdelay $0x1  }
0x1a7: {  	v4 =	vadd.f32 v9, v46;
	v48 =	vpop (erf);
	(erf) = vpow2.f32 v0;
	v0 =	vmul.f32 $1.442695020e+00, v3  }
0x1a8: {  	v3 =	vsub.f32 v52, v63  }
0x1a9: {  	v4 =	vadd.f32 v4, v48;
	v50 =	vpop (erf);
	(erf) = vpow2.f32 v0  }
0x1aa: {  	v0 =	vmul.f32 $1.442695020e+00, v3;
	v3 =	vsub.f32 v54, v63  }
0x1ab: {  	v4 =	vadd.f32 v4, v50  }
0x1ac: {  	v52 =	vpop (erf);
	(erf) = vpow2.f32 v0;
	v0 =	vmul.f32 $1.442695020e+00, v3;
	v3 =	vsub.f32 v56, v63  }
0x1ad: {  	v4 =	vadd.f32 v4, v52  }
0x1ae: {  	v54 =	vpop (erf);
	(erf) = vpow2.f32 v0;
	v0 =	vmul.f32 $1.442695020e+00, v3;
	v3 =	vsub.f32 v58, v63  }
0x1af: {  	v4 =	vadd.f32 v4, v54;
	v56 =	vpop (erf)  }
0x1b0: {  	v58 =	vpop (erf);
	(erf) = vpow2.f32 v0;
	v0 =	vmul.f32 $1.442695020e+00, v3;
	v3 =	vsub.f32 v60, v63  }
0x1b1: {  	v4 =	vadd.f32 v4, v56  }
0x1b2: {  	v60 =	vpop (erf);
	(erf) = vpow2.f32 v0;
	v0 =	vmul.f32 $1.442695020e+00, v3;
	v3 =	vsub.f32 v8, v63;
	_ =	sdelay $0x1  }
0x1b3: {  	v5 =	vsub.f32 v7, v63;
	v4 =	vadd.f32 v4, v58;
	v3 =	vmul.f32 $1.442695020e+00, v3  }
0x1b4: {  	(erf) = vpow2.f32 v0  }
0x1b5: {  	v4 =	vadd.f32 v4, v60;
	v9 =	vpop (erf);
	(erf) = vpow2.f32 v3;
	v3 =	vmul.f32 $1.442695020e+00, v5  }
0x1b6: {  	v5 =	vsub.f32 v59, v63  }
0x1b7: {  	v4 =	vadd.f32 v4, v9;
	v8 =	vpop (erf);
	(erf) = vpow2.f32 v3  }
0x1b8: {  	v3 =	vmul.f32 $1.442695020e+00, v5;
	v5 =	vsub.f32 v57, v63  }
0x1b9: {  	v4 =	vadd.f32 v4, v8  }
0x1ba: {  	v59 =	vpop (erf);
	(erf) = vpow2.f32 v3;
	v3 =	vmul.f32 $1.442695020e+00, v5;
	v5 =	vsub.f32 v55, v63  }
0x1bb: {  	v4 =	vadd.f32 v4, v59  }
0x1bc: {  	v57 =	vpop (erf);
	(erf) = vpow2.f32 v3;
	v3 =	vmul.f32 $1.442695020e+00, v5;
	v5 =	vsub.f32 v53, v63  }
0x1bd: {  	v4 =	vadd.f32 v4, v57;
	v55 =	vpop (erf)  }
0x1be: {  	v53 =	vpop (erf);
	(erf) = vpow2.f32 v3;
	v3 =	vmul.f32 $1.442695020e+00, v5;
	v5 =	vsub.f32 v51, v63  }
0x1bf: {  	v4 =	vadd.f32 v4, v55  }
0x1c0: {  	v49 =	vsub.f32 v49, v63;
	v51 =	vpop (erf);
	(erf) = vpow2.f32 v3;
	v3 =	vmul.f32 $1.442695020e+00, v5  }
0x1c1: {  	v4 =	vadd.f32 v4, v53  }
0x1c2: {  	(erf) = vpow2.f32 v3;
	v3 =	vmul.f32 $1.442695020e+00, v49;
	v49 =	vsub.f32 v47, v63  }
0x1c3: {  	v4 =	vadd.f32 v4, v51  }
0x1c4: {  	v47 =	vpop (erf)  }
0x1c5: {  	v4 =	vadd.f32 v4, v47  }
0x1c6: {  	(erf) = vpow2.f32 v3;
	v3 =	vmul.f32 $1.442695020e+00, v49;
	v49 =	vpop (erf)  }
0x1c7: {  	v4 =	vadd.f32 v4, v49  }
0x1c8: {  	v63 =	vpop (erf)  }
0x1c9: {  	(erf) = vpow2.f32 v3;
	v4 =	vadd.f32 v4, v63;
	_ =	sdelay $0x1  }
0x1ca: {  	v3 =	vpop (erf)  }
0x1cb: {  	v5 =	vadd.f32 v4, v3  }
0x1cc: {  	v4 =	vpop (erf)  }
0x1cd: {  	v6 =	vadd.f32 v5, v4;
	_ =	sdelay $0x1  }
0x1ce: {  	v5 =	vpop (erf)  }
0x1cf: {  	v7 =	vadd.f32 v6, v5  }
0x1d0: {  	v6 =	vpop (erf)  }
0x1d1: {  	v7 =	vadd.f32 v7, v6;
	_ =	sdelay $0x1  }
0x1d2: {  	(v2sf) =	vpush v7, $0x0  }
0x1d3: {  	(v2sf) =	vpush v7, $0x1;
	_ =	sdelay $0x1  }
0x1d4: {  	(v2sf) =	vpush v7, $0x2;
	_ =	sdelay $0x1  }
0x1d5: {  	(v2sf) =	vpush v7, $0x3;
	_ =	sdelay $0x1  }
0x1d6: {  	(v2sf) =	vpush v7, $0x4;
	_ =	sdelay $0x1  }
0x1d7: {  	(v2sf) =	vpush v7, $0x5;
	_ =	sdelay $0x1  }
0x1d8: {  	v0 =	vmul.f32 v36, v61;
	(v2sf) =	vpush v7, $0x6;
	_ =	sdelay $0x1  }
0x1d9: {  	[tilespmem:$0x810] =	vst v0;
	v0 =	vld [tilespmem:$0x1FFB0];
	(v2sf) =	vpush v7, $0x7;
	_ =	sdelay $0x1  }
0x1da: {  	s13 =	spop (v2sf);
	(v2sf) =	vpush v7, $0x8  }
0x1db: {  	s14 =	spop (v2sf)  }
0x1dc: {  	(v2sf) =	vpush v7, $0x9;
	s0 =	sadd.f32 s14, s13  }
0x1dd: {  	v0 =	vmul.f32 v36, v0;
	s15 =	spop (v2sf)  }
0x1de: {  	(v2sf) =	vpush v7, $0xA;
	s0 =	sadd.f32 s0, s15  }
0x1df: {  	[tilespmem:$0x830] =	vst v0;
	v0 =	vld [tilespmem:$0x1FFD0];
	s16 =	spop (v2sf)  }
0x1e0: {  	(v2sf) =	vpush v7, $0xB;
	s0 =	sadd.f32 s0, s16  }
0x1e1: {  	s17 =	spop (v2sf)  }
0x1e2: {  	(v2sf) =	vpush v7, $0xC;
	s0 =	sadd.f32 s0, s17  }
0x1e3: {  	s18 =	spop (v2sf)  }
0x1e4: {  	v0 =	vmul.f32 v36, v0;
	(v2sf) =	vpush v7, $0xD;
	s0 =	sadd.f32 s0, s18  }
0x1e5: {  	s31 =	spop (v2sf)  }
0x1e6: {  	[tilespmem:$0x850] =	vst v0;
	v0 =	vmul.f32 v36, v10;
	(v2sf) =	vpush v7, $0xE;
	s0 =	sadd.f32 s0, s31  }
0x1e7: {  	s11 =	spop (v2sf)  }
0x1e8: {  	[tilespmem:$0x870] =	vst v0;
	v0 =	vmul.f32 v36, v12;
	(v2sf) =	vpush v7, $0xF;
	s0 =	sadd.f32 s0, s11  }
0x1e9: {  	s12 =	spop (v2sf)  }
0x1ea: {  	[tilespmem:$0x890] =	vst v0;
	v0 =	vmul.f32 v36, v14;
	s0 =	sadd.f32 s0, s12  }
0x1eb: {  	v11 =	vmul.f32 v36, v11;
	s13 =	spop (v2sf)  }
0x1ec: {  	[tilespmem:$0x8B0] =	vst v0;
	v0 =	vmul.f32 v36, v16;
	s0 =	sadd.f32 s0, s13  }
0x1ed: {  	v13 =	vmul.f32 v36, v13;
	[tilespmem:$0x880] =	vst v11;
	s14 =	spop (v2sf)  }
0x1ee: {  	[tilespmem:$0x8D0] =	vst v0;
	v0 =	vmul.f32 v36, v18;
	s0 =	sadd.f32 s0, s14  }
0x1ef: {  	v15 =	vmul.f32 v36, v15;
	[tilespmem:$0x8A0] =	vst v13;
	s15 =	spop (v2sf)  }
0x1f0: {  	[tilespmem:$0x8F0] =	vst v0;
	v0 =	vmul.f32 v36, v20;
	s0 =	sadd.f32 s0, s15  }
0x1f1: {  	v17 =	vmul.f32 v36, v17;
	[tilespmem:$0x8C0] =	vst v15;
	s16 =	spop (v2sf)  }
0x1f2: {  	v61 =	vld [tilespmem:$0x1FFA0];
	[tilespmem:$0x910] =	vst v0;
	v0 =	vmul.f32 v36, v22;
	s0 =	sadd.f32 s0, s16  }
0x1f3: {  	v19 =	vmul.f32 v36, v19;
	[tilespmem:$0x8E0] =	vst v17;
	s17 =	spop (v2sf)  }
0x1f4: {  	[tilespmem:$0x930] =	vst v0;
	v0 =	vmul.f32 v36, v24;
	s0 =	sadd.f32 s0, s17  }
0x1f5: {  	v21 =	vmul.f32 v36, v21;
	[tilespmem:$0x900] =	vst v19;
	s18 =	spop (v2sf)  }
0x1f6: {  	[tilespmem:$0x950] =	vst v0;
	v0 =	vmul.f32 v36, v26;
	s0 =	sadd.f32 s0, s18  }
0x1f7: {  	[tilespmem:$0x920] =	vst v21;
	v61 =	vmul.f32 v36, v61;
	s31 =	spop (v2sf)  }
0x1f8: {  	[tilespmem:$0x970] =	vst v0;
	v0 =	vmul.f32 v36, v28;
	s0 =	sadd.f32 s0, s31  }
0x1f9: {  	v29 =	vmul.f32 v36, v29;
	[tilespmem:$0x820] =	vst v61  }
0x1fa: {  	v61 =	vld [tilespmem:$0x1FFC0];
	[tilespmem:$0x990] =	vst v0;
	v0 =	vmul.f32 v36, v31;
	v24 =	vmov s0  }
0x1fb: {  	[tilespmem:$0x9F0] =	vst v29;
	v22 =	vmul.f32 v36, v23;
	(erf) = vrcp.f32 v24  }
0x1fc: {  	[tilespmem:$0x9B0] =	vst v0;
	v0 =	vmul.f32 v36, v33  }
0x1fd: {  	v23 =	vmul.f32 v36, v25;
	[tilespmem:$0x940] =	vst v22  }
0x1fe: {  	v25 =	vmul.f32 v36, v27;
	[tilespmem:$0x9D0] =	vst v0;
	v0 =	vld [tilespmem:$0x1FFF0]  }
0x1ff: {  	v27 =	vmul.f32 v36, v32;
	[tilespmem:$0x960] =	vst v23;
	v7 =	vmul.f32 v36, v61;
	v61 =	vld [tilespmem:$0x1FFE0]  }
0x200: {  	[tilespmem:$0x980] =	vst v25;
	v26 =	vmul.f32 v36, v30  }
0x201: {  	[tilespmem:$0x9C0] =	vst v27;
	v28 =	vmul.f32 v36, v34  }
0x202: {  	[tilespmem:$0x9A0] =	vst v26  }
0x203: {  	[tilespmem:$0x9E0] =	vst v28;
	v0 =	vmul.f32 v36, v0  }
0x204: {  	[tilespmem:$0x840] =	vst v7;
	v7 =	vmul.f32 v36, v61;
	v10 =	vpop (erf)  }
0x205: {  	[tilespmem:$0x800] =	vst v0;
	v30 =	vmul.f32 v10, v35  }
0x206: {  	[tilespmem:$0x860] =	vst v7;
	v31 =	vmul.f32 v10, v37  }
0x207: {  	v32 =	vmul.f32 v10, v38;
	[tilespmem:$0xA00] =	vst v30  }
0x208: {  	v33 =	vmul.f32 v10, v39;
	[tilespmem:$0xA10] =	vst v31  }
0x209: {  	v34 =	vmul.f32 v10, v40;
	[tilespmem:$0xA20] =	vst v32  }
0x20a: {  	v35 =	vmul.f32 v10, v41;
	[tilespmem:$0xA30] =	vst v33  }
0x20b: {  	v36 =	vmul.f32 v10, v42;
	[tilespmem:$0xA40] =	vst v34  }
0x20c: {  	v37 =	vmul.f32 v10, v43;
	[tilespmem:$0xA50] =	vst v35  }
0x20d: {  	v38 =	vmul.f32 v10, v44;
	[tilespmem:$0xA60] =	vst v36  }
0x20e: {  	v39 =	vmul.f32 v10, v45;
	[tilespmem:$0xA70] =	vst v37  }
0x20f: {  	v40 =	vmul.f32 v10, v46;
	[tilespmem:$0xA80] =	vst v38  }
0x210: {  	v41 =	vmul.f32 v10, v48;
	[tilespmem:$0xA90] =	vst v39  }
0x211: {  	v42 =	vmul.f32 v10, v50;
	[tilespmem:$0xAA0] =	vst v40  }
0x212: {  	v43 =	vmul.f32 v10, v52;
	[tilespmem:$0xAB0] =	vst v41  }
0x213: {  	v44 =	vmul.f32 v10, v54;
	[tilespmem:$0xAC0] =	vst v42  }
0x214: {  	v45 =	vmul.f32 v10, v56;
	[tilespmem:$0xAD0] =	vst v43  }
0x215: {  	v46 =	vmul.f32 v10, v58;
	[tilespmem:$0xAE0] =	vst v44  }
0x216: {  	v48 =	vmul.f32 v10, v60;
	[tilespmem:$0xAF0] =	vst v45  }
0x217: {  	v9 =	vmul.f32 v10, v9;
	[tilespmem:$0xB00] =	vst v46  }
0x218: {  	v50 =	vmul.f32 v10, v8;
	[tilespmem:$0xB10] =	vst v48  }
0x219: {  	v52 =	vmul.f32 v10, v59;
	[tilespmem:$0xB20] =	vst v9  }
0x21a: {  	v54 =	vmul.f32 v10, v57;
	[tilespmem:$0xB30] =	vst v50  }
0x21b: {  	v55 =	vmul.f32 v10, v55;
	[tilespmem:$0xB40] =	vst v52  }
0x21c: {  	v56 =	vmul.f32 v10, v53;
	[tilespmem:$0xB50] =	vst v54  }
0x21d: {  	v57 =	vmul.f32 v10, v51;
	[tilespmem:$0xB60] =	vst v55  }
0x21e: {  	v58 =	vmul.f32 v10, v47;
	[tilespmem:$0xB70] =	vst v56  }
0x21f: {  	v59 =	vmul.f32 v10, v49;
	v60 =	vld [tilespmem:$0x0];
	[tilespmem:$0xB80] =	vst v57  }
0x220: {  	v61 =	vmul.f32 v10, v63;
	[tilespmem:$0xB90] =	vst v58  }
0x221: {  	v3 =	vmul.f32 v10, v3;
	[tilespmem:$0xBA0] =	vst v59  }
0x222: {  	v4 =	vmul.f32 v10, v4;
	[tilespmem:$0xBB0] =	vst v61  }
0x223: {  	v63 =	vmul.f32 v10, v6;
	[tilespmem:$0xBC0] =	vst v3  }
0x224: {  	v3 =	vmul.f32 v10, v5;
	[tilespmem:$0xBD0] =	vst v4  }
0x225: {  	[tilespmem:$0xBF0] =	vst v63  }
0x226: {  	[tilespmem:$0xBE0] =	vst v3  }
0x227: {  	[tilespmem:v60+s28+$0x0] =	vst.idx.msk $0xffff, v0  }
0x228: {  	v0 =	vld [tilespmem:$0x10];
	_ =	sdelay $0x2  }
0x229: {  	v3 =	vld [tilespmem:$0x810];
	_ =	sdelay $0x4  }
0x22a: {  	[tilespmem:v0+s28+$0x0] =	vst.idx.msk $0xffff, v3  }
0x22b: {  	v0 =	vld [tilespmem:$0x20];
	_ =	sdelay $0x2  }
0x22c: {  	v3 =	vld [tilespmem:$0x820];
	_ =	sdelay $0x4  }
0x22d: {  	[tilespmem:v0+s28+$0x0] =	vst.idx.msk $0xffff, v3  }
0x22e: {  	v0 =	vld [tilespmem:$0x30];
	_ =	sdelay $0x2  }
0x22f: {  	v3 =	vld [tilespmem:$0x830];
	_ =	sdelay $0x4  }
0x230: {  	[tilespmem:v0+s28+$0x0] =	vst.idx.msk $0xffff, v3  }
0x231: {  	v0 =	vld [tilespmem:$0x40];
	_ =	sdelay $0x2  }
0x232: {  	v3 =	vld [tilespmem:$0x840];
	_ =	sdelay $0x4  }
0x233: {  	[tilespmem:v0+s28+$0x0] =	vst.idx.msk $0xffff, v3  }
0x234: {  	v0 =	vld [tilespmem:$0x50];
	_ =	sdelay $0x2  }
0x235: {  	v3 =	vld [tilespmem:$0x850];
	_ =	sdelay $0x4  }
0x236: {  	[tilespmem:v0+s28+$0x0] =	vst.idx.msk $0xffff, v3  }
0x237: {  	v0 =	vld [tilespmem:$0x60];
	_ =	sdelay $0x2  }
0x238: {  	v3 =	vld [tilespmem:$0x860];
	_ =	sdelay $0x4  }
0x239: {  	[tilespmem:v0+s28+$0x0] =	vst.idx.msk $0xffff, v3  }
0x23a: {  	v0 =	vld [tilespmem:$0x70];
	_ =	sdelay $0x2  }
0x23b: {  	v3 =	vld [tilespmem:$0x870];
	_ =	sdelay $0x4  }
0x23c: {  	[tilespmem:v0+s28+$0x0] =	vst.idx.msk $0xffff, v3  }
0x23d: {  	v0 =	vld [tilespmem:$0x80];
	_ =	sdelay $0x2  }
0x23e: {  	v3 =	vld [tilespmem:$0x880];
	_ =	sdelay $0x4  }
0x23f: {  	[tilespmem:v0+s28+$0x0] =	vst.idx.msk $0xffff, v3  }
0x240: {  	v0 =	vld [tilespmem:$0x90];
	_ =	sdelay $0x2  }
0x241: {  	v3 =	vld [tilespmem:$0x890];
	_ =	sdelay $0x4  }
0x242: {  	[tilespmem:v0+s28+$0x0] =	vst.idx.msk $0xffff, v3  }
0x243: {  	v0 =	vld [tilespmem:$0xA0];
	_ =	sdelay $0x2  }
0x244: {  	v3 =	vld [tilespmem:$0x8A0];
	_ =	sdelay $0x4  }
0x245: {  	[tilespmem:v0+s28+$0x0] =	vst.idx.msk $0xffff, v3  }
0x246: {  	v0 =	vld [tilespmem:$0xB0];
	_ =	sdelay $0x2  }
0x247: {  	v3 =	vld [tilespmem:$0x8B0];
	_ =	sdelay $0x4  }
0x248: {  	[tilespmem:v0+s28+$0x0] =	vst.idx.msk $0xffff, v3  }
0x249: {  	v0 =	vld [tilespmem:$0xC0];
	_ =	sdelay $0x2  }
0x24a: {  	v3 =	vld [tilespmem:$0x8C0];
	_ =	sdelay $0x4  }
0x24b: {  	[tilespmem:v0+s28+$0x0] =	vst.idx.msk $0xffff, v3  }
0x24c: {  	v0 =	vld [tilespmem:$0xD0];
	_ =	sdelay $0x2  }
0x24d: {  	v3 =	vld [tilespmem:$0x8D0];
	_ =	sdelay $0x4  }
0x24e: {  	[tilespmem:v0+s28+$0x0] =	vst.idx.msk $0xffff, v3  }
0x24f: {  	v0 =	vld [tilespmem:$0xE0];
	_ =	sdelay $0x2  }
0x250: {  	v3 =	vld [tilespmem:$0x8E0];
	_ =	sdelay $0x4  }
0x251: {  	[tilespmem:v0+s28+$0x0] =	vst.idx.msk $0xffff, v3  }
0x252: {  	v0 =	vld [tilespmem:$0xF0];
	_ =	sdelay $0x2  }
0x253: {  	v3 =	vld [tilespmem:$0x8F0];
	_ =	sdelay $0x4  }
0x254: {  	[tilespmem:v0+s28+$0x0] =	vst.idx.msk $0xffff, v3  }
0x255: {  	v0 =	vld [tilespmem:$0x100];
	_ =	sdelay $0x2  }
0x256: {  	v3 =	vld [tilespmem:$0x900];
	_ =	sdelay $0x4  }
0x257: {  	[tilespmem:v0+s28+$0x0] =	vst.idx.msk $0xffff, v3  }
0x258: {  	v0 =	vld [tilespmem:$0x110];
	_ =	sdelay $0x2  }
0x259: {  	v3 =	vld [tilespmem:$0x910];
	_ =	sdelay $0x4  }
0x25a: {  	[tilespmem:v0+s28+$0x0] =	vst.idx.msk $0xffff, v3  }
0x25b: {  	v0 =	vld [tilespmem:$0x120];
	_ =	sdelay $0x2  }
0x25c: {  	v3 =	vld [tilespmem:$0x920];
	_ =	sdelay $0x4  }
0x25d: {  	[tilespmem:v0+s28+$0x0] =	vst.idx.msk $0xffff, v3  }
0x25e: {  	v0 =	vld [tilespmem:$0x130];
	_ =	sdelay $0x2  }
0x25f: {  	v3 =	vld [tilespmem:$0x930];
	_ =	sdelay $0x4  }
0x260: {  	[tilespmem:v0+s28+$0x0] =	vst.idx.msk $0xffff, v3  }
0x261: {  	v0 =	vld [tilespmem:$0x140];
	_ =	sdelay $0x2  }
0x262: {  	v3 =	vld [tilespmem:$0x940];
	_ =	sdelay $0x4  }
0x263: {  	[tilespmem:v0+s28+$0x0] =	vst.idx.msk $0xffff, v3  }
0x264: {  	v0 =	vld [tilespmem:$0x150];
	_ =	sdelay $0x2  }
0x265: {  	v3 =	vld [tilespmem:$0x950];
	_ =	sdelay $0x4  }
0x266: {  	[tilespmem:v0+s28+$0x0] =	vst.idx.msk $0xffff, v3  }
0x267: {  	v0 =	vld [tilespmem:$0x160];
	_ =	sdelay $0x2  }
0x268: {  	v3 =	vld [tilespmem:$0x960];
	_ =	sdelay $0x4  }
0x269: {  	[tilespmem:v0+s28+$0x0] =	vst.idx.msk $0xffff, v3  }
0x26a: {  	v0 =	vld [tilespmem:$0x170];
	_ =	sdelay $0x2  }
0x26b: {  	v3 =	vld [tilespmem:$0x970];
	_ =	sdelay $0x4  }
0x26c: {  	[tilespmem:v0+s28+$0x0] =	vst.idx.msk $0xffff, v3  }
0x26d: {  	v0 =	vld [tilespmem:$0x180];
	_ =	sdelay $0x2  }
0x26e: {  	v3 =	vld [tilespmem:$0x980];
	_ =	sdelay $0x4  }
0x26f: {  	[tilespmem:v0+s28+$0x0] =	vst.idx.msk $0xffff, v3  }
0x270: {  	v0 =	vld [tilespmem:$0x190];
	_ =	sdelay $0x2  }
0x271: {  	v3 =	vld [tilespmem:$0x990];
	_ =	sdelay $0x4  }
0x272: {  	[tilespmem:v0+s28+$0x0] =	vst.idx.msk $0xffff, v3  }
0x273: {  	v0 =	vld [tilespmem:$0x1A0];
	_ =	sdelay $0x2  }
0x274: {  	v3 =	vld [tilespmem:$0x9A0];
	_ =	sdelay $0x4  }
0x275: {  	[tilespmem:v0+s28+$0x0] =	vst.idx.msk $0xffff, v3  }
0x276: {  	v0 =	vld [tilespmem:$0x1B0];
	_ =	sdelay $0x2  }
0x277: {  	v3 =	vld [tilespmem:$0x9B0];
	_ =	sdelay $0x4  }
0x278: {  	[tilespmem:v0+s28+$0x0] =	vst.idx.msk $0xffff, v3  }
0x279: {  	v0 =	vld [tilespmem:$0x1C0];
	_ =	sdelay $0x2  }
0x27a: {  	v3 =	vld [tilespmem:$0x9C0];
	_ =	sdelay $0x4  }
0x27b: {  	[tilespmem:v0+s28+$0x0] =	vst.idx.msk $0xffff, v3  }
0x27c: {  	v0 =	vld [tilespmem:$0x1D0];
	_ =	sdelay $0x2  }
0x27d: {  	v3 =	vld [tilespmem:$0x9D0];
	_ =	sdelay $0x4  }
0x27e: {  	[tilespmem:v0+s28+$0x0] =	vst.idx.msk $0xffff, v3  }
0x27f: {  	v0 =	vld [tilespmem:$0x1E0];
	_ =	sdelay $0x2  }
0x280: {  	v3 =	vld [tilespmem:$0x9E0];
	_ =	sdelay $0x4  }
0x281: {  	[tilespmem:v0+s28+$0x0] =	vst.idx.msk $0xffff, v3  }
0x282: {  	v0 =	vld [tilespmem:$0x1F0];
	_ =	sdelay $0x2  }
0x283: {  	v3 =	vld [tilespmem:$0x9F0];
	_ =	sdelay $0x4  }
0x284: {  	[tilespmem:v0+s28+$0x0] =	vst.idx.msk $0xffff, v3  }
0x285: {  	[hbm4b:s5+s9] =	stream.strided.scatter [tilespmem:s28], [sflag:$0x2], $0x18700, s10, s9, $0x38;
	[tilespmem:$0x19400] =	vst v63  }
0x286: {  	_ =	swait.ge [sflag:s29], $0x18700  }
0x287: {  	[sflag:s29] =	ssyncset.done $0x0  }
0x288: {  	[sflag:s29] =	ssyncadd.s32 $0xFFFE7900  }
0x289: {  	v0 =	vld [tilespmem:$0x0];
	_ =	sdelay $0x7  }
0x28a: {  	[tilespmem:v0+s28+$0x0] =	vst.idx.msk $0xffff, v2  }
0x28b: {  	v0 =	vld [tilespmem:$0x10];
	_ =	sdelay $0x7  }
0x28c: {  	[tilespmem:v0+s28+$0x0] =	vst.idx.msk $0xffff, v2  }
0x28d: {  	v0 =	vld [tilespmem:$0x20];
	_ =	sdelay $0x7  }
0x28e: {  	[tilespmem:v0+s28+$0x0] =	vst.idx.msk $0xffff, v2  }
0x28f: {  	v0 =	vld [tilespmem:$0x30];
	_ =	sdelay $0x7  }
0x290: {  	[tilespmem:v0+s28+$0x0] =	vst.idx.msk $0xffff, v2  }
0x291: {  	v0 =	vld [tilespmem:$0x40];
	_ =	sdelay $0x7  }
0x292: {  	[tilespmem:v0+s28+$0x0] =	vst.idx.msk $0xffff, v2  }
0x293: {  	v0 =	vld [tilespmem:$0x50];
	_ =	sdelay $0x7  }
0x294: {  	[tilespmem:v0+s28+$0x0] =	vst.idx.msk $0xffff, v2  }
0x295: {  	v0 =	vld [tilespmem:$0x60];
	_ =	sdelay $0x7  }
0x296: {  	[tilespmem:v0+s28+$0x0] =	vst.idx.msk $0xffff, v2  }
0x297: {  	v0 =	vld [tilespmem:$0x70];
	_ =	sdelay $0x7  }
0x298: {  	[tilespmem:v0+s28+$0x0] =	vst.idx.msk $0xffff, v2  }
0x299: {  	v0 =	vld [tilespmem:$0x80];
	_ =	sdelay $0x7  }
0x29a: {  	[tilespmem:v0+s28+$0x0] =	vst.idx.msk $0xffff, v2  }
0x29b: {  	v0 =	vld [tilespmem:$0x90];
	_ =	sdelay $0x7  }
0x29c: {  	[tilespmem:v0+s28+$0x0] =	vst.idx.msk $0xffff, v2  }
0x29d: {  	v0 =	vld [tilespmem:$0xA0];
	_ =	sdelay $0x7  }
0x29e: {  	[tilespmem:v0+s28+$0x0] =	vst.idx.msk $0xffff, v2  }
0x29f: {  	v0 =	vld [tilespmem:$0xB0];
	_ =	sdelay $0x7  }
0x2a0: {  	[tilespmem:v0+s28+$0x0] =	vst.idx.msk $0xffff, v2  }
0x2a1: {  	v0 =	vld [tilespmem:$0xC0];
	_ =	sdelay $0x7  }
0x2a2: {  	[tilespmem:v0+s28+$0x0] =	vst.idx.msk $0xffff, v2  }
0x2a3: {  	v0 =	vld [tilespmem:$0xD0];
	_ =	sdelay $0x7  }
0x2a4: {  	[tilespmem:v0+s28+$0x0] =	vst.idx.msk $0xffff, v2  }
0x2a5: {  	v0 =	vld [tilespmem:$0xE0];
	_ =	sdelay $0x7  }
0x2a6: {  	[tilespmem:v0+s28+$0x0] =	vst.idx.msk $0xffff, v2  }
0x2a7: {  	v0 =	vld [tilespmem:$0xF0];
	_ =	sdelay $0x7  }
0x2a8: {  	[tilespmem:v0+s28+$0x0] =	vst.idx.msk $0xffff, v2  }
0x2a9: {  	v0 =	vld [tilespmem:$0x100];
	_ =	sdelay $0x7  }
0x2aa: {  	[tilespmem:v0+s28+$0x0] =	vst.idx.msk $0xffff, v2  }
0x2ab: {  	v0 =	vld [tilespmem:$0x110];
	_ =	sdelay $0x7  }
0x2ac: {  	[tilespmem:v0+s28+$0x0] =	vst.idx.msk $0xffff, v2  }
0x2ad: {  	v0 =	vld [tilespmem:$0x120];
	_ =	sdelay $0x7  }
0x2ae: {  	[tilespmem:v0+s28+$0x0] =	vst.idx.msk $0xffff, v2  }
0x2af: {  	v0 =	vld [tilespmem:$0x130];
	_ =	sdelay $0x7  }
0x2b0: {  	[tilespmem:v0+s28+$0x0] =	vst.idx.msk $0xffff, v2  }
0x2b1: {  	v0 =	vld [tilespmem:$0x140];
	_ =	sdelay $0x7  }
0x2b2: {  	[tilespmem:v0+s28+$0x0] =	vst.idx.msk $0xffff, v2  }
0x2b3: {  	v0 =	vld [tilespmem:$0x150];
	_ =	sdelay $0x7  }
0x2b4: {  	[tilespmem:v0+s28+$0x0] =	vst.idx.msk $0xffff, v2  }
0x2b5: {  	v0 =	vld [tilespmem:$0x160];
	_ =	sdelay $0x7  }
0x2b6: {  	[tilespmem:v0+s28+$0x0] =	vst.idx.msk $0xffff, v2  }
0x2b7: {  	v0 =	vld [tilespmem:$0x170];
	_ =	sdelay $0x7  }
0x2b8: {  	[tilespmem:v0+s28+$0x0] =	vst.idx.msk $0xffff, v2  }
0x2b9: {  	v0 =	vld [tilespmem:$0x180];
	_ =	sdelay $0x7  }
0x2ba: {  	[tilespmem:v0+s28+$0x0] =	vst.idx.msk $0xffff, v2  }
0x2bb: {  	v0 =	vld [tilespmem:$0x190];
	_ =	sdelay $0x7  }
0x2bc: {  	[tilespmem:v0+s28+$0x0] =	vst.idx.msk $0xffff, v2  }
0x2bd: {  	v0 =	vld [tilespmem:$0x1A0];
	_ =	sdelay $0x7  }
0x2be: {  	[tilespmem:v0+s28+$0x0] =	vst.idx.msk $0xffff, v2  }
0x2bf: {  	v0 =	vld [tilespmem:$0x1B0];
	_ =	sdelay $0x7  }
0x2c0: {  	[tilespmem:v0+s28+$0x0] =	vst.idx.msk $0xffff, v2  }
0x2c1: {  	v0 =	vld [tilespmem:$0x1C0];
	_ =	sdelay $0x7  }
0x2c2: {  	[tilespmem:v0+s28+$0x0] =	vst.idx.msk $0xffff, v2  }
0x2c3: {  	v0 =	vld [tilespmem:$0x1D0];
	_ =	sdelay $0x7  }
0x2c4: {  	[tilespmem:v0+s28+$0x0] =	vst.idx.msk $0xffff, v2  }
0x2c5: {  	v0 =	vld [tilespmem:$0x1E0];
	_ =	sdelay $0x7  }
0x2c6: {  	[tilespmem:v0+s28+$0x0] =	vst.idx.msk $0xffff, v2  }
0x2c7: {  	v0 =	vld [tilespmem:$0x1F0];
	_ =	sdelay $0x7  }
0x2c8: {  	[tilespmem:v0+s28+$0x0] =	vst.idx.msk $0xffff, v2  }
0x2c9: {  	v0 =	vld [tilespmem:$0x200];
	_ =	sdelay $0x2  }
0x2ca: {  	v3 =	vld [tilespmem:$0xA00];
	_ =	sdelay $0x4  }
0x2cb: {  	[tilespmem:v0+s28+$0x0] =	vst.idx.msk $0xffff, v3  }
0x2cc: {  	v0 =	vld [tilespmem:$0x210];
	_ =	sdelay $0x2  }
0x2cd: {  	v3 =	vld [tilespmem:$0xA10];
	_ =	sdelay $0x4  }
0x2ce: {  	[tilespmem:v0+s28+$0x0] =	vst.idx.msk $0xffff, v3  }
0x2cf: {  	v0 =	vld [tilespmem:$0x220];
	_ =	sdelay $0x2  }
0x2d0: {  	v3 =	vld [tilespmem:$0xA20];
	_ =	sdelay $0x4  }
0x2d1: {  	[tilespmem:v0+s28+$0x0] =	vst.idx.msk $0xffff, v3  }
0x2d2: {  	v0 =	vld [tilespmem:$0x230];
	_ =	sdelay $0x2  }
0x2d3: {  	v3 =	vld [tilespmem:$0xA30];
	_ =	sdelay $0x4  }
0x2d4: {  	[tilespmem:v0+s28+$0x0] =	vst.idx.msk $0xffff, v3  }
0x2d5: {  	v0 =	vld [tilespmem:$0x240];
	_ =	sdelay $0x2  }
0x2d6: {  	v3 =	vld [tilespmem:$0xA40];
	_ =	sdelay $0x4  }
0x2d7: {  	[tilespmem:v0+s28+$0x0] =	vst.idx.msk $0xffff, v3  }
0x2d8: {  	v0 =	vld [tilespmem:$0x250];
	_ =	sdelay $0x2  }
0x2d9: {  	v3 =	vld [tilespmem:$0xA50];
	_ =	sdelay $0x4  }
0x2da: {  	[tilespmem:v0+s28+$0x0] =	vst.idx.msk $0xffff, v3  }
0x2db: {  	v0 =	vld [tilespmem:$0x260];
	_ =	sdelay $0x2  }
0x2dc: {  	v3 =	vld [tilespmem:$0xA60];
	_ =	sdelay $0x4  }
0x2dd: {  	[tilespmem:v0+s28+$0x0] =	vst.idx.msk $0xffff, v3  }
0x2de: {  	v0 =	vld [tilespmem:$0x270];
	_ =	sdelay $0x2  }
0x2df: {  	v3 =	vld [tilespmem:$0xA70];
	_ =	sdelay $0x4  }
0x2e0: {  	[tilespmem:v0+s28+$0x0] =	vst.idx.msk $0xffff, v3  }
0x2e1: {  	v0 =	vld [tilespmem:$0x280];
	_ =	sdelay $0x2  }
0x2e2: {  	v3 =	vld [tilespmem:$0xA80];
	_ =	sdelay $0x4  }
0x2e3: {  	[tilespmem:v0+s28+$0x0] =	vst.idx.msk $0xffff, v3  }
0x2e4: {  	v0 =	vld [tilespmem:$0x290];
	_ =	sdelay $0x2  }
0x2e5: {  	v3 =	vld [tilespmem:$0xA90];
	_ =	sdelay $0x4  }
0x2e6: {  	[tilespmem:v0+s28+$0x0] =	vst.idx.msk $0xffff, v3  }
0x2e7: {  	v0 =	vld [tilespmem:$0x2A0];
	_ =	sdelay $0x2  }
0x2e8: {  	v3 =	vld [tilespmem:$0xAA0];
	_ =	sdelay $0x4  }
0x2e9: {  	[tilespmem:v0+s28+$0x0] =	vst.idx.msk $0xffff, v3  }
0x2ea: {  	v0 =	vld [tilespmem:$0x2B0];
	_ =	sdelay $0x2  }
0x2eb: {  	v3 =	vld [tilespmem:$0xAB0];
	_ =	sdelay $0x4  }
0x2ec: {  	[tilespmem:v0+s28+$0x0] =	vst.idx.msk $0xffff, v3  }
0x2ed: {  	v0 =	vld [tilespmem:$0x2C0];
	_ =	sdelay $0x2  }
0x2ee: {  	v3 =	vld [tilespmem:$0xAC0];
	_ =	sdelay $0x4  }
0x2ef: {  	[tilespmem:v0+s28+$0x0] =	vst.idx.msk $0xffff, v3  }
0x2f0: {  	v0 =	vld [tilespmem:$0x2D0];
	_ =	sdelay $0x2  }
0x2f1: {  	v3 =	vld [tilespmem:$0xAD0];
	_ =	sdelay $0x4  }
0x2f2: {  	[tilespmem:v0+s28+$0x0] =	vst.idx.msk $0xffff, v3  }
0x2f3: {  	v0 =	vld [tilespmem:$0x2E0];
	_ =	sdelay $0x2  }
0x2f4: {  	v3 =	vld [tilespmem:$0xAE0];
	_ =	sdelay $0x4  }
0x2f5: {  	[tilespmem:v0+s28+$0x0] =	vst.idx.msk $0xffff, v3  }
0x2f6: {  	v0 =	vld [tilespmem:$0x2F0];
	_ =	sdelay $0x2  }
0x2f7: {  	v3 =	vld [tilespmem:$0xAF0];
	_ =	sdelay $0x4  }
0x2f8: {  	[tilespmem:v0+s28+$0x0] =	vst.idx.msk $0xffff, v3  }
0x2f9: {  	v0 =	vld [tilespmem:$0x300];
	_ =	sdelay $0x2  }
0x2fa: {  	v3 =	vld [tilespmem:$0xB00];
	_ =	sdelay $0x4  }
0x2fb: {  	[tilespmem:v0+s28+$0x0] =	vst.idx.msk $0xffff, v3  }
0x2fc: {  	v0 =	vld [tilespmem:$0x310];
	_ =	sdelay $0x2  }
0x2fd: {  	v3 =	vld [tilespmem:$0xB10];
	_ =	sdelay $0x4  }
0x2fe: {  	[tilespmem:v0+s28+$0x0] =	vst.idx.msk $0xffff, v3  }
0x2ff: {  	v0 =	vld [tilespmem:$0x320];
	_ =	sdelay $0x2  }
0x300: {  	v3 =	vld [tilespmem:$0xB20];
	_ =	sdelay $0x4  }
0x301: {  	[tilespmem:v0+s28+$0x0] =	vst.idx.msk $0xffff, v3  }
0x302: {  	v0 =	vld [tilespmem:$0x330];
	_ =	sdelay $0x2  }
0x303: {  	v3 =	vld [tilespmem:$0xB30];
	_ =	sdelay $0x4  }
0x304: {  	[tilespmem:v0+s28+$0x0] =	vst.idx.msk $0xffff, v3  }
0x305: {  	v0 =	vld [tilespmem:$0x340];
	_ =	sdelay $0x2  }
0x306: {  	v3 =	vld [tilespmem:$0xB40];
	_ =	sdelay $0x4  }
0x307: {  	[tilespmem:v0+s28+$0x0] =	vst.idx.msk $0xffff, v3  }
0x308: {  	v0 =	vld [tilespmem:$0x350];
	_ =	sdelay $0x2  }
0x309: {  	v3 =	vld [tilespmem:$0xB50];
	_ =	sdelay $0x4  }
0x30a: {  	[tilespmem:v0+s28+$0x0] =	vst.idx.msk $0xffff, v3  }
0x30b: {  	v0 =	vld [tilespmem:$0x360];
	_ =	sdelay $0x2  }
0x30c: {  	v3 =	vld [tilespmem:$0xB60];
	_ =	sdelay $0x4  }
0x30d: {  	[tilespmem:v0+s28+$0x0] =	vst.idx.msk $0xffff, v3  }
0x30e: {  	v0 =	vld [tilespmem:$0x370];
	_ =	sdelay $0x2  }
0x30f: {  	v3 =	vld [tilespmem:$0xB70];
	_ =	sdelay $0x4  }
0x310: {  	[tilespmem:v0+s28+$0x0] =	vst.idx.msk $0xffff, v3  }
0x311: {  	v0 =	vld [tilespmem:$0x380];
	_ =	sdelay $0x2  }
0x312: {  	v3 =	vld [tilespmem:$0xB80];
	_ =	sdelay $0x4  }
0x313: {  	[tilespmem:v0+s28+$0x0] =	vst.idx.msk $0xffff, v3  }
0x314: {  	v0 =	vld [tilespmem:$0x390];
	_ =	sdelay $0x2  }
0x315: {  	v3 =	vld [tilespmem:$0xB90];
	_ =	sdelay $0x4  }
0x316: {  	[tilespmem:v0+s28+$0x0] =	vst.idx.msk $0xffff, v3  }
0x317: {  	v0 =	vld [tilespmem:$0x3A0];
	_ =	sdelay $0x2  }
0x318: {  	v3 =	vld [tilespmem:$0xBA0];
	_ =	sdelay $0x4  }
0x319: {  	[tilespmem:v0+s28+$0x0] =	vst.idx.msk $0xffff, v3  }
0x31a: {  	v0 =	vld [tilespmem:$0x3B0];
	_ =	sdelay $0x2  }
0x31b: {  	v3 =	vld [tilespmem:$0xBB0];
	_ =	sdelay $0x4  }
0x31c: {  	[tilespmem:v0+s28+$0x0] =	vst.idx.msk $0xffff, v3  }
0x31d: {  	v0 =	vld [tilespmem:$0x3C0];
	_ =	sdelay $0x2  }
0x31e: {  	v3 =	vld [tilespmem:$0xBC0];
	_ =	sdelay $0x4  }
0x31f: {  	[tilespmem:v0+s28+$0x0] =	vst.idx.msk $0xffff, v3  }
0x320: {  	v0 =	vld [tilespmem:$0x3D0];
	_ =	sdelay $0x2  }
0x321: {  	v3 =	vld [tilespmem:$0xBD0];
	_ =	sdelay $0x4  }
0x322: {  	[tilespmem:v0+s28+$0x0] =	vst.idx.msk $0xffff, v3  }
0x323: {  	v0 =	vld [tilespmem:$0x3E0];
	_ =	sdelay $0x2  }
0x324: {  	v3 =	vld [tilespmem:$0xBE0];
	_ =	sdelay $0x4  }
0x325: {  	[tilespmem:v0+s28+$0x0] =	vst.idx.msk $0xffff, v3  }
0x326: {  	v0 =	vld [tilespmem:$0x3F0];
	_ =	sdelay $0x2  }
0x327: {  	v3 =	vld [tilespmem:$0xBF0];
	_ =	sdelay $0x2  }
0x328: {  	s30 =	sadd.s32 $0x1, s30  }
0x329: {  	p0 =	sne.s32 s30, s7  }
.Ltmp1:
0x32a: {  	[tilespmem:v0+s28+$0x0] =	vst.idx.msk $0xffff, v3;
	(pc) =	sbr.rel @p0 .LBB2_1-.Ltmp1, $4  }
0x32b: {  	[hbm4b:s6+s9] =	stream.strided.scatter [tilespmem:s28], [sflag:$0x2], $0x18700, s10, s9, $0x38;
	[tilespmem:$0x19400] =	vst v63  }
0x32c: {  	_ =	swait.ge [sflag:s29], $0x18700  }
0x32d: {  	[sflag:s29] =	ssyncset.done $0x0  }
0x32e: {  	[sflag:s29] =	ssyncadd.s32 $0xFFFE7900  }
0x32f: {  	_ =	sfence.sel $0x180000  }
0x330: {  	[bflag:$0x0] =	sbarrier.arrive $0xFFFF  }
0x331: {  	_ =	strace $0x90000047  }
0x332: {  	s0 =	stileid.u32;
	[bflag:$0x2] =	sbarrier.arrive $0xFFFF  }
0x333: {  	p0 =	sne.s32 s0, $0x0;
	s0 =	rddreg [dreg:$0x2]  }
0x334: {  	s0 =	sadd.s32 @!p0 $0x100000, s0  }
0x335: {  	[sflag:s0] =	ssyncadd.tile.s32 @!p0 $0x1;
	_ =	shalt  }
.Lfunc_end2:
_tile_overlayer_lowered:
.L_overlay_start_2:
0x336: {  	(tag) =	ssettag $0x2  }
0x337: {  	s0 =	rddreg [dreg:$0x0];
	s2 =	stileid.u32  }
0x338: {  	s1 =	rddreg [dreg:$0x1];
	p0 =	sne.s32 s2, $0x0  }
0x339: {  	s3 =	rddreg [dreg:$0x2];
	[bflag:$0x3] =	sbarrier.arrive $0xFFFF;
	s2 =	simm.s32 @!p0 $0x1C04  }
0x33a: {  	[timem:s3], [sflag:s2] =	dma.local @!p0 [hbm:s0], s1  }
0x33b: {  	s0 =	simm.s32 @!p0 $0x4  }
0x33c: {  	_ =	swait.ge @!p0 [sflag:s0], s1  }
0x33d: {  	s1 =	ssub.s32 @!p0 $0x0, s1;
	[sflag:s0] =	ssyncset.done @!p0 $0x0  }
0x33e: {  	[sflag:s0] =	ssyncadd.s32 @!p0 s1  }
0x33f: {  	[bflag:$0x3] =	sbarrier.arrive $0xFFFF  }
0x340: {  	_ =	shalt  }

</sc_bundles>
